<compile_context>
chip_gen: v7x
topology: tpu7x:2x2x1
jax: 0.10.2.dev20260603
libtpu: 0.0.44.dev20260713+nightly
codegen_flags: <defaults>
</compile_context>

<pallas_src>
import functools

import jax
import jax.numpy as jnp
from jax import lax
from jax.experimental import pallas as pl
from jax.experimental.pallas import tpu as pltpu
from jax.experimental.pallas import tpu_sc as plsc

NC = 2
NS = 16
L = 16
NW = NC * NS

EQ = 4
TERMS = 64
ROWS = 65536
NPAIR = EQ * TERMS
T_PER_W = TERMS // NW
QCHUNK = 4
CW = ROWS // QCHUNK
NBA = 5
GROUPS_W = T_PER_W * QCHUNK

_mesh = plsc.VectorSubcoreMesh(core_axis_name="c", subcore_axis_name="s")


@functools.partial(
    pl.kernel,
    out_type=jax.ShapeDtypeStruct((NPAIR, ROWS), jnp.float32),
    mesh=_mesh,
    scratch_types=[
        pltpu.VMEM((EQ, TERMS), jnp.int32),
        pltpu.VMEM((EQ, L), jnp.int32),
        pltpu.VMEM((NBA, 1, CW), jnp.float32),
        pltpu.VMEM((1, 1, CW), jnp.float32),
        pltpu.SemaphoreType.DMA,
        pltpu.SemaphoreType.DMA,
        pltpu.SemaphoreType.DMA,
        pltpu.SemaphoreType.DMA,
        pltpu.SemaphoreType.DMA,
        pltpu.SemaphoreType.DMA,
        pltpu.SemaphoreType.DMA,
        pltpu.SemaphoreType.DMA,
        pltpu.SemaphoreType.DMA,
        pltpu.SemaphoreType.DMA,
        pltpu.SemaphoreType.DMA,
        pltpu.SemaphoreType.DMA,
    ],
    compiler_params=pltpu.CompilerParams(needs_layout_passes=False),
)
def _row_gather(theta_hbm, masks_hbm, out_hbm,
                win_v, idx_v, bufa_v, bufu_v,
                ga0, ga1, ga2, ga3, ga4, wa0, wa1, wa2, wa3, wa4,
                gu_s, wu_s):
    wid = lax.axis_index("s") * NC + lax.axis_index("c")
    ga = (ga0, ga1, ga2, ga3, ga4)
    wa = (wa0, wa1, wa2, wa3, wa4)

    wpw = NW // (TERMS // L)
    wsel = wid // wpw
    o = (wid % wpw) * T_PER_W
    pltpu.sync_copy(masks_hbm, win_v)

    lanes = lax.iota(jnp.int32, L)
    sel = jnp.minimum(o + lanes, L - 1)
    dnums = lax.GatherDimensionNumbers(
        offset_dims=(), collapsed_slice_dims=(0,), start_index_map=(0,))
    for i in range(EQ):
        win = jnp.zeros((L,), jnp.int32)
        for c in range(TERMS // L):
            win = jnp.where(wsel == c, win_v[i, pl.ds(c * L, L)], win)
        idx_v[i, :] = lax.gather(
            win, sel[:, None], dnums, (1,),
            mode=lax.GatherScatterMode.PROMISE_IN_BOUNDS)

    v0 = idx_v[0, :]
    conds = [None]
    for i in range(1, EQ):
        d = jnp.abs(idx_v[i, :] - v0)
        s = jnp.sum(jnp.where(lanes < T_PER_W, d, 0))
        conds.append(s == 0)

    def gather_a(g):
        t, q, b = g // QCHUNK, g % QCHUNK, g % NBA
        return pltpu.make_async_copy(
            theta_hbm.at[idx_v.at[0, pl.ds(t, 1)], pl.ds(q * CW, CW)],
            bufa_v.at[b], ga[b])

    def gather_u(i, g):
        t, q = g // QCHUNK, g % QCHUNK
        return pltpu.make_async_copy(
            theta_hbm.at[idx_v.at[i, pl.ds(t, 1)], pl.ds(q * CW, CW)],
            bufu_v.at[0], gu_s)

    def write_out(i, g, src_ref, sem):
        t, q = g // QCHUNK, g % QCHUNK
        drow = i * TERMS + wid * T_PER_W + t
        return pltpu.make_async_copy(
            src_ref, out_hbm.at[pl.ds(drow, 1), pl.ds(q * CW, CW)], sem)

    def drain_group(g):
        b = g % NBA
        write_out(0, g, bufa_v.at[b], wa[b]).wait()
        for i in range(1, EQ):
            @pl.when(conds[i])
            def _(i=i, g=g, b=b):
                write_out(i, g, bufa_v.at[b], wa[b]).wait()

    for s in range(NBA - 2):
        gather_a(s).start()
    for g in range(GROUPS_W):
        b = g % NBA
        gather_a(g).wait()
        write_out(0, g, bufa_v.at[b], wa[b]).start()
        for i in range(1, EQ):
            @pl.when(conds[i])
            def _(i=i, g=g, b=b):
                write_out(i, g, bufa_v.at[b], wa[b]).start()

            @pl.when(jnp.logical_not(conds[i]))
            def _(i=i, g=g):
                gather_u(i, g).start()
                gather_u(i, g).wait()
                write_out(i, g, bufu_v.at[0], wu_s).start()
                write_out(i, g, bufu_v.at[0], wu_s).wait()

        s = g + NBA - 2
        if s < GROUPS_W:
            if s - NBA >= 0:
                drain_group(s - NBA)
            gather_a(s).start()

    for g in range(GROUPS_W - NBA, GROUPS_W):
        drain_group(g)


def kernel(theta, coeffs, masks):
    out_flat = _row_gather(theta.T, masks)
    sparse_theta = jnp.transpose(
        out_flat.reshape(EQ, TERMS, ROWS), (0, 2, 1))
    return (sparse_theta, coeffs)

# --- scband reference (transcript-rebuilt; emitter-appended) ---
"""Pipeline reference for scband-fitting-81028853006866 (READ-ONLY COPY).

The authoritative reference and input builder live on the scoring server;
editing this copy changes nothing except your own understanding.
"""

import jax, jax.numpy as jnp
import numpy as np

N_EQ = 4
N_TERMS = 64
N_SAMPLES = 65536


def setup_inputs(seed: int = 0) -> dict:
    key = jax.random.key(seed)
    k1, k2 = jax.random.split(key)
    theta = jax.random.normal(k1, (N_SAMPLES, N_TERMS), dtype=jnp.float32)
    # learned parameters: one coeff vector [n_terms, 1] per equation (torch.rand -> uniform [0,1))
    coeffs = jax.random.uniform(k2, (N_EQ, N_TERMS, 1), dtype=jnp.float32)
    # sparsity masks: module initializes each to arange(n_terms) (full library)
    masks = jnp.stack([jnp.arange(N_TERMS, dtype=jnp.int32) for _ in range(N_EQ)])
    return {"theta": theta, "coeffs": coeffs, "masks": masks}


def reference(theta, coeffs, masks):
    # apply_mask: sparse_theta = [theta[:, mask] for mask in sparsity_mask]
    sparse_theta = jnp.stack([jnp.take(theta, masks[i], axis=1) for i in range(N_EQ)])
    # forward returns (sparse_theta list, coeff_vector ParameterList)
    return (sparse_theta, coeffs)

if __name__ == "__main__":
    import jax
    _d = setup_inputs()
    print(jax.jit(kernel)(*tuple(_d.values())))

</pallas_src>

<mosaic_0001>
#map = affine_map<(d0, d1) -> (0, 0)>
module attributes {stable_mosaic.version = 14 : i64} {
  func.func @_row_gather(%arg0: i32, %arg1: i32, %arg2: memref<64x65536xf32, #tpu.memory_space<hbm>>, %arg3: memref<4x64xi32, #tpu.memory_space<hbm>>, %arg4: memref<256x65536xf32, #tpu.memory_space<hbm>>, %arg5: memref<4x64xi32, #tpu.memory_space<vmem>>, %arg6: memref<4x16xi32, #tpu.memory_space<vmem>>, %arg7: memref<5x1x16384xf32, #tpu.memory_space<vmem>>, %arg8: memref<1x1x16384xf32, #tpu.memory_space<vmem>>, %arg9: memref<!tpu.dma_semaphore, #tpu.memory_space<semaphore_mem>>, %arg10: memref<!tpu.dma_semaphore, #tpu.memory_space<semaphore_mem>>, %arg11: memref<!tpu.dma_semaphore, #tpu.memory_space<semaphore_mem>>, %arg12: memref<!tpu.dma_semaphore, #tpu.memory_space<semaphore_mem>>, %arg13: memref<!tpu.dma_semaphore, #tpu.memory_space<semaphore_mem>>, %arg14: memref<!tpu.dma_semaphore, #tpu.memory_space<semaphore_mem>>, %arg15: memref<!tpu.dma_semaphore, #tpu.memory_space<semaphore_mem>>, %arg16: memref<!tpu.dma_semaphore, #tpu.memory_space<semaphore_mem>>, %arg17: memref<!tpu.dma_semaphore, #tpu.memory_space<semaphore_mem>>, %arg18: memref<!tpu.dma_semaphore, #tpu.memory_space<semaphore_mem>>, %arg19: memref<!tpu.dma_semaphore, #tpu.memory_space<semaphore_mem>>, %arg20: memref<!tpu.dma_semaphore, #tpu.memory_space<semaphore_mem>>) attributes {dimension_semantics = [#tpu.dimension_semantics<core_parallel>, #tpu.dimension_semantics<subcore_parallel>], iteration_bounds = array<i64: 2, 16>, scalar_prefetch = 0 : i64, scratch_operands = 16 : i64, tpu.core_type = #tpu.core_type<sc_vector_subcore>, window_params = [{transform_indices = #map}, {transform_indices = #map}, {transform_indices = #map}]} {
    %mul3A = arith.constant 2 : i32
    %mul3A_0 = arith.muli %arg1, %mul3A : i32
    %add3A = arith.addi %mul3A_0, %arg0 : i32
    %jit3A = arith.constant 8 : i32
    %div3A = arith.divsi %add3A, %jit3A : i32
    %sign3A = arith.constant 0 : i32
    %sign3A_1 = arith.cmpi sgt, %add3A, %sign3A : i32
    %sign3A_2 = arith.extui %sign3A_1 : i1 to i32
    %sign3A_3 = arith.constant 0 : i32
    %sign3A_4 = arith.cmpi slt, %add3A, %sign3A_3 : i32
    %sign3A_5 = arith.extui %sign3A_4 : i1 to i32
    %sign3A_6 = arith.subi %sign3A_2, %sign3A_5 : i32
    %sign3A_7 = arith.constant 0 : i32
    %sign3A_8 = arith.cmpi sgt, %jit3A, %sign3A_7 : i32
    %sign3A_9 = arith.extui %sign3A_8 : i1 to i32
    %sign3A_10 = arith.constant 0 : i32
    %sign3A_11 = arith.cmpi slt, %jit3A, %sign3A_10 : i32
    %sign3A_12 = arith.extui %sign3A_11 : i1 to i32
    %sign3A_13 = arith.subi %sign3A_9, %sign3A_12 : i32
    %ne3A = arith.cmpi ne, %sign3A_6, %sign3A_13 : i32
    %rem3A = arith.remsi %add3A, %jit3A : i32
    %ne3A_14 = arith.constant 0 : i32
    %ne3A_15 = arith.cmpi ne, %rem3A, %ne3A_14 : i32
    %and3A = arith.andi %ne3A, %ne3A_15 : i1
    %sub3A = arith.constant 1 : i32
    %sub3A_16 = arith.subi %div3A, %sub3A : i32
    %select_n3A = arith.select %and3A, %sub3A_16, %div3A : i32
    %jit3A_17 = arith.constant 8 : i32
    %eq3A = arith.constant 0 : i32
    %eq3A_18 = arith.cmpi eq, %jit3A_17, %eq3A : i32
    %jit3A_19 = arith.constant 1 : i32
    %select_n3A_20 = arith.select %eq3A_18, %jit3A_19, %jit3A_17 : i32
    %rem3A_21 = arith.remsi %add3A, %select_n3A_20 : i32
    %ne3A_22 = arith.constant 0 : i32
    %ne3A_23 = arith.cmpi ne, %rem3A_21, %ne3A_22 : i32
    %lt3A = arith.constant 0 : i32
    %lt3A_24 = arith.cmpi slt, %rem3A_21, %lt3A : i32
    %lt3A_25 = arith.constant 0 : i32
    %lt3A_26 = arith.cmpi slt, %select_n3A_20, %lt3A_25 : i32
    %ne3A_27 = arith.xori %lt3A_24, %lt3A_26 : i1
    %and3A_28 = arith.andi %ne3A_27, %ne3A_23 : i1
    %add3A_29 = arith.addi %rem3A_21, %select_n3A_20 : i32
    %select_n3A_30 = arith.select %and3A_28, %add3A_29, %rem3A_21 : i32
    %mul3A_31 = arith.constant 2 : i32
    %mul3A_32 = arith.muli %select_n3A_30, %mul3A_31 : i32
    "tpu.region"() ({
      %run_scoped3A = tpu.sem_alloc : memref<!tpu.dma_semaphore, #tpu.memory_space<semaphore_mem>>
      tpu.enqueue_dma source(%arg3 : memref<4x64xi32, #tpu.memory_space<hbm>>) target(%arg5 : memref<4x64xi32, #tpu.memory_space<vmem>>) target_semaphore(%run_scoped3A : memref<!tpu.dma_semaphore, #tpu.memory_space<semaphore_mem>>)
      tpu.wait_dma2 semaphore(%run_scoped3A : memref<!tpu.dma_semaphore, #tpu.memory_space<semaphore_mem>>) src(%arg3 : memref<4x64xi32, #tpu.memory_space<hbm>>) dst(%arg5 : memref<4x64xi32, #tpu.memory_space<vmem>>)
      tpu.yield
    }) : () -> ()
    %iota3A = tpu.iota {dimensions = array<i32: 0>} : vector<16xi32>
    %add3A_33 = vector.broadcast %mul3A_32 : i32 to vector<16xi32>
    %add3A_34 = arith.addi %add3A_33, %iota3A : vector<16xi32>
    %min3A = arith.constant 15 : i32
    %min3A_35 = vector.broadcast %min3A : i32 to vector<16xi32>
    %min3A_36 = arith.minsi %add3A_34, %min3A_35 : vector<16xi32>
    %broadcast_in_dim3A = arith.constant 0 : i32
    %broadcast_in_dim3A_37 = vector.broadcast %broadcast_in_dim3A : i32 to vector<16xi32>
    %eq3A_38 = arith.constant 0 : i32
    %eq3A_39 = arith.cmpi eq, %select_n3A, %eq3A_38 : i32
    %get3A = arith.constant 0 : i32
    %get3A_40 = arith.index_cast %get3A : i32 to index
    %get3A_41 = arith.constant 0 : index
    %get3A_42 = tpu.vector_load %arg5[%get3A_40, %get3A_41] {strides = array<i32>} : memref<4x64xi32, #tpu.memory_space<vmem>>, vector<16xi32>,
    %select_n3A_43 = arith.select %eq3A_39, %get3A_42, %broadcast_in_dim3A_37 : vector<16xi32>
    %eq3A_44 = arith.constant 1 : i32
    %eq3A_45 = arith.cmpi eq, %select_n3A, %eq3A_44 : i32
    %get3A_46 = arith.constant 0 : i32
    %get3A_47 = arith.index_cast %get3A_46 : i32 to index
    %get3A_48 = arith.constant 16 : index
    %get3A_49 = tpu.vector_load %arg5[%get3A_47, %get3A_48] {strides = array<i32>} : memref<4x64xi32, #tpu.memory_space<vmem>>, vector<16xi32>,
    %select_n3A_50 = arith.select %eq3A_45, %get3A_49, %select_n3A_43 : vector<16xi32>
    %eq3A_51 = arith.constant 2 : i32
    %eq3A_52 = arith.cmpi eq, %select_n3A, %eq3A_51 : i32
    %get3A_53 = arith.constant 0 : i32
    %get3A_54 = arith.index_cast %get3A_53 : i32 to index
    %get3A_55 = arith.constant 32 : index
    %get3A_56 = tpu.vector_load %arg5[%get3A_54, %get3A_55] {strides = array<i32>} : memref<4x64xi32, #tpu.memory_space<vmem>>, vector<16xi32>,
    %select_n3A_57 = arith.select %eq3A_52, %get3A_56, %select_n3A_50 : vector<16xi32>
    %eq3A_58 = arith.constant 3 : i32
    %eq3A_59 = arith.cmpi eq, %select_n3A, %eq3A_58 : i32
    %get3A_60 = arith.constant 0 : i32
    %get3A_61 = arith.index_cast %get3A_60 : i32 to index
    %get3A_62 = arith.constant 48 : index
    %get3A_63 = tpu.vector_load %arg5[%get3A_61, %get3A_62] {strides = array<i32>} : memref<4x64xi32, #tpu.memory_space<vmem>>, vector<16xi32>,
    %select_n3A_64 = arith.select %eq3A_59, %get3A_63, %select_n3A_57 : vector<16xi32>
    %broadcast_in_dim3A_65 = vector.shape_cast %min3A_36 : vector<16xi32> to vector<16x1xi32>
    %gather3A = vector.shape_cast %broadcast_in_dim3A_65 : vector<16x1xi32> to vector<16xi32>
    %gather3A_66 = tpu.dynamic_gather %select_n3A_64[%gather3A] in [0] : vector<16xi32>, vector<16xi32> -> vector<16xi32>
    %swap3A = arith.constant 0 : i32
    %swap3A_67 = arith.index_cast %swap3A : i32 to index
    %swap3A_68 = arith.constant 0 : index
    %swap3A_69 = tpu.vector_load %arg6[%swap3A_67, %swap3A_68] {strides = array<i32>} : memref<4x16xi32, #tpu.memory_space<vmem>>, vector<16xi32>,
    tpu.vector_store %arg6[%swap3A_67, %swap3A_68], %gather3A_66 {strides = array<i32>} : memref<4x16xi32, #tpu.memory_space<vmem>>, vector<16xi32>,
    %broadcast_in_dim3A_70 = arith.constant 0 : i32
    %broadcast_in_dim3A_71 = vector.broadcast %broadcast_in_dim3A_70 : i32 to vector<16xi32>
    %eq3A_72 = arith.constant 0 : i32
    %eq3A_73 = arith.cmpi eq, %select_n3A, %eq3A_72 : i32
    %get3A_74 = arith.constant 1 : i32
    %get3A_75 = arith.index_cast %get3A_74 : i32 to index
    %get3A_76 = arith.constant 0 : index
    %get3A_77 = tpu.vector_load %arg5[%get3A_75, %get3A_76] {strides = array<i32>} : memref<4x64xi32, #tpu.memory_space<vmem>>, vector<16xi32>,
    %select_n3A_78 = arith.select %eq3A_73, %get3A_77, %broadcast_in_dim3A_71 : vector<16xi32>
    %eq3A_79 = arith.constant 1 : i32
    %eq3A_80 = arith.cmpi eq, %select_n3A, %eq3A_79 : i32
    %get3A_81 = arith.constant 1 : i32
    %get3A_82 = arith.index_cast %get3A_81 : i32 to index
    %get3A_83 = arith.constant 16 : index
    %get3A_84 = tpu.vector_load %arg5[%get3A_82, %get3A_83] {strides = array<i32>} : memref<4x64xi32, #tpu.memory_space<vmem>>, vector<16xi32>,
    %select_n3A_85 = arith.select %eq3A_80, %get3A_84, %select_n3A_78 : vector<16xi32>
    %eq3A_86 = arith.constant 2 : i32
    %eq3A_87 = arith.cmpi eq, %select_n3A, %eq3A_86 : i32
    %get3A_88 = arith.constant 1 : i32
    %get3A_89 = arith.index_cast %get3A_88 : i32 to index
    %get3A_90 = arith.constant 32 : index
    %get3A_91 = tpu.vector_load %arg5[%get3A_89, %get3A_90] {strides = array<i32>} : memref<4x64xi32, #tpu.memory_space<vmem>>, vector<16xi32>,
    %select_n3A_92 = arith.select %eq3A_87, %get3A_91, %select_n3A_85 : vector<16xi32>
    %eq3A_93 = arith.constant 3 : i32
    %eq3A_94 = arith.cmpi eq, %select_n3A, %eq3A_93 : i32
    %get3A_95 = arith.constant 1 : i32
    %get3A_96 = arith.index_cast %get3A_95 : i32 to index
    %get3A_97 = arith.constant 48 : index
    %get3A_98 = tpu.vector_load %arg5[%get3A_96, %get3A_97] {strides = array<i32>} : memref<4x64xi32, #tpu.memory_space<vmem>>, vector<16xi32>,
    %select_n3A_99 = arith.select %eq3A_94, %get3A_98, %select_n3A_92 : vector<16xi32>
    %broadcast_in_dim3A_100 = vector.shape_cast %min3A_36 : vector<16xi32> to vector<16x1xi32>
    %gather3A_101 = vector.shape_cast %broadcast_in_dim3A_100 : vector<16x1xi32> to vector<16xi32>
    %gather3A_102 = tpu.dynamic_gather %select_n3A_99[%gather3A_101] in [0] : vector<16xi32>, vector<16xi32> -> vector<16xi32>
    %swap3A_103 = arith.constant 1 : i32
    %swap3A_104 = arith.index_cast %swap3A_103 : i32 to index
    %swap3A_105 = arith.constant 0 : index
    %swap3A_106 = tpu.vector_load %arg6[%swap3A_104, %swap3A_105] {strides = array<i32>} : memref<4x16xi32, #tpu.memory_space<vmem>>, vector<16xi32>,
    tpu.vector_store %arg6[%swap3A_104, %swap3A_105], %gather3A_102 {strides = array<i32>} : memref<4x16xi32, #tpu.memory_space<vmem>>, vector<16xi32>,
    %broadcast_in_dim3A_107 = arith.constant 0 : i32
    %broadcast_in_dim3A_108 = vector.broadcast %broadcast_in_dim3A_107 : i32 to vector<16xi32>
    %eq3A_109 = arith.constant 0 : i32
    %eq3A_110 = arith.cmpi eq, %select_n3A, %eq3A_109 : i32
    %get3A_111 = arith.constant 2 : i32
    %get3A_112 = arith.index_cast %get3A_111 : i32 to index
    %get3A_113 = arith.constant 0 : index
    %get3A_114 = tpu.vector_load %arg5[%get3A_112, %get3A_113] {strides = array<i32>} : memref<4x64xi32, #tpu.memory_space<vmem>>, vector<16xi32>,
    %select_n3A_115 = arith.select %eq3A_110, %get3A_114, %broadcast_in_dim3A_108 : vector<16xi32>
    %eq3A_116 = arith.constant 1 : i32
    %eq3A_117 = arith.cmpi eq, %select_n3A, %eq3A_116 : i32
    %get3A_118 = arith.constant 2 : i32
    %get3A_119 = arith.index_cast %get3A_118 : i32 to index
    %get3A_120 = arith.constant 16 : index
    %get3A_121 = tpu.vector_load %arg5[%get3A_119, %get3A_120] {strides = array<i32>} : memref<4x64xi32, #tpu.memory_space<vmem>>, vector<16xi32>,
    %select_n3A_122 = arith.select %eq3A_117, %get3A_121, %select_n3A_115 : vector<16xi32>
    %eq3A_123 = arith.constant 2 : i32
    %eq3A_124 = arith.cmpi eq, %select_n3A, %eq3A_123 : i32
    %get3A_125 = arith.constant 2 : i32
    %get3A_126 = arith.index_cast %get3A_125 : i32 to index
    %get3A_127 = arith.constant 32 : index
    %get3A_128 = tpu.vector_load %arg5[%get3A_126, %get3A_127] {strides = array<i32>} : memref<4x64xi32, #tpu.memory_space<vmem>>, vector<16xi32>,
    %select_n3A_129 = arith.select %eq3A_124, %get3A_128, %select_n3A_122 : vector<16xi32>
    %eq3A_130 = arith.constant 3 : i32
    %eq3A_131 = arith.cmpi eq, %select_n3A, %eq3A_130 : i32
    %get3A_132 = arith.constant 2 : i32
    %get3A_133 = arith.index_cast %get3A_132 : i32 to index
    %get3A_134 = arith.constant 48 : index
    %get3A_135 = tpu.vector_load %arg5[%get3A_133, %get3A_134] {strides = array<i32>} : memref<4x64xi32, #tpu.memory_space<vmem>>, vector<16xi32>,
    %select_n3A_136 = arith.select %eq3A_131, %get3A_135, %select_n3A_129 : vector<16xi32>
    %broadcast_in_dim3A_137 = vector.shape_cast %min3A_36 : vector<16xi32> to vector<16x1xi32>
    %gather3A_138 = vector.shape_cast %broadcast_in_dim3A_137 : vector<16x1xi32> to vector<16xi32>
    %gather3A_139 = tpu.dynamic_gather %select_n3A_136[%gather3A_138] in [0] : vector<16xi32>, vector<16xi32> -> vector<16xi32>
    %swap3A_140 = arith.constant 2 : i32
    %swap3A_141 = arith.index_cast %swap3A_140 : i32 to index
    %swap3A_142 = arith.constant 0 : index
    %swap3A_143 = tpu.vector_load %arg6[%swap3A_141, %swap3A_142] {strides = array<i32>} : memref<4x16xi32, #tpu.memory_space<vmem>>, vector<16xi32>,
    tpu.vector_store %arg6[%swap3A_141, %swap3A_142], %gather3A_139 {strides = array<i32>} : memref<4x16xi32, #tpu.memory_space<vmem>>, vector<16xi32>,
    %broadcast_in_dim3A_144 = arith.constant 0 : i32
    %broadcast_in_dim3A_145 = vector.broadcast %broadcast_in_dim3A_144 : i32 to vector<16xi32>
    %eq3A_146 = arith.constant 0 : i32
    %eq3A_147 = arith.cmpi eq, %select_n3A, %eq3A_146 : i32
    %get3A_148 = arith.constant 3 : i32
    %get3A_149 = arith.index_cast %get3A_148 : i32 to index
    %get3A_150 = arith.constant 0 : index
    %get3A_151 = tpu.vector_load %arg5[%get3A_149, %get3A_150] {strides = array<i32>} : memref<4x64xi32, #tpu.memory_space<vmem>>, vector<16xi32>,
    %select_n3A_152 = arith.select %eq3A_147, %get3A_151, %broadcast_in_dim3A_145 : vector<16xi32>
    %eq3A_153 = arith.constant 1 : i32
    %eq3A_154 = arith.cmpi eq, %select_n3A, %eq3A_153 : i32
    %get3A_155 = arith.constant 3 : i32
    %get3A_156 = arith.index_cast %get3A_155 : i32 to index
    %get3A_157 = arith.constant 16 : index
    %get3A_158 = tpu.vector_load %arg5[%get3A_156, %get3A_157] {strides = array<i32>} : memref<4x64xi32, #tpu.memory_space<vmem>>, vector<16xi32>,
    %select_n3A_159 = arith.select %eq3A_154, %get3A_158, %select_n3A_152 : vector<16xi32>
    %eq3A_160 = arith.constant 2 : i32
    %eq3A_161 = arith.cmpi eq, %select_n3A, %eq3A_160 : i32
    %get3A_162 = arith.constant 3 : i32
    %get3A_163 = arith.index_cast %get3A_162 : i32 to index
    %get3A_164 = arith.constant 32 : index
    %get3A_165 = tpu.vector_load %arg5[%get3A_163, %get3A_164] {strides = array<i32>} : memref<4x64xi32, #tpu.memory_space<vmem>>, vector<16xi32>,
    %select_n3A_166 = arith.select %eq3A_161, %get3A_165, %select_n3A_159 : vector<16xi32>
    %eq3A_167 = arith.constant 3 : i32
    %eq3A_168 = arith.cmpi eq, %select_n3A, %eq3A_167 : i32
    %get3A_169 = arith.constant 3 : i32
    %get3A_170 = arith.index_cast %get3A_169 : i32 to index
    %get3A_171 = arith.constant 48 : index
    %get3A_172 = tpu.vector_load %arg5[%get3A_170, %get3A_171] {strides = array<i32>} : memref<4x64xi32, #tpu.memory_space<vmem>>, vector<16xi32>,
    %select_n3A_173 = arith.select %eq3A_168, %get3A_172, %select_n3A_166 : vector<16xi32>
    %broadcast_in_dim3A_174 = vector.shape_cast %min3A_36 : vector<16xi32> to vector<16x1xi32>
    %gather3A_175 = vector.shape_cast %broadcast_in_dim3A_174 : vector<16x1xi32> to vector<16xi32>
    %gather3A_176 = tpu.dynamic_gather %select_n3A_173[%gather3A_175] in [0] : vector<16xi32>, vector<16xi32> -> vector<16xi32>
    %swap3A_177 = arith.constant 3 : i32
    %swap3A_178 = arith.index_cast %swap3A_177 : i32 to index
    %swap3A_179 = arith.constant 0 : index
    %swap3A_180 = tpu.vector_load %arg6[%swap3A_178, %swap3A_179] {strides = array<i32>} : memref<4x16xi32, #tpu.memory_space<vmem>>, vector<16xi32>,
    tpu.vector_store %arg6[%swap3A_178, %swap3A_179], %gather3A_176 {strides = array<i32>} : memref<4x16xi32, #tpu.memory_space<vmem>>, vector<16xi32>,
    %get3A_181 = arith.constant 0 : i32
    %get3A_182 = arith.index_cast %get3A_181 : i32 to index
    %get3A_183 = arith.constant 0 : index
    %get3A_184 = tpu.vector_load %arg6[%get3A_182, %get3A_183] {strides = array<i32>} : memref<4x16xi32, #tpu.memory_space<vmem>>, vector<16xi32>,
    %get3A_185 = arith.constant 1 : i32
    %get3A_186 = arith.index_cast %get3A_185 : i32 to index
    %get3A_187 = arith.constant 0 : index
    %get3A_188 = tpu.vector_load %arg6[%get3A_186, %get3A_187] {strides = array<i32>} : memref<4x16xi32, #tpu.memory_space<vmem>>, vector<16xi32>,
    %sub3A_189 = arith.subi %get3A_188, %get3A_184 : vector<16xi32>
    %abs3A = math.absi %sub3A_189 : vector<16xi32>
    %lt3A_190 = arith.constant 2 : i32
    %lt3A_191 = vector.broadcast %lt3A_190 : i32 to vector<16xi32>
    %lt3A_192 = arith.cmpi slt, %iota3A, %lt3A_191 : vector<16xi32>
    %jit3A_193 = arith.constant 0 : i32
    %broadcast_in_dim3A_194 = vector.broadcast %jit3A_193 : i32 to vector<16xi32>
    %select_n3A_195 = arith.select %lt3A_192, %abs3A, %broadcast_in_dim3A_194 : vector<16xi1>, vector<16xi32>
    %reduce_sum3A = arith.constant true
    %reduce_sum3A_196 = vector.broadcast %reduce_sum3A : i1 to vector<16xi1>
    %reduce_sum3A_197 = tpu.scan <sum>, %select_n3A_195 masked %reduce_sum3A_196 : vector<16xi32>, vector<16xi1> -> vector<16xi32>
    %reduce_sum3A_198 = vector.extract %reduce_sum3A_197[15] : i32 from vector<16xi32>
    %eq3A_199 = arith.constant 0 : i32
    %eq3A_200 = arith.cmpi eq, %reduce_sum3A_198, %eq3A_199 : i32
    %get3A_201 = arith.constant 2 : i32
    %get3A_202 = arith.index_cast %get3A_201 : i32 to index
    %get3A_203 = arith.constant 0 : index
    %get3A_204 = tpu.vector_load %arg6[%get3A_202, %get3A_203] {strides = array<i32>} : memref<4x16xi32, #tpu.memory_space<vmem>>, vector<16xi32>,
    %sub3A_205 = arith.subi %get3A_204, %get3A_184 : vector<16xi32>
    %abs3A_206 = math.absi %sub3A_205 : vector<16xi32>
    %lt3A_207 = arith.constant 2 : i32
    %lt3A_208 = vector.broadcast %lt3A_207 : i32 to vector<16xi32>
    %lt3A_209 = arith.cmpi slt, %iota3A, %lt3A_208 : vector<16xi32>
    %jit3A_210 = arith.constant 0 : i32
    %broadcast_in_dim3A_211 = vector.broadcast %jit3A_210 : i32 to vector<16xi32>
    %select_n3A_212 = arith.select %lt3A_209, %abs3A_206, %broadcast_in_dim3A_211 : vector<16xi1>, vector<16xi32>
    %reduce_sum3A_213 = arith.constant true
    %reduce_sum3A_214 = vector.broadcast %reduce_sum3A_213 : i1 to vector<16xi1>
    %reduce_sum3A_215 = tpu.scan <sum>, %select_n3A_212 masked %reduce_sum3A_214 : vector<16xi32>, vector<16xi1> -> vector<16xi32>
    %reduce_sum3A_216 = vector.extract %reduce_sum3A_215[15] : i32 from vector<16xi32>
    %eq3A_217 = arith.constant 0 : i32
    %eq3A_218 = arith.cmpi eq, %reduce_sum3A_216, %eq3A_217 : i32
    %get3A_219 = arith.constant 3 : i32
    %get3A_220 = arith.index_cast %get3A_219 : i32 to index
    %get3A_221 = arith.constant 0 : index
    %get3A_222 = tpu.vector_load %arg6[%get3A_220, %get3A_221] {strides = array<i32>} : memref<4x16xi32, #tpu.memory_space<vmem>>, vector<16xi32>,
    %sub3A_223 = arith.subi %get3A_222, %get3A_184 : vector<16xi32>
    %abs3A_224 = math.absi %sub3A_223 : vector<16xi32>
    %lt3A_225 = arith.constant 2 : i32
    %lt3A_226 = vector.broadcast %lt3A_225 : i32 to vector<16xi32>
    %lt3A_227 = arith.cmpi slt, %iota3A, %lt3A_226 : vector<16xi32>
    %jit3A_228 = arith.constant 0 : i32
    %broadcast_in_dim3A_229 = vector.broadcast %jit3A_228 : i32 to vector<16xi32>
    %select_n3A_230 = arith.select %lt3A_227, %abs3A_224, %broadcast_in_dim3A_229 : vector<16xi1>, vector<16xi32>
    %reduce_sum3A_231 = arith.constant true
    %reduce_sum3A_232 = vector.broadcast %reduce_sum3A_231 : i1 to vector<16xi1>
    %reduce_sum3A_233 = tpu.scan <sum>, %select_n3A_230 masked %reduce_sum3A_232 : vector<16xi32>, vector<16xi1> -> vector<16xi32>
    %reduce_sum3A_234 = vector.extract %reduce_sum3A_233[15] : i32 from vector<16xi32>
    %eq3A_235 = arith.constant 0 : i32
    %eq3A_236 = arith.cmpi eq, %reduce_sum3A_234, %eq3A_235 : i32
    %dma_start3A = arith.constant 0 : i32
    %dma_start3A_237 = arith.constant 0 : i32
    %dma_start3A_238 = arith.constant 0 : i32
    %dma_start3A_239 = arith.constant 0 : i32
    %dma_start3A_240 = tpu.memref_slice %arg7[%dma_start3A_237, %dma_start3A_238, %dma_start3A_239] : memref<5x1x16384xf32, #tpu.memory_space<vmem>> -> memref<1x1x16384xf32, #tpu.memory_space<vmem>>
    %dma_start3A_241 = tpu.memref_squeeze %dma_start3A_240 : memref<1x1x16384xf32, #tpu.memory_space<vmem>> -> memref<1x16384xf32, #tpu.memory_space<vmem>>
    %dma_start3A_242 = arith.constant 0 : i32
    %dma_start3A_243 = tpu.memref_slice %arg6[%dma_start3A, %dma_start3A_242] : memref<4x16xi32, #tpu.memory_space<vmem>> -> memref<1x1xi32, #tpu.memory_space<vmem>>
    %dma_start3A_244 = tpu.memref_squeeze %dma_start3A_243 : memref<1x1xi32, #tpu.memory_space<vmem>> -> memref<1xi32, #tpu.memory_space<vmem>>
    %dma_start3A_245 = arith.constant 0 : i32
    %dma_start3A_246 = arith.constant 0 : i32
    %dma_start3A_247 = tpu.memref_slice %arg2[%dma_start3A_245, %dma_start3A_246] : memref<64x65536xf32, #tpu.memory_space<hbm>> -> memref<64x16384xf32, #tpu.memory_space<hbm>>
    tpu.enqueue_indirect_dma source(%dma_start3A_247 : memref<64x16384xf32, #tpu.memory_space<hbm>>) target(%dma_start3A_241 : memref<1x16384xf32, #tpu.memory_space<vmem>>) offsets(%dma_start3A_244 : memref<1xi32, #tpu.memory_space<vmem>>) semaphore(%arg9 : memref<!tpu.dma_semaphore, #tpu.memory_space<semaphore_mem>>)
    %dma_start3A_248 = arith.constant 0 : i32
    %dma_start3A_249 = arith.constant 1 : i32
    %dma_start3A_250 = arith.constant 0 : i32
    %dma_start3A_251 = arith.constant 0 : i32
    %dma_start3A_252 = tpu.memref_slice %arg7[%dma_start3A_249, %dma_start3A_250, %dma_start3A_251] : memref<5x1x16384xf32, #tpu.memory_space<vmem>> -> memref<1x1x16384xf32, #tpu.memory_space<vmem>>
    %dma_start3A_253 = tpu.memref_squeeze %dma_start3A_252 : memref<1x1x16384xf32, #tpu.memory_space<vmem>> -> memref<1x16384xf32, #tpu.memory_space<vmem>>
    %dma_start3A_254 = arith.constant 0 : i32
    %dma_start3A_255 = tpu.memref_slice %arg6[%dma_start3A_248, %dma_start3A_254] : memref<4x16xi32, #tpu.memory_space<vmem>> -> memref<1x1xi32, #tpu.memory_space<vmem>>
    %dma_start3A_256 = tpu.memref_squeeze %dma_start3A_255 : memref<1x1xi32, #tpu.memory_space<vmem>> -> memref<1xi32, #tpu.memory_space<vmem>>
    %dma_start3A_257 = arith.constant 0 : i32
    %dma_start3A_258 = arith.constant 16384 : i32
    %dma_start3A_259 = tpu.memref_slice %arg2[%dma_start3A_257, %dma_start3A_258] : memref<64x65536xf32, #tpu.memory_space<hbm>> -> memref<64x16384xf32, #tpu.memory_space<hbm>>
    tpu.enqueue_indirect_dma source(%dma_start3A_259 : memref<64x16384xf32, #tpu.memory_space<hbm>>) target(%dma_start3A_253 : memref<1x16384xf32, #tpu.memory_space<vmem>>) offsets(%dma_start3A_256 : memref<1xi32, #tpu.memory_space<vmem>>) semaphore(%arg10 : memref<!tpu.dma_semaphore, #tpu.memory_space<semaphore_mem>>)
    %dma_start3A_260 = arith.constant 0 : i32
    %dma_start3A_261 = arith.constant 2 : i32
    %dma_start3A_262 = arith.constant 0 : i32
    %dma_start3A_263 = arith.constant 0 : i32
    %dma_start3A_264 = tpu.memref_slice %arg7[%dma_start3A_261, %dma_start3A_262, %dma_start3A_263] : memref<5x1x16384xf32, #tpu.memory_space<vmem>> -> memref<1x1x16384xf32, #tpu.memory_space<vmem>>
    %dma_start3A_265 = tpu.memref_squeeze %dma_start3A_264 : memref<1x1x16384xf32, #tpu.memory_space<vmem>> -> memref<1x16384xf32, #tpu.memory_space<vmem>>
    %dma_start3A_266 = arith.constant 0 : i32
    %dma_start3A_267 = tpu.memref_slice %arg6[%dma_start3A_260, %dma_start3A_266] : memref<4x16xi32, #tpu.memory_space<vmem>> -> memref<1x1xi32, #tpu.memory_space<vmem>>
    %dma_start3A_268 = tpu.memref_squeeze %dma_start3A_267 : memref<1x1xi32, #tpu.memory_space<vmem>> -> memref<1xi32, #tpu.memory_space<vmem>>
    %dma_start3A_269 = arith.constant 0 : i32
    %dma_start3A_270 = arith.constant 32768 : i32
    %dma_start3A_271 = tpu.memref_slice %arg2[%dma_start3A_269, %dma_start3A_270] : memref<64x65536xf32, #tpu.memory_space<hbm>> -> memref<64x16384xf32, #tpu.memory_space<hbm>>
    tpu.enqueue_indirect_dma source(%dma_start3A_271 : memref<64x16384xf32, #tpu.memory_space<hbm>>) target(%dma_start3A_265 : memref<1x16384xf32, #tpu.memory_space<vmem>>) offsets(%dma_start3A_268 : memref<1xi32, #tpu.memory_space<vmem>>) semaphore(%arg11 : memref<!tpu.dma_semaphore, #tpu.memory_space<semaphore_mem>>)
    %dma_wait3A = arith.constant 0 : i32
    %dma_wait3A_272 = arith.constant 0 : i32
    %dma_wait3A_273 = arith.constant 0 : i32
    %dma_wait3A_274 = arith.constant 0 : i32
    %dma_wait3A_275 = tpu.memref_slice %arg7[%dma_wait3A_272, %dma_wait3A_273, %dma_wait3A_274] : memref<5x1x16384xf32, #tpu.memory_space<vmem>> -> memref<1x1x16384xf32, #tpu.memory_space<vmem>>
    %dma_wait3A_276 = tpu.memref_squeeze %dma_wait3A_275 : memref<1x1x16384xf32, #tpu.memory_space<vmem>> -> memref<1x16384xf32, #tpu.memory_space<vmem>>
    %dma_wait3A_277 = arith.constant 0 : i32
    %dma_wait3A_278 = tpu.memref_slice %arg6[%dma_wait3A, %dma_wait3A_277] : memref<4x16xi32, #tpu.memory_space<vmem>> -> memref<1x1xi32, #tpu.memory_space<vmem>>
    %dma_wait3A_279 = tpu.memref_squeeze %dma_wait3A_278 : memref<1x1xi32, #tpu.memory_space<vmem>> -> memref<1xi32, #tpu.memory_space<vmem>>
    %dma_wait3A_280 = arith.constant 0 : i32
    %dma_wait3A_281 = arith.constant 0 : i32
    %dma_wait3A_282 = tpu.memref_slice %arg2[%dma_wait3A_280, %dma_wait3A_281] : memref<64x65536xf32, #tpu.memory_space<hbm>> -> memref<64x16384xf32, #tpu.memory_space<hbm>>
    tpu.wait_indirect_dma semaphore(%arg9 : memref<!tpu.dma_semaphore, #tpu.memory_space<semaphore_mem>>) src(%dma_wait3A_282 : memref<64x16384xf32, #tpu.memory_space<hbm>>) dst(%dma_wait3A_276 : memref<1x16384xf32, #tpu.memory_space<vmem>>)
    %mul3A_283 = arith.constant 2 : i32
    %mul3A_284 = arith.muli %add3A, %mul3A_283 : i32
    %add3A_285 = arith.constant 0 : i32
    %add3A_286 = arith.addi %add3A_285, %mul3A_284 : i32
    %add3A_287 = arith.constant 0 : i32
    %add3A_288 = arith.addi %add3A_286, %add3A_287 : i32
    %dma_start3A_289 = arith.constant 0 : i32
    %dma_start3A_290 = arith.constant 0 : i32
    %dma_start3A_291 = arith.constant 0 : i32
    %dma_start3A_292 = tpu.memref_slice %arg7[%dma_start3A_289, %dma_start3A_290, %dma_start3A_291] : memref<5x1x16384xf32, #tpu.memory_space<vmem>> -> memref<1x1x16384xf32, #tpu.memory_space<vmem>>
    %dma_start3A_293 = tpu.memref_squeeze %dma_start3A_292 : memref<1x1x16384xf32, #tpu.memory_space<vmem>> -> memref<1x16384xf32, #tpu.memory_space<vmem>>
    %dma_start3A_294 = arith.constant 0 : i32
    %dma_start3A_295 = tpu.memref_slice %arg4[%add3A_288, %dma_start3A_294] : memref<256x65536xf32, #tpu.memory_space<hbm>> -> memref<1x16384xf32, #tpu.memory_space<hbm>>
    %dma_start3A_296 = arith.constant 0 : i32
    %dma_start3A_297 = tpu.memref_slice %arg4[%add3A_288, %dma_start3A_296] : memref<256x65536xf32, #tpu.memory_space<hbm>> -> memref<1x16384xf32, #tpu.memory_space<hbm>>
    %dma_start3A_298 = arith.constant 0 : i32
    %dma_start3A_299 = arith.constant 0 : i32
    %dma_start3A_300 = tpu.memref_slice %arg7[%dma_start3A_289, %dma_start3A_298, %dma_start3A_299] : memref<5x1x16384xf32, #tpu.memory_space<vmem>> -> memref<1x1x16384xf32, #tpu.memory_space<vmem>>
    %dma_start3A_301 = tpu.memref_squeeze %dma_start3A_300 : memref<1x1x16384xf32, #tpu.memory_space<vmem>> -> memref<1x16384xf32, #tpu.memory_space<vmem>>
    tpu.enqueue_dma source(%dma_start3A_301 : memref<1x16384xf32, #tpu.memory_space<vmem>>) target(%dma_start3A_297 : memref<1x16384xf32, #tpu.memory_space<hbm>>) target_semaphore(%arg14 : memref<!tpu.dma_semaphore, #tpu.memory_space<semaphore_mem>>)
    %convert_element_type3A = arith.extui %eq3A_200 : i1 to i32
    %cond3A = arith.constant 0 : i32
    %cond3A_302 = arith.cmpi ne, %convert_element_type3A, %cond3A : i32
    scf.if %cond3A_302 {
      %mul3A_992 = arith.constant 2 : i32
      %mul3A_993 = arith.muli %add3A, %mul3A_992 : i32
      %add3A_994 = arith.constant 64 : i32
      %add3A_995 = arith.addi %add3A_994, %mul3A_993 : i32
      %add3A_996 = arith.constant 0 : i32
      %add3A_997 = arith.addi %add3A_995, %add3A_996 : i32
      %dma_start3A_998 = arith.constant 0 : i32
      %dma_start3A_999 = arith.constant 0 : i32
      %dma_start3A_1000 = arith.constant 0 : i32
      %dma_start3A_1001 = tpu.memref_slice %arg7[%dma_start3A_998, %dma_start3A_999, %dma_start3A_1000] : memref<5x1x16384xf32, #tpu.memory_space<vmem>> -> memref<1x1x16384xf32, #tpu.memory_space<vmem>>
      %dma_start3A_1002 = tpu.memref_squeeze %dma_start3A_1001 : memref<1x1x16384xf32, #tpu.memory_space<vmem>> -> memref<1x16384xf32, #tpu.memory_space<vmem>>
      %dma_start3A_1003 = arith.constant 0 : i32
      %dma_start3A_1004 = tpu.memref_slice %arg4[%add3A_997, %dma_start3A_1003] : memref<256x65536xf32, #tpu.memory_space<hbm>> -> memref<1x16384xf32, #tpu.memory_space<hbm>>
      %dma_start3A_1005 = arith.constant 0 : i32
      %dma_start3A_1006 = tpu.memref_slice %arg4[%add3A_997, %dma_start3A_1005] : memref<256x65536xf32, #tpu.memory_space<hbm>> -> memref<1x16384xf32, #tpu.memory_space<hbm>>
      %dma_start3A_1007 = arith.constant 0 : i32
      %dma_start3A_1008 = arith.constant 0 : i32
      %dma_start3A_1009 = tpu.memref_slice %arg7[%dma_start3A_998, %dma_start3A_1007, %dma_start3A_1008] : memref<5x1x16384xf32, #tpu.memory_space<vmem>> -> memref<1x1x16384xf32, #tpu.memory_space<vmem>>
      %dma_start3A_1010 = tpu.memref_squeeze %dma_start3A_1009 : memref<1x1x16384xf32, #tpu.memory_space<vmem>> -> memref<1x16384xf32, #tpu.memory_space<vmem>>
      tpu.enqueue_dma source(%dma_start3A_1010 : memref<1x16384xf32, #tpu.memory_space<vmem>>) target(%dma_start3A_1006 : memref<1x16384xf32, #tpu.memory_space<hbm>>) target_semaphore(%arg14 : memref<!tpu.dma_semaphore, #tpu.memory_space<semaphore_mem>>)
    } else {
    }
    %not3A = arith.constant true
    %not3A_303 = arith.xori %eq3A_200, %not3A : i1
    %convert_element_type3A_304 = arith.extui %not3A_303 : i1 to i32
    %cond3A_305 = arith.constant 0 : i32
    %cond3A_306 = arith.cmpi ne, %convert_element_type3A_304, %cond3A_305 : i32
    scf.if %cond3A_306 {
      %dma_start3A_992 = arith.constant 1 : i32
      %dma_start3A_993 = arith.constant 0 : i32
      %dma_start3A_994 = arith.constant 0 : i32
      %dma_start3A_995 = arith.constant 0 : i32
      %dma_start3A_996 = tpu.memref_slice %arg8[%dma_start3A_993, %dma_start3A_994, %dma_start3A_995] : memref<1x1x16384xf32, #tpu.memory_space<vmem>> -> memref<1x1x16384xf32, #tpu.memory_space<vmem>>
      %dma_start3A_997 = tpu.memref_squeeze %dma_start3A_996 : memref<1x1x16384xf32, #tpu.memory_space<vmem>> -> memref<1x16384xf32, #tpu.memory_space<vmem>>
      %dma_start3A_998 = arith.constant 0 : i32
      %dma_start3A_999 = tpu.memref_slice %arg6[%dma_start3A_992, %dma_start3A_998] : memref<4x16xi32, #tpu.memory_space<vmem>> -> memref<1x1xi32, #tpu.memory_space<vmem>>
      %dma_start3A_1000 = tpu.memref_squeeze %dma_start3A_999 : memref<1x1xi32, #tpu.memory_space<vmem>> -> memref<1xi32, #tpu.memory_space<vmem>>
      %dma_start3A_1001 = arith.constant 0 : i32
      %dma_start3A_1002 = arith.constant 0 : i32
      %dma_start3A_1003 = tpu.memref_slice %arg2[%dma_start3A_1001, %dma_start3A_1002] : memref<64x65536xf32, #tpu.memory_space<hbm>> -> memref<64x16384xf32, #tpu.memory_space<hbm>>
      tpu.enqueue_indirect_dma source(%dma_start3A_1003 : memref<64x16384xf32, #tpu.memory_space<hbm>>) target(%dma_start3A_997 : memref<1x16384xf32, #tpu.memory_space<vmem>>) offsets(%dma_start3A_1000 : memref<1xi32, #tpu.memory_space<vmem>>) semaphore(%arg19 : memref<!tpu.dma_semaphore, #tpu.memory_space<semaphore_mem>>)
      %dma_wait3A_1004 = arith.constant 1 : i32
      %dma_wait3A_1005 = arith.constant 0 : i32
      %dma_wait3A_1006 = arith.constant 0 : i32
      %dma_wait3A_1007 = arith.constant 0 : i32
      %dma_wait3A_1008 = tpu.memref_slice %arg8[%dma_wait3A_1005, %dma_wait3A_1006, %dma_wait3A_1007] : memref<1x1x16384xf32, #tpu.memory_space<vmem>> -> memref<1x1x16384xf32, #tpu.memory_space<vmem>>
      %dma_wait3A_1009 = tpu.memref_squeeze %dma_wait3A_1008 : memref<1x1x16384xf32, #tpu.memory_space<vmem>> -> memref<1x16384xf32, #tpu.memory_space<vmem>>
      %dma_wait3A_1010 = arith.constant 0 : i32
      %dma_wait3A_1011 = tpu.memref_slice %arg6[%dma_wait3A_1004, %dma_wait3A_1010] : memref<4x16xi32, #tpu.memory_space<vmem>> -> memref<1x1xi32, #tpu.memory_space<vmem>>
      %dma_wait3A_1012 = tpu.memref_squeeze %dma_wait3A_1011 : memref<1x1xi32, #tpu.memory_space<vmem>> -> memref<1xi32, #tpu.memory_space<vmem>>
      %dma_wait3A_1013 = arith.constant 0 : i32
      %dma_wait3A_1014 = arith.constant 0 : i32
      %dma_wait3A_1015 = tpu.memref_slice %arg2[%dma_wait3A_1013, %dma_wait3A_1014] : memref<64x65536xf32, #tpu.memory_space<hbm>> -> memref<64x16384xf32, #tpu.memory_space<hbm>>
      tpu.wait_indirect_dma semaphore(%arg19 : memref<!tpu.dma_semaphore, #tpu.memory_space<semaphore_mem>>) src(%dma_wait3A_1015 : memref<64x16384xf32, #tpu.memory_space<hbm>>) dst(%dma_wait3A_1009 : memref<1x16384xf32, #tpu.memory_space<vmem>>)
      %mul3A_1016 = arith.constant 2 : i32
      %mul3A_1017 = arith.muli %add3A, %mul3A_1016 : i32
      %add3A_1018 = arith.constant 64 : i32
      %add3A_1019 = arith.addi %add3A_1018, %mul3A_1017 : i32
      %add3A_1020 = arith.constant 0 : i32
      %add3A_1021 = arith.addi %add3A_1019, %add3A_1020 : i32
      %dma_start3A_1022 = arith.constant 0 : i32
      %dma_start3A_1023 = arith.constant 0 : i32
      %dma_start3A_1024 = arith.constant 0 : i32
      %dma_start3A_1025 = tpu.memref_slice %arg8[%dma_start3A_1022, %dma_start3A_1023, %dma_start3A_1024] : memref<1x1x16384xf32, #tpu.memory_space<vmem>> -> memref<1x1x16384xf32, #tpu.memory_space<vmem>>
      %dma_start3A_1026 = tpu.memref_squeeze %dma_start3A_1025 : memref<1x1x16384xf32, #tpu.memory_space<vmem>> -> memref<1x16384xf32, #tpu.memory_space<vmem>>
      %dma_start3A_1027 = arith.constant 0 : i32
      %dma_start3A_1028 = tpu.memref_slice %arg4[%add3A_1021, %dma_start3A_1027] : memref<256x65536xf32, #tpu.memory_space<hbm>> -> memref<1x16384xf32, #tpu.memory_space<hbm>>
      %dma_start3A_1029 = arith.constant 0 : i32
      %dma_start3A_1030 = tpu.memref_slice %arg4[%add3A_1021, %dma_start3A_1029] : memref<256x65536xf32, #tpu.memory_space<hbm>> -> memref<1x16384xf32, #tpu.memory_space<hbm>>
      %dma_start3A_1031 = arith.constant 0 : i32
      %dma_start3A_1032 = arith.constant 0 : i32
      %dma_start3A_1033 = tpu.memref_slice %arg8[%dma_start3A_1022, %dma_start3A_1031, %dma_start3A_1032] : memref<1x1x16384xf32, #tpu.memory_space<vmem>> -> memref<1x1x16384xf32, #tpu.memory_space<vmem>>
      %dma_start3A_1034 = tpu.memref_squeeze %dma_start3A_1033 : memref<1x1x16384xf32, #tpu.memory_space<vmem>> -> memref<1x16384xf32, #tpu.memory_space<vmem>>
      tpu.enqueue_dma source(%dma_start3A_1034 : memref<1x16384xf32, #tpu.memory_space<vmem>>) target(%dma_start3A_1030 : memref<1x16384xf32, #tpu.memory_space<hbm>>) target_semaphore(%arg20 : memref<!tpu.dma_semaphore, #tpu.memory_space<semaphore_mem>>)
      %mul3A_1035 = arith.constant 2 : i32
      %mul3A_1036 = arith.muli %add3A, %mul3A_1035 : i32
      %add3A_1037 = arith.constant 64 : i32
      %add3A_1038 = arith.addi %add3A_1037, %mul3A_1036 : i32
      %add3A_1039 = arith.constant 0 : i32
      %add3A_1040 = arith.addi %add3A_1038, %add3A_1039 : i32
      %dma_wait3A_1041 = arith.constant 0 : i32
      %dma_wait3A_1042 = arith.constant 0 : i32
      %dma_wait3A_1043 = arith.constant 0 : i32
      %dma_wait3A_1044 = tpu.memref_slice %arg8[%dma_wait3A_1041, %dma_wait3A_1042, %dma_wait3A_1043] : memref<1x1x16384xf32, #tpu.memory_space<vmem>> -> memref<1x1x16384xf32, #tpu.memory_space<vmem>>
      %dma_wait3A_1045 = tpu.memref_squeeze %dma_wait3A_1044 : memref<1x1x16384xf32, #tpu.memory_space<vmem>> -> memref<1x16384xf32, #tpu.memory_space<vmem>>
      %dma_wait3A_1046 = arith.constant 0 : i32
      %dma_wait3A_1047 = tpu.memref_slice %arg4[%add3A_1040, %dma_wait3A_1046] : memref<256x65536xf32, #tpu.memory_space<hbm>> -> memref<1x16384xf32, #tpu.memory_space<hbm>>
      %dma_wait3A_1048 = arith.constant 0 : i32
      %dma_wait3A_1049 = tpu.memref_slice %arg4[%add3A_1040, %dma_wait3A_1048] : memref<256x65536xf32, #tpu.memory_space<hbm>> -> memref<1x16384xf32, #tpu.memory_space<hbm>>
      %dma_wait3A_1050 = arith.constant 0 : i32
      %dma_wait3A_1051 = arith.constant 0 : i32
      %dma_wait3A_1052 = tpu.memref_slice %arg8[%dma_wait3A_1041, %dma_wait3A_1050, %dma_wait3A_1051] : memref<1x1x16384xf32, #tpu.memory_space<vmem>> -> memref<1x1x16384xf32, #tpu.memory_space<vmem>>
      %dma_wait3A_1053 = tpu.memref_squeeze %dma_wait3A_1052 : memref<1x1x16384xf32, #tpu.memory_space<vmem>> -> memref<1x16384xf32, #tpu.memory_space<vmem>>
      tpu.wait_dma2 semaphore(%arg20 : memref<!tpu.dma_semaphore, #tpu.memory_space<semaphore_mem>>) src(%dma_wait3A_1053 : memref<1x16384xf32, #tpu.memory_space<vmem>>) dst(%dma_wait3A_1049 : memref<1x16384xf32, #tpu.memory_space<hbm>>)
    } else {
    }
    %convert_element_type3A_307 = arith.extui %eq3A_218 : i1 to i32
    %cond3A_308 = arith.constant 0 : i32
    %cond3A_309 = arith.cmpi ne, %convert_element_type3A_307, %cond3A_308 : i32
    scf.if %cond3A_309 {
      %mul3A_992 = arith.constant 2 : i32
      %mul3A_993 = arith.muli %add3A, %mul3A_992 : i32
      %add3A_994 = arith.constant 128 : i32
      %add3A_995 = arith.addi %add3A_994, %mul3A_993 : i32
      %add3A_996 = arith.constant 0 : i32
      %add3A_997 = arith.addi %add3A_995, %add3A_996 : i32
      %dma_start3A_998 = arith.constant 0 : i32
      %dma_start3A_999 = arith.constant 0 : i32
      %dma_start3A_1000 = arith.constant 0 : i32
      %dma_start3A_1001 = tpu.memref_slice %arg7[%dma_start3A_998, %dma_start3A_999, %dma_start3A_1000] : memref<5x1x16384xf32, #tpu.memory_space<vmem>> -> memref<1x1x16384xf32, #tpu.memory_space<vmem>>
      %dma_start3A_1002 = tpu.memref_squeeze %dma_start3A_1001 : memref<1x1x16384xf32, #tpu.memory_space<vmem>> -> memref<1x16384xf32, #tpu.memory_space<vmem>>
      %dma_start3A_1003 = arith.constant 0 : i32
      %dma_start3A_1004 = tpu.memref_slice %arg4[%add3A_997, %dma_start3A_1003] : memref<256x65536xf32, #tpu.memory_space<hbm>> -> memref<1x16384xf32, #tpu.memory_space<hbm>>
      %dma_start3A_1005 = arith.constant 0 : i32
      %dma_start3A_1006 = tpu.memref_slice %arg4[%add3A_997, %dma_start3A_1005] : memref<256x65536xf32, #tpu.memory_space<hbm>> -> memref<1x16384xf32, #tpu.memory_space<hbm>>
      %dma_start3A_1007 = arith.constant 0 : i32
      %dma_start3A_1008 = arith.constant 0 : i32
      %dma_start3A_1009 = tpu.memref_slice %arg7[%dma_start3A_998, %dma_start3A_1007, %dma_start3A_1008] : memref<5x1x16384xf32, #tpu.memory_space<vmem>> -> memref<1x1x16384xf32, #tpu.memory_space<vmem>>
      %dma_start3A_1010 = tpu.memref_squeeze %dma_start3A_1009 : memref<1x1x16384xf32, #tpu.memory_space<vmem>> -> memref<1x16384xf32, #tpu.memory_space<vmem>>
      tpu.enqueue_dma source(%dma_start3A_1010 : memref<1x16384xf32, #tpu.memory_space<vmem>>) target(%dma_start3A_1006 : memref<1x16384xf32, #tpu.memory_space<hbm>>) target_semaphore(%arg14 : memref<!tpu.dma_semaphore, #tpu.memory_space<semaphore_mem>>)
    } else {
    }
    %not3A_310 = arith.constant true
    %not3A_311 = arith.xori %eq3A_218, %not3A_310 : i1
    %convert_element_type3A_312 = arith.extui %not3A_311 : i1 to i32
    %cond3A_313 = arith.constant 0 : i32
    %cond3A_314 = arith.cmpi ne, %convert_element_type3A_312, %cond3A_313 : i32
    scf.if %cond3A_314 {
      %dma_start3A_992 = arith.constant 2 : i32
      %dma_start3A_993 = arith.constant 0 : i32
      %dma_start3A_994 = arith.constant 0 : i32
      %dma_start3A_995 = arith.constant 0 : i32
      %dma_start3A_996 = tpu.memref_slice %arg8[%dma_start3A_993, %dma_start3A_994, %dma_start3A_995] : memref<1x1x16384xf32, #tpu.memory_space<vmem>> -> memref<1x1x16384xf32, #tpu.memory_space<vmem>>
      %dma_start3A_997 = tpu.memref_squeeze %dma_start3A_996 : memref<1x1x16384xf32, #tpu.memory_space<vmem>> -> memref<1x16384xf32, #tpu.memory_space<vmem>>
      %dma_start3A_998 = arith.constant 0 : i32
      %dma_start3A_999 = tpu.memref_slice %arg6[%dma_start3A_992, %dma_start3A_998] : memref<4x16xi32, #tpu.memory_space<vmem>> -> memref<1x1xi32, #tpu.memory_space<vmem>>
      %dma_start3A_1000 = tpu.memref_squeeze %dma_start3A_999 : memref<1x1xi32, #tpu.memory_space<vmem>> -> memref<1xi32, #tpu.memory_space<vmem>>
      %dma_start3A_1001 = arith.constant 0 : i32
      %dma_start3A_1002 = arith.constant 0 : i32
      %dma_start3A_1003 = tpu.memref_slice %arg2[%dma_start3A_1001, %dma_start3A_1002] : memref<64x65536xf32, #tpu.memory_space<hbm>> -> memref<64x16384xf32, #tpu.memory_space<hbm>>
      tpu.enqueue_indirect_dma source(%dma_start3A_1003 : memref<64x16384xf32, #tpu.memory_space<hbm>>) target(%dma_start3A_997 : memref<1x16384xf32, #tpu.memory_space<vmem>>) offsets(%dma_start3A_1000 : memref<1xi32, #tpu.memory_space<vmem>>) semaphore(%arg19 : memref<!tpu.dma_semaphore, #tpu.memory_space<semaphore_mem>>)
      %dma_wait3A_1004 = arith.constant 2 : i32
      %dma_wait3A_1005 = arith.constant 0 : i32
      %dma_wait3A_1006 = arith.constant 0 : i32
      %dma_wait3A_1007 = arith.constant 0 : i32
      %dma_wait3A_1008 = tpu.memref_slice %arg8[%dma_wait3A_1005, %dma_wait3A_1006, %dma_wait3A_1007] : memref<1x1x16384xf32, #tpu.memory_space<vmem>> -> memref<1x1x16384xf32, #tpu.memory_space<vmem>>
      %dma_wait3A_1009 = tpu.memref_squeeze %dma_wait3A_1008 : memref<1x1x16384xf32, #tpu.memory_space<vmem>> -> memref<1x16384xf32, #tpu.memory_space<vmem>>
      %dma_wait3A_1010 = arith.constant 0 : i32
      %dma_wait3A_1011 = tpu.memref_slice %arg6[%dma_wait3A_1004, %dma_wait3A_1010] : memref<4x16xi32, #tpu.memory_space<vmem>> -> memref<1x1xi32, #tpu.memory_space<vmem>>
      %dma_wait3A_1012 = tpu.memref_squeeze %dma_wait3A_1011 : memref<1x1xi32, #tpu.memory_space<vmem>> -> memref<1xi32, #tpu.memory_space<vmem>>
      %dma_wait3A_1013 = arith.constant 0 : i32
      %dma_wait3A_1014 = arith.constant 0 : i32
      %dma_wait3A_1015 = tpu.memref_slice %arg2[%dma_wait3A_1013, %dma_wait3A_1014] : memref<64x65536xf32, #tpu.memory_space<hbm>> -> memref<64x16384xf32, #tpu.memory_space<hbm>>
      tpu.wait_indirect_dma semaphore(%arg19 : memref<!tpu.dma_semaphore, #tpu.memory_space<semaphore_mem>>) src(%dma_wait3A_1015 : memref<64x16384xf32, #tpu.memory_space<hbm>>) dst(%dma_wait3A_1009 : memref<1x16384xf32, #tpu.memory_space<vmem>>)
      %mul3A_1016 = arith.constant 2 : i32
      %mul3A_1017 = arith.muli %add3A, %mul3A_1016 : i32
      %add3A_1018 = arith.constant 128 : i32
      %add3A_1019 = arith.addi %add3A_1018, %mul3A_1017 : i32
      %add3A_1020 = arith.constant 0 : i32
      %add3A_1021 = arith.addi %add3A_1019, %add3A_1020 : i32
      %dma_start3A_1022 = arith.constant 0 : i32
      %dma_start3A_1023 = arith.constant 0 : i32
      %dma_start3A_1024 = arith.constant 0 : i32
      %dma_start3A_1025 = tpu.memref_slice %arg8[%dma_start3A_1022, %dma_start3A_1023, %dma_start3A_1024] : memref<1x1x16384xf32, #tpu.memory_space<vmem>> -> memref<1x1x16384xf32, #tpu.memory_space<vmem>>
      %dma_start3A_1026 = tpu.memref_squeeze %dma_start3A_1025 : memref<1x1x16384xf32, #tpu.memory_space<vmem>> -> memref<1x16384xf32, #tpu.memory_space<vmem>>
      %dma_start3A_1027 = arith.constant 0 : i32
      %dma_start3A_1028 = tpu.memref_slice %arg4[%add3A_1021, %dma_start3A_1027] : memref<256x65536xf32, #tpu.memory_space<hbm>> -> memref<1x16384xf32, #tpu.memory_space<hbm>>
      %dma_start3A_1029 = arith.constant 0 : i32
      %dma_start3A_1030 = tpu.memref_slice %arg4[%add3A_1021, %dma_start3A_1029] : memref<256x65536xf32, #tpu.memory_space<hbm>> -> memref<1x16384xf32, #tpu.memory_space<hbm>>
      %dma_start3A_1031 = arith.constant 0 : i32
      %dma_start3A_1032 = arith.constant 0 : i32
      %dma_start3A_1033 = tpu.memref_slice %arg8[%dma_start3A_1022, %dma_start3A_1031, %dma_start3A_1032] : memref<1x1x16384xf32, #tpu.memory_space<vmem>> -> memref<1x1x16384xf32, #tpu.memory_space<vmem>>
      %dma_start3A_1034 = tpu.memref_squeeze %dma_start3A_1033 : memref<1x1x16384xf32, #tpu.memory_space<vmem>> -> memref<1x16384xf32, #tpu.memory_space<vmem>>
      tpu.enqueue_dma source(%dma_start3A_1034 : memref<1x16384xf32, #tpu.memory_space<vmem>>) target(%dma_start3A_1030 : memref<1x16384xf32, #tpu.memory_space<hbm>>) target_semaphore(%arg20 : memref<!tpu.dma_semaphore, #tpu.memory_space<semaphore_mem>>)
      %mul3A_1035 = arith.constant 2 : i32
      %mul3A_1036 = arith.muli %add3A, %mul3A_1035 : i32
      %add3A_1037 = arith.constant 128 : i32
      %add3A_1038 = arith.addi %add3A_1037, %mul3A_1036 : i32
      %add3A_1039 = arith.constant 0 : i32
      %add3A_1040 = arith.addi %add3A_1038, %add3A_1039 : i32
      %dma_wait3A_1041 = arith.constant 0 : i32
      %dma_wait3A_1042 = arith.constant 0 : i32
      %dma_wait3A_1043 = arith.constant 0 : i32
      %dma_wait3A_1044 = tpu.memref_slice %arg8[%dma_wait3A_1041, %dma_wait3A_1042, %dma_wait3A_1043] : memref<1x1x16384xf32, #tpu.memory_space<vmem>> -> memref<1x1x16384xf32, #tpu.memory_space<vmem>>
      %dma_wait3A_1045 = tpu.memref_squeeze %dma_wait3A_1044 : memref<1x1x16384xf32, #tpu.memory_space<vmem>> -> memref<1x16384xf32, #tpu.memory_space<vmem>>
      %dma_wait3A_1046 = arith.constant 0 : i32
      %dma_wait3A_1047 = tpu.memref_slice %arg4[%add3A_1040, %dma_wait3A_1046] : memref<256x65536xf32, #tpu.memory_space<hbm>> -> memref<1x16384xf32, #tpu.memory_space<hbm>>
      %dma_wait3A_1048 = arith.constant 0 : i32
      %dma_wait3A_1049 = tpu.memref_slice %arg4[%add3A_1040, %dma_wait3A_1048] : memref<256x65536xf32, #tpu.memory_space<hbm>> -> memref<1x16384xf32, #tpu.memory_space<hbm>>
      %dma_wait3A_1050 = arith.constant 0 : i32
      %dma_wait3A_1051 = arith.constant 0 : i32
      %dma_wait3A_1052 = tpu.memref_slice %arg8[%dma_wait3A_1041, %dma_wait3A_1050, %dma_wait3A_1051] : memref<1x1x16384xf32, #tpu.memory_space<vmem>> -> memref<1x1x16384xf32, #tpu.memory_space<vmem>>
      %dma_wait3A_1053 = tpu.memref_squeeze %dma_wait3A_1052 : memref<1x1x16384xf32, #tpu.memory_space<vmem>> -> memref<1x16384xf32, #tpu.memory_space<vmem>>
      tpu.wait_dma2 semaphore(%arg20 : memref<!tpu.dma_semaphore, #tpu.memory_space<semaphore_mem>>) src(%dma_wait3A_1053 : memref<1x16384xf32, #tpu.memory_space<vmem>>) dst(%dma_wait3A_1049 : memref<1x16384xf32, #tpu.memory_space<hbm>>)
    } else {
    }
    %convert_element_type3A_315 = arith.extui %eq3A_236 : i1 to i32
    %cond3A_316 = arith.constant 0 : i32
    %cond3A_317 = arith.cmpi ne, %convert_element_type3A_315, %cond3A_316 : i32
    scf.if %cond3A_317 {
      %mul3A_992 = arith.constant 2 : i32
      %mul3A_993 = arith.muli %add3A, %mul3A_992 : i32
      %add3A_994 = arith.constant 192 : i32
      %add3A_995 = arith.addi %add3A_994, %mul3A_993 : i32
      %add3A_996 = arith.constant 0 : i32
      %add3A_997 = arith.addi %add3A_995, %add3A_996 : i32
      %dma_start3A_998 = arith.constant 0 : i32
      %dma_start3A_999 = arith.constant 0 : i32
      %dma_start3A_1000 = arith.constant 0 : i32
      %dma_start3A_1001 = tpu.memref_slice %arg7[%dma_start3A_998, %dma_start3A_999, %dma_start3A_1000] : memref<5x1x16384xf32, #tpu.memory_space<vmem>> -> memref<1x1x16384xf32, #tpu.memory_space<vmem>>
      %dma_start3A_1002 = tpu.memref_squeeze %dma_start3A_1001 : memref<1x1x16384xf32, #tpu.memory_space<vmem>> -> memref<1x16384xf32, #tpu.memory_space<vmem>>
      %dma_start3A_1003 = arith.constant 0 : i32
      %dma_start3A_1004 = tpu.memref_slice %arg4[%add3A_997, %dma_start3A_1003] : memref<256x65536xf32, #tpu.memory_space<hbm>> -> memref<1x16384xf32, #tpu.memory_space<hbm>>
      %dma_start3A_1005 = arith.constant 0 : i32
      %dma_start3A_1006 = tpu.memref_slice %arg4[%add3A_997, %dma_start3A_1005] : memref<256x65536xf32, #tpu.memory_space<hbm>> -> memref<1x16384xf32, #tpu.memory_space<hbm>>
      %dma_start3A_1007 = arith.constant 0 : i32
      %dma_start3A_1008 = arith.constant 0 : i32
      %dma_start3A_1009 = tpu.memref_slice %arg7[%dma_start3A_998, %dma_start3A_1007, %dma_start3A_1008] : memref<5x1x16384xf32, #tpu.memory_space<vmem>> -> memref<1x1x16384xf32, #tpu.memory_space<vmem>>
      %dma_start3A_1010 = tpu.memref_squeeze %dma_start3A_1009 : memref<1x1x16384xf32, #tpu.memory_space<vmem>> -> memref<1x16384xf32, #tpu.memory_space<vmem>>
      tpu.enqueue_dma source(%dma_start3A_1010 : memref<1x16384xf32, #tpu.memory_space<vmem>>) target(%dma_start3A_1006 : memref<1x16384xf32, #tpu.memory_space<hbm>>) target_semaphore(%arg14 : memref<!tpu.dma_semaphore, #tpu.memory_space<semaphore_mem>>)
    } else {
    }
    %not3A_318 = arith.constant true
    %not3A_319 = arith.xori %eq3A_236, %not3A_318 : i1
    %convert_element_type3A_320 = arith.extui %not3A_319 : i1 to i32
    %cond3A_321 = arith.constant 0 : i32
    %cond3A_322 = arith.cmpi ne, %convert_element_type3A_320, %cond3A_321 : i32
    scf.if %cond3A_322 {
      %dma_start3A_992 = arith.constant 3 : i32
      %dma_start3A_993 = arith.constant 0 : i32
      %dma_start3A_994 = arith.constant 0 : i32
      %dma_start3A_995 = arith.constant 0 : i32
      %dma_start3A_996 = tpu.memref_slice %arg8[%dma_start3A_993, %dma_start3A_994, %dma_start3A_995] : memref<1x1x16384xf32, #tpu.memory_space<vmem>> -> memref<1x1x16384xf32, #tpu.memory_space<vmem>>
      %dma_start3A_997 = tpu.memref_squeeze %dma_start3A_996 : memref<1x1x16384xf32, #tpu.memory_space<vmem>> -> memref<1x16384xf32, #tpu.memory_space<vmem>>
      %dma_start3A_998 = arith.constant 0 : i32
      %dma_start3A_999 = tpu.memref_slice %arg6[%dma_start3A_992, %dma_start3A_998] : memref<4x16xi32, #tpu.memory_space<vmem>> -> memref<1x1xi32, #tpu.memory_space<vmem>>
      %dma_start3A_1000 = tpu.memref_squeeze %dma_start3A_999 : memref<1x1xi32, #tpu.memory_space<vmem>> -> memref<1xi32, #tpu.memory_space<vmem>>
      %dma_start3A_1001 = arith.constant 0 : i32
      %dma_start3A_1002 = arith.constant 0 : i32
      %dma_start3A_1003 = tpu.memref_slice %arg2[%dma_start3A_1001, %dma_start3A_1002] : memref<64x65536xf32, #tpu.memory_space<hbm>> -> memref<64x16384xf32, #tpu.memory_space<hbm>>
      tpu.enqueue_indirect_dma source(%dma_start3A_1003 : memref<64x16384xf32, #tpu.memory_space<hbm>>) target(%dma_start3A_997 : memref<1x16384xf32, #tpu.memory_space<vmem>>) offsets(%dma_start3A_1000 : memref<1xi32, #tpu.memory_space<vmem>>) semaphore(%arg19 : memref<!tpu.dma_semaphore, #tpu.memory_space<semaphore_mem>>)
      %dma_wait3A_1004 = arith.constant 3 : i32
      %dma_wait3A_1005 = arith.constant 0 : i32
      %dma_wait3A_1006 = arith.constant 0 : i32
      %dma_wait3A_1007 = arith.constant 0 : i32
      %dma_wait3A_1008 = tpu.memref_slice %arg8[%dma_wait3A_1005, %dma_wait3A_1006, %dma_wait3A_1007] : memref<1x1x16384xf32, #tpu.memory_space<vmem>> -> memref<1x1x16384xf32, #tpu.memory_space<vmem>>
      %dma_wait3A_1009 = tpu.memref_squeeze %dma_wait3A_1008 : memref<1x1x16384xf32, #tpu.memory_space<vmem>> -> memref<1x16384xf32, #tpu.memory_space<vmem>>
      %dma_wait3A_1010 = arith.constant 0 : i32
      %dma_wait3A_1011 = tpu.memref_slice %arg6[%dma_wait3A_1004, %dma_wait3A_1010] : memref<4x16xi32, #tpu.memory_space<vmem>> -> memref<1x1xi32, #tpu.memory_space<vmem>>
      %dma_wait3A_1012 = tpu.memref_squeeze %dma_wait3A_1011 : memref<1x1xi32, #tpu.memory_space<vmem>> -> memref<1xi32, #tpu.memory_space<vmem>>
      %dma_wait3A_1013 = arith.constant 0 : i32
      %dma_wait3A_1014 = arith.constant 0 : i32
      %dma_wait3A_1015 = tpu.memref_slice %arg2[%dma_wait3A_1013, %dma_wait3A_1014] : memref<64x65536xf32, #tpu.memory_space<hbm>> -> memref<64x16384xf32, #tpu.memory_space<hbm>>
      tpu.wait_indirect_dma semaphore(%arg19 : memref<!tpu.dma_semaphore, #tpu.memory_space<semaphore_mem>>) src(%dma_wait3A_1015 : memref<64x16384xf32, #tpu.memory_space<hbm>>) dst(%dma_wait3A_1009 : memref<1x16384xf32, #tpu.memory_space<vmem>>)
      %mul3A_1016 = arith.constant 2 : i32
      %mul3A_1017 = arith.muli %add3A, %mul3A_1016 : i32
      %add3A_1018 = arith.constant 192 : i32
      %add3A_1019 = arith.addi %add3A_1018, %mul3A_1017 : i32
      %add3A_1020 = arith.constant 0 : i32
      %add3A_1021 = arith.addi %add3A_1019, %add3A_1020 : i32
      %dma_start3A_1022 = arith.constant 0 : i32
      %dma_start3A_1023 = arith.constant 0 : i32
      %dma_start3A_1024 = arith.constant 0 : i32
      %dma_start3A_1025 = tpu.memref_slice %arg8[%dma_start3A_1022, %dma_start3A_1023, %dma_start3A_1024] : memref<1x1x16384xf32, #tpu.memory_space<vmem>> -> memref<1x1x16384xf32, #tpu.memory_space<vmem>>
      %dma_start3A_1026 = tpu.memref_squeeze %dma_start3A_1025 : memref<1x1x16384xf32, #tpu.memory_space<vmem>> -> memref<1x16384xf32, #tpu.memory_space<vmem>>
      %dma_start3A_1027 = arith.constant 0 : i32
      %dma_start3A_1028 = tpu.memref_slice %arg4[%add3A_1021, %dma_start3A_1027] : memref<256x65536xf32, #tpu.memory_space<hbm>> -> memref<1x16384xf32, #tpu.memory_space<hbm>>
      %dma_start3A_1029 = arith.constant 0 : i32
      %dma_start3A_1030 = tpu.memref_slice %arg4[%add3A_1021, %dma_start3A_1029] : memref<256x65536xf32, #tpu.memory_space<hbm>> -> memref<1x16384xf32, #tpu.memory_space<hbm>>
      %dma_start3A_1031 = arith.constant 0 : i32
      %dma_start3A_1032 = arith.constant 0 : i32
      %dma_start3A_1033 = tpu.memref_slice %arg8[%dma_start3A_1022, %dma_start3A_1031, %dma_start3A_1032] : memref<1x1x16384xf32, #tpu.memory_space<vmem>> -> memref<1x1x16384xf32, #tpu.memory_space<vmem>>
      %dma_start3A_1034 = tpu.memref_squeeze %dma_start3A_1033 : memref<1x1x16384xf32, #tpu.memory_space<vmem>> -> memref<1x16384xf32, #tpu.memory_space<vmem>>
      tpu.enqueue_dma source(%dma_start3A_1034 : memref<1x16384xf32, #tpu.memory_space<vmem>>) target(%dma_start3A_1030 : memref<1x16384xf32, #tpu.memory_space<hbm>>) target_semaphore(%arg20 : memref<!tpu.dma_semaphore, #tpu.memory_space<semaphore_mem>>)
      %mul3A_1035 = arith.constant 2 : i32
      %mul3A_1036 = arith.muli %add3A, %mul3A_1035 : i32
      %add3A_1037 = arith.constant 192 : i32
      %add3A_1038 = arith.addi %add3A_1037, %mul3A_1036 : i32
      %add3A_1039 = arith.constant 0 : i32
      %add3A_1040 = arith.addi %add3A_1038, %add3A_1039 : i32
      %dma_wait3A_1041 = arith.constant 0 : i32
      %dma_wait3A_1042 = arith.constant 0 : i32
      %dma_wait3A_1043 = arith.constant 0 : i32
      %dma_wait3A_1044 = tpu.memref_slice %arg8[%dma_wait3A_1041, %dma_wait3A_1042, %dma_wait3A_1043] : memref<1x1x16384xf32, #tpu.memory_space<vmem>> -> memref<1x1x16384xf32, #tpu.memory_space<vmem>>
      %dma_wait3A_1045 = tpu.memref_squeeze %dma_wait3A_1044 : memref<1x1x16384xf32, #tpu.memory_space<vmem>> -> memref<1x16384xf32, #tpu.memory_space<vmem>>
      %dma_wait3A_1046 = arith.constant 0 : i32
      %dma_wait3A_1047 = tpu.memref_slice %arg4[%add3A_1040, %dma_wait3A_1046] : memref<256x65536xf32, #tpu.memory_space<hbm>> -> memref<1x16384xf32, #tpu.memory_space<hbm>>
      %dma_wait3A_1048 = arith.constant 0 : i32
      %dma_wait3A_1049 = tpu.memref_slice %arg4[%add3A_1040, %dma_wait3A_1048] : memref<256x65536xf32, #tpu.memory_space<hbm>> -> memref<1x16384xf32, #tpu.memory_space<hbm>>
      %dma_wait3A_1050 = arith.constant 0 : i32
      %dma_wait3A_1051 = arith.constant 0 : i32
      %dma_wait3A_1052 = tpu.memref_slice %arg8[%dma_wait3A_1041, %dma_wait3A_1050, %dma_wait3A_1051] : memref<1x1x16384xf32, #tpu.memory_space<vmem>> -> memref<1x1x16384xf32, #tpu.memory_space<vmem>>
      %dma_wait3A_1053 = tpu.memref_squeeze %dma_wait3A_1052 : memref<1x1x16384xf32, #tpu.memory_space<vmem>> -> memref<1x16384xf32, #tpu.memory_space<vmem>>
      tpu.wait_dma2 semaphore(%arg20 : memref<!tpu.dma_semaphore, #tpu.memory_space<semaphore_mem>>) src(%dma_wait3A_1053 : memref<1x16384xf32, #tpu.memory_space<vmem>>) dst(%dma_wait3A_1049 : memref<1x16384xf32, #tpu.memory_space<hbm>>)
    } else {
    }
    %dma_start3A_323 = arith.constant 0 : i32
    %dma_start3A_324 = arith.constant 3 : i32
    %dma_start3A_325 = arith.constant 0 : i32
    %dma_start3A_326 = arith.constant 0 : i32
    %dma_start3A_327 = tpu.memref_slice %arg7[%dma_start3A_324, %dma_start3A_325, %dma_start3A_326] : memref<5x1x16384xf32, #tpu.memory_space<vmem>> -> memref<1x1x16384xf32, #tpu.memory_space<vmem>>
    %dma_start3A_328 = tpu.memref_squeeze %dma_start3A_327 : memref<1x1x16384xf32, #tpu.memory_space<vmem>> -> memref<1x16384xf32, #tpu.memory_space<vmem>>
    %dma_start3A_329 = arith.constant 0 : i32
    %dma_start3A_330 = tpu.memref_slice %arg6[%dma_start3A_323, %dma_start3A_329] : memref<4x16xi32, #tpu.memory_space<vmem>> -> memref<1x1xi32, #tpu.memory_space<vmem>>
    %dma_start3A_331 = tpu.memref_squeeze %dma_start3A_330 : memref<1x1xi32, #tpu.memory_space<vmem>> -> memref<1xi32, #tpu.memory_space<vmem>>
    %dma_start3A_332 = arith.constant 0 : i32
    %dma_start3A_333 = arith.constant 49152 : i32
    %dma_start3A_334 = tpu.memref_slice %arg2[%dma_start3A_332, %dma_start3A_333] : memref<64x65536xf32, #tpu.memory_space<hbm>> -> memref<64x16384xf32, #tpu.memory_space<hbm>>
    tpu.enqueue_indirect_dma source(%dma_start3A_334 : memref<64x16384xf32, #tpu.memory_space<hbm>>) target(%dma_start3A_328 : memref<1x16384xf32, #tpu.memory_space<vmem>>) offsets(%dma_start3A_331 : memref<1xi32, #tpu.memory_space<vmem>>) semaphore(%arg12 : memref<!tpu.dma_semaphore, #tpu.memory_space<semaphore_mem>>)
    %dma_wait3A_335 = arith.constant 0 : i32
    %dma_wait3A_336 = arith.constant 1 : i32
    %dma_wait3A_337 = arith.constant 0 : i32
    %dma_wait3A_338 = arith.constant 0 : i32
    %dma_wait3A_339 = tpu.memref_slice %arg7[%dma_wait3A_336, %dma_wait3A_337, %dma_wait3A_338] : memref<5x1x16384xf32, #tpu.memory_space<vmem>> -> memref<1x1x16384xf32, #tpu.memory_space<vmem>>
    %dma_wait3A_340 = tpu.memref_squeeze %dma_wait3A_339 : memref<1x1x16384xf32, #tpu.memory_space<vmem>> -> memref<1x16384xf32, #tpu.memory_space<vmem>>
    %dma_wait3A_341 = arith.constant 0 : i32
    %dma_wait3A_342 = tpu.memref_slice %arg6[%dma_wait3A_335, %dma_wait3A_341] : memref<4x16xi32, #tpu.memory_space<vmem>> -> memref<1x1xi32, #tpu.memory_space<vmem>>
    %dma_wait3A_343 = tpu.memref_squeeze %dma_wait3A_342 : memref<1x1xi32, #tpu.memory_space<vmem>> -> memref<1xi32, #tpu.memory_space<vmem>>
    %dma_wait3A_344 = arith.constant 0 : i32
    %dma_wait3A_345 = arith.constant 16384 : i32
    %dma_wait3A_346 = tpu.memref_slice %arg2[%dma_wait3A_344, %dma_wait3A_345] : memref<64x65536xf32, #tpu.memory_space<hbm>> -> memref<64x16384xf32, #tpu.memory_space<hbm>>
    tpu.wait_indirect_dma semaphore(%arg10 : memref<!tpu.dma_semaphore, #tpu.memory_space<semaphore_mem>>) src(%dma_wait3A_346 : memref<64x16384xf32, #tpu.memory_space<hbm>>) dst(%dma_wait3A_340 : memref<1x16384xf32, #tpu.memory_space<vmem>>)
    %mul3A_347 = arith.constant 2 : i32
    %mul3A_348 = arith.muli %add3A, %mul3A_347 : i32
    %add3A_349 = arith.constant 0 : i32
    %add3A_350 = arith.addi %add3A_349, %mul3A_348 : i32
    %add3A_351 = arith.constant 0 : i32
    %add3A_352 = arith.addi %add3A_350, %add3A_351 : i32
    %dma_start3A_353 = arith.constant 1 : i32
    %dma_start3A_354 = arith.constant 0 : i32
    %dma_start3A_355 = arith.constant 0 : i32
    %dma_start3A_356 = tpu.memref_slice %arg7[%dma_start3A_353, %dma_start3A_354, %dma_start3A_355] : memref<5x1x16384xf32, #tpu.memory_space<vmem>> -> memref<1x1x16384xf32, #tpu.memory_space<vmem>>
    %dma_start3A_357 = tpu.memref_squeeze %dma_start3A_356 : memref<1x1x16384xf32, #tpu.memory_space<vmem>> -> memref<1x16384xf32, #tpu.memory_space<vmem>>
    %dma_start3A_358 = arith.constant 16384 : i32
    %dma_start3A_359 = tpu.memref_slice %arg4[%add3A_352, %dma_start3A_358] : memref<256x65536xf32, #tpu.memory_space<hbm>> -> memref<1x16384xf32, #tpu.memory_space<hbm>>
    %dma_start3A_360 = arith.constant 16384 : i32
    %dma_start3A_361 = tpu.memref_slice %arg4[%add3A_352, %dma_start3A_360] : memref<256x65536xf32, #tpu.memory_space<hbm>> -> memref<1x16384xf32, #tpu.memory_space<hbm>>
    %dma_start3A_362 = arith.constant 0 : i32
    %dma_start3A_363 = arith.constant 0 : i32
    %dma_start3A_364 = tpu.memref_slice %arg7[%dma_start3A_353, %dma_start3A_362, %dma_start3A_363] : memref<5x1x16384xf32, #tpu.memory_space<vmem>> -> memref<1x1x16384xf32, #tpu.memory_space<vmem>>
    %dma_start3A_365 = tpu.memref_squeeze %dma_start3A_364 : memref<1x1x16384xf32, #tpu.memory_space<vmem>> -> memref<1x16384xf32, #tpu.memory_space<vmem>>
    tpu.enqueue_dma source(%dma_start3A_365 : memref<1x16384xf32, #tpu.memory_space<vmem>>) target(%dma_start3A_361 : memref<1x16384xf32, #tpu.memory_space<hbm>>) target_semaphore(%arg15 : memref<!tpu.dma_semaphore, #tpu.memory_space<semaphore_mem>>)
    %convert_element_type3A_366 = arith.extui %eq3A_200 : i1 to i32
    %cond3A_367 = arith.constant 0 : i32
    %cond3A_368 = arith.cmpi ne, %convert_element_type3A_366, %cond3A_367 : i32
    scf.if %cond3A_368 {
      %mul3A_992 = arith.constant 2 : i32
      %mul3A_993 = arith.muli %add3A, %mul3A_992 : i32
      %add3A_994 = arith.constant 64 : i32
      %add3A_995 = arith.addi %add3A_994, %mul3A_993 : i32
      %add3A_996 = arith.constant 0 : i32
      %add3A_997 = arith.addi %add3A_995, %add3A_996 : i32
      %dma_start3A_998 = arith.constant 1 : i32
      %dma_start3A_999 = arith.constant 0 : i32
      %dma_start3A_1000 = arith.constant 0 : i32
      %dma_start3A_1001 = tpu.memref_slice %arg7[%dma_start3A_998, %dma_start3A_999, %dma_start3A_1000] : memref<5x1x16384xf32, #tpu.memory_space<vmem>> -> memref<1x1x16384xf32, #tpu.memory_space<vmem>>
      %dma_start3A_1002 = tpu.memref_squeeze %dma_start3A_1001 : memref<1x1x16384xf32, #tpu.memory_space<vmem>> -> memref<1x16384xf32, #tpu.memory_space<vmem>>
      %dma_start3A_1003 = arith.constant 16384 : i32
      %dma_start3A_1004 = tpu.memref_slice %arg4[%add3A_997, %dma_start3A_1003] : memref<256x65536xf32, #tpu.memory_space<hbm>> -> memref<1x16384xf32, #tpu.memory_space<hbm>>
      %dma_start3A_1005 = arith.constant 16384 : i32
      %dma_start3A_1006 = tpu.memref_slice %arg4[%add3A_997, %dma_start3A_1005] : memref<256x65536xf32, #tpu.memory_space<hbm>> -> memref<1x16384xf32, #tpu.memory_space<hbm>>
      %dma_start3A_1007 = arith.constant 0 : i32
      %dma_start3A_1008 = arith.constant 0 : i32
      %dma_start3A_1009 = tpu.memref_slice %arg7[%dma_start3A_998, %dma_start3A_1007, %dma_start3A_1008] : memref<5x1x16384xf32, #tpu.memory_space<vmem>> -> memref<1x1x16384xf32, #tpu.memory_space<vmem>>
      %dma_start3A_1010 = tpu.memref_squeeze %dma_start3A_1009 : memref<1x1x16384xf32, #tpu.memory_space<vmem>> -> memref<1x16384xf32, #tpu.memory_space<vmem>>
      tpu.enqueue_dma source(%dma_start3A_1010 : memref<1x16384xf32, #tpu.memory_space<vmem>>) target(%dma_start3A_1006 : memref<1x16384xf32, #tpu.memory_space<hbm>>) target_semaphore(%arg15 : memref<!tpu.dma_semaphore, #tpu.memory_space<semaphore_mem>>)
    } else {
    }
    %not3A_369 = arith.constant true
    %not3A_370 = arith.xori %eq3A_200, %not3A_369 : i1
    %convert_element_type3A_371 = arith.extui %not3A_370 : i1 to i32
    %cond3A_372 = arith.constant 0 : i32
    %cond3A_373 = arith.cmpi ne, %convert_element_type3A_371, %cond3A_372 : i32
    scf.if %cond3A_373 {
      %dma_start3A_992 = arith.constant 1 : i32
      %dma_start3A_993 = arith.constant 0 : i32
      %dma_start3A_994 = arith.constant 0 : i32
      %dma_start3A_995 = arith.constant 0 : i32
      %dma_start3A_996 = tpu.memref_slice %arg8[%dma_start3A_993, %dma_start3A_994, %dma_start3A_995] : memref<1x1x16384xf32, #tpu.memory_space<vmem>> -> memref<1x1x16384xf32, #tpu.memory_space<vmem>>
      %dma_start3A_997 = tpu.memref_squeeze %dma_start3A_996 : memref<1x1x16384xf32, #tpu.memory_space<vmem>> -> memref<1x16384xf32, #tpu.memory_space<vmem>>
      %dma_start3A_998 = arith.constant 0 : i32
      %dma_start3A_999 = tpu.memref_slice %arg6[%dma_start3A_992, %dma_start3A_998] : memref<4x16xi32, #tpu.memory_space<vmem>> -> memref<1x1xi32, #tpu.memory_space<vmem>>
      %dma_start3A_1000 = tpu.memref_squeeze %dma_start3A_999 : memref<1x1xi32, #tpu.memory_space<vmem>> -> memref<1xi32, #tpu.memory_space<vmem>>
      %dma_start3A_1001 = arith.constant 0 : i32
      %dma_start3A_1002 = arith.constant 16384 : i32
      %dma_start3A_1003 = tpu.memref_slice %arg2[%dma_start3A_1001, %dma_start3A_1002] : memref<64x65536xf32, #tpu.memory_space<hbm>> -> memref<64x16384xf32, #tpu.memory_space<hbm>>
      tpu.enqueue_indirect_dma source(%dma_start3A_1003 : memref<64x16384xf32, #tpu.memory_space<hbm>>) target(%dma_start3A_997 : memref<1x16384xf32, #tpu.memory_space<vmem>>) offsets(%dma_start3A_1000 : memref<1xi32, #tpu.memory_space<vmem>>) semaphore(%arg19 : memref<!tpu.dma_semaphore, #tpu.memory_space<semaphore_mem>>)
      %dma_wait3A_1004 = arith.constant 1 : i32
      %dma_wait3A_1005 = arith.constant 0 : i32
      %dma_wait3A_1006 = arith.constant 0 : i32
      %dma_wait3A_1007 = arith.constant 0 : i32
      %dma_wait3A_1008 = tpu.memref_slice %arg8[%dma_wait3A_1005, %dma_wait3A_1006, %dma_wait3A_1007] : memref<1x1x16384xf32, #tpu.memory_space<vmem>> -> memref<1x1x16384xf32, #tpu.memory_space<vmem>>
      %dma_wait3A_1009 = tpu.memref_squeeze %dma_wait3A_1008 : memref<1x1x16384xf32, #tpu.memory_space<vmem>> -> memref<1x16384xf32, #tpu.memory_space<vmem>>
      %dma_wait3A_1010 = arith.constant 0 : i32
      %dma_wait3A_1011 = tpu.memref_slice %arg6[%dma_wait3A_1004, %dma_wait3A_1010] : memref<4x16xi32, #tpu.memory_space<vmem>> -> memref<1x1xi32, #tpu.memory_space<vmem>>
      %dma_wait3A_1012 = tpu.memref_squeeze %dma_wait3A_1011 : memref<1x1xi32, #tpu.memory_space<vmem>> -> memref<1xi32, #tpu.memory_space<vmem>>
      %dma_wait3A_1013 = arith.constant 0 : i32
      %dma_wait3A_1014 = arith.constant 16384 : i32
      %dma_wait3A_1015 = tpu.memref_slice %arg2[%dma_wait3A_1013, %dma_wait3A_1014] : memref<64x65536xf32, #tpu.memory_space<hbm>> -> memref<64x16384xf32, #tpu.memory_space<hbm>>
      tpu.wait_indirect_dma semaphore(%arg19 : memref<!tpu.dma_semaphore, #tpu.memory_space<semaphore_mem>>) src(%dma_wait3A_1015 : memref<64x16384xf32, #tpu.memory_space<hbm>>) dst(%dma_wait3A_1009 : memref<1x16384xf32, #tpu.memory_space<vmem>>)
      %mul3A_1016 = arith.constant 2 : i32
      %mul3A_1017 = arith.muli %add3A, %mul3A_1016 : i32
      %add3A_1018 = arith.constant 64 : i32
      %add3A_1019 = arith.addi %add3A_1018, %mul3A_1017 : i32
      %add3A_1020 = arith.constant 0 : i32
      %add3A_1021 = arith.addi %add3A_1019, %add3A_1020 : i32
      %dma_start3A_1022 = arith.constant 0 : i32
      %dma_start3A_1023 = arith.constant 0 : i32
      %dma_start3A_1024 = arith.constant 0 : i32
      %dma_start3A_1025 = tpu.memref_slice %arg8[%dma_start3A_1022, %dma_start3A_1023, %dma_start3A_1024] : memref<1x1x16384xf32, #tpu.memory_space<vmem>> -> memref<1x1x16384xf32, #tpu.memory_space<vmem>>
      %dma_start3A_1026 = tpu.memref_squeeze %dma_start3A_1025 : memref<1x1x16384xf32, #tpu.memory_space<vmem>> -> memref<1x16384xf32, #tpu.memory_space<vmem>>
      %dma_start3A_1027 = arith.constant 16384 : i32
      %dma_start3A_1028 = tpu.memref_slice %arg4[%add3A_1021, %dma_start3A_1027] : memref<256x65536xf32, #tpu.memory_space<hbm>> -> memref<1x16384xf32, #tpu.memory_space<hbm>>
      %dma_start3A_1029 = arith.constant 16384 : i32
      %dma_start3A_1030 = tpu.memref_slice %arg4[%add3A_1021, %dma_start3A_1029] : memref<256x65536xf32, #tpu.memory_space<hbm>> -> memref<1x16384xf32, #tpu.memory_space<hbm>>
      %dma_start3A_1031 = arith.constant 0 : i32
      %dma_start3A_1032 = arith.constant 0 : i32
      %dma_start3A_1033 = tpu.memref_slice %arg8[%dma_start3A_1022, %dma_start3A_1031, %dma_start3A_1032] : memref<1x1x16384xf32, #tpu.memory_space<vmem>> -> memref<1x1x16384xf32, #tpu.memory_space<vmem>>
      %dma_start3A_1034 = tpu.memref_squeeze %dma_start3A_1033 : memref<1x1x16384xf32, #tpu.memory_space<vmem>> -> memref<1x16384xf32, #tpu.memory_space<vmem>>
      tpu.enqueue_dma source(%dma_start3A_1034 : memref<1x16384xf32, #tpu.memory_space<vmem>>) target(%dma_start3A_1030 : memref<1x16384xf32, #tpu.memory_space<hbm>>) target_semaphore(%arg20 : memref<!tpu.dma_semaphore, #tpu.memory_space<semaphore_mem>>)
      %mul3A_1035 = arith.constant 2 : i32
      %mul3A_1036 = arith.muli %add3A, %mul3A_1035 : i32
      %add3A_1037 = arith.constant 64 : i32
      %add3A_1038 = arith.addi %add3A_1037, %mul3A_1036 : i32
      %add3A_1039 = arith.constant 0 : i32
      %add3A_1040 = arith.addi %add3A_1038, %add3A_1039 : i32
      %dma_wait3A_1041 = arith.constant 0 : i32
      %dma_wait3A_1042 = arith.constant 0 : i32
      %dma_wait3A_1043 = arith.constant 0 : i32
      %dma_wait3A_1044 = tpu.memref_slice %arg8[%dma_wait3A_1041, %dma_wait3A_1042, %dma_wait3A_1043] : memref<1x1x16384xf32, #tpu.memory_space<vmem>> -> memref<1x1x16384xf32, #tpu.memory_space<vmem>>
      %dma_wait3A_1045 = tpu.memref_squeeze %dma_wait3A_1044 : memref<1x1x16384xf32, #tpu.memory_space<vmem>> -> memref<1x16384xf32, #tpu.memory_space<vmem>>
      %dma_wait3A_1046 = arith.constant 16384 : i32
      %dma_wait3A_1047 = tpu.memref_slice %arg4[%add3A_1040, %dma_wait3A_1046] : memref<256x65536xf32, #tpu.memory_space<hbm>> -> memref<1x16384xf32, #tpu.memory_space<hbm>>
      %dma_wait3A_1048 = arith.constant 16384 : i32
      %dma_wait3A_1049 = tpu.memref_slice %arg4[%add3A_1040, %dma_wait3A_1048] : memref<256x65536xf32, #tpu.memory_space<hbm>> -> memref<1x16384xf32, #tpu.memory_space<hbm>>
      %dma_wait3A_1050 = arith.constant 0 : i32
      %dma_wait3A_1051 = arith.constant 0 : i32
      %dma_wait3A_1052 = tpu.memref_slice %arg8[%dma_wait3A_1041, %dma_wait3A_1050, %dma_wait3A_1051] : memref<1x1x16384xf32, #tpu.memory_space<vmem>> -> memref<1x1x16384xf32, #tpu.memory_space<vmem>>
      %dma_wait3A_1053 = tpu.memref_squeeze %dma_wait3A_1052 : memref<1x1x16384xf32, #tpu.memory_space<vmem>> -> memref<1x16384xf32, #tpu.memory_space<vmem>>
      tpu.wait_dma2 semaphore(%arg20 : memref<!tpu.dma_semaphore, #tpu.memory_space<semaphore_mem>>) src(%dma_wait3A_1053 : memref<1x16384xf32, #tpu.memory_space<vmem>>) dst(%dma_wait3A_1049 : memref<1x16384xf32, #tpu.memory_space<hbm>>)
    } else {
    }
    %convert_element_type3A_374 = arith.extui %eq3A_218 : i1 to i32
    %cond3A_375 = arith.constant 0 : i32
    %cond3A_376 = arith.cmpi ne, %convert_element_type3A_374, %cond3A_375 : i32
    scf.if %cond3A_376 {
      %mul3A_992 = arith.constant 2 : i32
      %mul3A_993 = arith.muli %add3A, %mul3A_992 : i32
      %add3A_994 = arith.constant 128 : i32
      %add3A_995 = arith.addi %add3A_994, %mul3A_993 : i32
      %add3A_996 = arith.constant 0 : i32
      %add3A_997 = arith.addi %add3A_995, %add3A_996 : i32
      %dma_start3A_998 = arith.constant 1 : i32
      %dma_start3A_999 = arith.constant 0 : i32
      %dma_start3A_1000 = arith.constant 0 : i32
      %dma_start3A_1001 = tpu.memref_slice %arg7[%dma_start3A_998, %dma_start3A_999, %dma_start3A_1000] : memref<5x1x16384xf32, #tpu.memory_space<vmem>> -> memref<1x1x16384xf32, #tpu.memory_space<vmem>>
      %dma_start3A_1002 = tpu.memref_squeeze %dma_start3A_1001 : memref<1x1x16384xf32, #tpu.memory_space<vmem>> -> memref<1x16384xf32, #tpu.memory_space<vmem>>
      %dma_start3A_1003 = arith.constant 16384 : i32
      %dma_start3A_1004 = tpu.memref_slice %arg4[%add3A_997, %dma_start3A_1003] : memref<256x65536xf32, #tpu.memory_space<hbm>> -> memref<1x16384xf32, #tpu.memory_space<hbm>>
      %dma_start3A_1005 = arith.constant 16384 : i32
      %dma_start3A_1006 = tpu.memref_slice %arg4[%add3A_997, %dma_start3A_1005] : memref<256x65536xf32, #tpu.memory_space<hbm>> -> memref<1x16384xf32, #tpu.memory_space<hbm>>
      %dma_start3A_1007 = arith.constant 0 : i32
      %dma_start3A_1008 = arith.constant 0 : i32
      %dma_start3A_1009 = tpu.memref_slice %arg7[%dma_start3A_998, %dma_start3A_1007, %dma_start3A_1008] : memref<5x1x16384xf32, #tpu.memory_space<vmem>> -> memref<1x1x16384xf32, #tpu.memory_space<vmem>>
      %dma_start3A_1010 = tpu.memref_squeeze %dma_start3A_1009 : memref<1x1x16384xf32, #tpu.memory_space<vmem>> -> memref<1x16384xf32, #tpu.memory_space<vmem>>
      tpu.enqueue_dma source(%dma_start3A_1010 : memref<1x16384xf32, #tpu.memory_space<vmem>>) target(%dma_start3A_1006 : memref<1x16384xf32, #tpu.memory_space<hbm>>) target_semaphore(%arg15 : memref<!tpu.dma_semaphore, #tpu.memory_space<semaphore_mem>>)
    } else {
    }
    %not3A_377 = arith.constant true
    %not3A_378 = arith.xori %eq3A_218, %not3A_377 : i1
    %convert_element_type3A_379 = arith.extui %not3A_378 : i1 to i32
    %cond3A_380 = arith.constant 0 : i32
    %cond3A_381 = arith.cmpi ne, %convert_element_type3A_379, %cond3A_380 : i32
    scf.if %cond3A_381 {
      %dma_start3A_992 = arith.constant 2 : i32
      %dma_start3A_993 = arith.constant 0 : i32
      %dma_start3A_994 = arith.constant 0 : i32
      %dma_start3A_995 = arith.constant 0 : i32
      %dma_start3A_996 = tpu.memref_slice %arg8[%dma_start3A_993, %dma_start3A_994, %dma_start3A_995] : memref<1x1x16384xf32, #tpu.memory_space<vmem>> -> memref<1x1x16384xf32, #tpu.memory_space<vmem>>
      %dma_start3A_997 = tpu.memref_squeeze %dma_start3A_996 : memref<1x1x16384xf32, #tpu.memory_space<vmem>> -> memref<1x16384xf32, #tpu.memory_space<vmem>>
      %dma_start3A_998 = arith.constant 0 : i32
      %dma_start3A_999 = tpu.memref_slice %arg6[%dma_start3A_992, %dma_start3A_998] : memref<4x16xi32, #tpu.memory_space<vmem>> -> memref<1x1xi32, #tpu.memory_space<vmem>>
      %dma_start3A_1000 = tpu.memref_squeeze %dma_start3A_999 : memref<1x1xi32, #tpu.memory_space<vmem>> -> memref<1xi32, #tpu.memory_space<vmem>>
      %dma_start3A_1001 = arith.constant 0 : i32
      %dma_start3A_1002 = arith.constant 16384 : i32
      %dma_start3A_1003 = tpu.memref_slice %arg2[%dma_start3A_1001, %dma_start3A_1002] : memref<64x65536xf32, #tpu.memory_space<hbm>> -> memref<64x16384xf32, #tpu.memory_space<hbm>>
      tpu.enqueue_indirect_dma source(%dma_start3A_1003 : memref<64x16384xf32, #tpu.memory_space<hbm>>) target(%dma_start3A_997 : memref<1x16384xf32, #tpu.memory_space<vmem>>) offsets(%dma_start3A_1000 : memref<1xi32, #tpu.memory_space<vmem>>) semaphore(%arg19 : memref<!tpu.dma_semaphore, #tpu.memory_space<semaphore_mem>>)
      %dma_wait3A_1004 = arith.constant 2 : i32
      %dma_wait3A_1005 = arith.constant 0 : i32
      %dma_wait3A_1006 = arith.constant 0 : i32
      %dma_wait3A_1007 = arith.constant 0 : i32
      %dma_wait3A_1008 = tpu.memref_slice %arg8[%dma_wait3A_1005, %dma_wait3A_1006, %dma_wait3A_1007] : memref<1x1x16384xf32, #tpu.memory_space<vmem>> -> memref<1x1x16384xf32, #tpu.memory_space<vmem>>
      %dma_wait3A_1009 = tpu.memref_squeeze %dma_wait3A_1008 : memref<1x1x16384xf32, #tpu.memory_space<vmem>> -> memref<1x16384xf32, #tpu.memory_space<vmem>>
      %dma_wait3A_1010 = arith.constant 0 : i32
      %dma_wait3A_1011 = tpu.memref_slice %arg6[%dma_wait3A_1004, %dma_wait3A_1010] : memref<4x16xi32, #tpu.memory_space<vmem>> -> memref<1x1xi32, #tpu.memory_space<vmem>>
      %dma_wait3A_1012 = tpu.memref_squeeze %dma_wait3A_1011 : memref<1x1xi32, #tpu.memory_space<vmem>> -> memref<1xi32, #tpu.memory_space<vmem>>
      %dma_wait3A_1013 = arith.constant 0 : i32
      %dma_wait3A_1014 = arith.constant 16384 : i32
      %dma_wait3A_1015 = tpu.memref_slice %arg2[%dma_wait3A_1013, %dma_wait3A_1014] : memref<64x65536xf32, #tpu.memory_space<hbm>> -> memref<64x16384xf32, #tpu.memory_space<hbm>>
      tpu.wait_indirect_dma semaphore(%arg19 : memref<!tpu.dma_semaphore, #tpu.memory_space<semaphore_mem>>) src(%dma_wait3A_1015 : memref<64x16384xf32, #tpu.memory_space<hbm>>) dst(%dma_wait3A_1009 : memref<1x16384xf32, #tpu.memory_space<vmem>>)
      %mul3A_1016 = arith.constant 2 : i32
      %mul3A_1017 = arith.muli %add3A, %mul3A_1016 : i32
      %add3A_1018 = arith.constant 128 : i32
      %add3A_1019 = arith.addi %add3A_1018, %mul3A_1017 : i32
      %add3A_1020 = arith.constant 0 : i32
      %add3A_1021 = arith.addi %add3A_1019, %add3A_1020 : i32
      %dma_start3A_1022 = arith.constant 0 : i32
      %dma_start3A_1023 = arith.constant 0 : i32
      %dma_start3A_1024 = arith.constant 0 : i32
      %dma_start3A_1025 = tpu.memref_slice %arg8[%dma_start3A_1022, %dma_start3A_1023, %dma_start3A_1024] : memref<1x1x16384xf32, #tpu.memory_space<vmem>> -> memref<1x1x16384xf32, #tpu.memory_space<vmem>>
      %dma_start3A_1026 = tpu.memref_squeeze %dma_start3A_1025 : memref<1x1x16384xf32, #tpu.memory_space<vmem>> -> memref<1x16384xf32, #tpu.memory_space<vmem>>
      %dma_start3A_1027 = arith.constant 16384 : i32
      %dma_start3A_1028 = tpu.memref_slice %arg4[%add3A_1021, %dma_start3A_1027] : memref<256x65536xf32, #tpu.memory_space<hbm>> -> memref<1x16384xf32, #tpu.memory_space<hbm>>
      %dma_start3A_1029 = arith.constant 16384 : i32
      %dma_start3A_1030 = tpu.memref_slice %arg4[%add3A_1021, %dma_start3A_1029] : memref<256x65536xf32, #tpu.memory_space<hbm>> -> memref<1x16384xf32, #tpu.memory_space<hbm>>
      %dma_start3A_1031 = arith.constant 0 : i32
      %dma_start3A_1032 = arith.constant 0 : i32
      %dma_start3A_1033 = tpu.memref_slice %arg8[%dma_start3A_1022, %dma_start3A_1031, %dma_start3A_1032] : memref<1x1x16384xf32, #tpu.memory_space<vmem>> -> memref<1x1x16384xf32, #tpu.memory_space<vmem>>
      %dma_start3A_1034 = tpu.memref_squeeze %dma_start3A_1033 : memref<1x1x16384xf32, #tpu.memory_space<vmem>> -> memref<1x16384xf32, #tpu.memory_space<vmem>>
      tpu.enqueue_dma source(%dma_start3A_1034 : memref<1x16384xf32, #tpu.memory_space<vmem>>) target(%dma_start3A_1030 : memref<1x16384xf32, #tpu.memory_space<hbm>>) target_semaphore(%arg20 : memref<!tpu.dma_semaphore, #tpu.memory_space<semaphore_mem>>)
      %mul3A_1035 = arith.constant 2 : i32
      %mul3A_1036 = arith.muli %add3A, %mul3A_1035 : i32
      %add3A_1037 = arith.constant 128 : i32
      %add3A_1038 = arith.addi %add3A_1037, %mul3A_1036 : i32
      %add3A_1039 = arith.constant 0 : i32
      %add3A_1040 = arith.addi %add3A_1038, %add3A_1039 : i32
      %dma_wait3A_1041 = arith.constant 0 : i32
      %dma_wait3A_1042 = arith.constant 0 : i32
      %dma_wait3A_1043 = arith.constant 0 : i32
      %dma_wait3A_1044 = tpu.memref_slice %arg8[%dma_wait3A_1041, %dma_wait3A_1042, %dma_wait3A_1043] : memref<1x1x16384xf32, #tpu.memory_space<vmem>> -> memref<1x1x16384xf32, #tpu.memory_space<vmem>>
      %dma_wait3A_1045 = tpu.memref_squeeze %dma_wait3A_1044 : memref<1x1x16384xf32, #tpu.memory_space<vmem>> -> memref<1x16384xf32, #tpu.memory_space<vmem>>
      %dma_wait3A_1046 = arith.constant 16384 : i32
      %dma_wait3A_1047 = tpu.memref_slice %arg4[%add3A_1040, %dma_wait3A_1046] : memref<256x65536xf32, #tpu.memory_space<hbm>> -> memref<1x16384xf32, #tpu.memory_space<hbm>>
      %dma_wait3A_1048 = arith.constant 16384 : i32
      %dma_wait3A_1049 = tpu.memref_slice %arg4[%add3A_1040, %dma_wait3A_1048] : memref<256x65536xf32, #tpu.memory_space<hbm>> -> memref<1x16384xf32, #tpu.memory_space<hbm>>
      %dma_wait3A_1050 = arith.constant 0 : i32
      %dma_wait3A_1051 = arith.constant 0 : i32
      %dma_wait3A_1052 = tpu.memref_slice %arg8[%dma_wait3A_1041, %dma_wait3A_1050, %dma_wait3A_1051] : memref<1x1x16384xf32, #tpu.memory_space<vmem>> -> memref<1x1x16384xf32, #tpu.memory_space<vmem>>
      %dma_wait3A_1053 = tpu.memref_squeeze %dma_wait3A_1052 : memref<1x1x16384xf32, #tpu.memory_space<vmem>> -> memref<1x16384xf32, #tpu.memory_space<vmem>>
      tpu.wait_dma2 semaphore(%arg20 : memref<!tpu.dma_semaphore, #tpu.memory_space<semaphore_mem>>) src(%dma_wait3A_1053 : memref<1x16384xf32, #tpu.memory_space<vmem>>) dst(%dma_wait3A_1049 : memref<1x16384xf32, #tpu.memory_space<hbm>>)
    } else {
    }
    %convert_element_type3A_382 = arith.extui %eq3A_236 : i1 to i32
    %cond3A_383 = arith.constant 0 : i32
    %cond3A_384 = arith.cmpi ne, %convert_element_type3A_382, %cond3A_383 : i32
    scf.if %cond3A_384 {
      %mul3A_992 = arith.constant 2 : i32
      %mul3A_993 = arith.muli %add3A, %mul3A_992 : i32
      %add3A_994 = arith.constant 192 : i32
      %add3A_995 = arith.addi %add3A_994, %mul3A_993 : i32
      %add3A_996 = arith.constant 0 : i32
      %add3A_997 = arith.addi %add3A_995, %add3A_996 : i32
      %dma_start3A_998 = arith.constant 1 : i32
      %dma_start3A_999 = arith.constant 0 : i32
      %dma_start3A_1000 = arith.constant 0 : i32
      %dma_start3A_1001 = tpu.memref_slice %arg7[%dma_start3A_998, %dma_start3A_999, %dma_start3A_1000] : memref<5x1x16384xf32, #tpu.memory_space<vmem>> -> memref<1x1x16384xf32, #tpu.memory_space<vmem>>
      %dma_start3A_1002 = tpu.memref_squeeze %dma_start3A_1001 : memref<1x1x16384xf32, #tpu.memory_space<vmem>> -> memref<1x16384xf32, #tpu.memory_space<vmem>>
      %dma_start3A_1003 = arith.constant 16384 : i32
      %dma_start3A_1004 = tpu.memref_slice %arg4[%add3A_997, %dma_start3A_1003] : memref<256x65536xf32, #tpu.memory_space<hbm>> -> memref<1x16384xf32, #tpu.memory_space<hbm>>
      %dma_start3A_1005 = arith.constant 16384 : i32
      %dma_start3A_1006 = tpu.memref_slice %arg4[%add3A_997, %dma_start3A_1005] : memref<256x65536xf32, #tpu.memory_space<hbm>> -> memref<1x16384xf32, #tpu.memory_space<hbm>>
      %dma_start3A_1007 = arith.constant 0 : i32
      %dma_start3A_1008 = arith.constant 0 : i32
      %dma_start3A_1009 = tpu.memref_slice %arg7[%dma_start3A_998, %dma_start3A_1007, %dma_start3A_1008] : memref<5x1x16384xf32, #tpu.memory_space<vmem>> -> memref<1x1x16384xf32, #tpu.memory_space<vmem>>
      %dma_start3A_1010 = tpu.memref_squeeze %dma_start3A_1009 : memref<1x1x16384xf32, #tpu.memory_space<vmem>> -> memref<1x16384xf32, #tpu.memory_space<vmem>>
      tpu.enqueue_dma source(%dma_start3A_1010 : memref<1x16384xf32, #tpu.memory_space<vmem>>) target(%dma_start3A_1006 : memref<1x16384xf32, #tpu.memory_space<hbm>>) target_semaphore(%arg15 : memref<!tpu.dma_semaphore, #tpu.memory_space<semaphore_mem>>)
    } else {
    }
    %not3A_385 = arith.constant true
    %not3A_386 = arith.xori %eq3A_236, %not3A_385 : i1
    %convert_element_type3A_387 = arith.extui %not3A_386 : i1 to i32
    %cond3A_388 = arith.constant 0 : i32
    %cond3A_389 = arith.cmpi ne, %convert_element_type3A_387, %cond3A_388 : i32
    scf.if %cond3A_389 {
      %dma_start3A_992 = arith.constant 3 : i32
      %dma_start3A_993 = arith.constant 0 : i32
      %dma_start3A_994 = arith.constant 0 : i32
      %dma_start3A_995 = arith.constant 0 : i32
      %dma_start3A_996 = tpu.memref_slice %arg8[%dma_start3A_993, %dma_start3A_994, %dma_start3A_995] : memref<1x1x16384xf32, #tpu.memory_space<vmem>> -> memref<1x1x16384xf32, #tpu.memory_space<vmem>>
      %dma_start3A_997 = tpu.memref_squeeze %dma_start3A_996 : memref<1x1x16384xf32, #tpu.memory_space<vmem>> -> memref<1x16384xf32, #tpu.memory_space<vmem>>
      %dma_start3A_998 = arith.constant 0 : i32
      %dma_start3A_999 = tpu.memref_slice %arg6[%dma_start3A_992, %dma_start3A_998] : memref<4x16xi32, #tpu.memory_space<vmem>> -> memref<1x1xi32, #tpu.memory_space<vmem>>
      %dma_start3A_1000 = tpu.memref_squeeze %dma_start3A_999 : memref<1x1xi32, #tpu.memory_space<vmem>> -> memref<1xi32, #tpu.memory_space<vmem>>
      %dma_start3A_1001 = arith.constant 0 : i32
      %dma_start3A_1002 = arith.constant 16384 : i32
      %dma_start3A_1003 = tpu.memref_slice %arg2[%dma_start3A_1001, %dma_start3A_1002] : memref<64x65536xf32, #tpu.memory_space<hbm>> -> memref<64x16384xf32, #tpu.memory_space<hbm>>
      tpu.enqueue_indirect_dma source(%dma_start3A_1003 : memref<64x16384xf32, #tpu.memory_space<hbm>>) target(%dma_start3A_997 : memref<1x16384xf32, #tpu.memory_space<vmem>>) offsets(%dma_start3A_1000 : memref<1xi32, #tpu.memory_space<vmem>>) semaphore(%arg19 : memref<!tpu.dma_semaphore, #tpu.memory_space<semaphore_mem>>)
      %dma_wait3A_1004 = arith.constant 3 : i32
      %dma_wait3A_1005 = arith.constant 0 : i32
      %dma_wait3A_1006 = arith.constant 0 : i32
      %dma_wait3A_1007 = arith.constant 0 : i32
      %dma_wait3A_1008 = tpu.memref_slice %arg8[%dma_wait3A_1005, %dma_wait3A_1006, %dma_wait3A_1007] : memref<1x1x16384xf32, #tpu.memory_space<vmem>> -> memref<1x1x16384xf32, #tpu.memory_space<vmem>>
      %dma_wait3A_1009 = tpu.memref_squeeze %dma_wait3A_1008 : memref<1x1x16384xf32, #tpu.memory_space<vmem>> -> memref<1x16384xf32, #tpu.memory_space<vmem>>
      %dma_wait3A_1010 = arith.constant 0 : i32
      %dma_wait3A_1011 = tpu.memref_slice %arg6[%dma_wait3A_1004, %dma_wait3A_1010] : memref<4x16xi32, #tpu.memory_space<vmem>> -> memref<1x1xi32, #tpu.memory_space<vmem>>
      %dma_wait3A_1012 = tpu.memref_squeeze %dma_wait3A_1011 : memref<1x1xi32, #tpu.memory_space<vmem>> -> memref<1xi32, #tpu.memory_space<vmem>>
      %dma_wait3A_1013 = arith.constant 0 : i32
      %dma_wait3A_1014 = arith.constant 16384 : i32
      %dma_wait3A_1015 = tpu.memref_slice %arg2[%dma_wait3A_1013, %dma_wait3A_1014] : memref<64x65536xf32, #tpu.memory_space<hbm>> -> memref<64x16384xf32, #tpu.memory_space<hbm>>
      tpu.wait_indirect_dma semaphore(%arg19 : memref<!tpu.dma_semaphore, #tpu.memory_space<semaphore_mem>>) src(%dma_wait3A_1015 : memref<64x16384xf32, #tpu.memory_space<hbm>>) dst(%dma_wait3A_1009 : memref<1x16384xf32, #tpu.memory_space<vmem>>)
      %mul3A_1016 = arith.constant 2 : i32
      %mul3A_1017 = arith.muli %add3A, %mul3A_1016 : i32
      %add3A_1018 = arith.constant 192 : i32
      %add3A_1019 = arith.addi %add3A_1018, %mul3A_1017 : i32
      %add3A_1020 = arith.constant 0 : i32
      %add3A_1021 = arith.addi %add3A_1019, %add3A_1020 : i32
      %dma_start3A_1022 = arith.constant 0 : i32
      %dma_start3A_1023 = arith.constant 0 : i32
      %dma_start3A_1024 = arith.constant 0 : i32
      %dma_start3A_1025 = tpu.memref_slice %arg8[%dma_start3A_1022, %dma_start3A_1023, %dma_start3A_1024] : memref<1x1x16384xf32, #tpu.memory_space<vmem>> -> memref<1x1x16384xf32, #tpu.memory_space<vmem>>
      %dma_start3A_1026 = tpu.memref_squeeze %dma_start3A_1025 : memref<1x1x16384xf32, #tpu.memory_space<vmem>> -> memref<1x16384xf32, #tpu.memory_space<vmem>>
      %dma_start3A_1027 = arith.constant 16384 : i32
      %dma_start3A_1028 = tpu.memref_slice %arg4[%add3A_1021, %dma_start3A_1027] : memref<256x65536xf32, #tpu.memory_space<hbm>> -> memref<1x16384xf32, #tpu.memory_space<hbm>>
      %dma_start3A_1029 = arith.constant 16384 : i32
      %dma_start3A_1030 = tpu.memref_slice %arg4[%add3A_1021, %dma_start3A_1029] : memref<256x65536xf32, #tpu.memory_space<hbm>> -> memref<1x16384xf32, #tpu.memory_space<hbm>>
      %dma_start3A_1031 = arith.constant 0 : i32
      %dma_start3A_1032 = arith.constant 0 : i32
      %dma_start3A_1033 = tpu.memref_slice %arg8[%dma_start3A_1022, %dma_start3A_1031, %dma_start3A_1032] : memref<1x1x16384xf32, #tpu.memory_space<vmem>> -> memref<1x1x16384xf32, #tpu.memory_space<vmem>>
      %dma_start3A_1034 = tpu.memref_squeeze %dma_start3A_1033 : memref<1x1x16384xf32, #tpu.memory_space<vmem>> -> memref<1x16384xf32, #tpu.memory_space<vmem>>
      tpu.enqueue_dma source(%dma_start3A_1034 : memref<1x16384xf32, #tpu.memory_space<vmem>>) target(%dma_start3A_1030 : memref<1x16384xf32, #tpu.memory_space<hbm>>) target_semaphore(%arg20 : memref<!tpu.dma_semaphore, #tpu.memory_space<semaphore_mem>>)
      %mul3A_1035 = arith.constant 2 : i32
      %mul3A_1036 = arith.muli %add3A, %mul3A_1035 : i32
      %add3A_1037 = arith.constant 192 : i32
      %add3A_1038 = arith.addi %add3A_1037, %mul3A_1036 : i32
      %add3A_1039 = arith.constant 0 : i32
      %add3A_1040 = arith.addi %add3A_1038, %add3A_1039 : i32
      %dma_wait3A_1041 = arith.constant 0 : i32
      %dma_wait3A_1042 = arith.constant 0 : i32
      %dma_wait3A_1043 = arith.constant 0 : i32
      %dma_wait3A_1044 = tpu.memref_slice %arg8[%dma_wait3A_1041, %dma_wait3A_1042, %dma_wait3A_1043] : memref<1x1x16384xf32, #tpu.memory_space<vmem>> -> memref<1x1x16384xf32, #tpu.memory_space<vmem>>
      %dma_wait3A_1045 = tpu.memref_squeeze %dma_wait3A_1044 : memref<1x1x16384xf32, #tpu.memory_space<vmem>> -> memref<1x16384xf32, #tpu.memory_space<vmem>>
      %dma_wait3A_1046 = arith.constant 16384 : i32
      %dma_wait3A_1047 = tpu.memref_slice %arg4[%add3A_1040, %dma_wait3A_1046] : memref<256x65536xf32, #tpu.memory_space<hbm>> -> memref<1x16384xf32, #tpu.memory_space<hbm>>
      %dma_wait3A_1048 = arith.constant 16384 : i32
      %dma_wait3A_1049 = tpu.memref_slice %arg4[%add3A_1040, %dma_wait3A_1048] : memref<256x65536xf32, #tpu.memory_space<hbm>> -> memref<1x16384xf32, #tpu.memory_space<hbm>>
      %dma_wait3A_1050 = arith.constant 0 : i32
      %dma_wait3A_1051 = arith.constant 0 : i32
      %dma_wait3A_1052 = tpu.memref_slice %arg8[%dma_wait3A_1041, %dma_wait3A_1050, %dma_wait3A_1051] : memref<1x1x16384xf32, #tpu.memory_space<vmem>> -> memref<1x1x16384xf32, #tpu.memory_space<vmem>>
      %dma_wait3A_1053 = tpu.memref_squeeze %dma_wait3A_1052 : memref<1x1x16384xf32, #tpu.memory_space<vmem>> -> memref<1x16384xf32, #tpu.memory_space<vmem>>
      tpu.wait_dma2 semaphore(%arg20 : memref<!tpu.dma_semaphore, #tpu.memory_space<semaphore_mem>>) src(%dma_wait3A_1053 : memref<1x16384xf32, #tpu.memory_space<vmem>>) dst(%dma_wait3A_1049 : memref<1x16384xf32, #tpu.memory_space<hbm>>)
    } else {
    }
    %dma_start3A_390 = arith.constant 0 : i32
    %dma_start3A_391 = arith.constant 4 : i32
    %dma_start3A_392 = arith.constant 0 : i32
    %dma_start3A_393 = arith.constant 0 : i32
    %dma_start3A_394 = tpu.memref_slice %arg7[%dma_start3A_391, %dma_start3A_392, %dma_start3A_393] : memref<5x1x16384xf32, #tpu.memory_space<vmem>> -> memref<1x1x16384xf32, #tpu.memory_space<vmem>>
    %dma_start3A_395 = tpu.memref_squeeze %dma_start3A_394 : memref<1x1x16384xf32, #tpu.memory_space<vmem>> -> memref<1x16384xf32, #tpu.memory_space<vmem>>
    %dma_start3A_396 = arith.constant 1 : i32
    %dma_start3A_397 = tpu.memref_slice %arg6[%dma_start3A_390, %dma_start3A_396] : memref<4x16xi32, #tpu.memory_space<vmem>> -> memref<1x1xi32, #tpu.memory_space<vmem>>
    %dma_start3A_398 = tpu.memref_squeeze %dma_start3A_397 : memref<1x1xi32, #tpu.memory_space<vmem>> -> memref<1xi32, #tpu.memory_space<vmem>>
    %dma_start3A_399 = arith.constant 0 : i32
    %dma_start3A_400 = arith.constant 0 : i32
    %dma_start3A_401 = tpu.memref_slice %arg2[%dma_start3A_399, %dma_start3A_400] : memref<64x65536xf32, #tpu.memory_space<hbm>> -> memref<64x16384xf32, #tpu.memory_space<hbm>>
    tpu.enqueue_indirect_dma source(%dma_start3A_401 : memref<64x16384xf32, #tpu.memory_space<hbm>>) target(%dma_start3A_395 : memref<1x16384xf32, #tpu.memory_space<vmem>>) offsets(%dma_start3A_398 : memref<1xi32, #tpu.memory_space<vmem>>) semaphore(%arg13 : memref<!tpu.dma_semaphore, #tpu.memory_space<semaphore_mem>>)
    %dma_wait3A_402 = arith.constant 0 : i32
    %dma_wait3A_403 = arith.constant 2 : i32
    %dma_wait3A_404 = arith.constant 0 : i32
    %dma_wait3A_405 = arith.constant 0 : i32
    %dma_wait3A_406 = tpu.memref_slice %arg7[%dma_wait3A_403, %dma_wait3A_404, %dma_wait3A_405] : memref<5x1x16384xf32, #tpu.memory_space<vmem>> -> memref<1x1x16384xf32, #tpu.memory_space<vmem>>
    %dma_wait3A_407 = tpu.memref_squeeze %dma_wait3A_406 : memref<1x1x16384xf32, #tpu.memory_space<vmem>> -> memref<1x16384xf32, #tpu.memory_space<vmem>>
    %dma_wait3A_408 = arith.constant 0 : i32
    %dma_wait3A_409 = tpu.memref_slice %arg6[%dma_wait3A_402, %dma_wait3A_408] : memref<4x16xi32, #tpu.memory_space<vmem>> -> memref<1x1xi32, #tpu.memory_space<vmem>>
    %dma_wait3A_410 = tpu.memref_squeeze %dma_wait3A_409 : memref<1x1xi32, #tpu.memory_space<vmem>> -> memref<1xi32, #tpu.memory_space<vmem>>
    %dma_wait3A_411 = arith.constant 0 : i32
    %dma_wait3A_412 = arith.constant 32768 : i32
    %dma_wait3A_413 = tpu.memref_slice %arg2[%dma_wait3A_411, %dma_wait3A_412] : memref<64x65536xf32, #tpu.memory_space<hbm>> -> memref<64x16384xf32, #tpu.memory_space<hbm>>
    tpu.wait_indirect_dma semaphore(%arg11 : memref<!tpu.dma_semaphore, #tpu.memory_space<semaphore_mem>>) src(%dma_wait3A_413 : memref<64x16384xf32, #tpu.memory_space<hbm>>) dst(%dma_wait3A_407 : memref<1x16384xf32, #tpu.memory_space<vmem>>)
    %mul3A_414 = arith.constant 2 : i32
    %mul3A_415 = arith.muli %add3A, %mul3A_414 : i32
    %add3A_416 = arith.constant 0 : i32
    %add3A_417 = arith.addi %add3A_416, %mul3A_415 : i32
    %add3A_418 = arith.constant 0 : i32
    %add3A_419 = arith.addi %add3A_417, %add3A_418 : i32
    %dma_start3A_420 = arith.constant 2 : i32
    %dma_start3A_421 = arith.constant 0 : i32
    %dma_start3A_422 = arith.constant 0 : i32
    %dma_start3A_423 = tpu.memref_slice %arg7[%dma_start3A_420, %dma_start3A_421, %dma_start3A_422] : memref<5x1x16384xf32, #tpu.memory_space<vmem>> -> memref<1x1x16384xf32, #tpu.memory_space<vmem>>
    %dma_start3A_424 = tpu.memref_squeeze %dma_start3A_423 : memref<1x1x16384xf32, #tpu.memory_space<vmem>> -> memref<1x16384xf32, #tpu.memory_space<vmem>>
    %dma_start3A_425 = arith.constant 32768 : i32
    %dma_start3A_426 = tpu.memref_slice %arg4[%add3A_419, %dma_start3A_425] : memref<256x65536xf32, #tpu.memory_space<hbm>> -> memref<1x16384xf32, #tpu.memory_space<hbm>>
    %dma_start3A_427 = arith.constant 32768 : i32
    %dma_start3A_428 = tpu.memref_slice %arg4[%add3A_419, %dma_start3A_427] : memref<256x65536xf32, #tpu.memory_space<hbm>> -> memref<1x16384xf32, #tpu.memory_space<hbm>>
    %dma_start3A_429 = arith.constant 0 : i32
    %dma_start3A_430 = arith.constant 0 : i32
    %dma_start3A_431 = tpu.memref_slice %arg7[%dma_start3A_420, %dma_start3A_429, %dma_start3A_430] : memref<5x1x16384xf32, #tpu.memory_space<vmem>> -> memref<1x1x16384xf32, #tpu.memory_space<vmem>>
    %dma_start3A_432 = tpu.memref_squeeze %dma_start3A_431 : memref<1x1x16384xf32, #tpu.memory_space<vmem>> -> memref<1x16384xf32, #tpu.memory_space<vmem>>
    tpu.enqueue_dma source(%dma_start3A_432 : memref<1x16384xf32, #tpu.memory_space<vmem>>) target(%dma_start3A_428 : memref<1x16384xf32, #tpu.memory_space<hbm>>) target_semaphore(%arg16 : memref<!tpu.dma_semaphore, #tpu.memory_space<semaphore_mem>>)
    %convert_element_type3A_433 = arith.extui %eq3A_200 : i1 to i32
    %cond3A_434 = arith.constant 0 : i32
    %cond3A_435 = arith.cmpi ne, %convert_element_type3A_433, %cond3A_434 : i32
    scf.if %cond3A_435 {
      %mul3A_992 = arith.constant 2 : i32
      %mul3A_993 = arith.muli %add3A, %mul3A_992 : i32
      %add3A_994 = arith.constant 64 : i32
      %add3A_995 = arith.addi %add3A_994, %mul3A_993 : i32
      %add3A_996 = arith.constant 0 : i32
      %add3A_997 = arith.addi %add3A_995, %add3A_996 : i32
      %dma_start3A_998 = arith.constant 2 : i32
      %dma_start3A_999 = arith.constant 0 : i32
      %dma_start3A_1000 = arith.constant 0 : i32
      %dma_start3A_1001 = tpu.memref_slice %arg7[%dma_start3A_998, %dma_start3A_999, %dma_start3A_1000] : memref<5x1x16384xf32, #tpu.memory_space<vmem>> -> memref<1x1x16384xf32, #tpu.memory_space<vmem>>
      %dma_start3A_1002 = tpu.memref_squeeze %dma_start3A_1001 : memref<1x1x16384xf32, #tpu.memory_space<vmem>> -> memref<1x16384xf32, #tpu.memory_space<vmem>>
      %dma_start3A_1003 = arith.constant 32768 : i32
      %dma_start3A_1004 = tpu.memref_slice %arg4[%add3A_997, %dma_start3A_1003] : memref<256x65536xf32, #tpu.memory_space<hbm>> -> memref<1x16384xf32, #tpu.memory_space<hbm>>
      %dma_start3A_1005 = arith.constant 32768 : i32
      %dma_start3A_1006 = tpu.memref_slice %arg4[%add3A_997, %dma_start3A_1005] : memref<256x65536xf32, #tpu.memory_space<hbm>> -> memref<1x16384xf32, #tpu.memory_space<hbm>>
      %dma_start3A_1007 = arith.constant 0 : i32
      %dma_start3A_1008 = arith.constant 0 : i32
      %dma_start3A_1009 = tpu.memref_slice %arg7[%dma_start3A_998, %dma_start3A_1007, %dma_start3A_1008] : memref<5x1x16384xf32, #tpu.memory_space<vmem>> -> memref<1x1x16384xf32, #tpu.memory_space<vmem>>
      %dma_start3A_1010 = tpu.memref_squeeze %dma_start3A_1009 : memref<1x1x16384xf32, #tpu.memory_space<vmem>> -> memref<1x16384xf32, #tpu.memory_space<vmem>>
      tpu.enqueue_dma source(%dma_start3A_1010 : memref<1x16384xf32, #tpu.memory_space<vmem>>) target(%dma_start3A_1006 : memref<1x16384xf32, #tpu.memory_space<hbm>>) target_semaphore(%arg16 : memref<!tpu.dma_semaphore, #tpu.memory_space<semaphore_mem>>)
    } else {
    }
    %not3A_436 = arith.constant true
    %not3A_437 = arith.xori %eq3A_200, %not3A_436 : i1
    %convert_element_type3A_438 = arith.extui %not3A_437 : i1 to i32
    %cond3A_439 = arith.constant 0 : i32
    %cond3A_440 = arith.cmpi ne, %convert_element_type3A_438, %cond3A_439 : i32
    scf.if %cond3A_440 {
      %dma_start3A_992 = arith.constant 1 : i32
      %dma_start3A_993 = arith.constant 0 : i32
      %dma_start3A_994 = arith.constant 0 : i32
      %dma_start3A_995 = arith.constant 0 : i32
      %dma_start3A_996 = tpu.memref_slice %arg8[%dma_start3A_993, %dma_start3A_994, %dma_start3A_995] : memref<1x1x16384xf32, #tpu.memory_space<vmem>> -> memref<1x1x16384xf32, #tpu.memory_space<vmem>>
      %dma_start3A_997 = tpu.memref_squeeze %dma_start3A_996 : memref<1x1x16384xf32, #tpu.memory_space<vmem>> -> memref<1x16384xf32, #tpu.memory_space<vmem>>
      %dma_start3A_998 = arith.constant 0 : i32
      %dma_start3A_999 = tpu.memref_slice %arg6[%dma_start3A_992, %dma_start3A_998] : memref<4x16xi32, #tpu.memory_space<vmem>> -> memref<1x1xi32, #tpu.memory_space<vmem>>
      %dma_start3A_1000 = tpu.memref_squeeze %dma_start3A_999 : memref<1x1xi32, #tpu.memory_space<vmem>> -> memref<1xi32, #tpu.memory_space<vmem>>
      %dma_start3A_1001 = arith.constant 0 : i32
      %dma_start3A_1002 = arith.constant 32768 : i32
      %dma_start3A_1003 = tpu.memref_slice %arg2[%dma_start3A_1001, %dma_start3A_1002] : memref<64x65536xf32, #tpu.memory_space<hbm>> -> memref<64x16384xf32, #tpu.memory_space<hbm>>
      tpu.enqueue_indirect_dma source(%dma_start3A_1003 : memref<64x16384xf32, #tpu.memory_space<hbm>>) target(%dma_start3A_997 : memref<1x16384xf32, #tpu.memory_space<vmem>>) offsets(%dma_start3A_1000 : memref<1xi32, #tpu.memory_space<vmem>>) semaphore(%arg19 : memref<!tpu.dma_semaphore, #tpu.memory_space<semaphore_mem>>)
      %dma_wait3A_1004 = arith.constant 1 : i32
      %dma_wait3A_1005 = arith.constant 0 : i32
      %dma_wait3A_1006 = arith.constant 0 : i32
      %dma_wait3A_1007 = arith.constant 0 : i32
      %dma_wait3A_1008 = tpu.memref_slice %arg8[%dma_wait3A_1005, %dma_wait3A_1006, %dma_wait3A_1007] : memref<1x1x16384xf32, #tpu.memory_space<vmem>> -> memref<1x1x16384xf32, #tpu.memory_space<vmem>>
      %dma_wait3A_1009 = tpu.memref_squeeze %dma_wait3A_1008 : memref<1x1x16384xf32, #tpu.memory_space<vmem>> -> memref<1x16384xf32, #tpu.memory_space<vmem>>
      %dma_wait3A_1010 = arith.constant 0 : i32
      %dma_wait3A_1011 = tpu.memref_slice %arg6[%dma_wait3A_1004, %dma_wait3A_1010] : memref<4x16xi32, #tpu.memory_space<vmem>> -> memref<1x1xi32, #tpu.memory_space<vmem>>
      %dma_wait3A_1012 = tpu.memref_squeeze %dma_wait3A_1011 : memref<1x1xi32, #tpu.memory_space<vmem>> -> memref<1xi32, #tpu.memory_space<vmem>>
      %dma_wait3A_1013 = arith.constant 0 : i32
      %dma_wait3A_1014 = arith.constant 32768 : i32
      %dma_wait3A_1015 = tpu.memref_slice %arg2[%dma_wait3A_1013, %dma_wait3A_1014] : memref<64x65536xf32, #tpu.memory_space<hbm>> -> memref<64x16384xf32, #tpu.memory_space<hbm>>
      tpu.wait_indirect_dma semaphore(%arg19 : memref<!tpu.dma_semaphore, #tpu.memory_space<semaphore_mem>>) src(%dma_wait3A_1015 : memref<64x16384xf32, #tpu.memory_space<hbm>>) dst(%dma_wait3A_1009 : memref<1x16384xf32, #tpu.memory_space<vmem>>)
      %mul3A_1016 = arith.constant 2 : i32
      %mul3A_1017 = arith.muli %add3A, %mul3A_1016 : i32
      %add3A_1018 = arith.constant 64 : i32
      %add3A_1019 = arith.addi %add3A_1018, %mul3A_1017 : i32
      %add3A_1020 = arith.constant 0 : i32
      %add3A_1021 = arith.addi %add3A_1019, %add3A_1020 : i32
      %dma_start3A_1022 = arith.constant 0 : i32
      %dma_start3A_1023 = arith.constant 0 : i32
      %dma_start3A_1024 = arith.constant 0 : i32
      %dma_start3A_1025 = tpu.memref_slice %arg8[%dma_start3A_1022, %dma_start3A_1023, %dma_start3A_1024] : memref<1x1x16384xf32, #tpu.memory_space<vmem>> -> memref<1x1x16384xf32, #tpu.memory_space<vmem>>
      %dma_start3A_1026 = tpu.memref_squeeze %dma_start3A_1025 : memref<1x1x16384xf32, #tpu.memory_space<vmem>> -> memref<1x16384xf32, #tpu.memory_space<vmem>>
      %dma_start3A_1027 = arith.constant 32768 : i32
      %dma_start3A_1028 = tpu.memref_slice %arg4[%add3A_1021, %dma_start3A_1027] : memref<256x65536xf32, #tpu.memory_space<hbm>> -> memref<1x16384xf32, #tpu.memory_space<hbm>>
      %dma_start3A_1029 = arith.constant 32768 : i32
      %dma_start3A_1030 = tpu.memref_slice %arg4[%add3A_1021, %dma_start3A_1029] : memref<256x65536xf32, #tpu.memory_space<hbm>> -> memref<1x16384xf32, #tpu.memory_space<hbm>>
      %dma_start3A_1031 = arith.constant 0 : i32
      %dma_start3A_1032 = arith.constant 0 : i32
      %dma_start3A_1033 = tpu.memref_slice %arg8[%dma_start3A_1022, %dma_start3A_1031, %dma_start3A_1032] : memref<1x1x16384xf32, #tpu.memory_space<vmem>> -> memref<1x1x16384xf32, #tpu.memory_space<vmem>>
      %dma_start3A_1034 = tpu.memref_squeeze %dma_start3A_1033 : memref<1x1x16384xf32, #tpu.memory_space<vmem>> -> memref<1x16384xf32, #tpu.memory_space<vmem>>
      tpu.enqueue_dma source(%dma_start3A_1034 : memref<1x16384xf32, #tpu.memory_space<vmem>>) target(%dma_start3A_1030 : memref<1x16384xf32, #tpu.memory_space<hbm>>) target_semaphore(%arg20 : memref<!tpu.dma_semaphore, #tpu.memory_space<semaphore_mem>>)
      %mul3A_1035 = arith.constant 2 : i32
      %mul3A_1036 = arith.muli %add3A, %mul3A_1035 : i32
      %add3A_1037 = arith.constant 64 : i32
      %add3A_1038 = arith.addi %add3A_1037, %mul3A_1036 : i32
      %add3A_1039 = arith.constant 0 : i32
      %add3A_1040 = arith.addi %add3A_1038, %add3A_1039 : i32
      %dma_wait3A_1041 = arith.constant 0 : i32
      %dma_wait3A_1042 = arith.constant 0 : i32
      %dma_wait3A_1043 = arith.constant 0 : i32
      %dma_wait3A_1044 = tpu.memref_slice %arg8[%dma_wait3A_1041, %dma_wait3A_1042, %dma_wait3A_1043] : memref<1x1x16384xf32, #tpu.memory_space<vmem>> -> memref<1x1x16384xf32, #tpu.memory_space<vmem>>
      %dma_wait3A_1045 = tpu.memref_squeeze %dma_wait3A_1044 : memref<1x1x16384xf32, #tpu.memory_space<vmem>> -> memref<1x16384xf32, #tpu.memory_space<vmem>>
      %dma_wait3A_1046 = arith.constant 32768 : i32
      %dma_wait3A_1047 = tpu.memref_slice %arg4[%add3A_1040, %dma_wait3A_1046] : memref<256x65536xf32, #tpu.memory_space<hbm>> -> memref<1x16384xf32, #tpu.memory_space<hbm>>
      %dma_wait3A_1048 = arith.constant 32768 : i32
      %dma_wait3A_1049 = tpu.memref_slice %arg4[%add3A_1040, %dma_wait3A_1048] : memref<256x65536xf32, #tpu.memory_space<hbm>> -> memref<1x16384xf32, #tpu.memory_space<hbm>>
      %dma_wait3A_1050 = arith.constant 0 : i32
      %dma_wait3A_1051 = arith.constant 0 : i32
      %dma_wait3A_1052 = tpu.memref_slice %arg8[%dma_wait3A_1041, %dma_wait3A_1050, %dma_wait3A_1051] : memref<1x1x16384xf32, #tpu.memory_space<vmem>> -> memref<1x1x16384xf32, #tpu.memory_space<vmem>>
      %dma_wait3A_1053 = tpu.memref_squeeze %dma_wait3A_1052 : memref<1x1x16384xf32, #tpu.memory_space<vmem>> -> memref<1x16384xf32, #tpu.memory_space<vmem>>
      tpu.wait_dma2 semaphore(%arg20 : memref<!tpu.dma_semaphore, #tpu.memory_space<semaphore_mem>>) src(%dma_wait3A_1053 : memref<1x16384xf32, #tpu.memory_space<vmem>>) dst(%dma_wait3A_1049 : memref<1x16384xf32, #tpu.memory_space<hbm>>)
    } else {
    }
    %convert_element_type3A_441 = arith.extui %eq3A_218 : i1 to i32
    %cond3A_442 = arith.constant 0 : i32
    %cond3A_443 = arith.cmpi ne, %convert_element_type3A_441, %cond3A_442 : i32
    scf.if %cond3A_443 {
      %mul3A_992 = arith.constant 2 : i32
      %mul3A_993 = arith.muli %add3A, %mul3A_992 : i32
      %add3A_994 = arith.constant 128 : i32
      %add3A_995 = arith.addi %add3A_994, %mul3A_993 : i32
      %add3A_996 = arith.constant 0 : i32
      %add3A_997 = arith.addi %add3A_995, %add3A_996 : i32
      %dma_start3A_998 = arith.constant 2 : i32
      %dma_start3A_999 = arith.constant 0 : i32
      %dma_start3A_1000 = arith.constant 0 : i32
      %dma_start3A_1001 = tpu.memref_slice %arg7[%dma_start3A_998, %dma_start3A_999, %dma_start3A_1000] : memref<5x1x16384xf32, #tpu.memory_space<vmem>> -> memref<1x1x16384xf32, #tpu.memory_space<vmem>>
      %dma_start3A_1002 = tpu.memref_squeeze %dma_start3A_1001 : memref<1x1x16384xf32, #tpu.memory_space<vmem>> -> memref<1x16384xf32, #tpu.memory_space<vmem>>
      %dma_start3A_1003 = arith.constant 32768 : i32
      %dma_start3A_1004 = tpu.memref_slice %arg4[%add3A_997, %dma_start3A_1003] : memref<256x65536xf32, #tpu.memory_space<hbm>> -> memref<1x16384xf32, #tpu.memory_space<hbm>>
      %dma_start3A_1005 = arith.constant 32768 : i32
      %dma_start3A_1006 = tpu.memref_slice %arg4[%add3A_997, %dma_start3A_1005] : memref<256x65536xf32, #tpu.memory_space<hbm>> -> memref<1x16384xf32, #tpu.memory_space<hbm>>
      %dma_start3A_1007 = arith.constant 0 : i32
      %dma_start3A_1008 = arith.constant 0 : i32
      %dma_start3A_1009 = tpu.memref_slice %arg7[%dma_start3A_998, %dma_start3A_1007, %dma_start3A_1008] : memref<5x1x16384xf32, #tpu.memory_space<vmem>> -> memref<1x1x16384xf32, #tpu.memory_space<vmem>>
      %dma_start3A_1010 = tpu.memref_squeeze %dma_start3A_1009 : memref<1x1x16384xf32, #tpu.memory_space<vmem>> -> memref<1x16384xf32, #tpu.memory_space<vmem>>
      tpu.enqueue_dma source(%dma_start3A_1010 : memref<1x16384xf32, #tpu.memory_space<vmem>>) target(%dma_start3A_1006 : memref<1x16384xf32, #tpu.memory_space<hbm>>) target_semaphore(%arg16 : memref<!tpu.dma_semaphore, #tpu.memory_space<semaphore_mem>>)
    } else {
    }
    %not3A_444 = arith.constant true
    %not3A_445 = arith.xori %eq3A_218, %not3A_444 : i1
    %convert_element_type3A_446 = arith.extui %not3A_445 : i1 to i32
    %cond3A_447 = arith.constant 0 : i32
    %cond3A_448 = arith.cmpi ne, %convert_element_type3A_446, %cond3A_447 : i32
    scf.if %cond3A_448 {
      %dma_start3A_992 = arith.constant 2 : i32
      %dma_start3A_993 = arith.constant 0 : i32
      %dma_start3A_994 = arith.constant 0 : i32
      %dma_start3A_995 = arith.constant 0 : i32
      %dma_start3A_996 = tpu.memref_slice %arg8[%dma_start3A_993, %dma_start3A_994, %dma_start3A_995] : memref<1x1x16384xf32, #tpu.memory_space<vmem>> -> memref<1x1x16384xf32, #tpu.memory_space<vmem>>
      %dma_start3A_997 = tpu.memref_squeeze %dma_start3A_996 : memref<1x1x16384xf32, #tpu.memory_space<vmem>> -> memref<1x16384xf32, #tpu.memory_space<vmem>>
      %dma_start3A_998 = arith.constant 0 : i32
      %dma_start3A_999 = tpu.memref_slice %arg6[%dma_start3A_992, %dma_start3A_998] : memref<4x16xi32, #tpu.memory_space<vmem>> -> memref<1x1xi32, #tpu.memory_space<vmem>>
      %dma_start3A_1000 = tpu.memref_squeeze %dma_start3A_999 : memref<1x1xi32, #tpu.memory_space<vmem>> -> memref<1xi32, #tpu.memory_space<vmem>>
      %dma_start3A_1001 = arith.constant 0 : i32
      %dma_start3A_1002 = arith.constant 32768 : i32
      %dma_start3A_1003 = tpu.memref_slice %arg2[%dma_start3A_1001, %dma_start3A_1002] : memref<64x65536xf32, #tpu.memory_space<hbm>> -> memref<64x16384xf32, #tpu.memory_space<hbm>>
      tpu.enqueue_indirect_dma source(%dma_start3A_1003 : memref<64x16384xf32, #tpu.memory_space<hbm>>) target(%dma_start3A_997 : memref<1x16384xf32, #tpu.memory_space<vmem>>) offsets(%dma_start3A_1000 : memref<1xi32, #tpu.memory_space<vmem>>) semaphore(%arg19 : memref<!tpu.dma_semaphore, #tpu.memory_space<semaphore_mem>>)
      %dma_wait3A_1004 = arith.constant 2 : i32
      %dma_wait3A_1005 = arith.constant 0 : i32
      %dma_wait3A_1006 = arith.constant 0 : i32
      %dma_wait3A_1007 = arith.constant 0 : i32
      %dma_wait3A_1008 = tpu.memref_slice %arg8[%dma_wait3A_1005, %dma_wait3A_1006, %dma_wait3A_1007] : memref<1x1x16384xf32, #tpu.memory_space<vmem>> -> memref<1x1x16384xf32, #tpu.memory_space<vmem>>
      %dma_wait3A_1009 = tpu.memref_squeeze %dma_wait3A_1008 : memref<1x1x16384xf32, #tpu.memory_space<vmem>> -> memref<1x16384xf32, #tpu.memory_space<vmem>>
      %dma_wait3A_1010 = arith.constant 0 : i32
      %dma_wait3A_1011 = tpu.memref_slice %arg6[%dma_wait3A_1004, %dma_wait3A_1010] : memref<4x16xi32, #tpu.memory_space<vmem>> -> memref<1x1xi32, #tpu.memory_space<vmem>>
      %dma_wait3A_1012 = tpu.memref_squeeze %dma_wait3A_1011 : memref<1x1xi32, #tpu.memory_space<vmem>> -> memref<1xi32, #tpu.memory_space<vmem>>
      %dma_wait3A_1013 = arith.constant 0 : i32
      %dma_wait3A_1014 = arith.constant 32768 : i32
      %dma_wait3A_1015 = tpu.memref_slice %arg2[%dma_wait3A_1013, %dma_wait3A_1014] : memref<64x65536xf32, #tpu.memory_space<hbm>> -> memref<64x16384xf32, #tpu.memory_space<hbm>>
      tpu.wait_indirect_dma semaphore(%arg19 : memref<!tpu.dma_semaphore, #tpu.memory_space<semaphore_mem>>) src(%dma_wait3A_1015 : memref<64x16384xf32, #tpu.memory_space<hbm>>) dst(%dma_wait3A_1009 : memref<1x16384xf32, #tpu.memory_space<vmem>>)
      %mul3A_1016 = arith.constant 2 : i32
      %mul3A_1017 = arith.muli %add3A, %mul3A_1016 : i32
      %add3A_1018 = arith.constant 128 : i32
      %add3A_1019 = arith.addi %add3A_1018, %mul3A_1017 : i32
      %add3A_1020 = arith.constant 0 : i32
      %add3A_1021 = arith.addi %add3A_1019, %add3A_1020 : i32
      %dma_start3A_1022 = arith.constant 0 : i32
      %dma_start3A_1023 = arith.constant 0 : i32
      %dma_start3A_1024 = arith.constant 0 : i32
      %dma_start3A_1025 = tpu.memref_slice %arg8[%dma_start3A_1022, %dma_start3A_1023, %dma_start3A_1024] : memref<1x1x16384xf32, #tpu.memory_space<vmem>> -> memref<1x1x16384xf32, #tpu.memory_space<vmem>>
      %dma_start3A_1026 = tpu.memref_squeeze %dma_start3A_1025 : memref<1x1x16384xf32, #tpu.memory_space<vmem>> -> memref<1x16384xf32, #tpu.memory_space<vmem>>
      %dma_start3A_1027 = arith.constant 32768 : i32
      %dma_start3A_1028 = tpu.memref_slice %arg4[%add3A_1021, %dma_start3A_1027] : memref<256x65536xf32, #tpu.memory_space<hbm>> -> memref<1x16384xf32, #tpu.memory_space<hbm>>
      %dma_start3A_1029 = arith.constant 32768 : i32
      %dma_start3A_1030 = tpu.memref_slice %arg4[%add3A_1021, %dma_start3A_1029] : memref<256x65536xf32, #tpu.memory_space<hbm>> -> memref<1x16384xf32, #tpu.memory_space<hbm>>
      %dma_start3A_1031 = arith.constant 0 : i32
      %dma_start3A_1032 = arith.constant 0 : i32
      %dma_start3A_1033 = tpu.memref_slice %arg8[%dma_start3A_1022, %dma_start3A_1031, %dma_start3A_1032] : memref<1x1x16384xf32, #tpu.memory_space<vmem>> -> memref<1x1x16384xf32, #tpu.memory_space<vmem>>
      %dma_start3A_1034 = tpu.memref_squeeze %dma_start3A_1033 : memref<1x1x16384xf32, #tpu.memory_space<vmem>> -> memref<1x16384xf32, #tpu.memory_space<vmem>>
      tpu.enqueue_dma source(%dma_start3A_1034 : memref<1x16384xf32, #tpu.memory_space<vmem>>) target(%dma_start3A_1030 : memref<1x16384xf32, #tpu.memory_space<hbm>>) target_semaphore(%arg20 : memref<!tpu.dma_semaphore, #tpu.memory_space<semaphore_mem>>)
      %mul3A_1035 = arith.constant 2 : i32
      %mul3A_1036 = arith.muli %add3A, %mul3A_1035 : i32
      %add3A_1037 = arith.constant 128 : i32
      %add3A_1038 = arith.addi %add3A_1037, %mul3A_1036 : i32
      %add3A_1039 = arith.constant 0 : i32
      %add3A_1040 = arith.addi %add3A_1038, %add3A_1039 : i32
      %dma_wait3A_1041 = arith.constant 0 : i32
      %dma_wait3A_1042 = arith.constant 0 : i32
      %dma_wait3A_1043 = arith.constant 0 : i32
      %dma_wait3A_1044 = tpu.memref_slice %arg8[%dma_wait3A_1041, %dma_wait3A_1042, %dma_wait3A_1043] : memref<1x1x16384xf32, #tpu.memory_space<vmem>> -> memref<1x1x16384xf32, #tpu.memory_space<vmem>>
      %dma_wait3A_1045 = tpu.memref_squeeze %dma_wait3A_1044 : memref<1x1x16384xf32, #tpu.memory_space<vmem>> -> memref<1x16384xf32, #tpu.memory_space<vmem>>
      %dma_wait3A_1046 = arith.constant 32768 : i32
      %dma_wait3A_1047 = tpu.memref_slice %arg4[%add3A_1040, %dma_wait3A_1046] : memref<256x65536xf32, #tpu.memory_space<hbm>> -> memref<1x16384xf32, #tpu.memory_space<hbm>>
      %dma_wait3A_1048 = arith.constant 32768 : i32
      %dma_wait3A_1049 = tpu.memref_slice %arg4[%add3A_1040, %dma_wait3A_1048] : memref<256x65536xf32, #tpu.memory_space<hbm>> -> memref<1x16384xf32, #tpu.memory_space<hbm>>
      %dma_wait3A_1050 = arith.constant 0 : i32
      %dma_wait3A_1051 = arith.constant 0 : i32
      %dma_wait3A_1052 = tpu.memref_slice %arg8[%dma_wait3A_1041, %dma_wait3A_1050, %dma_wait3A_1051] : memref<1x1x16384xf32, #tpu.memory_space<vmem>> -> memref<1x1x16384xf32, #tpu.memory_space<vmem>>
      %dma_wait3A_1053 = tpu.memref_squeeze %dma_wait3A_1052 : memref<1x1x16384xf32, #tpu.memory_space<vmem>> -> memref<1x16384xf32, #tpu.memory_space<vmem>>
      tpu.wait_dma2 semaphore(%arg20 : memref<!tpu.dma_semaphore, #tpu.memory_space<semaphore_mem>>) src(%dma_wait3A_1053 : memref<1x16384xf32, #tpu.memory_space<vmem>>) dst(%dma_wait3A_1049 : memref<1x16384xf32, #tpu.memory_space<hbm>>)
    } else {
    }
    %convert_element_type3A_449 = arith.extui %eq3A_236 : i1 to i32
    %cond3A_450 = arith.constant 0 : i32
    %cond3A_451 = arith.cmpi ne, %convert_element_type3A_449, %cond3A_450 : i32
    scf.if %cond3A_451 {
      %mul3A_992 = arith.constant 2 : i32
      %mul3A_993 = arith.muli %add3A, %mul3A_992 : i32
      %add3A_994 = arith.constant 192 : i32
      %add3A_995 = arith.addi %add3A_994, %mul3A_993 : i32
      %add3A_996 = arith.constant 0 : i32
      %add3A_997 = arith.addi %add3A_995, %add3A_996 : i32
      %dma_start3A_998 = arith.constant 2 : i32
      %dma_start3A_999 = arith.constant 0 : i32
      %dma_start3A_1000 = arith.constant 0 : i32
      %dma_start3A_1001 = tpu.memref_slice %arg7[%dma_start3A_998, %dma_start3A_999, %dma_start3A_1000] : memref<5x1x16384xf32, #tpu.memory_space<vmem>> -> memref<1x1x16384xf32, #tpu.memory_space<vmem>>
      %dma_start3A_1002 = tpu.memref_squeeze %dma_start3A_1001 : memref<1x1x16384xf32, #tpu.memory_space<vmem>> -> memref<1x16384xf32, #tpu.memory_space<vmem>>
      %dma_start3A_1003 = arith.constant 32768 : i32
      %dma_start3A_1004 = tpu.memref_slice %arg4[%add3A_997, %dma_start3A_1003] : memref<256x65536xf32, #tpu.memory_space<hbm>> -> memref<1x16384xf32, #tpu.memory_space<hbm>>
      %dma_start3A_1005 = arith.constant 32768 : i32
      %dma_start3A_1006 = tpu.memref_slice %arg4[%add3A_997, %dma_start3A_1005] : memref<256x65536xf32, #tpu.memory_space<hbm>> -> memref<1x16384xf32, #tpu.memory_space<hbm>>
      %dma_start3A_1007 = arith.constant 0 : i32
      %dma_start3A_1008 = arith.constant 0 : i32
      %dma_start3A_1009 = tpu.memref_slice %arg7[%dma_start3A_998, %dma_start3A_1007, %dma_start3A_1008] : memref<5x1x16384xf32, #tpu.memory_space<vmem>> -> memref<1x1x16384xf32, #tpu.memory_space<vmem>>
      %dma_start3A_1010 = tpu.memref_squeeze %dma_start3A_1009 : memref<1x1x16384xf32, #tpu.memory_space<vmem>> -> memref<1x16384xf32, #tpu.memory_space<vmem>>
      tpu.enqueue_dma source(%dma_start3A_1010 : memref<1x16384xf32, #tpu.memory_space<vmem>>) target(%dma_start3A_1006 : memref<1x16384xf32, #tpu.memory_space<hbm>>) target_semaphore(%arg16 : memref<!tpu.dma_semaphore, #tpu.memory_space<semaphore_mem>>)
    } else {
    }
    %not3A_452 = arith.constant true
    %not3A_453 = arith.xori %eq3A_236, %not3A_452 : i1
    %convert_element_type3A_454 = arith.extui %not3A_453 : i1 to i32
    %cond3A_455 = arith.constant 0 : i32
    %cond3A_456 = arith.cmpi ne, %convert_element_type3A_454, %cond3A_455 : i32
    scf.if %cond3A_456 {
      %dma_start3A_992 = arith.constant 3 : i32
      %dma_start3A_993 = arith.constant 0 : i32
      %dma_start3A_994 = arith.constant 0 : i32
      %dma_start3A_995 = arith.constant 0 : i32
      %dma_start3A_996 = tpu.memref_slice %arg8[%dma_start3A_993, %dma_start3A_994, %dma_start3A_995] : memref<1x1x16384xf32, #tpu.memory_space<vmem>> -> memref<1x1x16384xf32, #tpu.memory_space<vmem>>
      %dma_start3A_997 = tpu.memref_squeeze %dma_start3A_996 : memref<1x1x16384xf32, #tpu.memory_space<vmem>> -> memref<1x16384xf32, #tpu.memory_space<vmem>>
      %dma_start3A_998 = arith.constant 0 : i32
      %dma_start3A_999 = tpu.memref_slice %arg6[%dma_start3A_992, %dma_start3A_998] : memref<4x16xi32, #tpu.memory_space<vmem>> -> memref<1x1xi32, #tpu.memory_space<vmem>>
      %dma_start3A_1000 = tpu.memref_squeeze %dma_start3A_999 : memref<1x1xi32, #tpu.memory_space<vmem>> -> memref<1xi32, #tpu.memory_space<vmem>>
      %dma_start3A_1001 = arith.constant 0 : i32
      %dma_start3A_1002 = arith.constant 32768 : i32
      %dma_start3A_1003 = tpu.memref_slice %arg2[%dma_start3A_1001, %dma_start3A_1002] : memref<64x65536xf32, #tpu.memory_space<hbm>> -> memref<64x16384xf32, #tpu.memory_space<hbm>>
      tpu.enqueue_indirect_dma source(%dma_start3A_1003 : memref<64x16384xf32, #tpu.memory_space<hbm>>) target(%dma_start3A_997 : memref<1x16384xf32, #tpu.memory_space<vmem>>) offsets(%dma_start3A_1000 : memref<1xi32, #tpu.memory_space<vmem>>) semaphore(%arg19 : memref<!tpu.dma_semaphore, #tpu.memory_space<semaphore_mem>>)
      %dma_wait3A_1004 = arith.constant 3 : i32
      %dma_wait3A_1005 = arith.constant 0 : i32
      %dma_wait3A_1006 = arith.constant 0 : i32
      %dma_wait3A_1007 = arith.constant 0 : i32
      %dma_wait3A_1008 = tpu.memref_slice %arg8[%dma_wait3A_1005, %dma_wait3A_1006, %dma_wait3A_1007] : memref<1x1x16384xf32, #tpu.memory_space<vmem>> -> memref<1x1x16384xf32, #tpu.memory_space<vmem>>
      %dma_wait3A_1009 = tpu.memref_squeeze %dma_wait3A_1008 : memref<1x1x16384xf32, #tpu.memory_space<vmem>> -> memref<1x16384xf32, #tpu.memory_space<vmem>>
      %dma_wait3A_1010 = arith.constant 0 : i32
      %dma_wait3A_1011 = tpu.memref_slice %arg6[%dma_wait3A_1004, %dma_wait3A_1010] : memref<4x16xi32, #tpu.memory_space<vmem>> -> memref<1x1xi32, #tpu.memory_space<vmem>>
      %dma_wait3A_1012 = tpu.memref_squeeze %dma_wait3A_1011 : memref<1x1xi32, #tpu.memory_space<vmem>> -> memref<1xi32, #tpu.memory_space<vmem>>
      %dma_wait3A_1013 = arith.constant 0 : i32
      %dma_wait3A_1014 = arith.constant 32768 : i32
      %dma_wait3A_1015 = tpu.memref_slice %arg2[%dma_wait3A_1013, %dma_wait3A_1014] : memref<64x65536xf32, #tpu.memory_space<hbm>> -> memref<64x16384xf32, #tpu.memory_space<hbm>>
      tpu.wait_indirect_dma semaphore(%arg19 : memref<!tpu.dma_semaphore, #tpu.memory_space<semaphore_mem>>) src(%dma_wait3A_1015 : memref<64x16384xf32, #tpu.memory_space<hbm>>) dst(%dma_wait3A_1009 : memref<1x16384xf32, #tpu.memory_space<vmem>>)
      %mul3A_1016 = arith.constant 2 : i32
      %mul3A_1017 = arith.muli %add3A, %mul3A_1016 : i32
      %add3A_1018 = arith.constant 192 : i32
      %add3A_1019 = arith.addi %add3A_1018, %mul3A_1017 : i32
      %add3A_1020 = arith.constant 0 : i32
      %add3A_1021 = arith.addi %add3A_1019, %add3A_1020 : i32
      %dma_start3A_1022 = arith.constant 0 : i32
      %dma_start3A_1023 = arith.constant 0 : i32
      %dma_start3A_1024 = arith.constant 0 : i32
      %dma_start3A_1025 = tpu.memref_slice %arg8[%dma_start3A_1022, %dma_start3A_1023, %dma_start3A_1024] : memref<1x1x16384xf32, #tpu.memory_space<vmem>> -> memref<1x1x16384xf32, #tpu.memory_space<vmem>>
      %dma_start3A_1026 = tpu.memref_squeeze %dma_start3A_1025 : memref<1x1x16384xf32, #tpu.memory_space<vmem>> -> memref<1x16384xf32, #tpu.memory_space<vmem>>
      %dma_start3A_1027 = arith.constant 32768 : i32
      %dma_start3A_1028 = tpu.memref_slice %arg4[%add3A_1021, %dma_start3A_1027] : memref<256x65536xf32, #tpu.memory_space<hbm>> -> memref<1x16384xf32, #tpu.memory_space<hbm>>
      %dma_start3A_1029 = arith.constant 32768 : i32
      %dma_start3A_1030 = tpu.memref_slice %arg4[%add3A_1021, %dma_start3A_1029] : memref<256x65536xf32, #tpu.memory_space<hbm>> -> memref<1x16384xf32, #tpu.memory_space<hbm>>
      %dma_start3A_1031 = arith.constant 0 : i32
      %dma_start3A_1032 = arith.constant 0 : i32
      %dma_start3A_1033 = tpu.memref_slice %arg8[%dma_start3A_1022, %dma_start3A_1031, %dma_start3A_1032] : memref<1x1x16384xf32, #tpu.memory_space<vmem>> -> memref<1x1x16384xf32, #tpu.memory_space<vmem>>
      %dma_start3A_1034 = tpu.memref_squeeze %dma_start3A_1033 : memref<1x1x16384xf32, #tpu.memory_space<vmem>> -> memref<1x16384xf32, #tpu.memory_space<vmem>>
      tpu.enqueue_dma source(%dma_start3A_1034 : memref<1x16384xf32, #tpu.memory_space<vmem>>) target(%dma_start3A_1030 : memref<1x16384xf32, #tpu.memory_space<hbm>>) target_semaphore(%arg20 : memref<!tpu.dma_semaphore, #tpu.memory_space<semaphore_mem>>)
      %mul3A_1035 = arith.constant 2 : i32
      %mul3A_1036 = arith.muli %add3A, %mul3A_1035 : i32
      %add3A_1037 = arith.constant 192 : i32
      %add3A_1038 = arith.addi %add3A_1037, %mul3A_1036 : i32
      %add3A_1039 = arith.constant 0 : i32
      %add3A_1040 = arith.addi %add3A_1038, %add3A_1039 : i32
      %dma_wait3A_1041 = arith.constant 0 : i32
      %dma_wait3A_1042 = arith.constant 0 : i32
      %dma_wait3A_1043 = arith.constant 0 : i32
      %dma_wait3A_1044 = tpu.memref_slice %arg8[%dma_wait3A_1041, %dma_wait3A_1042, %dma_wait3A_1043] : memref<1x1x16384xf32, #tpu.memory_space<vmem>> -> memref<1x1x16384xf32, #tpu.memory_space<vmem>>
      %dma_wait3A_1045 = tpu.memref_squeeze %dma_wait3A_1044 : memref<1x1x16384xf32, #tpu.memory_space<vmem>> -> memref<1x16384xf32, #tpu.memory_space<vmem>>
      %dma_wait3A_1046 = arith.constant 32768 : i32
      %dma_wait3A_1047 = tpu.memref_slice %arg4[%add3A_1040, %dma_wait3A_1046] : memref<256x65536xf32, #tpu.memory_space<hbm>> -> memref<1x16384xf32, #tpu.memory_space<hbm>>
      %dma_wait3A_1048 = arith.constant 32768 : i32
      %dma_wait3A_1049 = tpu.memref_slice %arg4[%add3A_1040, %dma_wait3A_1048] : memref<256x65536xf32, #tpu.memory_space<hbm>> -> memref<1x16384xf32, #tpu.memory_space<hbm>>
      %dma_wait3A_1050 = arith.constant 0 : i32
      %dma_wait3A_1051 = arith.constant 0 : i32
      %dma_wait3A_1052 = tpu.memref_slice %arg8[%dma_wait3A_1041, %dma_wait3A_1050, %dma_wait3A_1051] : memref<1x1x16384xf32, #tpu.memory_space<vmem>> -> memref<1x1x16384xf32, #tpu.memory_space<vmem>>
      %dma_wait3A_1053 = tpu.memref_squeeze %dma_wait3A_1052 : memref<1x1x16384xf32, #tpu.memory_space<vmem>> -> memref<1x16384xf32, #tpu.memory_space<vmem>>
      tpu.wait_dma2 semaphore(%arg20 : memref<!tpu.dma_semaphore, #tpu.memory_space<semaphore_mem>>) src(%dma_wait3A_1053 : memref<1x16384xf32, #tpu.memory_space<vmem>>) dst(%dma_wait3A_1049 : memref<1x16384xf32, #tpu.memory_space<hbm>>)
    } else {
    }
    %mul3A_457 = arith.constant 2 : i32
    %mul3A_458 = arith.muli %add3A, %mul3A_457 : i32
    %add3A_459 = arith.constant 0 : i32
    %add3A_460 = arith.addi %add3A_459, %mul3A_458 : i32
    %add3A_461 = arith.constant 0 : i32
    %add3A_462 = arith.addi %add3A_460, %add3A_461 : i32
    %dma_wait3A_463 = arith.constant 0 : i32
    %dma_wait3A_464 = arith.constant 0 : i32
    %dma_wait3A_465 = arith.constant 0 : i32
    %dma_wait3A_466 = tpu.memref_slice %arg7[%dma_wait3A_463, %dma_wait3A_464, %dma_wait3A_465] : memref<5x1x16384xf32, #tpu.memory_space<vmem>> -> memref<1x1x16384xf32, #tpu.memory_space<vmem>>
    %dma_wait3A_467 = tpu.memref_squeeze %dma_wait3A_466 : memref<1x1x16384xf32, #tpu.memory_space<vmem>> -> memref<1x16384xf32, #tpu.memory_space<vmem>>
    %dma_wait3A_468 = arith.constant 0 : i32
    %dma_wait3A_469 = tpu.memref_slice %arg4[%add3A_462, %dma_wait3A_468] : memref<256x65536xf32, #tpu.memory_space<hbm>> -> memref<1x16384xf32, #tpu.memory_space<hbm>>
    %dma_wait3A_470 = arith.constant 0 : i32
    %dma_wait3A_471 = tpu.memref_slice %arg4[%add3A_462, %dma_wait3A_470] : memref<256x65536xf32, #tpu.memory_space<hbm>> -> memref<1x16384xf32, #tpu.memory_space<hbm>>
    %dma_wait3A_472 = arith.constant 0 : i32
    %dma_wait3A_473 = arith.constant 0 : i32
    %dma_wait3A_474 = tpu.memref_slice %arg7[%dma_wait3A_463, %dma_wait3A_472, %dma_wait3A_473] : memref<5x1x16384xf32, #tpu.memory_space<vmem>> -> memref<1x1x16384xf32, #tpu.memory_space<vmem>>
    %dma_wait3A_475 = tpu.memref_squeeze %dma_wait3A_474 : memref<1x1x16384xf32, #tpu.memory_space<vmem>> -> memref<1x16384xf32, #tpu.memory_space<vmem>>
    tpu.wait_dma2 semaphore(%arg14 : memref<!tpu.dma_semaphore, #tpu.memory_space<semaphore_mem>>) src(%dma_wait3A_475 : memref<1x16384xf32, #tpu.memory_space<vmem>>) dst(%dma_wait3A_471 : memref<1x16384xf32, #tpu.memory_space<hbm>>)
    %convert_element_type3A_476 = arith.extui %eq3A_200 : i1 to i32
    %cond3A_477 = arith.constant 0 : i32
    %cond3A_478 = arith.cmpi ne, %convert_element_type3A_476, %cond3A_477 : i32
    scf.if %cond3A_478 {
      %mul3A_992 = arith.constant 2 : i32
      %mul3A_993 = arith.muli %add3A, %mul3A_992 : i32
      %add3A_994 = arith.constant 64 : i32
      %add3A_995 = arith.addi %add3A_994, %mul3A_993 : i32
      %add3A_996 = arith.constant 0 : i32
      %add3A_997 = arith.addi %add3A_995, %add3A_996 : i32
      %dma_wait3A_998 = arith.constant 0 : i32
      %dma_wait3A_999 = arith.constant 0 : i32
      %dma_wait3A_1000 = arith.constant 0 : i32
      %dma_wait3A_1001 = tpu.memref_slice %arg7[%dma_wait3A_998, %dma_wait3A_999, %dma_wait3A_1000] : memref<5x1x16384xf32, #tpu.memory_space<vmem>> -> memref<1x1x16384xf32, #tpu.memory_space<vmem>>
      %dma_wait3A_1002 = tpu.memref_squeeze %dma_wait3A_1001 : memref<1x1x16384xf32, #tpu.memory_space<vmem>> -> memref<1x16384xf32, #tpu.memory_space<vmem>>
      %dma_wait3A_1003 = arith.constant 0 : i32
      %dma_wait3A_1004 = tpu.memref_slice %arg4[%add3A_997, %dma_wait3A_1003] : memref<256x65536xf32, #tpu.memory_space<hbm>> -> memref<1x16384xf32, #tpu.memory_space<hbm>>
      %dma_wait3A_1005 = arith.constant 0 : i32
      %dma_wait3A_1006 = tpu.memref_slice %arg4[%add3A_997, %dma_wait3A_1005] : memref<256x65536xf32, #tpu.memory_space<hbm>> -> memref<1x16384xf32, #tpu.memory_space<hbm>>
      %dma_wait3A_1007 = arith.constant 0 : i32
      %dma_wait3A_1008 = arith.constant 0 : i32
      %dma_wait3A_1009 = tpu.memref_slice %arg7[%dma_wait3A_998, %dma_wait3A_1007, %dma_wait3A_1008] : memref<5x1x16384xf32, #tpu.memory_space<vmem>> -> memref<1x1x16384xf32, #tpu.memory_space<vmem>>
      %dma_wait3A_1010 = tpu.memref_squeeze %dma_wait3A_1009 : memref<1x1x16384xf32, #tpu.memory_space<vmem>> -> memref<1x16384xf32, #tpu.memory_space<vmem>>
      tpu.wait_dma2 semaphore(%arg14 : memref<!tpu.dma_semaphore, #tpu.memory_space<semaphore_mem>>) src(%dma_wait3A_1010 : memref<1x16384xf32, #tpu.memory_space<vmem>>) dst(%dma_wait3A_1006 : memref<1x16384xf32, #tpu.memory_space<hbm>>)
    } else {
    }
    %convert_element_type3A_479 = arith.extui %eq3A_218 : i1 to i32
    %cond3A_480 = arith.constant 0 : i32
    %cond3A_481 = arith.cmpi ne, %convert_element_type3A_479, %cond3A_480 : i32
    scf.if %cond3A_481 {
      %mul3A_992 = arith.constant 2 : i32
      %mul3A_993 = arith.muli %add3A, %mul3A_992 : i32
      %add3A_994 = arith.constant 128 : i32
      %add3A_995 = arith.addi %add3A_994, %mul3A_993 : i32
      %add3A_996 = arith.constant 0 : i32
      %add3A_997 = arith.addi %add3A_995, %add3A_996 : i32
      %dma_wait3A_998 = arith.constant 0 : i32
      %dma_wait3A_999 = arith.constant 0 : i32
      %dma_wait3A_1000 = arith.constant 0 : i32
      %dma_wait3A_1001 = tpu.memref_slice %arg7[%dma_wait3A_998, %dma_wait3A_999, %dma_wait3A_1000] : memref<5x1x16384xf32, #tpu.memory_space<vmem>> -> memref<1x1x16384xf32, #tpu.memory_space<vmem>>
      %dma_wait3A_1002 = tpu.memref_squeeze %dma_wait3A_1001 : memref<1x1x16384xf32, #tpu.memory_space<vmem>> -> memref<1x16384xf32, #tpu.memory_space<vmem>>
      %dma_wait3A_1003 = arith.constant 0 : i32
      %dma_wait3A_1004 = tpu.memref_slice %arg4[%add3A_997, %dma_wait3A_1003] : memref<256x65536xf32, #tpu.memory_space<hbm>> -> memref<1x16384xf32, #tpu.memory_space<hbm>>
      %dma_wait3A_1005 = arith.constant 0 : i32
      %dma_wait3A_1006 = tpu.memref_slice %arg4[%add3A_997, %dma_wait3A_1005] : memref<256x65536xf32, #tpu.memory_space<hbm>> -> memref<1x16384xf32, #tpu.memory_space<hbm>>
      %dma_wait3A_1007 = arith.constant 0 : i32
      %dma_wait3A_1008 = arith.constant 0 : i32
      %dma_wait3A_1009 = tpu.memref_slice %arg7[%dma_wait3A_998, %dma_wait3A_1007, %dma_wait3A_1008] : memref<5x1x16384xf32, #tpu.memory_space<vmem>> -> memref<1x1x16384xf32, #tpu.memory_space<vmem>>
      %dma_wait3A_1010 = tpu.memref_squeeze %dma_wait3A_1009 : memref<1x1x16384xf32, #tpu.memory_space<vmem>> -> memref<1x16384xf32, #tpu.memory_space<vmem>>
      tpu.wait_dma2 semaphore(%arg14 : memref<!tpu.dma_semaphore, #tpu.memory_space<semaphore_mem>>) src(%dma_wait3A_1010 : memref<1x16384xf32, #tpu.memory_space<vmem>>) dst(%dma_wait3A_1006 : memref<1x16384xf32, #tpu.memory_space<hbm>>)
    } else {
    }
    %convert_element_type3A_482 = arith.extui %eq3A_236 : i1 to i32
    %cond3A_483 = arith.constant 0 : i32
    %cond3A_484 = arith.cmpi ne, %convert_element_type3A_482, %cond3A_483 : i32
    scf.if %cond3A_484 {
      %mul3A_992 = arith.constant 2 : i32
      %mul3A_993 = arith.muli %add3A, %mul3A_992 : i32
      %add3A_994 = arith.constant 192 : i32
      %add3A_995 = arith.addi %add3A_994, %mul3A_993 : i32
      %add3A_996 = arith.constant 0 : i32
      %add3A_997 = arith.addi %add3A_995, %add3A_996 : i32
      %dma_wait3A_998 = arith.constant 0 : i32
      %dma_wait3A_999 = arith.constant 0 : i32
      %dma_wait3A_1000 = arith.constant 0 : i32
      %dma_wait3A_1001 = tpu.memref_slice %arg7[%dma_wait3A_998, %dma_wait3A_999, %dma_wait3A_1000] : memref<5x1x16384xf32, #tpu.memory_space<vmem>> -> memref<1x1x16384xf32, #tpu.memory_space<vmem>>
      %dma_wait3A_1002 = tpu.memref_squeeze %dma_wait3A_1001 : memref<1x1x16384xf32, #tpu.memory_space<vmem>> -> memref<1x16384xf32, #tpu.memory_space<vmem>>
      %dma_wait3A_1003 = arith.constant 0 : i32
      %dma_wait3A_1004 = tpu.memref_slice %arg4[%add3A_997, %dma_wait3A_1003] : memref<256x65536xf32, #tpu.memory_space<hbm>> -> memref<1x16384xf32, #tpu.memory_space<hbm>>
      %dma_wait3A_1005 = arith.constant 0 : i32
      %dma_wait3A_1006 = tpu.memref_slice %arg4[%add3A_997, %dma_wait3A_1005] : memref<256x65536xf32, #tpu.memory_space<hbm>> -> memref<1x16384xf32, #tpu.memory_space<hbm>>
      %dma_wait3A_1007 = arith.constant 0 : i32
      %dma_wait3A_1008 = arith.constant 0 : i32
      %dma_wait3A_1009 = tpu.memref_slice %arg7[%dma_wait3A_998, %dma_wait3A_1007, %dma_wait3A_1008] : memref<5x1x16384xf32, #tpu.memory_space<vmem>> -> memref<1x1x16384xf32, #tpu.memory_space<vmem>>
      %dma_wait3A_1010 = tpu.memref_squeeze %dma_wait3A_1009 : memref<1x1x16384xf32, #tpu.memory_space<vmem>> -> memref<1x16384xf32, #tpu.memory_space<vmem>>
      tpu.wait_dma2 semaphore(%arg14 : memref<!tpu.dma_semaphore, #tpu.memory_space<semaphore_mem>>) src(%dma_wait3A_1010 : memref<1x16384xf32, #tpu.memory_space<vmem>>) dst(%dma_wait3A_1006 : memref<1x16384xf32, #tpu.memory_space<hbm>>)
    } else {
    }
    %dma_start3A_485 = arith.constant 0 : i32
    %dma_start3A_486 = arith.constant 0 : i32
    %dma_start3A_487 = arith.constant 0 : i32
    %dma_start3A_488 = arith.constant 0 : i32
    %dma_start3A_489 = tpu.memref_slice %arg7[%dma_start3A_486, %dma_start3A_487, %dma_start3A_488] : memref<5x1x16384xf32, #tpu.memory_space<vmem>> -> memref<1x1x16384xf32, #tpu.memory_space<vmem>>
    %dma_start3A_490 = tpu.memref_squeeze %dma_start3A_489 : memref<1x1x16384xf32, #tpu.memory_space<vmem>> -> memref<1x16384xf32, #tpu.memory_space<vmem>>
    %dma_start3A_491 = arith.constant 1 : i32
    %dma_start3A_492 = tpu.memref_slice %arg6[%dma_start3A_485, %dma_start3A_491] : memref<4x16xi32, #tpu.memory_space<vmem>> -> memref<1x1xi32, #tpu.memory_space<vmem>>
    %dma_start3A_493 = tpu.memref_squeeze %dma_start3A_492 : memref<1x1xi32, #tpu.memory_space<vmem>> -> memref<1xi32, #tpu.memory_space<vmem>>
    %dma_start3A_494 = arith.constant 0 : i32
    %dma_start3A_495 = arith.constant 16384 : i32
    %dma_start3A_496 = tpu.memref_slice %arg2[%dma_start3A_494, %dma_start3A_495] : memref<64x65536xf32, #tpu.memory_space<hbm>> -> memref<64x16384xf32, #tpu.memory_space<hbm>>
    tpu.enqueue_indirect_dma source(%dma_start3A_496 : memref<64x16384xf32, #tpu.memory_space<hbm>>) target(%dma_start3A_490 : memref<1x16384xf32, #tpu.memory_space<vmem>>) offsets(%dma_start3A_493 : memref<1xi32, #tpu.memory_space<vmem>>) semaphore(%arg9 : memref<!tpu.dma_semaphore, #tpu.memory_space<semaphore_mem>>)
    %dma_wait3A_497 = arith.constant 0 : i32
    %dma_wait3A_498 = arith.constant 3 : i32
    %dma_wait3A_499 = arith.constant 0 : i32
    %dma_wait3A_500 = arith.constant 0 : i32
    %dma_wait3A_501 = tpu.memref_slice %arg7[%dma_wait3A_498, %dma_wait3A_499, %dma_wait3A_500] : memref<5x1x16384xf32, #tpu.memory_space<vmem>> -> memref<1x1x16384xf32, #tpu.memory_space<vmem>>
    %dma_wait3A_502 = tpu.memref_squeeze %dma_wait3A_501 : memref<1x1x16384xf32, #tpu.memory_space<vmem>> -> memref<1x16384xf32, #tpu.memory_space<vmem>>
    %dma_wait3A_503 = arith.constant 0 : i32
    %dma_wait3A_504 = tpu.memref_slice %arg6[%dma_wait3A_497, %dma_wait3A_503] : memref<4x16xi32, #tpu.memory_space<vmem>> -> memref<1x1xi32, #tpu.memory_space<vmem>>
    %dma_wait3A_505 = tpu.memref_squeeze %dma_wait3A_504 : memref<1x1xi32, #tpu.memory_space<vmem>> -> memref<1xi32, #tpu.memory_space<vmem>>
    %dma_wait3A_506 = arith.constant 0 : i32
    %dma_wait3A_507 = arith.constant 49152 : i32
    %dma_wait3A_508 = tpu.memref_slice %arg2[%dma_wait3A_506, %dma_wait3A_507] : memref<64x65536xf32, #tpu.memory_space<hbm>> -> memref<64x16384xf32, #tpu.memory_space<hbm>>
    tpu.wait_indirect_dma semaphore(%arg12 : memref<!tpu.dma_semaphore, #tpu.memory_space<semaphore_mem>>) src(%dma_wait3A_508 : memref<64x16384xf32, #tpu.memory_space<hbm>>) dst(%dma_wait3A_502 : memref<1x16384xf32, #tpu.memory_space<vmem>>)
    %mul3A_509 = arith.constant 2 : i32
    %mul3A_510 = arith.muli %add3A, %mul3A_509 : i32
    %add3A_511 = arith.constant 0 : i32
    %add3A_512 = arith.addi %add3A_511, %mul3A_510 : i32
    %add3A_513 = arith.constant 0 : i32
    %add3A_514 = arith.addi %add3A_512, %add3A_513 : i32
    %dma_start3A_515 = arith.constant 3 : i32
    %dma_start3A_516 = arith.constant 0 : i32
    %dma_start3A_517 = arith.constant 0 : i32
    %dma_start3A_518 = tpu.memref_slice %arg7[%dma_start3A_515, %dma_start3A_516, %dma_start3A_517] : memref<5x1x16384xf32, #tpu.memory_space<vmem>> -> memref<1x1x16384xf32, #tpu.memory_space<vmem>>
    %dma_start3A_519 = tpu.memref_squeeze %dma_start3A_518 : memref<1x1x16384xf32, #tpu.memory_space<vmem>> -> memref<1x16384xf32, #tpu.memory_space<vmem>>
    %dma_start3A_520 = arith.constant 49152 : i32
    %dma_start3A_521 = tpu.memref_slice %arg4[%add3A_514, %dma_start3A_520] : memref<256x65536xf32, #tpu.memory_space<hbm>> -> memref<1x16384xf32, #tpu.memory_space<hbm>>
    %dma_start3A_522 = arith.constant 49152 : i32
    %dma_start3A_523 = tpu.memref_slice %arg4[%add3A_514, %dma_start3A_522] : memref<256x65536xf32, #tpu.memory_space<hbm>> -> memref<1x16384xf32, #tpu.memory_space<hbm>>
    %dma_start3A_524 = arith.constant 0 : i32
    %dma_start3A_525 = arith.constant 0 : i32
    %dma_start3A_526 = tpu.memref_slice %arg7[%dma_start3A_515, %dma_start3A_524, %dma_start3A_525] : memref<5x1x16384xf32, #tpu.memory_space<vmem>> -> memref<1x1x16384xf32, #tpu.memory_space<vmem>>
    %dma_start3A_527 = tpu.memref_squeeze %dma_start3A_526 : memref<1x1x16384xf32, #tpu.memory_space<vmem>> -> memref<1x16384xf32, #tpu.memory_space<vmem>>
    tpu.enqueue_dma source(%dma_start3A_527 : memref<1x16384xf32, #tpu.memory_space<vmem>>) target(%dma_start3A_523 : memref<1x16384xf32, #tpu.memory_space<hbm>>) target_semaphore(%arg17 : memref<!tpu.dma_semaphore, #tpu.memory_space<semaphore_mem>>)
    %convert_element_type3A_528 = arith.extui %eq3A_200 : i1 to i32
    %cond3A_529 = arith.constant 0 : i32
    %cond3A_530 = arith.cmpi ne, %convert_element_type3A_528, %cond3A_529 : i32
    scf.if %cond3A_530 {
      %mul3A_992 = arith.constant 2 : i32
      %mul3A_993 = arith.muli %add3A, %mul3A_992 : i32
      %add3A_994 = arith.constant 64 : i32
      %add3A_995 = arith.addi %add3A_994, %mul3A_993 : i32
      %add3A_996 = arith.constant 0 : i32
      %add3A_997 = arith.addi %add3A_995, %add3A_996 : i32
      %dma_start3A_998 = arith.constant 3 : i32
      %dma_start3A_999 = arith.constant 0 : i32
      %dma_start3A_1000 = arith.constant 0 : i32
      %dma_start3A_1001 = tpu.memref_slice %arg7[%dma_start3A_998, %dma_start3A_999, %dma_start3A_1000] : memref<5x1x16384xf32, #tpu.memory_space<vmem>> -> memref<1x1x16384xf32, #tpu.memory_space<vmem>>
      %dma_start3A_1002 = tpu.memref_squeeze %dma_start3A_1001 : memref<1x1x16384xf32, #tpu.memory_space<vmem>> -> memref<1x16384xf32, #tpu.memory_space<vmem>>
      %dma_start3A_1003 = arith.constant 49152 : i32
      %dma_start3A_1004 = tpu.memref_slice %arg4[%add3A_997, %dma_start3A_1003] : memref<256x65536xf32, #tpu.memory_space<hbm>> -> memref<1x16384xf32, #tpu.memory_space<hbm>>
      %dma_start3A_1005 = arith.constant 49152 : i32
      %dma_start3A_1006 = tpu.memref_slice %arg4[%add3A_997, %dma_start3A_1005] : memref<256x65536xf32, #tpu.memory_space<hbm>> -> memref<1x16384xf32, #tpu.memory_space<hbm>>
      %dma_start3A_1007 = arith.constant 0 : i32
      %dma_start3A_1008 = arith.constant 0 : i32
      %dma_start3A_1009 = tpu.memref_slice %arg7[%dma_start3A_998, %dma_start3A_1007, %dma_start3A_1008] : memref<5x1x16384xf32, #tpu.memory_space<vmem>> -> memref<1x1x16384xf32, #tpu.memory_space<vmem>>
      %dma_start3A_1010 = tpu.memref_squeeze %dma_start3A_1009 : memref<1x1x16384xf32, #tpu.memory_space<vmem>> -> memref<1x16384xf32, #tpu.memory_space<vmem>>
      tpu.enqueue_dma source(%dma_start3A_1010 : memref<1x16384xf32, #tpu.memory_space<vmem>>) target(%dma_start3A_1006 : memref<1x16384xf32, #tpu.memory_space<hbm>>) target_semaphore(%arg17 : memref<!tpu.dma_semaphore, #tpu.memory_space<semaphore_mem>>)
    } else {
    }
    %not3A_531 = arith.constant true
    %not3A_532 = arith.xori %eq3A_200, %not3A_531 : i1
    %convert_element_type3A_533 = arith.extui %not3A_532 : i1 to i32
    %cond3A_534 = arith.constant 0 : i32
    %cond3A_535 = arith.cmpi ne, %convert_element_type3A_533, %cond3A_534 : i32
    scf.if %cond3A_535 {
      %dma_start3A_992 = arith.constant 1 : i32
      %dma_start3A_993 = arith.constant 0 : i32
      %dma_start3A_994 = arith.constant 0 : i32
      %dma_start3A_995 = arith.constant 0 : i32
      %dma_start3A_996 = tpu.memref_slice %arg8[%dma_start3A_993, %dma_start3A_994, %dma_start3A_995] : memref<1x1x16384xf32, #tpu.memory_space<vmem>> -> memref<1x1x16384xf32, #tpu.memory_space<vmem>>
      %dma_start3A_997 = tpu.memref_squeeze %dma_start3A_996 : memref<1x1x16384xf32, #tpu.memory_space<vmem>> -> memref<1x16384xf32, #tpu.memory_space<vmem>>
      %dma_start3A_998 = arith.constant 0 : i32
      %dma_start3A_999 = tpu.memref_slice %arg6[%dma_start3A_992, %dma_start3A_998] : memref<4x16xi32, #tpu.memory_space<vmem>> -> memref<1x1xi32, #tpu.memory_space<vmem>>
      %dma_start3A_1000 = tpu.memref_squeeze %dma_start3A_999 : memref<1x1xi32, #tpu.memory_space<vmem>> -> memref<1xi32, #tpu.memory_space<vmem>>
      %dma_start3A_1001 = arith.constant 0 : i32
      %dma_start3A_1002 = arith.constant 49152 : i32
      %dma_start3A_1003 = tpu.memref_slice %arg2[%dma_start3A_1001, %dma_start3A_1002] : memref<64x65536xf32, #tpu.memory_space<hbm>> -> memref<64x16384xf32, #tpu.memory_space<hbm>>
      tpu.enqueue_indirect_dma source(%dma_start3A_1003 : memref<64x16384xf32, #tpu.memory_space<hbm>>) target(%dma_start3A_997 : memref<1x16384xf32, #tpu.memory_space<vmem>>) offsets(%dma_start3A_1000 : memref<1xi32, #tpu.memory_space<vmem>>) semaphore(%arg19 : memref<!tpu.dma_semaphore, #tpu.memory_space<semaphore_mem>>)
      %dma_wait3A_1004 = arith.constant 1 : i32
      %dma_wait3A_1005 = arith.constant 0 : i32
      %dma_wait3A_1006 = arith.constant 0 : i32
      %dma_wait3A_1007 = arith.constant 0 : i32
      %dma_wait3A_1008 = tpu.memref_slice %arg8[%dma_wait3A_1005, %dma_wait3A_1006, %dma_wait3A_1007] : memref<1x1x16384xf32, #tpu.memory_space<vmem>> -> memref<1x1x16384xf32, #tpu.memory_space<vmem>>
      %dma_wait3A_1009 = tpu.memref_squeeze %dma_wait3A_1008 : memref<1x1x16384xf32, #tpu.memory_space<vmem>> -> memref<1x16384xf32, #tpu.memory_space<vmem>>
      %dma_wait3A_1010 = arith.constant 0 : i32
      %dma_wait3A_1011 = tpu.memref_slice %arg6[%dma_wait3A_1004, %dma_wait3A_1010] : memref<4x16xi32, #tpu.memory_space<vmem>> -> memref<1x1xi32, #tpu.memory_space<vmem>>
      %dma_wait3A_1012 = tpu.memref_squeeze %dma_wait3A_1011 : memref<1x1xi32, #tpu.memory_space<vmem>> -> memref<1xi32, #tpu.memory_space<vmem>>
      %dma_wait3A_1013 = arith.constant 0 : i32
      %dma_wait3A_1014 = arith.constant 49152 : i32
      %dma_wait3A_1015 = tpu.memref_slice %arg2[%dma_wait3A_1013, %dma_wait3A_1014] : memref<64x65536xf32, #tpu.memory_space<hbm>> -> memref<64x16384xf32, #tpu.memory_space<hbm>>
      tpu.wait_indirect_dma semaphore(%arg19 : memref<!tpu.dma_semaphore, #tpu.memory_space<semaphore_mem>>) src(%dma_wait3A_1015 : memref<64x16384xf32, #tpu.memory_space<hbm>>) dst(%dma_wait3A_1009 : memref<1x16384xf32, #tpu.memory_space<vmem>>)
      %mul3A_1016 = arith.constant 2 : i32
      %mul3A_1017 = arith.muli %add3A, %mul3A_1016 : i32
      %add3A_1018 = arith.constant 64 : i32
      %add3A_1019 = arith.addi %add3A_1018, %mul3A_1017 : i32
      %add3A_1020 = arith.constant 0 : i32
      %add3A_1021 = arith.addi %add3A_1019, %add3A_1020 : i32
      %dma_start3A_1022 = arith.constant 0 : i32
      %dma_start3A_1023 = arith.constant 0 : i32
      %dma_start3A_1024 = arith.constant 0 : i32
      %dma_start3A_1025 = tpu.memref_slice %arg8[%dma_start3A_1022, %dma_start3A_1023, %dma_start3A_1024] : memref<1x1x16384xf32, #tpu.memory_space<vmem>> -> memref<1x1x16384xf32, #tpu.memory_space<vmem>>
      %dma_start3A_1026 = tpu.memref_squeeze %dma_start3A_1025 : memref<1x1x16384xf32, #tpu.memory_space<vmem>> -> memref<1x16384xf32, #tpu.memory_space<vmem>>
      %dma_start3A_1027 = arith.constant 49152 : i32
      %dma_start3A_1028 = tpu.memref_slice %arg4[%add3A_1021, %dma_start3A_1027] : memref<256x65536xf32, #tpu.memory_space<hbm>> -> memref<1x16384xf32, #tpu.memory_space<hbm>>
      %dma_start3A_1029 = arith.constant 49152 : i32
      %dma_start3A_1030 = tpu.memref_slice %arg4[%add3A_1021, %dma_start3A_1029] : memref<256x65536xf32, #tpu.memory_space<hbm>> -> memref<1x16384xf32, #tpu.memory_space<hbm>>
      %dma_start3A_1031 = arith.constant 0 : i32
      %dma_start3A_1032 = arith.constant 0 : i32
      %dma_start3A_1033 = tpu.memref_slice %arg8[%dma_start3A_1022, %dma_start3A_1031, %dma_start3A_1032] : memref<1x1x16384xf32, #tpu.memory_space<vmem>> -> memref<1x1x16384xf32, #tpu.memory_space<vmem>>
      %dma_start3A_1034 = tpu.memref_squeeze %dma_start3A_1033 : memref<1x1x16384xf32, #tpu.memory_space<vmem>> -> memref<1x16384xf32, #tpu.memory_space<vmem>>
      tpu.enqueue_dma source(%dma_start3A_1034 : memref<1x16384xf32, #tpu.memory_space<vmem>>) target(%dma_start3A_1030 : memref<1x16384xf32, #tpu.memory_space<hbm>>) target_semaphore(%arg20 : memref<!tpu.dma_semaphore, #tpu.memory_space<semaphore_mem>>)
      %mul3A_1035 = arith.constant 2 : i32
      %mul3A_1036 = arith.muli %add3A, %mul3A_1035 : i32
      %add3A_1037 = arith.constant 64 : i32
      %add3A_1038 = arith.addi %add3A_1037, %mul3A_1036 : i32
      %add3A_1039 = arith.constant 0 : i32
      %add3A_1040 = arith.addi %add3A_1038, %add3A_1039 : i32
      %dma_wait3A_1041 = arith.constant 0 : i32
      %dma_wait3A_1042 = arith.constant 0 : i32
      %dma_wait3A_1043 = arith.constant 0 : i32
      %dma_wait3A_1044 = tpu.memref_slice %arg8[%dma_wait3A_1041, %dma_wait3A_1042, %dma_wait3A_1043] : memref<1x1x16384xf32, #tpu.memory_space<vmem>> -> memref<1x1x16384xf32, #tpu.memory_space<vmem>>
      %dma_wait3A_1045 = tpu.memref_squeeze %dma_wait3A_1044 : memref<1x1x16384xf32, #tpu.memory_space<vmem>> -> memref<1x16384xf32, #tpu.memory_space<vmem>>
      %dma_wait3A_1046 = arith.constant 49152 : i32
      %dma_wait3A_1047 = tpu.memref_slice %arg4[%add3A_1040, %dma_wait3A_1046] : memref<256x65536xf32, #tpu.memory_space<hbm>> -> memref<1x16384xf32, #tpu.memory_space<hbm>>
      %dma_wait3A_1048 = arith.constant 49152 : i32
      %dma_wait3A_1049 = tpu.memref_slice %arg4[%add3A_1040, %dma_wait3A_1048] : memref<256x65536xf32, #tpu.memory_space<hbm>> -> memref<1x16384xf32, #tpu.memory_space<hbm>>
      %dma_wait3A_1050 = arith.constant 0 : i32
      %dma_wait3A_1051 = arith.constant 0 : i32
      %dma_wait3A_1052 = tpu.memref_slice %arg8[%dma_wait3A_1041, %dma_wait3A_1050, %dma_wait3A_1051] : memref<1x1x16384xf32, #tpu.memory_space<vmem>> -> memref<1x1x16384xf32, #tpu.memory_space<vmem>>
      %dma_wait3A_1053 = tpu.memref_squeeze %dma_wait3A_1052 : memref<1x1x16384xf32, #tpu.memory_space<vmem>> -> memref<1x16384xf32, #tpu.memory_space<vmem>>
      tpu.wait_dma2 semaphore(%arg20 : memref<!tpu.dma_semaphore, #tpu.memory_space<semaphore_mem>>) src(%dma_wait3A_1053 : memref<1x16384xf32, #tpu.memory_space<vmem>>) dst(%dma_wait3A_1049 : memref<1x16384xf32, #tpu.memory_space<hbm>>)
    } else {
    }
    %convert_element_type3A_536 = arith.extui %eq3A_218 : i1 to i32
    %cond3A_537 = arith.constant 0 : i32
    %cond3A_538 = arith.cmpi ne, %convert_element_type3A_536, %cond3A_537 : i32
    scf.if %cond3A_538 {
      %mul3A_992 = arith.constant 2 : i32
      %mul3A_993 = arith.muli %add3A, %mul3A_992 : i32
      %add3A_994 = arith.constant 128 : i32
      %add3A_995 = arith.addi %add3A_994, %mul3A_993 : i32
      %add3A_996 = arith.constant 0 : i32
      %add3A_997 = arith.addi %add3A_995, %add3A_996 : i32
      %dma_start3A_998 = arith.constant 3 : i32
      %dma_start3A_999 = arith.constant 0 : i32
      %dma_start3A_1000 = arith.constant 0 : i32
      %dma_start3A_1001 = tpu.memref_slice %arg7[%dma_start3A_998, %dma_start3A_999, %dma_start3A_1000] : memref<5x1x16384xf32, #tpu.memory_space<vmem>> -> memref<1x1x16384xf32, #tpu.memory_space<vmem>>
      %dma_start3A_1002 = tpu.memref_squeeze %dma_start3A_1001 : memref<1x1x16384xf32, #tpu.memory_space<vmem>> -> memref<1x16384xf32, #tpu.memory_space<vmem>>
      %dma_start3A_1003 = arith.constant 49152 : i32
      %dma_start3A_1004 = tpu.memref_slice %arg4[%add3A_997, %dma_start3A_1003] : memref<256x65536xf32, #tpu.memory_space<hbm>> -> memref<1x16384xf32, #tpu.memory_space<hbm>>
      %dma_start3A_1005 = arith.constant 49152 : i32
      %dma_start3A_1006 = tpu.memref_slice %arg4[%add3A_997, %dma_start3A_1005] : memref<256x65536xf32, #tpu.memory_space<hbm>> -> memref<1x16384xf32, #tpu.memory_space<hbm>>
      %dma_start3A_1007 = arith.constant 0 : i32
      %dma_start3A_1008 = arith.constant 0 : i32
      %dma_start3A_1009 = tpu.memref_slice %arg7[%dma_start3A_998, %dma_start3A_1007, %dma_start3A_1008] : memref<5x1x16384xf32, #tpu.memory_space<vmem>> -> memref<1x1x16384xf32, #tpu.memory_space<vmem>>
      %dma_start3A_1010 = tpu.memref_squeeze %dma_start3A_1009 : memref<1x1x16384xf32, #tpu.memory_space<vmem>> -> memref<1x16384xf32, #tpu.memory_space<vmem>>
      tpu.enqueue_dma source(%dma_start3A_1010 : memref<1x16384xf32, #tpu.memory_space<vmem>>) target(%dma_start3A_1006 : memref<1x16384xf32, #tpu.memory_space<hbm>>) target_semaphore(%arg17 : memref<!tpu.dma_semaphore, #tpu.memory_space<semaphore_mem>>)
    } else {
    }
    %not3A_539 = arith.constant true
    %not3A_540 = arith.xori %eq3A_218, %not3A_539 : i1
    %convert_element_type3A_541 = arith.extui %not3A_540 : i1 to i32
    %cond3A_542 = arith.constant 0 : i32
    %cond3A_543 = arith.cmpi ne, %convert_element_type3A_541, %cond3A_542 : i32
    scf.if %cond3A_543 {
      %dma_start3A_992 = arith.constant 2 : i32
      %dma_start3A_993 = arith.constant 0 : i32
      %dma_start3A_994 = arith.constant 0 : i32
      %dma_start3A_995 = arith.constant 0 : i32
      %dma_start3A_996 = tpu.memref_slice %arg8[%dma_start3A_993, %dma_start3A_994, %dma_start3A_995] : memref<1x1x16384xf32, #tpu.memory_space<vmem>> -> memref<1x1x16384xf32, #tpu.memory_space<vmem>>
      %dma_start3A_997 = tpu.memref_squeeze %dma_start3A_996 : memref<1x1x16384xf32, #tpu.memory_space<vmem>> -> memref<1x16384xf32, #tpu.memory_space<vmem>>
      %dma_start3A_998 = arith.constant 0 : i32
      %dma_start3A_999 = tpu.memref_slice %arg6[%dma_start3A_992, %dma_start3A_998] : memref<4x16xi32, #tpu.memory_space<vmem>> -> memref<1x1xi32, #tpu.memory_space<vmem>>
      %dma_start3A_1000 = tpu.memref_squeeze %dma_start3A_999 : memref<1x1xi32, #tpu.memory_space<vmem>> -> memref<1xi32, #tpu.memory_space<vmem>>
      %dma_start3A_1001 = arith.constant 0 : i32
      %dma_start3A_1002 = arith.constant 49152 : i32
      %dma_start3A_1003 = tpu.memref_slice %arg2[%dma_start3A_1001, %dma_start3A_1002] : memref<64x65536xf32, #tpu.memory_space<hbm>> -> memref<64x16384xf32, #tpu.memory_space<hbm>>
      tpu.enqueue_indirect_dma source(%dma_start3A_1003 : memref<64x16384xf32, #tpu.memory_space<hbm>>) target(%dma_start3A_997 : memref<1x16384xf32, #tpu.memory_space<vmem>>) offsets(%dma_start3A_1000 : memref<1xi32, #tpu.memory_space<vmem>>) semaphore(%arg19 : memref<!tpu.dma_semaphore, #tpu.memory_space<semaphore_mem>>)
      %dma_wait3A_1004 = arith.constant 2 : i32
      %dma_wait3A_1005 = arith.constant 0 : i32
      %dma_wait3A_1006 = arith.constant 0 : i32
      %dma_wait3A_1007 = arith.constant 0 : i32
      %dma_wait3A_1008 = tpu.memref_slice %arg8[%dma_wait3A_1005, %dma_wait3A_1006, %dma_wait3A_1007] : memref<1x1x16384xf32, #tpu.memory_space<vmem>> -> memref<1x1x16384xf32, #tpu.memory_space<vmem>>
      %dma_wait3A_1009 = tpu.memref_squeeze %dma_wait3A_1008 : memref<1x1x16384xf32, #tpu.memory_space<vmem>> -> memref<1x16384xf32, #tpu.memory_space<vmem>>
      %dma_wait3A_1010 = arith.constant 0 : i32
      %dma_wait3A_1011 = tpu.memref_slice %arg6[%dma_wait3A_1004, %dma_wait3A_1010] : memref<4x16xi32, #tpu.memory_space<vmem>> -> memref<1x1xi32, #tpu.memory_space<vmem>>
      %dma_wait3A_1012 = tpu.memref_squeeze %dma_wait3A_1011 : memref<1x1xi32, #tpu.memory_space<vmem>> -> memref<1xi32, #tpu.memory_space<vmem>>
      %dma_wait3A_1013 = arith.constant 0 : i32
      %dma_wait3A_1014 = arith.constant 49152 : i32
      %dma_wait3A_1015 = tpu.memref_slice %arg2[%dma_wait3A_1013, %dma_wait3A_1014] : memref<64x65536xf32, #tpu.memory_space<hbm>> -> memref<64x16384xf32, #tpu.memory_space<hbm>>
      tpu.wait_indirect_dma semaphore(%arg19 : memref<!tpu.dma_semaphore, #tpu.memory_space<semaphore_mem>>) src(%dma_wait3A_1015 : memref<64x16384xf32, #tpu.memory_space<hbm>>) dst(%dma_wait3A_1009 : memref<1x16384xf32, #tpu.memory_space<vmem>>)
      %mul3A_1016 = arith.constant 2 : i32
      %mul3A_1017 = arith.muli %add3A, %mul3A_1016 : i32
      %add3A_1018 = arith.constant 128 : i32
      %add3A_1019 = arith.addi %add3A_1018, %mul3A_1017 : i32
      %add3A_1020 = arith.constant 0 : i32
      %add3A_1021 = arith.addi %add3A_1019, %add3A_1020 : i32
      %dma_start3A_1022 = arith.constant 0 : i32
      %dma_start3A_1023 = arith.constant 0 : i32
      %dma_start3A_1024 = arith.constant 0 : i32
      %dma_start3A_1025 = tpu.memref_slice %arg8[%dma_start3A_1022, %dma_start3A_1023, %dma_start3A_1024] : memref<1x1x16384xf32, #tpu.memory_space<vmem>> -> memref<1x1x16384xf32, #tpu.memory_space<vmem>>
      %dma_start3A_1026 = tpu.memref_squeeze %dma_start3A_1025 : memref<1x1x16384xf32, #tpu.memory_space<vmem>> -> memref<1x16384xf32, #tpu.memory_space<vmem>>
      %dma_start3A_1027 = arith.constant 49152 : i32
      %dma_start3A_1028 = tpu.memref_slice %arg4[%add3A_1021, %dma_start3A_1027] : memref<256x65536xf32, #tpu.memory_space<hbm>> -> memref<1x16384xf32, #tpu.memory_space<hbm>>
      %dma_start3A_1029 = arith.constant 49152 : i32
      %dma_start3A_1030 = tpu.memref_slice %arg4[%add3A_1021, %dma_start3A_1029] : memref<256x65536xf32, #tpu.memory_space<hbm>> -> memref<1x16384xf32, #tpu.memory_space<hbm>>
      %dma_start3A_1031 = arith.constant 0 : i32
      %dma_start3A_1032 = arith.constant 0 : i32
      %dma_start3A_1033 = tpu.memref_slice %arg8[%dma_start3A_1022, %dma_start3A_1031, %dma_start3A_1032] : memref<1x1x16384xf32, #tpu.memory_space<vmem>> -> memref<1x1x16384xf32, #tpu.memory_space<vmem>>
      %dma_start3A_1034 = tpu.memref_squeeze %dma_start3A_1033 : memref<1x1x16384xf32, #tpu.memory_space<vmem>> -> memref<1x16384xf32, #tpu.memory_space<vmem>>
      tpu.enqueue_dma source(%dma_start3A_1034 : memref<1x16384xf32, #tpu.memory_space<vmem>>) target(%dma_start3A_1030 : memref<1x16384xf32, #tpu.memory_space<hbm>>) target_semaphore(%arg20 : memref<!tpu.dma_semaphore, #tpu.memory_space<semaphore_mem>>)
      %mul3A_1035 = arith.constant 2 : i32
      %mul3A_1036 = arith.muli %add3A, %mul3A_1035 : i32
      %add3A_1037 = arith.constant 128 : i32
      %add3A_1038 = arith.addi %add3A_1037, %mul3A_1036 : i32
      %add3A_1039 = arith.constant 0 : i32
      %add3A_1040 = arith.addi %add3A_1038, %add3A_1039 : i32
      %dma_wait3A_1041 = arith.constant 0 : i32
      %dma_wait3A_1042 = arith.constant 0 : i32
      %dma_wait3A_1043 = arith.constant 0 : i32
      %dma_wait3A_1044 = tpu.memref_slice %arg8[%dma_wait3A_1041, %dma_wait3A_1042, %dma_wait3A_1043] : memref<1x1x16384xf32, #tpu.memory_space<vmem>> -> memref<1x1x16384xf32, #tpu.memory_space<vmem>>
      %dma_wait3A_1045 = tpu.memref_squeeze %dma_wait3A_1044 : memref<1x1x16384xf32, #tpu.memory_space<vmem>> -> memref<1x16384xf32, #tpu.memory_space<vmem>>
      %dma_wait3A_1046 = arith.constant 49152 : i32
      %dma_wait3A_1047 = tpu.memref_slice %arg4[%add3A_1040, %dma_wait3A_1046] : memref<256x65536xf32, #tpu.memory_space<hbm>> -> memref<1x16384xf32, #tpu.memory_space<hbm>>
      %dma_wait3A_1048 = arith.constant 49152 : i32
      %dma_wait3A_1049 = tpu.memref_slice %arg4[%add3A_1040, %dma_wait3A_1048] : memref<256x65536xf32, #tpu.memory_space<hbm>> -> memref<1x16384xf32, #tpu.memory_space<hbm>>
      %dma_wait3A_1050 = arith.constant 0 : i32
      %dma_wait3A_1051 = arith.constant 0 : i32
      %dma_wait3A_1052 = tpu.memref_slice %arg8[%dma_wait3A_1041, %dma_wait3A_1050, %dma_wait3A_1051] : memref<1x1x16384xf32, #tpu.memory_space<vmem>> -> memref<1x1x16384xf32, #tpu.memory_space<vmem>>
      %dma_wait3A_1053 = tpu.memref_squeeze %dma_wait3A_1052 : memref<1x1x16384xf32, #tpu.memory_space<vmem>> -> memref<1x16384xf32, #tpu.memory_space<vmem>>
      tpu.wait_dma2 semaphore(%arg20 : memref<!tpu.dma_semaphore, #tpu.memory_space<semaphore_mem>>) src(%dma_wait3A_1053 : memref<1x16384xf32, #tpu.memory_space<vmem>>) dst(%dma_wait3A_1049 : memref<1x16384xf32, #tpu.memory_space<hbm>>)
    } else {
    }
    %convert_element_type3A_544 = arith.extui %eq3A_236 : i1 to i32
    %cond3A_545 = arith.constant 0 : i32
    %cond3A_546 = arith.cmpi ne, %convert_element_type3A_544, %cond3A_545 : i32
    scf.if %cond3A_546 {
      %mul3A_992 = arith.constant 2 : i32
      %mul3A_993 = arith.muli %add3A, %mul3A_992 : i32
      %add3A_994 = arith.constant 192 : i32
      %add3A_995 = arith.addi %add3A_994, %mul3A_993 : i32
      %add3A_996 = arith.constant 0 : i32
      %add3A_997 = arith.addi %add3A_995, %add3A_996 : i32
      %dma_start3A_998 = arith.constant 3 : i32
      %dma_start3A_999 = arith.constant 0 : i32
      %dma_start3A_1000 = arith.constant 0 : i32
      %dma_start3A_1001 = tpu.memref_slice %arg7[%dma_start3A_998, %dma_start3A_999, %dma_start3A_1000] : memref<5x1x16384xf32, #tpu.memory_space<vmem>> -> memref<1x1x16384xf32, #tpu.memory_space<vmem>>
      %dma_start3A_1002 = tpu.memref_squeeze %dma_start3A_1001 : memref<1x1x16384xf32, #tpu.memory_space<vmem>> -> memref<1x16384xf32, #tpu.memory_space<vmem>>
      %dma_start3A_1003 = arith.constant 49152 : i32
      %dma_start3A_1004 = tpu.memref_slice %arg4[%add3A_997, %dma_start3A_1003] : memref<256x65536xf32, #tpu.memory_space<hbm>> -> memref<1x16384xf32, #tpu.memory_space<hbm>>
      %dma_start3A_1005 = arith.constant 49152 : i32
      %dma_start3A_1006 = tpu.memref_slice %arg4[%add3A_997, %dma_start3A_1005] : memref<256x65536xf32, #tpu.memory_space<hbm>> -> memref<1x16384xf32, #tpu.memory_space<hbm>>
      %dma_start3A_1007 = arith.constant 0 : i32
      %dma_start3A_1008 = arith.constant 0 : i32
      %dma_start3A_1009 = tpu.memref_slice %arg7[%dma_start3A_998, %dma_start3A_1007, %dma_start3A_1008] : memref<5x1x16384xf32, #tpu.memory_space<vmem>> -> memref<1x1x16384xf32, #tpu.memory_space<vmem>>
      %dma_start3A_1010 = tpu.memref_squeeze %dma_start3A_1009 : memref<1x1x16384xf32, #tpu.memory_space<vmem>> -> memref<1x16384xf32, #tpu.memory_space<vmem>>
      tpu.enqueue_dma source(%dma_start3A_1010 : memref<1x16384xf32, #tpu.memory_space<vmem>>) target(%dma_start3A_1006 : memref<1x16384xf32, #tpu.memory_space<hbm>>) target_semaphore(%arg17 : memref<!tpu.dma_semaphore, #tpu.memory_space<semaphore_mem>>)
    } else {
    }
    %not3A_547 = arith.constant true
    %not3A_548 = arith.xori %eq3A_236, %not3A_547 : i1
    %convert_element_type3A_549 = arith.extui %not3A_548 : i1 to i32
    %cond3A_550 = arith.constant 0 : i32
    %cond3A_551 = arith.cmpi ne, %convert_element_type3A_549, %cond3A_550 : i32
    scf.if %cond3A_551 {
      %dma_start3A_992 = arith.constant 3 : i32
      %dma_start3A_993 = arith.constant 0 : i32
      %dma_start3A_994 = arith.constant 0 : i32
      %dma_start3A_995 = arith.constant 0 : i32
      %dma_start3A_996 = tpu.memref_slice %arg8[%dma_start3A_993, %dma_start3A_994, %dma_start3A_995] : memref<1x1x16384xf32, #tpu.memory_space<vmem>> -> memref<1x1x16384xf32, #tpu.memory_space<vmem>>
      %dma_start3A_997 = tpu.memref_squeeze %dma_start3A_996 : memref<1x1x16384xf32, #tpu.memory_space<vmem>> -> memref<1x16384xf32, #tpu.memory_space<vmem>>
      %dma_start3A_998 = arith.constant 0 : i32
      %dma_start3A_999 = tpu.memref_slice %arg6[%dma_start3A_992, %dma_start3A_998] : memref<4x16xi32, #tpu.memory_space<vmem>> -> memref<1x1xi32, #tpu.memory_space<vmem>>
      %dma_start3A_1000 = tpu.memref_squeeze %dma_start3A_999 : memref<1x1xi32, #tpu.memory_space<vmem>> -> memref<1xi32, #tpu.memory_space<vmem>>
      %dma_start3A_1001 = arith.constant 0 : i32
      %dma_start3A_1002 = arith.constant 49152 : i32
      %dma_start3A_1003 = tpu.memref_slice %arg2[%dma_start3A_1001, %dma_start3A_1002] : memref<64x65536xf32, #tpu.memory_space<hbm>> -> memref<64x16384xf32, #tpu.memory_space<hbm>>
      tpu.enqueue_indirect_dma source(%dma_start3A_1003 : memref<64x16384xf32, #tpu.memory_space<hbm>>) target(%dma_start3A_997 : memref<1x16384xf32, #tpu.memory_space<vmem>>) offsets(%dma_start3A_1000 : memref<1xi32, #tpu.memory_space<vmem>>) semaphore(%arg19 : memref<!tpu.dma_semaphore, #tpu.memory_space<semaphore_mem>>)
      %dma_wait3A_1004 = arith.constant 3 : i32
      %dma_wait3A_1005 = arith.constant 0 : i32
      %dma_wait3A_1006 = arith.constant 0 : i32
      %dma_wait3A_1007 = arith.constant 0 : i32
      %dma_wait3A_1008 = tpu.memref_slice %arg8[%dma_wait3A_1005, %dma_wait3A_1006, %dma_wait3A_1007] : memref<1x1x16384xf32, #tpu.memory_space<vmem>> -> memref<1x1x16384xf32, #tpu.memory_space<vmem>>
      %dma_wait3A_1009 = tpu.memref_squeeze %dma_wait3A_1008 : memref<1x1x16384xf32, #tpu.memory_space<vmem>> -> memref<1x16384xf32, #tpu.memory_space<vmem>>
      %dma_wait3A_1010 = arith.constant 0 : i32
      %dma_wait3A_1011 = tpu.memref_slice %arg6[%dma_wait3A_1004, %dma_wait3A_1010] : memref<4x16xi32, #tpu.memory_space<vmem>> -> memref<1x1xi32, #tpu.memory_space<vmem>>
      %dma_wait3A_1012 = tpu.memref_squeeze %dma_wait3A_1011 : memref<1x1xi32, #tpu.memory_space<vmem>> -> memref<1xi32, #tpu.memory_space<vmem>>
      %dma_wait3A_1013 = arith.constant 0 : i32
      %dma_wait3A_1014 = arith.constant 49152 : i32
      %dma_wait3A_1015 = tpu.memref_slice %arg2[%dma_wait3A_1013, %dma_wait3A_1014] : memref<64x65536xf32, #tpu.memory_space<hbm>> -> memref<64x16384xf32, #tpu.memory_space<hbm>>
      tpu.wait_indirect_dma semaphore(%arg19 : memref<!tpu.dma_semaphore, #tpu.memory_space<semaphore_mem>>) src(%dma_wait3A_1015 : memref<64x16384xf32, #tpu.memory_space<hbm>>) dst(%dma_wait3A_1009 : memref<1x16384xf32, #tpu.memory_space<vmem>>)
      %mul3A_1016 = arith.constant 2 : i32
      %mul3A_1017 = arith.muli %add3A, %mul3A_1016 : i32
      %add3A_1018 = arith.constant 192 : i32
      %add3A_1019 = arith.addi %add3A_1018, %mul3A_1017 : i32
      %add3A_1020 = arith.constant 0 : i32
      %add3A_1021 = arith.addi %add3A_1019, %add3A_1020 : i32
      %dma_start3A_1022 = arith.constant 0 : i32
      %dma_start3A_1023 = arith.constant 0 : i32
      %dma_start3A_1024 = arith.constant 0 : i32
      %dma_start3A_1025 = tpu.memref_slice %arg8[%dma_start3A_1022, %dma_start3A_1023, %dma_start3A_1024] : memref<1x1x16384xf32, #tpu.memory_space<vmem>> -> memref<1x1x16384xf32, #tpu.memory_space<vmem>>
      %dma_start3A_1026 = tpu.memref_squeeze %dma_start3A_1025 : memref<1x1x16384xf32, #tpu.memory_space<vmem>> -> memref<1x16384xf32, #tpu.memory_space<vmem>>
      %dma_start3A_1027 = arith.constant 49152 : i32
      %dma_start3A_1028 = tpu.memref_slice %arg4[%add3A_1021, %dma_start3A_1027] : memref<256x65536xf32, #tpu.memory_space<hbm>> -> memref<1x16384xf32, #tpu.memory_space<hbm>>
      %dma_start3A_1029 = arith.constant 49152 : i32
      %dma_start3A_1030 = tpu.memref_slice %arg4[%add3A_1021, %dma_start3A_1029] : memref<256x65536xf32, #tpu.memory_space<hbm>> -> memref<1x16384xf32, #tpu.memory_space<hbm>>
      %dma_start3A_1031 = arith.constant 0 : i32
      %dma_start3A_1032 = arith.constant 0 : i32
      %dma_start3A_1033 = tpu.memref_slice %arg8[%dma_start3A_1022, %dma_start3A_1031, %dma_start3A_1032] : memref<1x1x16384xf32, #tpu.memory_space<vmem>> -> memref<1x1x16384xf32, #tpu.memory_space<vmem>>
      %dma_start3A_1034 = tpu.memref_squeeze %dma_start3A_1033 : memref<1x1x16384xf32, #tpu.memory_space<vmem>> -> memref<1x16384xf32, #tpu.memory_space<vmem>>
      tpu.enqueue_dma source(%dma_start3A_1034 : memref<1x16384xf32, #tpu.memory_space<vmem>>) target(%dma_start3A_1030 : memref<1x16384xf32, #tpu.memory_space<hbm>>) target_semaphore(%arg20 : memref<!tpu.dma_semaphore, #tpu.memory_space<semaphore_mem>>)
      %mul3A_1035 = arith.constant 2 : i32
      %mul3A_1036 = arith.muli %add3A, %mul3A_1035 : i32
      %add3A_1037 = arith.constant 192 : i32
      %add3A_1038 = arith.addi %add3A_1037, %mul3A_1036 : i32
      %add3A_1039 = arith.constant 0 : i32
      %add3A_1040 = arith.addi %add3A_1038, %add3A_1039 : i32
      %dma_wait3A_1041 = arith.constant 0 : i32
      %dma_wait3A_1042 = arith.constant 0 : i32
      %dma_wait3A_1043 = arith.constant 0 : i32
      %dma_wait3A_1044 = tpu.memref_slice %arg8[%dma_wait3A_1041, %dma_wait3A_1042, %dma_wait3A_1043] : memref<1x1x16384xf32, #tpu.memory_space<vmem>> -> memref<1x1x16384xf32, #tpu.memory_space<vmem>>
      %dma_wait3A_1045 = tpu.memref_squeeze %dma_wait3A_1044 : memref<1x1x16384xf32, #tpu.memory_space<vmem>> -> memref<1x16384xf32, #tpu.memory_space<vmem>>
      %dma_wait3A_1046 = arith.constant 49152 : i32
      %dma_wait3A_1047 = tpu.memref_slice %arg4[%add3A_1040, %dma_wait3A_1046] : memref<256x65536xf32, #tpu.memory_space<hbm>> -> memref<1x16384xf32, #tpu.memory_space<hbm>>
      %dma_wait3A_1048 = arith.constant 49152 : i32
      %dma_wait3A_1049 = tpu.memref_slice %arg4[%add3A_1040, %dma_wait3A_1048] : memref<256x65536xf32, #tpu.memory_space<hbm>> -> memref<1x16384xf32, #tpu.memory_space<hbm>>
      %dma_wait3A_1050 = arith.constant 0 : i32
      %dma_wait3A_1051 = arith.constant 0 : i32
      %dma_wait3A_1052 = tpu.memref_slice %arg8[%dma_wait3A_1041, %dma_wait3A_1050, %dma_wait3A_1051] : memref<1x1x16384xf32, #tpu.memory_space<vmem>> -> memref<1x1x16384xf32, #tpu.memory_space<vmem>>
      %dma_wait3A_1053 = tpu.memref_squeeze %dma_wait3A_1052 : memref<1x1x16384xf32, #tpu.memory_space<vmem>> -> memref<1x16384xf32, #tpu.memory_space<vmem>>
      tpu.wait_dma2 semaphore(%arg20 : memref<!tpu.dma_semaphore, #tpu.memory_space<semaphore_mem>>) src(%dma_wait3A_1053 : memref<1x16384xf32, #tpu.memory_space<vmem>>) dst(%dma_wait3A_1049 : memref<1x16384xf32, #tpu.memory_space<hbm>>)
    } else {
    }
    %mul3A_552 = arith.constant 2 : i32
    %mul3A_553 = arith.muli %add3A, %mul3A_552 : i32
    %add3A_554 = arith.constant 0 : i32
    %add3A_555 = arith.addi %add3A_554, %mul3A_553 : i32
    %add3A_556 = arith.constant 0 : i32
    %add3A_557 = arith.addi %add3A_555, %add3A_556 : i32
    %dma_wait3A_558 = arith.constant 1 : i32
    %dma_wait3A_559 = arith.constant 0 : i32
    %dma_wait3A_560 = arith.constant 0 : i32
    %dma_wait3A_561 = tpu.memref_slice %arg7[%dma_wait3A_558, %dma_wait3A_559, %dma_wait3A_560] : memref<5x1x16384xf32, #tpu.memory_space<vmem>> -> memref<1x1x16384xf32, #tpu.memory_space<vmem>>
    %dma_wait3A_562 = tpu.memref_squeeze %dma_wait3A_561 : memref<1x1x16384xf32, #tpu.memory_space<vmem>> -> memref<1x16384xf32, #tpu.memory_space<vmem>>
    %dma_wait3A_563 = arith.constant 16384 : i32
    %dma_wait3A_564 = tpu.memref_slice %arg4[%add3A_557, %dma_wait3A_563] : memref<256x65536xf32, #tpu.memory_space<hbm>> -> memref<1x16384xf32, #tpu.memory_space<hbm>>
    %dma_wait3A_565 = arith.constant 16384 : i32
    %dma_wait3A_566 = tpu.memref_slice %arg4[%add3A_557, %dma_wait3A_565] : memref<256x65536xf32, #tpu.memory_space<hbm>> -> memref<1x16384xf32, #tpu.memory_space<hbm>>
    %dma_wait3A_567 = arith.constant 0 : i32
    %dma_wait3A_568 = arith.constant 0 : i32
    %dma_wait3A_569 = tpu.memref_slice %arg7[%dma_wait3A_558, %dma_wait3A_567, %dma_wait3A_568] : memref<5x1x16384xf32, #tpu.memory_space<vmem>> -> memref<1x1x16384xf32, #tpu.memory_space<vmem>>
    %dma_wait3A_570 = tpu.memref_squeeze %dma_wait3A_569 : memref<1x1x16384xf32, #tpu.memory_space<vmem>> -> memref<1x16384xf32, #tpu.memory_space<vmem>>
    tpu.wait_dma2 semaphore(%arg15 : memref<!tpu.dma_semaphore, #tpu.memory_space<semaphore_mem>>) src(%dma_wait3A_570 : memref<1x16384xf32, #tpu.memory_space<vmem>>) dst(%dma_wait3A_566 : memref<1x16384xf32, #tpu.memory_space<hbm>>)
    %convert_element_type3A_571 = arith.extui %eq3A_200 : i1 to i32
    %cond3A_572 = arith.constant 0 : i32
    %cond3A_573 = arith.cmpi ne, %convert_element_type3A_571, %cond3A_572 : i32
    scf.if %cond3A_573 {
      %mul3A_992 = arith.constant 2 : i32
      %mul3A_993 = arith.muli %add3A, %mul3A_992 : i32
      %add3A_994 = arith.constant 64 : i32
      %add3A_995 = arith.addi %add3A_994, %mul3A_993 : i32
      %add3A_996 = arith.constant 0 : i32
      %add3A_997 = arith.addi %add3A_995, %add3A_996 : i32
      %dma_wait3A_998 = arith.constant 1 : i32
      %dma_wait3A_999 = arith.constant 0 : i32
      %dma_wait3A_1000 = arith.constant 0 : i32
      %dma_wait3A_1001 = tpu.memref_slice %arg7[%dma_wait3A_998, %dma_wait3A_999, %dma_wait3A_1000] : memref<5x1x16384xf32, #tpu.memory_space<vmem>> -> memref<1x1x16384xf32, #tpu.memory_space<vmem>>
      %dma_wait3A_1002 = tpu.memref_squeeze %dma_wait3A_1001 : memref<1x1x16384xf32, #tpu.memory_space<vmem>> -> memref<1x16384xf32, #tpu.memory_space<vmem>>
      %dma_wait3A_1003 = arith.constant 16384 : i32
      %dma_wait3A_1004 = tpu.memref_slice %arg4[%add3A_997, %dma_wait3A_1003] : memref<256x65536xf32, #tpu.memory_space<hbm>> -> memref<1x16384xf32, #tpu.memory_space<hbm>>
      %dma_wait3A_1005 = arith.constant 16384 : i32
      %dma_wait3A_1006 = tpu.memref_slice %arg4[%add3A_997, %dma_wait3A_1005] : memref<256x65536xf32, #tpu.memory_space<hbm>> -> memref<1x16384xf32, #tpu.memory_space<hbm>>
      %dma_wait3A_1007 = arith.constant 0 : i32
      %dma_wait3A_1008 = arith.constant 0 : i32
      %dma_wait3A_1009 = tpu.memref_slice %arg7[%dma_wait3A_998, %dma_wait3A_1007, %dma_wait3A_1008] : memref<5x1x16384xf32, #tpu.memory_space<vmem>> -> memref<1x1x16384xf32, #tpu.memory_space<vmem>>
      %dma_wait3A_1010 = tpu.memref_squeeze %dma_wait3A_1009 : memref<1x1x16384xf32, #tpu.memory_space<vmem>> -> memref<1x16384xf32, #tpu.memory_space<vmem>>
      tpu.wait_dma2 semaphore(%arg15 : memref<!tpu.dma_semaphore, #tpu.memory_space<semaphore_mem>>) src(%dma_wait3A_1010 : memref<1x16384xf32, #tpu.memory_space<vmem>>) dst(%dma_wait3A_1006 : memref<1x16384xf32, #tpu.memory_space<hbm>>)
    } else {
    }
    %convert_element_type3A_574 = arith.extui %eq3A_218 : i1 to i32
    %cond3A_575 = arith.constant 0 : i32
    %cond3A_576 = arith.cmpi ne, %convert_element_type3A_574, %cond3A_575 : i32
    scf.if %cond3A_576 {
      %mul3A_992 = arith.constant 2 : i32
      %mul3A_993 = arith.muli %add3A, %mul3A_992 : i32
      %add3A_994 = arith.constant 128 : i32
      %add3A_995 = arith.addi %add3A_994, %mul3A_993 : i32
      %add3A_996 = arith.constant 0 : i32
      %add3A_997 = arith.addi %add3A_995, %add3A_996 : i32
      %dma_wait3A_998 = arith.constant 1 : i32
      %dma_wait3A_999 = arith.constant 0 : i32
      %dma_wait3A_1000 = arith.constant 0 : i32
      %dma_wait3A_1001 = tpu.memref_slice %arg7[%dma_wait3A_998, %dma_wait3A_999, %dma_wait3A_1000] : memref<5x1x16384xf32, #tpu.memory_space<vmem>> -> memref<1x1x16384xf32, #tpu.memory_space<vmem>>
      %dma_wait3A_1002 = tpu.memref_squeeze %dma_wait3A_1001 : memref<1x1x16384xf32, #tpu.memory_space<vmem>> -> memref<1x16384xf32, #tpu.memory_space<vmem>>
      %dma_wait3A_1003 = arith.constant 16384 : i32
      %dma_wait3A_1004 = tpu.memref_slice %arg4[%add3A_997, %dma_wait3A_1003] : memref<256x65536xf32, #tpu.memory_space<hbm>> -> memref<1x16384xf32, #tpu.memory_space<hbm>>
      %dma_wait3A_1005 = arith.constant 16384 : i32
      %dma_wait3A_1006 = tpu.memref_slice %arg4[%add3A_997, %dma_wait3A_1005] : memref<256x65536xf32, #tpu.memory_space<hbm>> -> memref<1x16384xf32, #tpu.memory_space<hbm>>
      %dma_wait3A_1007 = arith.constant 0 : i32
      %dma_wait3A_1008 = arith.constant 0 : i32
      %dma_wait3A_1009 = tpu.memref_slice %arg7[%dma_wait3A_998, %dma_wait3A_1007, %dma_wait3A_1008] : memref<5x1x16384xf32, #tpu.memory_space<vmem>> -> memref<1x1x16384xf32, #tpu.memory_space<vmem>>
      %dma_wait3A_1010 = tpu.memref_squeeze %dma_wait3A_1009 : memref<1x1x16384xf32, #tpu.memory_space<vmem>> -> memref<1x16384xf32, #tpu.memory_space<vmem>>
      tpu.wait_dma2 semaphore(%arg15 : memref<!tpu.dma_semaphore, #tpu.memory_space<semaphore_mem>>) src(%dma_wait3A_1010 : memref<1x16384xf32, #tpu.memory_space<vmem>>) dst(%dma_wait3A_1006 : memref<1x16384xf32, #tpu.memory_space<hbm>>)
    } else {
    }
    %convert_element_type3A_577 = arith.extui %eq3A_236 : i1 to i32
    %cond3A_578 = arith.constant 0 : i32
    %cond3A_579 = arith.cmpi ne, %convert_element_type3A_577, %cond3A_578 : i32
    scf.if %cond3A_579 {
      %mul3A_992 = arith.constant 2 : i32
      %mul3A_993 = arith.muli %add3A, %mul3A_992 : i32
      %add3A_994 = arith.constant 192 : i32
      %add3A_995 = arith.addi %add3A_994, %mul3A_993 : i32
      %add3A_996 = arith.constant 0 : i32
      %add3A_997 = arith.addi %add3A_995, %add3A_996 : i32
      %dma_wait3A_998 = arith.constant 1 : i32
      %dma_wait3A_999 = arith.constant 0 : i32
      %dma_wait3A_1000 = arith.constant 0 : i32
      %dma_wait3A_1001 = tpu.memref_slice %arg7[%dma_wait3A_998, %dma_wait3A_999, %dma_wait3A_1000] : memref<5x1x16384xf32, #tpu.memory_space<vmem>> -> memref<1x1x16384xf32, #tpu.memory_space<vmem>>
      %dma_wait3A_1002 = tpu.memref_squeeze %dma_wait3A_1001 : memref<1x1x16384xf32, #tpu.memory_space<vmem>> -> memref<1x16384xf32, #tpu.memory_space<vmem>>
      %dma_wait3A_1003 = arith.constant 16384 : i32
      %dma_wait3A_1004 = tpu.memref_slice %arg4[%add3A_997, %dma_wait3A_1003] : memref<256x65536xf32, #tpu.memory_space<hbm>> -> memref<1x16384xf32, #tpu.memory_space<hbm>>
      %dma_wait3A_1005 = arith.constant 16384 : i32
      %dma_wait3A_1006 = tpu.memref_slice %arg4[%add3A_997, %dma_wait3A_1005] : memref<256x65536xf32, #tpu.memory_space<hbm>> -> memref<1x16384xf32, #tpu.memory_space<hbm>>
      %dma_wait3A_1007 = arith.constant 0 : i32
      %dma_wait3A_1008 = arith.constant 0 : i32
      %dma_wait3A_1009 = tpu.memref_slice %arg7[%dma_wait3A_998, %dma_wait3A_1007, %dma_wait3A_1008] : memref<5x1x16384xf32, #tpu.memory_space<vmem>> -> memref<1x1x16384xf32, #tpu.memory_space<vmem>>
      %dma_wait3A_1010 = tpu.memref_squeeze %dma_wait3A_1009 : memref<1x1x16384xf32, #tpu.memory_space<vmem>> -> memref<1x16384xf32, #tpu.memory_space<vmem>>
      tpu.wait_dma2 semaphore(%arg15 : memref<!tpu.dma_semaphore, #tpu.memory_space<semaphore_mem>>) src(%dma_wait3A_1010 : memref<1x16384xf32, #tpu.memory_space<vmem>>) dst(%dma_wait3A_1006 : memref<1x16384xf32, #tpu.memory_space<hbm>>)
    } else {
    }
    %dma_start3A_580 = arith.constant 0 : i32
    %dma_start3A_581 = arith.constant 1 : i32
    %dma_start3A_582 = arith.constant 0 : i32
    %dma_start3A_583 = arith.constant 0 : i32
    %dma_start3A_584 = tpu.memref_slice %arg7[%dma_start3A_581, %dma_start3A_582, %dma_start3A_583] : memref<5x1x16384xf32, #tpu.memory_space<vmem>> -> memref<1x1x16384xf32, #tpu.memory_space<vmem>>
    %dma_start3A_585 = tpu.memref_squeeze %dma_start3A_584 : memref<1x1x16384xf32, #tpu.memory_space<vmem>> -> memref<1x16384xf32, #tpu.memory_space<vmem>>
    %dma_start3A_586 = arith.constant 1 : i32
    %dma_start3A_587 = tpu.memref_slice %arg6[%dma_start3A_580, %dma_start3A_586] : memref<4x16xi32, #tpu.memory_space<vmem>> -> memref<1x1xi32, #tpu.memory_space<vmem>>
    %dma_start3A_588 = tpu.memref_squeeze %dma_start3A_587 : memref<1x1xi32, #tpu.memory_space<vmem>> -> memref<1xi32, #tpu.memory_space<vmem>>
    %dma_start3A_589 = arith.constant 0 : i32
    %dma_start3A_590 = arith.constant 32768 : i32
    %dma_start3A_591 = tpu.memref_slice %arg2[%dma_start3A_589, %dma_start3A_590] : memref<64x65536xf32, #tpu.memory_space<hbm>> -> memref<64x16384xf32, #tpu.memory_space<hbm>>
    tpu.enqueue_indirect_dma source(%dma_start3A_591 : memref<64x16384xf32, #tpu.memory_space<hbm>>) target(%dma_start3A_585 : memref<1x16384xf32, #tpu.memory_space<vmem>>) offsets(%dma_start3A_588 : memref<1xi32, #tpu.memory_space<vmem>>) semaphore(%arg10 : memref<!tpu.dma_semaphore, #tpu.memory_space<semaphore_mem>>)
    %dma_wait3A_592 = arith.constant 0 : i32
    %dma_wait3A_593 = arith.constant 4 : i32
    %dma_wait3A_594 = arith.constant 0 : i32
    %dma_wait3A_595 = arith.constant 0 : i32
    %dma_wait3A_596 = tpu.memref_slice %arg7[%dma_wait3A_593, %dma_wait3A_594, %dma_wait3A_595] : memref<5x1x16384xf32, #tpu.memory_space<vmem>> -> memref<1x1x16384xf32, #tpu.memory_space<vmem>>
    %dma_wait3A_597 = tpu.memref_squeeze %dma_wait3A_596 : memref<1x1x16384xf32, #tpu.memory_space<vmem>> -> memref<1x16384xf32, #tpu.memory_space<vmem>>
    %dma_wait3A_598 = arith.constant 1 : i32
    %dma_wait3A_599 = tpu.memref_slice %arg6[%dma_wait3A_592, %dma_wait3A_598] : memref<4x16xi32, #tpu.memory_space<vmem>> -> memref<1x1xi32, #tpu.memory_space<vmem>>
    %dma_wait3A_600 = tpu.memref_squeeze %dma_wait3A_599 : memref<1x1xi32, #tpu.memory_space<vmem>> -> memref<1xi32, #tpu.memory_space<vmem>>
    %dma_wait3A_601 = arith.constant 0 : i32
    %dma_wait3A_602 = arith.constant 0 : i32
    %dma_wait3A_603 = tpu.memref_slice %arg2[%dma_wait3A_601, %dma_wait3A_602] : memref<64x65536xf32, #tpu.memory_space<hbm>> -> memref<64x16384xf32, #tpu.memory_space<hbm>>
    tpu.wait_indirect_dma semaphore(%arg13 : memref<!tpu.dma_semaphore, #tpu.memory_space<semaphore_mem>>) src(%dma_wait3A_603 : memref<64x16384xf32, #tpu.memory_space<hbm>>) dst(%dma_wait3A_597 : memref<1x16384xf32, #tpu.memory_space<vmem>>)
    %mul3A_604 = arith.constant 2 : i32
    %mul3A_605 = arith.muli %add3A, %mul3A_604 : i32
    %add3A_606 = arith.constant 0 : i32
    %add3A_607 = arith.addi %add3A_606, %mul3A_605 : i32
    %add3A_608 = arith.constant 1 : i32
    %add3A_609 = arith.addi %add3A_607, %add3A_608 : i32
    %dma_start3A_610 = arith.constant 4 : i32
    %dma_start3A_611 = arith.constant 0 : i32
    %dma_start3A_612 = arith.constant 0 : i32
    %dma_start3A_613 = tpu.memref_slice %arg7[%dma_start3A_610, %dma_start3A_611, %dma_start3A_612] : memref<5x1x16384xf32, #tpu.memory_space<vmem>> -> memref<1x1x16384xf32, #tpu.memory_space<vmem>>
    %dma_start3A_614 = tpu.memref_squeeze %dma_start3A_613 : memref<1x1x16384xf32, #tpu.memory_space<vmem>> -> memref<1x16384xf32, #tpu.memory_space<vmem>>
    %dma_start3A_615 = arith.constant 0 : i32
    %dma_start3A_616 = tpu.memref_slice %arg4[%add3A_609, %dma_start3A_615] : memref<256x65536xf32, #tpu.memory_space<hbm>> -> memref<1x16384xf32, #tpu.memory_space<hbm>>
    %dma_start3A_617 = arith.constant 0 : i32
    %dma_start3A_618 = tpu.memref_slice %arg4[%add3A_609, %dma_start3A_617] : memref<256x65536xf32, #tpu.memory_space<hbm>> -> memref<1x16384xf32, #tpu.memory_space<hbm>>
    %dma_start3A_619 = arith.constant 0 : i32
    %dma_start3A_620 = arith.constant 0 : i32
    %dma_start3A_621 = tpu.memref_slice %arg7[%dma_start3A_610, %dma_start3A_619, %dma_start3A_620] : memref<5x1x16384xf32, #tpu.memory_space<vmem>> -> memref<1x1x16384xf32, #tpu.memory_space<vmem>>
    %dma_start3A_622 = tpu.memref_squeeze %dma_start3A_621 : memref<1x1x16384xf32, #tpu.memory_space<vmem>> -> memref<1x16384xf32, #tpu.memory_space<vmem>>
    tpu.enqueue_dma source(%dma_start3A_622 : memref<1x16384xf32, #tpu.memory_space<vmem>>) target(%dma_start3A_618 : memref<1x16384xf32, #tpu.memory_space<hbm>>) target_semaphore(%arg18 : memref<!tpu.dma_semaphore, #tpu.memory_space<semaphore_mem>>)
    %convert_element_type3A_623 = arith.extui %eq3A_200 : i1 to i32
    %cond3A_624 = arith.constant 0 : i32
    %cond3A_625 = arith.cmpi ne, %convert_element_type3A_623, %cond3A_624 : i32
    scf.if %cond3A_625 {
      %mul3A_992 = arith.constant 2 : i32
      %mul3A_993 = arith.muli %add3A, %mul3A_992 : i32
      %add3A_994 = arith.constant 64 : i32
      %add3A_995 = arith.addi %add3A_994, %mul3A_993 : i32
      %add3A_996 = arith.constant 1 : i32
      %add3A_997 = arith.addi %add3A_995, %add3A_996 : i32
      %dma_start3A_998 = arith.constant 4 : i32
      %dma_start3A_999 = arith.constant 0 : i32
      %dma_start3A_1000 = arith.constant 0 : i32
      %dma_start3A_1001 = tpu.memref_slice %arg7[%dma_start3A_998, %dma_start3A_999, %dma_start3A_1000] : memref<5x1x16384xf32, #tpu.memory_space<vmem>> -> memref<1x1x16384xf32, #tpu.memory_space<vmem>>
      %dma_start3A_1002 = tpu.memref_squeeze %dma_start3A_1001 : memref<1x1x16384xf32, #tpu.memory_space<vmem>> -> memref<1x16384xf32, #tpu.memory_space<vmem>>
      %dma_start3A_1003 = arith.constant 0 : i32
      %dma_start3A_1004 = tpu.memref_slice %arg4[%add3A_997, %dma_start3A_1003] : memref<256x65536xf32, #tpu.memory_space<hbm>> -> memref<1x16384xf32, #tpu.memory_space<hbm>>
      %dma_start3A_1005 = arith.constant 0 : i32
      %dma_start3A_1006 = tpu.memref_slice %arg4[%add3A_997, %dma_start3A_1005] : memref<256x65536xf32, #tpu.memory_space<hbm>> -> memref<1x16384xf32, #tpu.memory_space<hbm>>
      %dma_start3A_1007 = arith.constant 0 : i32
      %dma_start3A_1008 = arith.constant 0 : i32
      %dma_start3A_1009 = tpu.memref_slice %arg7[%dma_start3A_998, %dma_start3A_1007, %dma_start3A_1008] : memref<5x1x16384xf32, #tpu.memory_space<vmem>> -> memref<1x1x16384xf32, #tpu.memory_space<vmem>>
      %dma_start3A_1010 = tpu.memref_squeeze %dma_start3A_1009 : memref<1x1x16384xf32, #tpu.memory_space<vmem>> -> memref<1x16384xf32, #tpu.memory_space<vmem>>
      tpu.enqueue_dma source(%dma_start3A_1010 : memref<1x16384xf32, #tpu.memory_space<vmem>>) target(%dma_start3A_1006 : memref<1x16384xf32, #tpu.memory_space<hbm>>) target_semaphore(%arg18 : memref<!tpu.dma_semaphore, #tpu.memory_space<semaphore_mem>>)
    } else {
    }
    %not3A_626 = arith.constant true
    %not3A_627 = arith.xori %eq3A_200, %not3A_626 : i1
    %convert_element_type3A_628 = arith.extui %not3A_627 : i1 to i32
    %cond3A_629 = arith.constant 0 : i32
    %cond3A_630 = arith.cmpi ne, %convert_element_type3A_628, %cond3A_629 : i32
    scf.if %cond3A_630 {
      %dma_start3A_992 = arith.constant 1 : i32
      %dma_start3A_993 = arith.constant 0 : i32
      %dma_start3A_994 = arith.constant 0 : i32
      %dma_start3A_995 = arith.constant 0 : i32
      %dma_start3A_996 = tpu.memref_slice %arg8[%dma_start3A_993, %dma_start3A_994, %dma_start3A_995] : memref<1x1x16384xf32, #tpu.memory_space<vmem>> -> memref<1x1x16384xf32, #tpu.memory_space<vmem>>
      %dma_start3A_997 = tpu.memref_squeeze %dma_start3A_996 : memref<1x1x16384xf32, #tpu.memory_space<vmem>> -> memref<1x16384xf32, #tpu.memory_space<vmem>>
      %dma_start3A_998 = arith.constant 1 : i32
      %dma_start3A_999 = tpu.memref_slice %arg6[%dma_start3A_992, %dma_start3A_998] : memref<4x16xi32, #tpu.memory_space<vmem>> -> memref<1x1xi32, #tpu.memory_space<vmem>>
      %dma_start3A_1000 = tpu.memref_squeeze %dma_start3A_999 : memref<1x1xi32, #tpu.memory_space<vmem>> -> memref<1xi32, #tpu.memory_space<vmem>>
      %dma_start3A_1001 = arith.constant 0 : i32
      %dma_start3A_1002 = arith.constant 0 : i32
      %dma_start3A_1003 = tpu.memref_slice %arg2[%dma_start3A_1001, %dma_start3A_1002] : memref<64x65536xf32, #tpu.memory_space<hbm>> -> memref<64x16384xf32, #tpu.memory_space<hbm>>
      tpu.enqueue_indirect_dma source(%dma_start3A_1003 : memref<64x16384xf32, #tpu.memory_space<hbm>>) target(%dma_start3A_997 : memref<1x16384xf32, #tpu.memory_space<vmem>>) offsets(%dma_start3A_1000 : memref<1xi32, #tpu.memory_space<vmem>>) semaphore(%arg19 : memref<!tpu.dma_semaphore, #tpu.memory_space<semaphore_mem>>)
      %dma_wait3A_1004 = arith.constant 1 : i32
      %dma_wait3A_1005 = arith.constant 0 : i32
      %dma_wait3A_1006 = arith.constant 0 : i32
      %dma_wait3A_1007 = arith.constant 0 : i32
      %dma_wait3A_1008 = tpu.memref_slice %arg8[%dma_wait3A_1005, %dma_wait3A_1006, %dma_wait3A_1007] : memref<1x1x16384xf32, #tpu.memory_space<vmem>> -> memref<1x1x16384xf32, #tpu.memory_space<vmem>>
      %dma_wait3A_1009 = tpu.memref_squeeze %dma_wait3A_1008 : memref<1x1x16384xf32, #tpu.memory_space<vmem>> -> memref<1x16384xf32, #tpu.memory_space<vmem>>
      %dma_wait3A_1010 = arith.constant 1 : i32
      %dma_wait3A_1011 = tpu.memref_slice %arg6[%dma_wait3A_1004, %dma_wait3A_1010] : memref<4x16xi32, #tpu.memory_space<vmem>> -> memref<1x1xi32, #tpu.memory_space<vmem>>
      %dma_wait3A_1012 = tpu.memref_squeeze %dma_wait3A_1011 : memref<1x1xi32, #tpu.memory_space<vmem>> -> memref<1xi32, #tpu.memory_space<vmem>>
      %dma_wait3A_1013 = arith.constant 0 : i32
      %dma_wait3A_1014 = arith.constant 0 : i32
      %dma_wait3A_1015 = tpu.memref_slice %arg2[%dma_wait3A_1013, %dma_wait3A_1014] : memref<64x65536xf32, #tpu.memory_space<hbm>> -> memref<64x16384xf32, #tpu.memory_space<hbm>>
      tpu.wait_indirect_dma semaphore(%arg19 : memref<!tpu.dma_semaphore, #tpu.memory_space<semaphore_mem>>) src(%dma_wait3A_1015 : memref<64x16384xf32, #tpu.memory_space<hbm>>) dst(%dma_wait3A_1009 : memref<1x16384xf32, #tpu.memory_space<vmem>>)
      %mul3A_1016 = arith.constant 2 : i32
      %mul3A_1017 = arith.muli %add3A, %mul3A_1016 : i32
      %add3A_1018 = arith.constant 64 : i32
      %add3A_1019 = arith.addi %add3A_1018, %mul3A_1017 : i32
      %add3A_1020 = arith.constant 1 : i32
      %add3A_1021 = arith.addi %add3A_1019, %add3A_1020 : i32
      %dma_start3A_1022 = arith.constant 0 : i32
      %dma_start3A_1023 = arith.constant 0 : i32
      %dma_start3A_1024 = arith.constant 0 : i32
      %dma_start3A_1025 = tpu.memref_slice %arg8[%dma_start3A_1022, %dma_start3A_1023, %dma_start3A_1024] : memref<1x1x16384xf32, #tpu.memory_space<vmem>> -> memref<1x1x16384xf32, #tpu.memory_space<vmem>>
      %dma_start3A_1026 = tpu.memref_squeeze %dma_start3A_1025 : memref<1x1x16384xf32, #tpu.memory_space<vmem>> -> memref<1x16384xf32, #tpu.memory_space<vmem>>
      %dma_start3A_1027 = arith.constant 0 : i32
      %dma_start3A_1028 = tpu.memref_slice %arg4[%add3A_1021, %dma_start3A_1027] : memref<256x65536xf32, #tpu.memory_space<hbm>> -> memref<1x16384xf32, #tpu.memory_space<hbm>>
      %dma_start3A_1029 = arith.constant 0 : i32
      %dma_start3A_1030 = tpu.memref_slice %arg4[%add3A_1021, %dma_start3A_1029] : memref<256x65536xf32, #tpu.memory_space<hbm>> -> memref<1x16384xf32, #tpu.memory_space<hbm>>
      %dma_start3A_1031 = arith.constant 0 : i32
      %dma_start3A_1032 = arith.constant 0 : i32
      %dma_start3A_1033 = tpu.memref_slice %arg8[%dma_start3A_1022, %dma_start3A_1031, %dma_start3A_1032] : memref<1x1x16384xf32, #tpu.memory_space<vmem>> -> memref<1x1x16384xf32, #tpu.memory_space<vmem>>
      %dma_start3A_1034 = tpu.memref_squeeze %dma_start3A_1033 : memref<1x1x16384xf32, #tpu.memory_space<vmem>> -> memref<1x16384xf32, #tpu.memory_space<vmem>>
      tpu.enqueue_dma source(%dma_start3A_1034 : memref<1x16384xf32, #tpu.memory_space<vmem>>) target(%dma_start3A_1030 : memref<1x16384xf32, #tpu.memory_space<hbm>>) target_semaphore(%arg20 : memref<!tpu.dma_semaphore, #tpu.memory_space<semaphore_mem>>)
      %mul3A_1035 = arith.constant 2 : i32
      %mul3A_1036 = arith.muli %add3A, %mul3A_1035 : i32
      %add3A_1037 = arith.constant 64 : i32
      %add3A_1038 = arith.addi %add3A_1037, %mul3A_1036 : i32
      %add3A_1039 = arith.constant 1 : i32
      %add3A_1040 = arith.addi %add3A_1038, %add3A_1039 : i32
      %dma_wait3A_1041 = arith.constant 0 : i32
      %dma_wait3A_1042 = arith.constant 0 : i32
      %dma_wait3A_1043 = arith.constant 0 : i32
      %dma_wait3A_1044 = tpu.memref_slice %arg8[%dma_wait3A_1041, %dma_wait3A_1042, %dma_wait3A_1043] : memref<1x1x16384xf32, #tpu.memory_space<vmem>> -> memref<1x1x16384xf32, #tpu.memory_space<vmem>>
      %dma_wait3A_1045 = tpu.memref_squeeze %dma_wait3A_1044 : memref<1x1x16384xf32, #tpu.memory_space<vmem>> -> memref<1x16384xf32, #tpu.memory_space<vmem>>
      %dma_wait3A_1046 = arith.constant 0 : i32
      %dma_wait3A_1047 = tpu.memref_slice %arg4[%add3A_1040, %dma_wait3A_1046] : memref<256x65536xf32, #tpu.memory_space<hbm>> -> memref<1x16384xf32, #tpu.memory_space<hbm>>
      %dma_wait3A_1048 = arith.constant 0 : i32
      %dma_wait3A_1049 = tpu.memref_slice %arg4[%add3A_1040, %dma_wait3A_1048] : memref<256x65536xf32, #tpu.memory_space<hbm>> -> memref<1x16384xf32, #tpu.memory_space<hbm>>
      %dma_wait3A_1050 = arith.constant 0 : i32
      %dma_wait3A_1051 = arith.constant 0 : i32
      %dma_wait3A_1052 = tpu.memref_slice %arg8[%dma_wait3A_1041, %dma_wait3A_1050, %dma_wait3A_1051] : memref<1x1x16384xf32, #tpu.memory_space<vmem>> -> memref<1x1x16384xf32, #tpu.memory_space<vmem>>
      %dma_wait3A_1053 = tpu.memref_squeeze %dma_wait3A_1052 : memref<1x1x16384xf32, #tpu.memory_space<vmem>> -> memref<1x16384xf32, #tpu.memory_space<vmem>>
      tpu.wait_dma2 semaphore(%arg20 : memref<!tpu.dma_semaphore, #tpu.memory_space<semaphore_mem>>) src(%dma_wait3A_1053 : memref<1x16384xf32, #tpu.memory_space<vmem>>) dst(%dma_wait3A_1049 : memref<1x16384xf32, #tpu.memory_space<hbm>>)
    } else {
    }
    %convert_element_type3A_631 = arith.extui %eq3A_218 : i1 to i32
    %cond3A_632 = arith.constant 0 : i32
    %cond3A_633 = arith.cmpi ne, %convert_element_type3A_631, %cond3A_632 : i32
    scf.if %cond3A_633 {
      %mul3A_992 = arith.constant 2 : i32
      %mul3A_993 = arith.muli %add3A, %mul3A_992 : i32
      %add3A_994 = arith.constant 128 : i32
      %add3A_995 = arith.addi %add3A_994, %mul3A_993 : i32
      %add3A_996 = arith.constant 1 : i32
      %add3A_997 = arith.addi %add3A_995, %add3A_996 : i32
      %dma_start3A_998 = arith.constant 4 : i32
      %dma_start3A_999 = arith.constant 0 : i32
      %dma_start3A_1000 = arith.constant 0 : i32
      %dma_start3A_1001 = tpu.memref_slice %arg7[%dma_start3A_998, %dma_start3A_999, %dma_start3A_1000] : memref<5x1x16384xf32, #tpu.memory_space<vmem>> -> memref<1x1x16384xf32, #tpu.memory_space<vmem>>
      %dma_start3A_1002 = tpu.memref_squeeze %dma_start3A_1001 : memref<1x1x16384xf32, #tpu.memory_space<vmem>> -> memref<1x16384xf32, #tpu.memory_space<vmem>>
      %dma_start3A_1003 = arith.constant 0 : i32
      %dma_start3A_1004 = tpu.memref_slice %arg4[%add3A_997, %dma_start3A_1003] : memref<256x65536xf32, #tpu.memory_space<hbm>> -> memref<1x16384xf32, #tpu.memory_space<hbm>>
      %dma_start3A_1005 = arith.constant 0 : i32
      %dma_start3A_1006 = tpu.memref_slice %arg4[%add3A_997, %dma_start3A_1005] : memref<256x65536xf32, #tpu.memory_space<hbm>> -> memref<1x16384xf32, #tpu.memory_space<hbm>>
      %dma_start3A_1007 = arith.constant 0 : i32
      %dma_start3A_1008 = arith.constant 0 : i32
      %dma_start3A_1009 = tpu.memref_slice %arg7[%dma_start3A_998, %dma_start3A_1007, %dma_start3A_1008] : memref<5x1x16384xf32, #tpu.memory_space<vmem>> -> memref<1x1x16384xf32, #tpu.memory_space<vmem>>
      %dma_start3A_1010 = tpu.memref_squeeze %dma_start3A_1009 : memref<1x1x16384xf32, #tpu.memory_space<vmem>> -> memref<1x16384xf32, #tpu.memory_space<vmem>>
      tpu.enqueue_dma source(%dma_start3A_1010 : memref<1x16384xf32, #tpu.memory_space<vmem>>) target(%dma_start3A_1006 : memref<1x16384xf32, #tpu.memory_space<hbm>>) target_semaphore(%arg18 : memref<!tpu.dma_semaphore, #tpu.memory_space<semaphore_mem>>)
    } else {
    }
    %not3A_634 = arith.constant true
    %not3A_635 = arith.xori %eq3A_218, %not3A_634 : i1
    %convert_element_type3A_636 = arith.extui %not3A_635 : i1 to i32
    %cond3A_637 = arith.constant 0 : i32
    %cond3A_638 = arith.cmpi ne, %convert_element_type3A_636, %cond3A_637 : i32
    scf.if %cond3A_638 {
      %dma_start3A_992 = arith.constant 2 : i32
      %dma_start3A_993 = arith.constant 0 : i32
      %dma_start3A_994 = arith.constant 0 : i32
      %dma_start3A_995 = arith.constant 0 : i32
      %dma_start3A_996 = tpu.memref_slice %arg8[%dma_start3A_993, %dma_start3A_994, %dma_start3A_995] : memref<1x1x16384xf32, #tpu.memory_space<vmem>> -> memref<1x1x16384xf32, #tpu.memory_space<vmem>>
      %dma_start3A_997 = tpu.memref_squeeze %dma_start3A_996 : memref<1x1x16384xf32, #tpu.memory_space<vmem>> -> memref<1x16384xf32, #tpu.memory_space<vmem>>
      %dma_start3A_998 = arith.constant 1 : i32
      %dma_start3A_999 = tpu.memref_slice %arg6[%dma_start3A_992, %dma_start3A_998] : memref<4x16xi32, #tpu.memory_space<vmem>> -> memref<1x1xi32, #tpu.memory_space<vmem>>
      %dma_start3A_1000 = tpu.memref_squeeze %dma_start3A_999 : memref<1x1xi32, #tpu.memory_space<vmem>> -> memref<1xi32, #tpu.memory_space<vmem>>
      %dma_start3A_1001 = arith.constant 0 : i32
      %dma_start3A_1002 = arith.constant 0 : i32
      %dma_start3A_1003 = tpu.memref_slice %arg2[%dma_start3A_1001, %dma_start3A_1002] : memref<64x65536xf32, #tpu.memory_space<hbm>> -> memref<64x16384xf32, #tpu.memory_space<hbm>>
      tpu.enqueue_indirect_dma source(%dma_start3A_1003 : memref<64x16384xf32, #tpu.memory_space<hbm>>) target(%dma_start3A_997 : memref<1x16384xf32, #tpu.memory_space<vmem>>) offsets(%dma_start3A_1000 : memref<1xi32, #tpu.memory_space<vmem>>) semaphore(%arg19 : memref<!tpu.dma_semaphore, #tpu.memory_space<semaphore_mem>>)
      %dma_wait3A_1004 = arith.constant 2 : i32
      %dma_wait3A_1005 = arith.constant 0 : i32
      %dma_wait3A_1006 = arith.constant 0 : i32
      %dma_wait3A_1007 = arith.constant 0 : i32
      %dma_wait3A_1008 = tpu.memref_slice %arg8[%dma_wait3A_1005, %dma_wait3A_1006, %dma_wait3A_1007] : memref<1x1x16384xf32, #tpu.memory_space<vmem>> -> memref<1x1x16384xf32, #tpu.memory_space<vmem>>
      %dma_wait3A_1009 = tpu.memref_squeeze %dma_wait3A_1008 : memref<1x1x16384xf32, #tpu.memory_space<vmem>> -> memref<1x16384xf32, #tpu.memory_space<vmem>>
      %dma_wait3A_1010 = arith.constant 1 : i32
      %dma_wait3A_1011 = tpu.memref_slice %arg6[%dma_wait3A_1004, %dma_wait3A_1010] : memref<4x16xi32, #tpu.memory_space<vmem>> -> memref<1x1xi32, #tpu.memory_space<vmem>>
      %dma_wait3A_1012 = tpu.memref_squeeze %dma_wait3A_1011 : memref<1x1xi32, #tpu.memory_space<vmem>> -> memref<1xi32, #tpu.memory_space<vmem>>
      %dma_wait3A_1013 = arith.constant 0 : i32
      %dma_wait3A_1014 = arith.constant 0 : i32
      %dma_wait3A_1015 = tpu.memref_slice %arg2[%dma_wait3A_1013, %dma_wait3A_1014] : memref<64x65536xf32, #tpu.memory_space<hbm>> -> memref<64x16384xf32, #tpu.memory_space<hbm>>
      tpu.wait_indirect_dma semaphore(%arg19 : memref<!tpu.dma_semaphore, #tpu.memory_space<semaphore_mem>>) src(%dma_wait3A_1015 : memref<64x16384xf32, #tpu.memory_space<hbm>>) dst(%dma_wait3A_1009 : memref<1x16384xf32, #tpu.memory_space<vmem>>)
      %mul3A_1016 = arith.constant 2 : i32
      %mul3A_1017 = arith.muli %add3A, %mul3A_1016 : i32
      %add3A_1018 = arith.constant 128 : i32
      %add3A_1019 = arith.addi %add3A_1018, %mul3A_1017 : i32
      %add3A_1020 = arith.constant 1 : i32
      %add3A_1021 = arith.addi %add3A_1019, %add3A_1020 : i32
      %dma_start3A_1022 = arith.constant 0 : i32
      %dma_start3A_1023 = arith.constant 0 : i32
      %dma_start3A_1024 = arith.constant 0 : i32
      %dma_start3A_1025 = tpu.memref_slice %arg8[%dma_start3A_1022, %dma_start3A_1023, %dma_start3A_1024] : memref<1x1x16384xf32, #tpu.memory_space<vmem>> -> memref<1x1x16384xf32, #tpu.memory_space<vmem>>
      %dma_start3A_1026 = tpu.memref_squeeze %dma_start3A_1025 : memref<1x1x16384xf32, #tpu.memory_space<vmem>> -> memref<1x16384xf32, #tpu.memory_space<vmem>>
      %dma_start3A_1027 = arith.constant 0 : i32
      %dma_start3A_1028 = tpu.memref_slice %arg4[%add3A_1021, %dma_start3A_1027] : memref<256x65536xf32, #tpu.memory_space<hbm>> -> memref<1x16384xf32, #tpu.memory_space<hbm>>
      %dma_start3A_1029 = arith.constant 0 : i32
      %dma_start3A_1030 = tpu.memref_slice %arg4[%add3A_1021, %dma_start3A_1029] : memref<256x65536xf32, #tpu.memory_space<hbm>> -> memref<1x16384xf32, #tpu.memory_space<hbm>>
      %dma_start3A_1031 = arith.constant 0 : i32
      %dma_start3A_1032 = arith.constant 0 : i32
      %dma_start3A_1033 = tpu.memref_slice %arg8[%dma_start3A_1022, %dma_start3A_1031, %dma_start3A_1032] : memref<1x1x16384xf32, #tpu.memory_space<vmem>> -> memref<1x1x16384xf32, #tpu.memory_space<vmem>>
      %dma_start3A_1034 = tpu.memref_squeeze %dma_start3A_1033 : memref<1x1x16384xf32, #tpu.memory_space<vmem>> -> memref<1x16384xf32, #tpu.memory_space<vmem>>
      tpu.enqueue_dma source(%dma_start3A_1034 : memref<1x16384xf32, #tpu.memory_space<vmem>>) target(%dma_start3A_1030 : memref<1x16384xf32, #tpu.memory_space<hbm>>) target_semaphore(%arg20 : memref<!tpu.dma_semaphore, #tpu.memory_space<semaphore_mem>>)
      %mul3A_1035 = arith.constant 2 : i32
      %mul3A_1036 = arith.muli %add3A, %mul3A_1035 : i32
      %add3A_1037 = arith.constant 128 : i32
      %add3A_1038 = arith.addi %add3A_1037, %mul3A_1036 : i32
      %add3A_1039 = arith.constant 1 : i32
      %add3A_1040 = arith.addi %add3A_1038, %add3A_1039 : i32
      %dma_wait3A_1041 = arith.constant 0 : i32
      %dma_wait3A_1042 = arith.constant 0 : i32
      %dma_wait3A_1043 = arith.constant 0 : i32
      %dma_wait3A_1044 = tpu.memref_slice %arg8[%dma_wait3A_1041, %dma_wait3A_1042, %dma_wait3A_1043] : memref<1x1x16384xf32, #tpu.memory_space<vmem>> -> memref<1x1x16384xf32, #tpu.memory_space<vmem>>
      %dma_wait3A_1045 = tpu.memref_squeeze %dma_wait3A_1044 : memref<1x1x16384xf32, #tpu.memory_space<vmem>> -> memref<1x16384xf32, #tpu.memory_space<vmem>>
      %dma_wait3A_1046 = arith.constant 0 : i32
      %dma_wait3A_1047 = tpu.memref_slice %arg4[%add3A_1040, %dma_wait3A_1046] : memref<256x65536xf32, #tpu.memory_space<hbm>> -> memref<1x16384xf32, #tpu.memory_space<hbm>>
      %dma_wait3A_1048 = arith.constant 0 : i32
      %dma_wait3A_1049 = tpu.memref_slice %arg4[%add3A_1040, %dma_wait3A_1048] : memref<256x65536xf32, #tpu.memory_space<hbm>> -> memref<1x16384xf32, #tpu.memory_space<hbm>>
      %dma_wait3A_1050 = arith.constant 0 : i32
      %dma_wait3A_1051 = arith.constant 0 : i32
      %dma_wait3A_1052 = tpu.memref_slice %arg8[%dma_wait3A_1041, %dma_wait3A_1050, %dma_wait3A_1051] : memref<1x1x16384xf32, #tpu.memory_space<vmem>> -> memref<1x1x16384xf32, #tpu.memory_space<vmem>>
      %dma_wait3A_1053 = tpu.memref_squeeze %dma_wait3A_1052 : memref<1x1x16384xf32, #tpu.memory_space<vmem>> -> memref<1x16384xf32, #tpu.memory_space<vmem>>
      tpu.wait_dma2 semaphore(%arg20 : memref<!tpu.dma_semaphore, #tpu.memory_space<semaphore_mem>>) src(%dma_wait3A_1053 : memref<1x16384xf32, #tpu.memory_space<vmem>>) dst(%dma_wait3A_1049 : memref<1x16384xf32, #tpu.memory_space<hbm>>)
    } else {
    }
    %convert_element_type3A_639 = arith.extui %eq3A_236 : i1 to i32
    %cond3A_640 = arith.constant 0 : i32
    %cond3A_641 = arith.cmpi ne, %convert_element_type3A_639, %cond3A_640 : i32
    scf.if %cond3A_641 {
      %mul3A_992 = arith.constant 2 : i32
      %mul3A_993 = arith.muli %add3A, %mul3A_992 : i32
      %add3A_994 = arith.constant 192 : i32
      %add3A_995 = arith.addi %add3A_994, %mul3A_993 : i32
      %add3A_996 = arith.constant 1 : i32
      %add3A_997 = arith.addi %add3A_995, %add3A_996 : i32
      %dma_start3A_998 = arith.constant 4 : i32
      %dma_start3A_999 = arith.constant 0 : i32
      %dma_start3A_1000 = arith.constant 0 : i32
      %dma_start3A_1001 = tpu.memref_slice %arg7[%dma_start3A_998, %dma_start3A_999, %dma_start3A_1000] : memref<5x1x16384xf32, #tpu.memory_space<vmem>> -> memref<1x1x16384xf32, #tpu.memory_space<vmem>>
      %dma_start3A_1002 = tpu.memref_squeeze %dma_start3A_1001 : memref<1x1x16384xf32, #tpu.memory_space<vmem>> -> memref<1x16384xf32, #tpu.memory_space<vmem>>
      %dma_start3A_1003 = arith.constant 0 : i32
      %dma_start3A_1004 = tpu.memref_slice %arg4[%add3A_997, %dma_start3A_1003] : memref<256x65536xf32, #tpu.memory_space<hbm>> -> memref<1x16384xf32, #tpu.memory_space<hbm>>
      %dma_start3A_1005 = arith.constant 0 : i32
      %dma_start3A_1006 = tpu.memref_slice %arg4[%add3A_997, %dma_start3A_1005] : memref<256x65536xf32, #tpu.memory_space<hbm>> -> memref<1x16384xf32, #tpu.memory_space<hbm>>
      %dma_start3A_1007 = arith.constant 0 : i32
      %dma_start3A_1008 = arith.constant 0 : i32
      %dma_start3A_1009 = tpu.memref_slice %arg7[%dma_start3A_998, %dma_start3A_1007, %dma_start3A_1008] : memref<5x1x16384xf32, #tpu.memory_space<vmem>> -> memref<1x1x16384xf32, #tpu.memory_space<vmem>>
      %dma_start3A_1010 = tpu.memref_squeeze %dma_start3A_1009 : memref<1x1x16384xf32, #tpu.memory_space<vmem>> -> memref<1x16384xf32, #tpu.memory_space<vmem>>
      tpu.enqueue_dma source(%dma_start3A_1010 : memref<1x16384xf32, #tpu.memory_space<vmem>>) target(%dma_start3A_1006 : memref<1x16384xf32, #tpu.memory_space<hbm>>) target_semaphore(%arg18 : memref<!tpu.dma_semaphore, #tpu.memory_space<semaphore_mem>>)
    } else {
    }
    %not3A_642 = arith.constant true
    %not3A_643 = arith.xori %eq3A_236, %not3A_642 : i1
    %convert_element_type3A_644 = arith.extui %not3A_643 : i1 to i32
    %cond3A_645 = arith.constant 0 : i32
    %cond3A_646 = arith.cmpi ne, %convert_element_type3A_644, %cond3A_645 : i32
    scf.if %cond3A_646 {
      %dma_start3A_992 = arith.constant 3 : i32
      %dma_start3A_993 = arith.constant 0 : i32
      %dma_start3A_994 = arith.constant 0 : i32
      %dma_start3A_995 = arith.constant 0 : i32
      %dma_start3A_996 = tpu.memref_slice %arg8[%dma_start3A_993, %dma_start3A_994, %dma_start3A_995] : memref<1x1x16384xf32, #tpu.memory_space<vmem>> -> memref<1x1x16384xf32, #tpu.memory_space<vmem>>
      %dma_start3A_997 = tpu.memref_squeeze %dma_start3A_996 : memref<1x1x16384xf32, #tpu.memory_space<vmem>> -> memref<1x16384xf32, #tpu.memory_space<vmem>>
      %dma_start3A_998 = arith.constant 1 : i32
      %dma_start3A_999 = tpu.memref_slice %arg6[%dma_start3A_992, %dma_start3A_998] : memref<4x16xi32, #tpu.memory_space<vmem>> -> memref<1x1xi32, #tpu.memory_space<vmem>>
      %dma_start3A_1000 = tpu.memref_squeeze %dma_start3A_999 : memref<1x1xi32, #tpu.memory_space<vmem>> -> memref<1xi32, #tpu.memory_space<vmem>>
      %dma_start3A_1001 = arith.constant 0 : i32
      %dma_start3A_1002 = arith.constant 0 : i32
      %dma_start3A_1003 = tpu.memref_slice %arg2[%dma_start3A_1001, %dma_start3A_1002] : memref<64x65536xf32, #tpu.memory_space<hbm>> -> memref<64x16384xf32, #tpu.memory_space<hbm>>
      tpu.enqueue_indirect_dma source(%dma_start3A_1003 : memref<64x16384xf32, #tpu.memory_space<hbm>>) target(%dma_start3A_997 : memref<1x16384xf32, #tpu.memory_space<vmem>>) offsets(%dma_start3A_1000 : memref<1xi32, #tpu.memory_space<vmem>>) semaphore(%arg19 : memref<!tpu.dma_semaphore, #tpu.memory_space<semaphore_mem>>)
      %dma_wait3A_1004 = arith.constant 3 : i32
      %dma_wait3A_1005 = arith.constant 0 : i32
      %dma_wait3A_1006 = arith.constant 0 : i32
      %dma_wait3A_1007 = arith.constant 0 : i32
      %dma_wait3A_1008 = tpu.memref_slice %arg8[%dma_wait3A_1005, %dma_wait3A_1006, %dma_wait3A_1007] : memref<1x1x16384xf32, #tpu.memory_space<vmem>> -> memref<1x1x16384xf32, #tpu.memory_space<vmem>>
      %dma_wait3A_1009 = tpu.memref_squeeze %dma_wait3A_1008 : memref<1x1x16384xf32, #tpu.memory_space<vmem>> -> memref<1x16384xf32, #tpu.memory_space<vmem>>
      %dma_wait3A_1010 = arith.constant 1 : i32
      %dma_wait3A_1011 = tpu.memref_slice %arg6[%dma_wait3A_1004, %dma_wait3A_1010] : memref<4x16xi32, #tpu.memory_space<vmem>> -> memref<1x1xi32, #tpu.memory_space<vmem>>
      %dma_wait3A_1012 = tpu.memref_squeeze %dma_wait3A_1011 : memref<1x1xi32, #tpu.memory_space<vmem>> -> memref<1xi32, #tpu.memory_space<vmem>>
      %dma_wait3A_1013 = arith.constant 0 : i32
      %dma_wait3A_1014 = arith.constant 0 : i32
      %dma_wait3A_1015 = tpu.memref_slice %arg2[%dma_wait3A_1013, %dma_wait3A_1014] : memref<64x65536xf32, #tpu.memory_space<hbm>> -> memref<64x16384xf32, #tpu.memory_space<hbm>>
      tpu.wait_indirect_dma semaphore(%arg19 : memref<!tpu.dma_semaphore, #tpu.memory_space<semaphore_mem>>) src(%dma_wait3A_1015 : memref<64x16384xf32, #tpu.memory_space<hbm>>) dst(%dma_wait3A_1009 : memref<1x16384xf32, #tpu.memory_space<vmem>>)
      %mul3A_1016 = arith.constant 2 : i32
      %mul3A_1017 = arith.muli %add3A, %mul3A_1016 : i32
      %add3A_1018 = arith.constant 192 : i32
      %add3A_1019 = arith.addi %add3A_1018, %mul3A_1017 : i32
      %add3A_1020 = arith.constant 1 : i32
      %add3A_1021 = arith.addi %add3A_1019, %add3A_1020 : i32
      %dma_start3A_1022 = arith.constant 0 : i32
      %dma_start3A_1023 = arith.constant 0 : i32
      %dma_start3A_1024 = arith.constant 0 : i32
      %dma_start3A_1025 = tpu.memref_slice %arg8[%dma_start3A_1022, %dma_start3A_1023, %dma_start3A_1024] : memref<1x1x16384xf32, #tpu.memory_space<vmem>> -> memref<1x1x16384xf32, #tpu.memory_space<vmem>>
      %dma_start3A_1026 = tpu.memref_squeeze %dma_start3A_1025 : memref<1x1x16384xf32, #tpu.memory_space<vmem>> -> memref<1x16384xf32, #tpu.memory_space<vmem>>
      %dma_start3A_1027 = arith.constant 0 : i32
      %dma_start3A_1028 = tpu.memref_slice %arg4[%add3A_1021, %dma_start3A_1027] : memref<256x65536xf32, #tpu.memory_space<hbm>> -> memref<1x16384xf32, #tpu.memory_space<hbm>>
      %dma_start3A_1029 = arith.constant 0 : i32
      %dma_start3A_1030 = tpu.memref_slice %arg4[%add3A_1021, %dma_start3A_1029] : memref<256x65536xf32, #tpu.memory_space<hbm>> -> memref<1x16384xf32, #tpu.memory_space<hbm>>
      %dma_start3A_1031 = arith.constant 0 : i32
      %dma_start3A_1032 = arith.constant 0 : i32
      %dma_start3A_1033 = tpu.memref_slice %arg8[%dma_start3A_1022, %dma_start3A_1031, %dma_start3A_1032] : memref<1x1x16384xf32, #tpu.memory_space<vmem>> -> memref<1x1x16384xf32, #tpu.memory_space<vmem>>
      %dma_start3A_1034 = tpu.memref_squeeze %dma_start3A_1033 : memref<1x1x16384xf32, #tpu.memory_space<vmem>> -> memref<1x16384xf32, #tpu.memory_space<vmem>>
      tpu.enqueue_dma source(%dma_start3A_1034 : memref<1x16384xf32, #tpu.memory_space<vmem>>) target(%dma_start3A_1030 : memref<1x16384xf32, #tpu.memory_space<hbm>>) target_semaphore(%arg20 : memref<!tpu.dma_semaphore, #tpu.memory_space<semaphore_mem>>)
      %mul3A_1035 = arith.constant 2 : i32
      %mul3A_1036 = arith.muli %add3A, %mul3A_1035 : i32
      %add3A_1037 = arith.constant 192 : i32
      %add3A_1038 = arith.addi %add3A_1037, %mul3A_1036 : i32
      %add3A_1039 = arith.constant 1 : i32
      %add3A_1040 = arith.addi %add3A_1038, %add3A_1039 : i32
      %dma_wait3A_1041 = arith.constant 0 : i32
      %dma_wait3A_1042 = arith.constant 0 : i32
      %dma_wait3A_1043 = arith.constant 0 : i32
      %dma_wait3A_1044 = tpu.memref_slice %arg8[%dma_wait3A_1041, %dma_wait3A_1042, %dma_wait3A_1043] : memref<1x1x16384xf32, #tpu.memory_space<vmem>> -> memref<1x1x16384xf32, #tpu.memory_space<vmem>>
      %dma_wait3A_1045 = tpu.memref_squeeze %dma_wait3A_1044 : memref<1x1x16384xf32, #tpu.memory_space<vmem>> -> memref<1x16384xf32, #tpu.memory_space<vmem>>
      %dma_wait3A_1046 = arith.constant 0 : i32
      %dma_wait3A_1047 = tpu.memref_slice %arg4[%add3A_1040, %dma_wait3A_1046] : memref<256x65536xf32, #tpu.memory_space<hbm>> -> memref<1x16384xf32, #tpu.memory_space<hbm>>
      %dma_wait3A_1048 = arith.constant 0 : i32
      %dma_wait3A_1049 = tpu.memref_slice %arg4[%add3A_1040, %dma_wait3A_1048] : memref<256x65536xf32, #tpu.memory_space<hbm>> -> memref<1x16384xf32, #tpu.memory_space<hbm>>
      %dma_wait3A_1050 = arith.constant 0 : i32
      %dma_wait3A_1051 = arith.constant 0 : i32
      %dma_wait3A_1052 = tpu.memref_slice %arg8[%dma_wait3A_1041, %dma_wait3A_1050, %dma_wait3A_1051] : memref<1x1x16384xf32, #tpu.memory_space<vmem>> -> memref<1x1x16384xf32, #tpu.memory_space<vmem>>
      %dma_wait3A_1053 = tpu.memref_squeeze %dma_wait3A_1052 : memref<1x1x16384xf32, #tpu.memory_space<vmem>> -> memref<1x16384xf32, #tpu.memory_space<vmem>>
      tpu.wait_dma2 semaphore(%arg20 : memref<!tpu.dma_semaphore, #tpu.memory_space<semaphore_mem>>) src(%dma_wait3A_1053 : memref<1x16384xf32, #tpu.memory_space<vmem>>) dst(%dma_wait3A_1049 : memref<1x16384xf32, #tpu.memory_space<hbm>>)
    } else {
    }
    %mul3A_647 = arith.constant 2 : i32
    %mul3A_648 = arith.muli %add3A, %mul3A_647 : i32
    %add3A_649 = arith.constant 0 : i32
    %add3A_650 = arith.addi %add3A_649, %mul3A_648 : i32
    %add3A_651 = arith.constant 0 : i32
    %add3A_652 = arith.addi %add3A_650, %add3A_651 : i32
    %dma_wait3A_653 = arith.constant 2 : i32
    %dma_wait3A_654 = arith.constant 0 : i32
    %dma_wait3A_655 = arith.constant 0 : i32
    %dma_wait3A_656 = tpu.memref_slice %arg7[%dma_wait3A_653, %dma_wait3A_654, %dma_wait3A_655] : memref<5x1x16384xf32, #tpu.memory_space<vmem>> -> memref<1x1x16384xf32, #tpu.memory_space<vmem>>
    %dma_wait3A_657 = tpu.memref_squeeze %dma_wait3A_656 : memref<1x1x16384xf32, #tpu.memory_space<vmem>> -> memref<1x16384xf32, #tpu.memory_space<vmem>>
    %dma_wait3A_658 = arith.constant 32768 : i32
    %dma_wait3A_659 = tpu.memref_slice %arg4[%add3A_652, %dma_wait3A_658] : memref<256x65536xf32, #tpu.memory_space<hbm>> -> memref<1x16384xf32, #tpu.memory_space<hbm>>
    %dma_wait3A_660 = arith.constant 32768 : i32
    %dma_wait3A_661 = tpu.memref_slice %arg4[%add3A_652, %dma_wait3A_660] : memref<256x65536xf32, #tpu.memory_space<hbm>> -> memref<1x16384xf32, #tpu.memory_space<hbm>>
    %dma_wait3A_662 = arith.constant 0 : i32
    %dma_wait3A_663 = arith.constant 0 : i32
    %dma_wait3A_664 = tpu.memref_slice %arg7[%dma_wait3A_653, %dma_wait3A_662, %dma_wait3A_663] : memref<5x1x16384xf32, #tpu.memory_space<vmem>> -> memref<1x1x16384xf32, #tpu.memory_space<vmem>>
    %dma_wait3A_665 = tpu.memref_squeeze %dma_wait3A_664 : memref<1x1x16384xf32, #tpu.memory_space<vmem>> -> memref<1x16384xf32, #tpu.memory_space<vmem>>
    tpu.wait_dma2 semaphore(%arg16 : memref<!tpu.dma_semaphore, #tpu.memory_space<semaphore_mem>>) src(%dma_wait3A_665 : memref<1x16384xf32, #tpu.memory_space<vmem>>) dst(%dma_wait3A_661 : memref<1x16384xf32, #tpu.memory_space<hbm>>)
    %convert_element_type3A_666 = arith.extui %eq3A_200 : i1 to i32
    %cond3A_667 = arith.constant 0 : i32
    %cond3A_668 = arith.cmpi ne, %convert_element_type3A_666, %cond3A_667 : i32
    scf.if %cond3A_668 {
      %mul3A_992 = arith.constant 2 : i32
      %mul3A_993 = arith.muli %add3A, %mul3A_992 : i32
      %add3A_994 = arith.constant 64 : i32
      %add3A_995 = arith.addi %add3A_994, %mul3A_993 : i32
      %add3A_996 = arith.constant 0 : i32
      %add3A_997 = arith.addi %add3A_995, %add3A_996 : i32
      %dma_wait3A_998 = arith.constant 2 : i32
      %dma_wait3A_999 = arith.constant 0 : i32
      %dma_wait3A_1000 = arith.constant 0 : i32
      %dma_wait3A_1001 = tpu.memref_slice %arg7[%dma_wait3A_998, %dma_wait3A_999, %dma_wait3A_1000] : memref<5x1x16384xf32, #tpu.memory_space<vmem>> -> memref<1x1x16384xf32, #tpu.memory_space<vmem>>
      %dma_wait3A_1002 = tpu.memref_squeeze %dma_wait3A_1001 : memref<1x1x16384xf32, #tpu.memory_space<vmem>> -> memref<1x16384xf32, #tpu.memory_space<vmem>>
      %dma_wait3A_1003 = arith.constant 32768 : i32
      %dma_wait3A_1004 = tpu.memref_slice %arg4[%add3A_997, %dma_wait3A_1003] : memref<256x65536xf32, #tpu.memory_space<hbm>> -> memref<1x16384xf32, #tpu.memory_space<hbm>>
      %dma_wait3A_1005 = arith.constant 32768 : i32
      %dma_wait3A_1006 = tpu.memref_slice %arg4[%add3A_997, %dma_wait3A_1005] : memref<256x65536xf32, #tpu.memory_space<hbm>> -> memref<1x16384xf32, #tpu.memory_space<hbm>>
      %dma_wait3A_1007 = arith.constant 0 : i32
      %dma_wait3A_1008 = arith.constant 0 : i32
      %dma_wait3A_1009 = tpu.memref_slice %arg7[%dma_wait3A_998, %dma_wait3A_1007, %dma_wait3A_1008] : memref<5x1x16384xf32, #tpu.memory_space<vmem>> -> memref<1x1x16384xf32, #tpu.memory_space<vmem>>
      %dma_wait3A_1010 = tpu.memref_squeeze %dma_wait3A_1009 : memref<1x1x16384xf32, #tpu.memory_space<vmem>> -> memref<1x16384xf32, #tpu.memory_space<vmem>>
      tpu.wait_dma2 semaphore(%arg16 : memref<!tpu.dma_semaphore, #tpu.memory_space<semaphore_mem>>) src(%dma_wait3A_1010 : memref<1x16384xf32, #tpu.memory_space<vmem>>) dst(%dma_wait3A_1006 : memref<1x16384xf32, #tpu.memory_space<hbm>>)
    } else {
    }
    %convert_element_type3A_669 = arith.extui %eq3A_218 : i1 to i32
    %cond3A_670 = arith.constant 0 : i32
    %cond3A_671 = arith.cmpi ne, %convert_element_type3A_669, %cond3A_670 : i32
    scf.if %cond3A_671 {
      %mul3A_992 = arith.constant 2 : i32
      %mul3A_993 = arith.muli %add3A, %mul3A_992 : i32
      %add3A_994 = arith.constant 128 : i32
      %add3A_995 = arith.addi %add3A_994, %mul3A_993 : i32
      %add3A_996 = arith.constant 0 : i32
      %add3A_997 = arith.addi %add3A_995, %add3A_996 : i32
      %dma_wait3A_998 = arith.constant 2 : i32
      %dma_wait3A_999 = arith.constant 0 : i32
      %dma_wait3A_1000 = arith.constant 0 : i32
      %dma_wait3A_1001 = tpu.memref_slice %arg7[%dma_wait3A_998, %dma_wait3A_999, %dma_wait3A_1000] : memref<5x1x16384xf32, #tpu.memory_space<vmem>> -> memref<1x1x16384xf32, #tpu.memory_space<vmem>>
      %dma_wait3A_1002 = tpu.memref_squeeze %dma_wait3A_1001 : memref<1x1x16384xf32, #tpu.memory_space<vmem>> -> memref<1x16384xf32, #tpu.memory_space<vmem>>
      %dma_wait3A_1003 = arith.constant 32768 : i32
      %dma_wait3A_1004 = tpu.memref_slice %arg4[%add3A_997, %dma_wait3A_1003] : memref<256x65536xf32, #tpu.memory_space<hbm>> -> memref<1x16384xf32, #tpu.memory_space<hbm>>
      %dma_wait3A_1005 = arith.constant 32768 : i32
      %dma_wait3A_1006 = tpu.memref_slice %arg4[%add3A_997, %dma_wait3A_1005] : memref<256x65536xf32, #tpu.memory_space<hbm>> -> memref<1x16384xf32, #tpu.memory_space<hbm>>
      %dma_wait3A_1007 = arith.constant 0 : i32
      %dma_wait3A_1008 = arith.constant 0 : i32
      %dma_wait3A_1009 = tpu.memref_slice %arg7[%dma_wait3A_998, %dma_wait3A_1007, %dma_wait3A_1008] : memref<5x1x16384xf32, #tpu.memory_space<vmem>> -> memref<1x1x16384xf32, #tpu.memory_space<vmem>>
      %dma_wait3A_1010 = tpu.memref_squeeze %dma_wait3A_1009 : memref<1x1x16384xf32, #tpu.memory_space<vmem>> -> memref<1x16384xf32, #tpu.memory_space<vmem>>
      tpu.wait_dma2 semaphore(%arg16 : memref<!tpu.dma_semaphore, #tpu.memory_space<semaphore_mem>>) src(%dma_wait3A_1010 : memref<1x16384xf32, #tpu.memory_space<vmem>>) dst(%dma_wait3A_1006 : memref<1x16384xf32, #tpu.memory_space<hbm>>)
    } else {
    }
    %convert_element_type3A_672 = arith.extui %eq3A_236 : i1 to i32
    %cond3A_673 = arith.constant 0 : i32
    %cond3A_674 = arith.cmpi ne, %convert_element_type3A_672, %cond3A_673 : i32
    scf.if %cond3A_674 {
      %mul3A_992 = arith.constant 2 : i32
      %mul3A_993 = arith.muli %add3A, %mul3A_992 : i32
      %add3A_994 = arith.constant 192 : i32
      %add3A_995 = arith.addi %add3A_994, %mul3A_993 : i32
      %add3A_996 = arith.constant 0 : i32
      %add3A_997 = arith.addi %add3A_995, %add3A_996 : i32
      %dma_wait3A_998 = arith.constant 2 : i32
      %dma_wait3A_999 = arith.constant 0 : i32
      %dma_wait3A_1000 = arith.constant 0 : i32
      %dma_wait3A_1001 = tpu.memref_slice %arg7[%dma_wait3A_998, %dma_wait3A_999, %dma_wait3A_1000] : memref<5x1x16384xf32, #tpu.memory_space<vmem>> -> memref<1x1x16384xf32, #tpu.memory_space<vmem>>
      %dma_wait3A_1002 = tpu.memref_squeeze %dma_wait3A_1001 : memref<1x1x16384xf32, #tpu.memory_space<vmem>> -> memref<1x16384xf32, #tpu.memory_space<vmem>>
      %dma_wait3A_1003 = arith.constant 32768 : i32
      %dma_wait3A_1004 = tpu.memref_slice %arg4[%add3A_997, %dma_wait3A_1003] : memref<256x65536xf32, #tpu.memory_space<hbm>> -> memref<1x16384xf32, #tpu.memory_space<hbm>>
      %dma_wait3A_1005 = arith.constant 32768 : i32
      %dma_wait3A_1006 = tpu.memref_slice %arg4[%add3A_997, %dma_wait3A_1005] : memref<256x65536xf32, #tpu.memory_space<hbm>> -> memref<1x16384xf32, #tpu.memory_space<hbm>>
      %dma_wait3A_1007 = arith.constant 0 : i32
      %dma_wait3A_1008 = arith.constant 0 : i32
      %dma_wait3A_1009 = tpu.memref_slice %arg7[%dma_wait3A_998, %dma_wait3A_1007, %dma_wait3A_1008] : memref<5x1x16384xf32, #tpu.memory_space<vmem>> -> memref<1x1x16384xf32, #tpu.memory_space<vmem>>
      %dma_wait3A_1010 = tpu.memref_squeeze %dma_wait3A_1009 : memref<1x1x16384xf32, #tpu.memory_space<vmem>> -> memref<1x16384xf32, #tpu.memory_space<vmem>>
      tpu.wait_dma2 semaphore(%arg16 : memref<!tpu.dma_semaphore, #tpu.memory_space<semaphore_mem>>) src(%dma_wait3A_1010 : memref<1x16384xf32, #tpu.memory_space<vmem>>) dst(%dma_wait3A_1006 : memref<1x16384xf32, #tpu.memory_space<hbm>>)
    } else {
    }
    %dma_start3A_675 = arith.constant 0 : i32
    %dma_start3A_676 = arith.constant 2 : i32
    %dma_start3A_677 = arith.constant 0 : i32
    %dma_start3A_678 = arith.constant 0 : i32
    %dma_start3A_679 = tpu.memref_slice %arg7[%dma_start3A_676, %dma_start3A_677, %dma_start3A_678] : memref<5x1x16384xf32, #tpu.memory_space<vmem>> -> memref<1x1x16384xf32, #tpu.memory_space<vmem>>
    %dma_start3A_680 = tpu.memref_squeeze %dma_start3A_679 : memref<1x1x16384xf32, #tpu.memory_space<vmem>> -> memref<1x16384xf32, #tpu.memory_space<vmem>>
    %dma_start3A_681 = arith.constant 1 : i32
    %dma_start3A_682 = tpu.memref_slice %arg6[%dma_start3A_675, %dma_start3A_681] : memref<4x16xi32, #tpu.memory_space<vmem>> -> memref<1x1xi32, #tpu.memory_space<vmem>>
    %dma_start3A_683 = tpu.memref_squeeze %dma_start3A_682 : memref<1x1xi32, #tpu.memory_space<vmem>> -> memref<1xi32, #tpu.memory_space<vmem>>
    %dma_start3A_684 = arith.constant 0 : i32
    %dma_start3A_685 = arith.constant 49152 : i32
    %dma_start3A_686 = tpu.memref_slice %arg2[%dma_start3A_684, %dma_start3A_685] : memref<64x65536xf32, #tpu.memory_space<hbm>> -> memref<64x16384xf32, #tpu.memory_space<hbm>>
    tpu.enqueue_indirect_dma source(%dma_start3A_686 : memref<64x16384xf32, #tpu.memory_space<hbm>>) target(%dma_start3A_680 : memref<1x16384xf32, #tpu.memory_space<vmem>>) offsets(%dma_start3A_683 : memref<1xi32, #tpu.memory_space<vmem>>) semaphore(%arg11 : memref<!tpu.dma_semaphore, #tpu.memory_space<semaphore_mem>>)
    %dma_wait3A_687 = arith.constant 0 : i32
    %dma_wait3A_688 = arith.constant 0 : i32
    %dma_wait3A_689 = arith.constant 0 : i32
    %dma_wait3A_690 = arith.constant 0 : i32
    %dma_wait3A_691 = tpu.memref_slice %arg7[%dma_wait3A_688, %dma_wait3A_689, %dma_wait3A_690] : memref<5x1x16384xf32, #tpu.memory_space<vmem>> -> memref<1x1x16384xf32, #tpu.memory_space<vmem>>
    %dma_wait3A_692 = tpu.memref_squeeze %dma_wait3A_691 : memref<1x1x16384xf32, #tpu.memory_space<vmem>> -> memref<1x16384xf32, #tpu.memory_space<vmem>>
    %dma_wait3A_693 = arith.constant 1 : i32
    %dma_wait3A_694 = tpu.memref_slice %arg6[%dma_wait3A_687, %dma_wait3A_693] : memref<4x16xi32, #tpu.memory_space<vmem>> -> memref<1x1xi32, #tpu.memory_space<vmem>>
    %dma_wait3A_695 = tpu.memref_squeeze %dma_wait3A_694 : memref<1x1xi32, #tpu.memory_space<vmem>> -> memref<1xi32, #tpu.memory_space<vmem>>
    %dma_wait3A_696 = arith.constant 0 : i32
    %dma_wait3A_697 = arith.constant 16384 : i32
    %dma_wait3A_698 = tpu.memref_slice %arg2[%dma_wait3A_696, %dma_wait3A_697] : memref<64x65536xf32, #tpu.memory_space<hbm>> -> memref<64x16384xf32, #tpu.memory_space<hbm>>
    tpu.wait_indirect_dma semaphore(%arg9 : memref<!tpu.dma_semaphore, #tpu.memory_space<semaphore_mem>>) src(%dma_wait3A_698 : memref<64x16384xf32, #tpu.memory_space<hbm>>) dst(%dma_wait3A_692 : memref<1x16384xf32, #tpu.memory_space<vmem>>)
    %mul3A_699 = arith.constant 2 : i32
    %mul3A_700 = arith.muli %add3A, %mul3A_699 : i32
    %add3A_701 = arith.constant 0 : i32
    %add3A_702 = arith.addi %add3A_701, %mul3A_700 : i32
    %add3A_703 = arith.constant 1 : i32
    %add3A_704 = arith.addi %add3A_702, %add3A_703 : i32
    %dma_start3A_705 = arith.constant 0 : i32
    %dma_start3A_706 = arith.constant 0 : i32
    %dma_start3A_707 = arith.constant 0 : i32
    %dma_start3A_708 = tpu.memref_slice %arg7[%dma_start3A_705, %dma_start3A_706, %dma_start3A_707] : memref<5x1x16384xf32, #tpu.memory_space<vmem>> -> memref<1x1x16384xf32, #tpu.memory_space<vmem>>
    %dma_start3A_709 = tpu.memref_squeeze %dma_start3A_708 : memref<1x1x16384xf32, #tpu.memory_space<vmem>> -> memref<1x16384xf32, #tpu.memory_space<vmem>>
    %dma_start3A_710 = arith.constant 16384 : i32
    %dma_start3A_711 = tpu.memref_slice %arg4[%add3A_704, %dma_start3A_710] : memref<256x65536xf32, #tpu.memory_space<hbm>> -> memref<1x16384xf32, #tpu.memory_space<hbm>>
    %dma_start3A_712 = arith.constant 16384 : i32
    %dma_start3A_713 = tpu.memref_slice %arg4[%add3A_704, %dma_start3A_712] : memref<256x65536xf32, #tpu.memory_space<hbm>> -> memref<1x16384xf32, #tpu.memory_space<hbm>>
    %dma_start3A_714 = arith.constant 0 : i32
    %dma_start3A_715 = arith.constant 0 : i32
    %dma_start3A_716 = tpu.memref_slice %arg7[%dma_start3A_705, %dma_start3A_714, %dma_start3A_715] : memref<5x1x16384xf32, #tpu.memory_space<vmem>> -> memref<1x1x16384xf32, #tpu.memory_space<vmem>>
    %dma_start3A_717 = tpu.memref_squeeze %dma_start3A_716 : memref<1x1x16384xf32, #tpu.memory_space<vmem>> -> memref<1x16384xf32, #tpu.memory_space<vmem>>
    tpu.enqueue_dma source(%dma_start3A_717 : memref<1x16384xf32, #tpu.memory_space<vmem>>) target(%dma_start3A_713 : memref<1x16384xf32, #tpu.memory_space<hbm>>) target_semaphore(%arg14 : memref<!tpu.dma_semaphore, #tpu.memory_space<semaphore_mem>>)
    %convert_element_type3A_718 = arith.extui %eq3A_200 : i1 to i32
    %cond3A_719 = arith.constant 0 : i32
    %cond3A_720 = arith.cmpi ne, %convert_element_type3A_718, %cond3A_719 : i32
    scf.if %cond3A_720 {
      %mul3A_992 = arith.constant 2 : i32
      %mul3A_993 = arith.muli %add3A, %mul3A_992 : i32
      %add3A_994 = arith.constant 64 : i32
      %add3A_995 = arith.addi %add3A_994, %mul3A_993 : i32
      %add3A_996 = arith.constant 1 : i32
      %add3A_997 = arith.addi %add3A_995, %add3A_996 : i32
      %dma_start3A_998 = arith.constant 0 : i32
      %dma_start3A_999 = arith.constant 0 : i32
      %dma_start3A_1000 = arith.constant 0 : i32
      %dma_start3A_1001 = tpu.memref_slice %arg7[%dma_start3A_998, %dma_start3A_999, %dma_start3A_1000] : memref<5x1x16384xf32, #tpu.memory_space<vmem>> -> memref<1x1x16384xf32, #tpu.memory_space<vmem>>
      %dma_start3A_1002 = tpu.memref_squeeze %dma_start3A_1001 : memref<1x1x16384xf32, #tpu.memory_space<vmem>> -> memref<1x16384xf32, #tpu.memory_space<vmem>>
      %dma_start3A_1003 = arith.constant 16384 : i32
      %dma_start3A_1004 = tpu.memref_slice %arg4[%add3A_997, %dma_start3A_1003] : memref<256x65536xf32, #tpu.memory_space<hbm>> -> memref<1x16384xf32, #tpu.memory_space<hbm>>
      %dma_start3A_1005 = arith.constant 16384 : i32
      %dma_start3A_1006 = tpu.memref_slice %arg4[%add3A_997, %dma_start3A_1005] : memref<256x65536xf32, #tpu.memory_space<hbm>> -> memref<1x16384xf32, #tpu.memory_space<hbm>>
      %dma_start3A_1007 = arith.constant 0 : i32
      %dma_start3A_1008 = arith.constant 0 : i32
      %dma_start3A_1009 = tpu.memref_slice %arg7[%dma_start3A_998, %dma_start3A_1007, %dma_start3A_1008] : memref<5x1x16384xf32, #tpu.memory_space<vmem>> -> memref<1x1x16384xf32, #tpu.memory_space<vmem>>
      %dma_start3A_1010 = tpu.memref_squeeze %dma_start3A_1009 : memref<1x1x16384xf32, #tpu.memory_space<vmem>> -> memref<1x16384xf32, #tpu.memory_space<vmem>>
      tpu.enqueue_dma source(%dma_start3A_1010 : memref<1x16384xf32, #tpu.memory_space<vmem>>) target(%dma_start3A_1006 : memref<1x16384xf32, #tpu.memory_space<hbm>>) target_semaphore(%arg14 : memref<!tpu.dma_semaphore, #tpu.memory_space<semaphore_mem>>)
    } else {
    }
    %not3A_721 = arith.constant true
    %not3A_722 = arith.xori %eq3A_200, %not3A_721 : i1
    %convert_element_type3A_723 = arith.extui %not3A_722 : i1 to i32
    %cond3A_724 = arith.constant 0 : i32
    %cond3A_725 = arith.cmpi ne, %convert_element_type3A_723, %cond3A_724 : i32
    scf.if %cond3A_725 {
      %dma_start3A_992 = arith.constant 1 : i32
      %dma_start3A_993 = arith.constant 0 : i32
      %dma_start3A_994 = arith.constant 0 : i32
      %dma_start3A_995 = arith.constant 0 : i32
      %dma_start3A_996 = tpu.memref_slice %arg8[%dma_start3A_993, %dma_start3A_994, %dma_start3A_995] : memref<1x1x16384xf32, #tpu.memory_space<vmem>> -> memref<1x1x16384xf32, #tpu.memory_space<vmem>>
      %dma_start3A_997 = tpu.memref_squeeze %dma_start3A_996 : memref<1x1x16384xf32, #tpu.memory_space<vmem>> -> memref<1x16384xf32, #tpu.memory_space<vmem>>
      %dma_start3A_998 = arith.constant 1 : i32
      %dma_start3A_999 = tpu.memref_slice %arg6[%dma_start3A_992, %dma_start3A_998] : memref<4x16xi32, #tpu.memory_space<vmem>> -> memref<1x1xi32, #tpu.memory_space<vmem>>
      %dma_start3A_1000 = tpu.memref_squeeze %dma_start3A_999 : memref<1x1xi32, #tpu.memory_space<vmem>> -> memref<1xi32, #tpu.memory_space<vmem>>
      %dma_start3A_1001 = arith.constant 0 : i32
      %dma_start3A_1002 = arith.constant 16384 : i32
      %dma_start3A_1003 = tpu.memref_slice %arg2[%dma_start3A_1001, %dma_start3A_1002] : memref<64x65536xf32, #tpu.memory_space<hbm>> -> memref<64x16384xf32, #tpu.memory_space<hbm>>
      tpu.enqueue_indirect_dma source(%dma_start3A_1003 : memref<64x16384xf32, #tpu.memory_space<hbm>>) target(%dma_start3A_997 : memref<1x16384xf32, #tpu.memory_space<vmem>>) offsets(%dma_start3A_1000 : memref<1xi32, #tpu.memory_space<vmem>>) semaphore(%arg19 : memref<!tpu.dma_semaphore, #tpu.memory_space<semaphore_mem>>)
      %dma_wait3A_1004 = arith.constant 1 : i32
      %dma_wait3A_1005 = arith.constant 0 : i32
      %dma_wait3A_1006 = arith.constant 0 : i32
      %dma_wait3A_1007 = arith.constant 0 : i32
      %dma_wait3A_1008 = tpu.memref_slice %arg8[%dma_wait3A_1005, %dma_wait3A_1006, %dma_wait3A_1007] : memref<1x1x16384xf32, #tpu.memory_space<vmem>> -> memref<1x1x16384xf32, #tpu.memory_space<vmem>>
      %dma_wait3A_1009 = tpu.memref_squeeze %dma_wait3A_1008 : memref<1x1x16384xf32, #tpu.memory_space<vmem>> -> memref<1x16384xf32, #tpu.memory_space<vmem>>
      %dma_wait3A_1010 = arith.constant 1 : i32
      %dma_wait3A_1011 = tpu.memref_slice %arg6[%dma_wait3A_1004, %dma_wait3A_1010] : memref<4x16xi32, #tpu.memory_space<vmem>> -> memref<1x1xi32, #tpu.memory_space<vmem>>
      %dma_wait3A_1012 = tpu.memref_squeeze %dma_wait3A_1011 : memref<1x1xi32, #tpu.memory_space<vmem>> -> memref<1xi32, #tpu.memory_space<vmem>>
      %dma_wait3A_1013 = arith.constant 0 : i32
      %dma_wait3A_1014 = arith.constant 16384 : i32
      %dma_wait3A_1015 = tpu.memref_slice %arg2[%dma_wait3A_1013, %dma_wait3A_1014] : memref<64x65536xf32, #tpu.memory_space<hbm>> -> memref<64x16384xf32, #tpu.memory_space<hbm>>
      tpu.wait_indirect_dma semaphore(%arg19 : memref<!tpu.dma_semaphore, #tpu.memory_space<semaphore_mem>>) src(%dma_wait3A_1015 : memref<64x16384xf32, #tpu.memory_space<hbm>>) dst(%dma_wait3A_1009 : memref<1x16384xf32, #tpu.memory_space<vmem>>)
      %mul3A_1016 = arith.constant 2 : i32
      %mul3A_1017 = arith.muli %add3A, %mul3A_1016 : i32
      %add3A_1018 = arith.constant 64 : i32
      %add3A_1019 = arith.addi %add3A_1018, %mul3A_1017 : i32
      %add3A_1020 = arith.constant 1 : i32
      %add3A_1021 = arith.addi %add3A_1019, %add3A_1020 : i32
      %dma_start3A_1022 = arith.constant 0 : i32
      %dma_start3A_1023 = arith.constant 0 : i32
      %dma_start3A_1024 = arith.constant 0 : i32
      %dma_start3A_1025 = tpu.memref_slice %arg8[%dma_start3A_1022, %dma_start3A_1023, %dma_start3A_1024] : memref<1x1x16384xf32, #tpu.memory_space<vmem>> -> memref<1x1x16384xf32, #tpu.memory_space<vmem>>
      %dma_start3A_1026 = tpu.memref_squeeze %dma_start3A_1025 : memref<1x1x16384xf32, #tpu.memory_space<vmem>> -> memref<1x16384xf32, #tpu.memory_space<vmem>>
      %dma_start3A_1027 = arith.constant 16384 : i32
      %dma_start3A_1028 = tpu.memref_slice %arg4[%add3A_1021, %dma_start3A_1027] : memref<256x65536xf32, #tpu.memory_space<hbm>> -> memref<1x16384xf32, #tpu.memory_space<hbm>>
      %dma_start3A_1029 = arith.constant 16384 : i32
      %dma_start3A_1030 = tpu.memref_slice %arg4[%add3A_1021, %dma_start3A_1029] : memref<256x65536xf32, #tpu.memory_space<hbm>> -> memref<1x16384xf32, #tpu.memory_space<hbm>>
      %dma_start3A_1031 = arith.constant 0 : i32
      %dma_start3A_1032 = arith.constant 0 : i32
      %dma_start3A_1033 = tpu.memref_slice %arg8[%dma_start3A_1022, %dma_start3A_1031, %dma_start3A_1032] : memref<1x1x16384xf32, #tpu.memory_space<vmem>> -> memref<1x1x16384xf32, #tpu.memory_space<vmem>>
      %dma_start3A_1034 = tpu.memref_squeeze %dma_start3A_1033 : memref<1x1x16384xf32, #tpu.memory_space<vmem>> -> memref<1x16384xf32, #tpu.memory_space<vmem>>
      tpu.enqueue_dma source(%dma_start3A_1034 : memref<1x16384xf32, #tpu.memory_space<vmem>>) target(%dma_start3A_1030 : memref<1x16384xf32, #tpu.memory_space<hbm>>) target_semaphore(%arg20 : memref<!tpu.dma_semaphore, #tpu.memory_space<semaphore_mem>>)
      %mul3A_1035 = arith.constant 2 : i32
      %mul3A_1036 = arith.muli %add3A, %mul3A_1035 : i32
      %add3A_1037 = arith.constant 64 : i32
      %add3A_1038 = arith.addi %add3A_1037, %mul3A_1036 : i32
      %add3A_1039 = arith.constant 1 : i32
      %add3A_1040 = arith.addi %add3A_1038, %add3A_1039 : i32
      %dma_wait3A_1041 = arith.constant 0 : i32
      %dma_wait3A_1042 = arith.constant 0 : i32
      %dma_wait3A_1043 = arith.constant 0 : i32
      %dma_wait3A_1044 = tpu.memref_slice %arg8[%dma_wait3A_1041, %dma_wait3A_1042, %dma_wait3A_1043] : memref<1x1x16384xf32, #tpu.memory_space<vmem>> -> memref<1x1x16384xf32, #tpu.memory_space<vmem>>
      %dma_wait3A_1045 = tpu.memref_squeeze %dma_wait3A_1044 : memref<1x1x16384xf32, #tpu.memory_space<vmem>> -> memref<1x16384xf32, #tpu.memory_space<vmem>>
      %dma_wait3A_1046 = arith.constant 16384 : i32
      %dma_wait3A_1047 = tpu.memref_slice %arg4[%add3A_1040, %dma_wait3A_1046] : memref<256x65536xf32, #tpu.memory_space<hbm>> -> memref<1x16384xf32, #tpu.memory_space<hbm>>
      %dma_wait3A_1048 = arith.constant 16384 : i32
      %dma_wait3A_1049 = tpu.memref_slice %arg4[%add3A_1040, %dma_wait3A_1048] : memref<256x65536xf32, #tpu.memory_space<hbm>> -> memref<1x16384xf32, #tpu.memory_space<hbm>>
      %dma_wait3A_1050 = arith.constant 0 : i32
      %dma_wait3A_1051 = arith.constant 0 : i32
      %dma_wait3A_1052 = tpu.memref_slice %arg8[%dma_wait3A_1041, %dma_wait3A_1050, %dma_wait3A_1051] : memref<1x1x16384xf32, #tpu.memory_space<vmem>> -> memref<1x1x16384xf32, #tpu.memory_space<vmem>>
      %dma_wait3A_1053 = tpu.memref_squeeze %dma_wait3A_1052 : memref<1x1x16384xf32, #tpu.memory_space<vmem>> -> memref<1x16384xf32, #tpu.memory_space<vmem>>
      tpu.wait_dma2 semaphore(%arg20 : memref<!tpu.dma_semaphore, #tpu.memory_space<semaphore_mem>>) src(%dma_wait3A_1053 : memref<1x16384xf32, #tpu.memory_space<vmem>>) dst(%dma_wait3A_1049 : memref<1x16384xf32, #tpu.memory_space<hbm>>)
    } else {
    }
    %convert_element_type3A_726 = arith.extui %eq3A_218 : i1 to i32
    %cond3A_727 = arith.constant 0 : i32
    %cond3A_728 = arith.cmpi ne, %convert_element_type3A_726, %cond3A_727 : i32
    scf.if %cond3A_728 {
      %mul3A_992 = arith.constant 2 : i32
      %mul3A_993 = arith.muli %add3A, %mul3A_992 : i32
      %add3A_994 = arith.constant 128 : i32
      %add3A_995 = arith.addi %add3A_994, %mul3A_993 : i32
      %add3A_996 = arith.constant 1 : i32
      %add3A_997 = arith.addi %add3A_995, %add3A_996 : i32
      %dma_start3A_998 = arith.constant 0 : i32
      %dma_start3A_999 = arith.constant 0 : i32
      %dma_start3A_1000 = arith.constant 0 : i32
      %dma_start3A_1001 = tpu.memref_slice %arg7[%dma_start3A_998, %dma_start3A_999, %dma_start3A_1000] : memref<5x1x16384xf32, #tpu.memory_space<vmem>> -> memref<1x1x16384xf32, #tpu.memory_space<vmem>>
      %dma_start3A_1002 = tpu.memref_squeeze %dma_start3A_1001 : memref<1x1x16384xf32, #tpu.memory_space<vmem>> -> memref<1x16384xf32, #tpu.memory_space<vmem>>
      %dma_start3A_1003 = arith.constant 16384 : i32
      %dma_start3A_1004 = tpu.memref_slice %arg4[%add3A_997, %dma_start3A_1003] : memref<256x65536xf32, #tpu.memory_space<hbm>> -> memref<1x16384xf32, #tpu.memory_space<hbm>>
      %dma_start3A_1005 = arith.constant 16384 : i32
      %dma_start3A_1006 = tpu.memref_slice %arg4[%add3A_997, %dma_start3A_1005] : memref<256x65536xf32, #tpu.memory_space<hbm>> -> memref<1x16384xf32, #tpu.memory_space<hbm>>
      %dma_start3A_1007 = arith.constant 0 : i32
      %dma_start3A_1008 = arith.constant 0 : i32
      %dma_start3A_1009 = tpu.memref_slice %arg7[%dma_start3A_998, %dma_start3A_1007, %dma_start3A_1008] : memref<5x1x16384xf32, #tpu.memory_space<vmem>> -> memref<1x1x16384xf32, #tpu.memory_space<vmem>>
      %dma_start3A_1010 = tpu.memref_squeeze %dma_start3A_1009 : memref<1x1x16384xf32, #tpu.memory_space<vmem>> -> memref<1x16384xf32, #tpu.memory_space<vmem>>
      tpu.enqueue_dma source(%dma_start3A_1010 : memref<1x16384xf32, #tpu.memory_space<vmem>>) target(%dma_start3A_1006 : memref<1x16384xf32, #tpu.memory_space<hbm>>) target_semaphore(%arg14 : memref<!tpu.dma_semaphore, #tpu.memory_space<semaphore_mem>>)
    } else {
    }
    %not3A_729 = arith.constant true
    %not3A_730 = arith.xori %eq3A_218, %not3A_729 : i1
    %convert_element_type3A_731 = arith.extui %not3A_730 : i1 to i32
    %cond3A_732 = arith.constant 0 : i32
    %cond3A_733 = arith.cmpi ne, %convert_element_type3A_731, %cond3A_732 : i32
    scf.if %cond3A_733 {
      %dma_start3A_992 = arith.constant 2 : i32
      %dma_start3A_993 = arith.constant 0 : i32
      %dma_start3A_994 = arith.constant 0 : i32
      %dma_start3A_995 = arith.constant 0 : i32
      %dma_start3A_996 = tpu.memref_slice %arg8[%dma_start3A_993, %dma_start3A_994, %dma_start3A_995] : memref<1x1x16384xf32, #tpu.memory_space<vmem>> -> memref<1x1x16384xf32, #tpu.memory_space<vmem>>
      %dma_start3A_997 = tpu.memref_squeeze %dma_start3A_996 : memref<1x1x16384xf32, #tpu.memory_space<vmem>> -> memref<1x16384xf32, #tpu.memory_space<vmem>>
      %dma_start3A_998 = arith.constant 1 : i32
      %dma_start3A_999 = tpu.memref_slice %arg6[%dma_start3A_992, %dma_start3A_998] : memref<4x16xi32, #tpu.memory_space<vmem>> -> memref<1x1xi32, #tpu.memory_space<vmem>>
      %dma_start3A_1000 = tpu.memref_squeeze %dma_start3A_999 : memref<1x1xi32, #tpu.memory_space<vmem>> -> memref<1xi32, #tpu.memory_space<vmem>>
      %dma_start3A_1001 = arith.constant 0 : i32
      %dma_start3A_1002 = arith.constant 16384 : i32
      %dma_start3A_1003 = tpu.memref_slice %arg2[%dma_start3A_1001, %dma_start3A_1002] : memref<64x65536xf32, #tpu.memory_space<hbm>> -> memref<64x16384xf32, #tpu.memory_space<hbm>>
      tpu.enqueue_indirect_dma source(%dma_start3A_1003 : memref<64x16384xf32, #tpu.memory_space<hbm>>) target(%dma_start3A_997 : memref<1x16384xf32, #tpu.memory_space<vmem>>) offsets(%dma_start3A_1000 : memref<1xi32, #tpu.memory_space<vmem>>) semaphore(%arg19 : memref<!tpu.dma_semaphore, #tpu.memory_space<semaphore_mem>>)
      %dma_wait3A_1004 = arith.constant 2 : i32
      %dma_wait3A_1005 = arith.constant 0 : i32
      %dma_wait3A_1006 = arith.constant 0 : i32
      %dma_wait3A_1007 = arith.constant 0 : i32
      %dma_wait3A_1008 = tpu.memref_slice %arg8[%dma_wait3A_1005, %dma_wait3A_1006, %dma_wait3A_1007] : memref<1x1x16384xf32, #tpu.memory_space<vmem>> -> memref<1x1x16384xf32, #tpu.memory_space<vmem>>
      %dma_wait3A_1009 = tpu.memref_squeeze %dma_wait3A_1008 : memref<1x1x16384xf32, #tpu.memory_space<vmem>> -> memref<1x16384xf32, #tpu.memory_space<vmem>>
      %dma_wait3A_1010 = arith.constant 1 : i32
      %dma_wait3A_1011 = tpu.memref_slice %arg6[%dma_wait3A_1004, %dma_wait3A_1010] : memref<4x16xi32, #tpu.memory_space<vmem>> -> memref<1x1xi32, #tpu.memory_space<vmem>>
      %dma_wait3A_1012 = tpu.memref_squeeze %dma_wait3A_1011 : memref<1x1xi32, #tpu.memory_space<vmem>> -> memref<1xi32, #tpu.memory_space<vmem>>
      %dma_wait3A_1013 = arith.constant 0 : i32
      %dma_wait3A_1014 = arith.constant 16384 : i32
      %dma_wait3A_1015 = tpu.memref_slice %arg2[%dma_wait3A_1013, %dma_wait3A_1014] : memref<64x65536xf32, #tpu.memory_space<hbm>> -> memref<64x16384xf32, #tpu.memory_space<hbm>>
      tpu.wait_indirect_dma semaphore(%arg19 : memref<!tpu.dma_semaphore, #tpu.memory_space<semaphore_mem>>) src(%dma_wait3A_1015 : memref<64x16384xf32, #tpu.memory_space<hbm>>) dst(%dma_wait3A_1009 : memref<1x16384xf32, #tpu.memory_space<vmem>>)
      %mul3A_1016 = arith.constant 2 : i32
      %mul3A_1017 = arith.muli %add3A, %mul3A_1016 : i32
      %add3A_1018 = arith.constant 128 : i32
      %add3A_1019 = arith.addi %add3A_1018, %mul3A_1017 : i32
      %add3A_1020 = arith.constant 1 : i32
      %add3A_1021 = arith.addi %add3A_1019, %add3A_1020 : i32
      %dma_start3A_1022 = arith.constant 0 : i32
      %dma_start3A_1023 = arith.constant 0 : i32
      %dma_start3A_1024 = arith.constant 0 : i32
      %dma_start3A_1025 = tpu.memref_slice %arg8[%dma_start3A_1022, %dma_start3A_1023, %dma_start3A_1024] : memref<1x1x16384xf32, #tpu.memory_space<vmem>> -> memref<1x1x16384xf32, #tpu.memory_space<vmem>>
      %dma_start3A_1026 = tpu.memref_squeeze %dma_start3A_1025 : memref<1x1x16384xf32, #tpu.memory_space<vmem>> -> memref<1x16384xf32, #tpu.memory_space<vmem>>
      %dma_start3A_1027 = arith.constant 16384 : i32
      %dma_start3A_1028 = tpu.memref_slice %arg4[%add3A_1021, %dma_start3A_1027] : memref<256x65536xf32, #tpu.memory_space<hbm>> -> memref<1x16384xf32, #tpu.memory_space<hbm>>
      %dma_start3A_1029 = arith.constant 16384 : i32
      %dma_start3A_1030 = tpu.memref_slice %arg4[%add3A_1021, %dma_start3A_1029] : memref<256x65536xf32, #tpu.memory_space<hbm>> -> memref<1x16384xf32, #tpu.memory_space<hbm>>
      %dma_start3A_1031 = arith.constant 0 : i32
      %dma_start3A_1032 = arith.constant 0 : i32
      %dma_start3A_1033 = tpu.memref_slice %arg8[%dma_start3A_1022, %dma_start3A_1031, %dma_start3A_1032] : memref<1x1x16384xf32, #tpu.memory_space<vmem>> -> memref<1x1x16384xf32, #tpu.memory_space<vmem>>
      %dma_start3A_1034 = tpu.memref_squeeze %dma_start3A_1033 : memref<1x1x16384xf32, #tpu.memory_space<vmem>> -> memref<1x16384xf32, #tpu.memory_space<vmem>>
      tpu.enqueue_dma source(%dma_start3A_1034 : memref<1x16384xf32, #tpu.memory_space<vmem>>) target(%dma_start3A_1030 : memref<1x16384xf32, #tpu.memory_space<hbm>>) target_semaphore(%arg20 : memref<!tpu.dma_semaphore, #tpu.memory_space<semaphore_mem>>)
      %mul3A_1035 = arith.constant 2 : i32
      %mul3A_1036 = arith.muli %add3A, %mul3A_1035 : i32
      %add3A_1037 = arith.constant 128 : i32
      %add3A_1038 = arith.addi %add3A_1037, %mul3A_1036 : i32
      %add3A_1039 = arith.constant 1 : i32
      %add3A_1040 = arith.addi %add3A_1038, %add3A_1039 : i32
      %dma_wait3A_1041 = arith.constant 0 : i32
      %dma_wait3A_1042 = arith.constant 0 : i32
      %dma_wait3A_1043 = arith.constant 0 : i32
      %dma_wait3A_1044 = tpu.memref_slice %arg8[%dma_wait3A_1041, %dma_wait3A_1042, %dma_wait3A_1043] : memref<1x1x16384xf32, #tpu.memory_space<vmem>> -> memref<1x1x16384xf32, #tpu.memory_space<vmem>>
      %dma_wait3A_1045 = tpu.memref_squeeze %dma_wait3A_1044 : memref<1x1x16384xf32, #tpu.memory_space<vmem>> -> memref<1x16384xf32, #tpu.memory_space<vmem>>
      %dma_wait3A_1046 = arith.constant 16384 : i32
      %dma_wait3A_1047 = tpu.memref_slice %arg4[%add3A_1040, %dma_wait3A_1046] : memref<256x65536xf32, #tpu.memory_space<hbm>> -> memref<1x16384xf32, #tpu.memory_space<hbm>>
      %dma_wait3A_1048 = arith.constant 16384 : i32
      %dma_wait3A_1049 = tpu.memref_slice %arg4[%add3A_1040, %dma_wait3A_1048] : memref<256x65536xf32, #tpu.memory_space<hbm>> -> memref<1x16384xf32, #tpu.memory_space<hbm>>
      %dma_wait3A_1050 = arith.constant 0 : i32
      %dma_wait3A_1051 = arith.constant 0 : i32
      %dma_wait3A_1052 = tpu.memref_slice %arg8[%dma_wait3A_1041, %dma_wait3A_1050, %dma_wait3A_1051] : memref<1x1x16384xf32, #tpu.memory_space<vmem>> -> memref<1x1x16384xf32, #tpu.memory_space<vmem>>
      %dma_wait3A_1053 = tpu.memref_squeeze %dma_wait3A_1052 : memref<1x1x16384xf32, #tpu.memory_space<vmem>> -> memref<1x16384xf32, #tpu.memory_space<vmem>>
      tpu.wait_dma2 semaphore(%arg20 : memref<!tpu.dma_semaphore, #tpu.memory_space<semaphore_mem>>) src(%dma_wait3A_1053 : memref<1x16384xf32, #tpu.memory_space<vmem>>) dst(%dma_wait3A_1049 : memref<1x16384xf32, #tpu.memory_space<hbm>>)
    } else {
    }
    %convert_element_type3A_734 = arith.extui %eq3A_236 : i1 to i32
    %cond3A_735 = arith.constant 0 : i32
    %cond3A_736 = arith.cmpi ne, %convert_element_type3A_734, %cond3A_735 : i32
    scf.if %cond3A_736 {
      %mul3A_992 = arith.constant 2 : i32
      %mul3A_993 = arith.muli %add3A, %mul3A_992 : i32
      %add3A_994 = arith.constant 192 : i32
      %add3A_995 = arith.addi %add3A_994, %mul3A_993 : i32
      %add3A_996 = arith.constant 1 : i32
      %add3A_997 = arith.addi %add3A_995, %add3A_996 : i32
      %dma_start3A_998 = arith.constant 0 : i32
      %dma_start3A_999 = arith.constant 0 : i32
      %dma_start3A_1000 = arith.constant 0 : i32
      %dma_start3A_1001 = tpu.memref_slice %arg7[%dma_start3A_998, %dma_start3A_999, %dma_start3A_1000] : memref<5x1x16384xf32, #tpu.memory_space<vmem>> -> memref<1x1x16384xf32, #tpu.memory_space<vmem>>
      %dma_start3A_1002 = tpu.memref_squeeze %dma_start3A_1001 : memref<1x1x16384xf32, #tpu.memory_space<vmem>> -> memref<1x16384xf32, #tpu.memory_space<vmem>>
      %dma_start3A_1003 = arith.constant 16384 : i32
      %dma_start3A_1004 = tpu.memref_slice %arg4[%add3A_997, %dma_start3A_1003] : memref<256x65536xf32, #tpu.memory_space<hbm>> -> memref<1x16384xf32, #tpu.memory_space<hbm>>
      %dma_start3A_1005 = arith.constant 16384 : i32
      %dma_start3A_1006 = tpu.memref_slice %arg4[%add3A_997, %dma_start3A_1005] : memref<256x65536xf32, #tpu.memory_space<hbm>> -> memref<1x16384xf32, #tpu.memory_space<hbm>>
      %dma_start3A_1007 = arith.constant 0 : i32
      %dma_start3A_1008 = arith.constant 0 : i32
      %dma_start3A_1009 = tpu.memref_slice %arg7[%dma_start3A_998, %dma_start3A_1007, %dma_start3A_1008] : memref<5x1x16384xf32, #tpu.memory_space<vmem>> -> memref<1x1x16384xf32, #tpu.memory_space<vmem>>
      %dma_start3A_1010 = tpu.memref_squeeze %dma_start3A_1009 : memref<1x1x16384xf32, #tpu.memory_space<vmem>> -> memref<1x16384xf32, #tpu.memory_space<vmem>>
      tpu.enqueue_dma source(%dma_start3A_1010 : memref<1x16384xf32, #tpu.memory_space<vmem>>) target(%dma_start3A_1006 : memref<1x16384xf32, #tpu.memory_space<hbm>>) target_semaphore(%arg14 : memref<!tpu.dma_semaphore, #tpu.memory_space<semaphore_mem>>)
    } else {
    }
    %not3A_737 = arith.constant true
    %not3A_738 = arith.xori %eq3A_236, %not3A_737 : i1
    %convert_element_type3A_739 = arith.extui %not3A_738 : i1 to i32
    %cond3A_740 = arith.constant 0 : i32
    %cond3A_741 = arith.cmpi ne, %convert_element_type3A_739, %cond3A_740 : i32
    scf.if %cond3A_741 {
      %dma_start3A_992 = arith.constant 3 : i32
      %dma_start3A_993 = arith.constant 0 : i32
      %dma_start3A_994 = arith.constant 0 : i32
      %dma_start3A_995 = arith.constant 0 : i32
      %dma_start3A_996 = tpu.memref_slice %arg8[%dma_start3A_993, %dma_start3A_994, %dma_start3A_995] : memref<1x1x16384xf32, #tpu.memory_space<vmem>> -> memref<1x1x16384xf32, #tpu.memory_space<vmem>>
      %dma_start3A_997 = tpu.memref_squeeze %dma_start3A_996 : memref<1x1x16384xf32, #tpu.memory_space<vmem>> -> memref<1x16384xf32, #tpu.memory_space<vmem>>
      %dma_start3A_998 = arith.constant 1 : i32
      %dma_start3A_999 = tpu.memref_slice %arg6[%dma_start3A_992, %dma_start3A_998] : memref<4x16xi32, #tpu.memory_space<vmem>> -> memref<1x1xi32, #tpu.memory_space<vmem>>
      %dma_start3A_1000 = tpu.memref_squeeze %dma_start3A_999 : memref<1x1xi32, #tpu.memory_space<vmem>> -> memref<1xi32, #tpu.memory_space<vmem>>
      %dma_start3A_1001 = arith.constant 0 : i32
      %dma_start3A_1002 = arith.constant 16384 : i32
      %dma_start3A_1003 = tpu.memref_slice %arg2[%dma_start3A_1001, %dma_start3A_1002] : memref<64x65536xf32, #tpu.memory_space<hbm>> -> memref<64x16384xf32, #tpu.memory_space<hbm>>
      tpu.enqueue_indirect_dma source(%dma_start3A_1003 : memref<64x16384xf32, #tpu.memory_space<hbm>>) target(%dma_start3A_997 : memref<1x16384xf32, #tpu.memory_space<vmem>>) offsets(%dma_start3A_1000 : memref<1xi32, #tpu.memory_space<vmem>>) semaphore(%arg19 : memref<!tpu.dma_semaphore, #tpu.memory_space<semaphore_mem>>)
      %dma_wait3A_1004 = arith.constant 3 : i32
      %dma_wait3A_1005 = arith.constant 0 : i32
      %dma_wait3A_1006 = arith.constant 0 : i32
      %dma_wait3A_1007 = arith.constant 0 : i32
      %dma_wait3A_1008 = tpu.memref_slice %arg8[%dma_wait3A_1005, %dma_wait3A_1006, %dma_wait3A_1007] : memref<1x1x16384xf32, #tpu.memory_space<vmem>> -> memref<1x1x16384xf32, #tpu.memory_space<vmem>>
      %dma_wait3A_1009 = tpu.memref_squeeze %dma_wait3A_1008 : memref<1x1x16384xf32, #tpu.memory_space<vmem>> -> memref<1x16384xf32, #tpu.memory_space<vmem>>
      %dma_wait3A_1010 = arith.constant 1 : i32
      %dma_wait3A_1011 = tpu.memref_slice %arg6[%dma_wait3A_1004, %dma_wait3A_1010] : memref<4x16xi32, #tpu.memory_space<vmem>> -> memref<1x1xi32, #tpu.memory_space<vmem>>
      %dma_wait3A_1012 = tpu.memref_squeeze %dma_wait3A_1011 : memref<1x1xi32, #tpu.memory_space<vmem>> -> memref<1xi32, #tpu.memory_space<vmem>>
      %dma_wait3A_1013 = arith.constant 0 : i32
      %dma_wait3A_1014 = arith.constant 16384 : i32
      %dma_wait3A_1015 = tpu.memref_slice %arg2[%dma_wait3A_1013, %dma_wait3A_1014] : memref<64x65536xf32, #tpu.memory_space<hbm>> -> memref<64x16384xf32, #tpu.memory_space<hbm>>
      tpu.wait_indirect_dma semaphore(%arg19 : memref<!tpu.dma_semaphore, #tpu.memory_space<semaphore_mem>>) src(%dma_wait3A_1015 : memref<64x16384xf32, #tpu.memory_space<hbm>>) dst(%dma_wait3A_1009 : memref<1x16384xf32, #tpu.memory_space<vmem>>)
      %mul3A_1016 = arith.constant 2 : i32
      %mul3A_1017 = arith.muli %add3A, %mul3A_1016 : i32
      %add3A_1018 = arith.constant 192 : i32
      %add3A_1019 = arith.addi %add3A_1018, %mul3A_1017 : i32
      %add3A_1020 = arith.constant 1 : i32
      %add3A_1021 = arith.addi %add3A_1019, %add3A_1020 : i32
      %dma_start3A_1022 = arith.constant 0 : i32
      %dma_start3A_1023 = arith.constant 0 : i32
      %dma_start3A_1024 = arith.constant 0 : i32
      %dma_start3A_1025 = tpu.memref_slice %arg8[%dma_start3A_1022, %dma_start3A_1023, %dma_start3A_1024] : memref<1x1x16384xf32, #tpu.memory_space<vmem>> -> memref<1x1x16384xf32, #tpu.memory_space<vmem>>
      %dma_start3A_1026 = tpu.memref_squeeze %dma_start3A_1025 : memref<1x1x16384xf32, #tpu.memory_space<vmem>> -> memref<1x16384xf32, #tpu.memory_space<vmem>>
      %dma_start3A_1027 = arith.constant 16384 : i32
      %dma_start3A_1028 = tpu.memref_slice %arg4[%add3A_1021, %dma_start3A_1027] : memref<256x65536xf32, #tpu.memory_space<hbm>> -> memref<1x16384xf32, #tpu.memory_space<hbm>>
      %dma_start3A_1029 = arith.constant 16384 : i32
      %dma_start3A_1030 = tpu.memref_slice %arg4[%add3A_1021, %dma_start3A_1029] : memref<256x65536xf32, #tpu.memory_space<hbm>> -> memref<1x16384xf32, #tpu.memory_space<hbm>>
      %dma_start3A_1031 = arith.constant 0 : i32
      %dma_start3A_1032 = arith.constant 0 : i32
      %dma_start3A_1033 = tpu.memref_slice %arg8[%dma_start3A_1022, %dma_start3A_1031, %dma_start3A_1032] : memref<1x1x16384xf32, #tpu.memory_space<vmem>> -> memref<1x1x16384xf32, #tpu.memory_space<vmem>>
      %dma_start3A_1034 = tpu.memref_squeeze %dma_start3A_1033 : memref<1x1x16384xf32, #tpu.memory_space<vmem>> -> memref<1x16384xf32, #tpu.memory_space<vmem>>
      tpu.enqueue_dma source(%dma_start3A_1034 : memref<1x16384xf32, #tpu.memory_space<vmem>>) target(%dma_start3A_1030 : memref<1x16384xf32, #tpu.memory_space<hbm>>) target_semaphore(%arg20 : memref<!tpu.dma_semaphore, #tpu.memory_space<semaphore_mem>>)
      %mul3A_1035 = arith.constant 2 : i32
      %mul3A_1036 = arith.muli %add3A, %mul3A_1035 : i32
      %add3A_1037 = arith.constant 192 : i32
      %add3A_1038 = arith.addi %add3A_1037, %mul3A_1036 : i32
      %add3A_1039 = arith.constant 1 : i32
      %add3A_1040 = arith.addi %add3A_1038, %add3A_1039 : i32
      %dma_wait3A_1041 = arith.constant 0 : i32
      %dma_wait3A_1042 = arith.constant 0 : i32
      %dma_wait3A_1043 = arith.constant 0 : i32
      %dma_wait3A_1044 = tpu.memref_slice %arg8[%dma_wait3A_1041, %dma_wait3A_1042, %dma_wait3A_1043] : memref<1x1x16384xf32, #tpu.memory_space<vmem>> -> memref<1x1x16384xf32, #tpu.memory_space<vmem>>
      %dma_wait3A_1045 = tpu.memref_squeeze %dma_wait3A_1044 : memref<1x1x16384xf32, #tpu.memory_space<vmem>> -> memref<1x16384xf32, #tpu.memory_space<vmem>>
      %dma_wait3A_1046 = arith.constant 16384 : i32
      %dma_wait3A_1047 = tpu.memref_slice %arg4[%add3A_1040, %dma_wait3A_1046] : memref<256x65536xf32, #tpu.memory_space<hbm>> -> memref<1x16384xf32, #tpu.memory_space<hbm>>
      %dma_wait3A_1048 = arith.constant 16384 : i32
      %dma_wait3A_1049 = tpu.memref_slice %arg4[%add3A_1040, %dma_wait3A_1048] : memref<256x65536xf32, #tpu.memory_space<hbm>> -> memref<1x16384xf32, #tpu.memory_space<hbm>>
      %dma_wait3A_1050 = arith.constant 0 : i32
      %dma_wait3A_1051 = arith.constant 0 : i32
      %dma_wait3A_1052 = tpu.memref_slice %arg8[%dma_wait3A_1041, %dma_wait3A_1050, %dma_wait3A_1051] : memref<1x1x16384xf32, #tpu.memory_space<vmem>> -> memref<1x1x16384xf32, #tpu.memory_space<vmem>>
      %dma_wait3A_1053 = tpu.memref_squeeze %dma_wait3A_1052 : memref<1x1x16384xf32, #tpu.memory_space<vmem>> -> memref<1x16384xf32, #tpu.memory_space<vmem>>
      tpu.wait_dma2 semaphore(%arg20 : memref<!tpu.dma_semaphore, #tpu.memory_space<semaphore_mem>>) src(%dma_wait3A_1053 : memref<1x16384xf32, #tpu.memory_space<vmem>>) dst(%dma_wait3A_1049 : memref<1x16384xf32, #tpu.memory_space<hbm>>)
    } else {
    }
    %dma_wait3A_742 = arith.constant 0 : i32
    %dma_wait3A_743 = arith.constant 1 : i32
    %dma_wait3A_744 = arith.constant 0 : i32
    %dma_wait3A_745 = arith.constant 0 : i32
    %dma_wait3A_746 = tpu.memref_slice %arg7[%dma_wait3A_743, %dma_wait3A_744, %dma_wait3A_745] : memref<5x1x16384xf32, #tpu.memory_space<vmem>> -> memref<1x1x16384xf32, #tpu.memory_space<vmem>>
    %dma_wait3A_747 = tpu.memref_squeeze %dma_wait3A_746 : memref<1x1x16384xf32, #tpu.memory_space<vmem>> -> memref<1x16384xf32, #tpu.memory_space<vmem>>
    %dma_wait3A_748 = arith.constant 1 : i32
    %dma_wait3A_749 = tpu.memref_slice %arg6[%dma_wait3A_742, %dma_wait3A_748] : memref<4x16xi32, #tpu.memory_space<vmem>> -> memref<1x1xi32, #tpu.memory_space<vmem>>
    %dma_wait3A_750 = tpu.memref_squeeze %dma_wait3A_749 : memref<1x1xi32, #tpu.memory_space<vmem>> -> memref<1xi32, #tpu.memory_space<vmem>>
    %dma_wait3A_751 = arith.constant 0 : i32
    %dma_wait3A_752 = arith.constant 32768 : i32
    %dma_wait3A_753 = tpu.memref_slice %arg2[%dma_wait3A_751, %dma_wait3A_752] : memref<64x65536xf32, #tpu.memory_space<hbm>> -> memref<64x16384xf32, #tpu.memory_space<hbm>>
    tpu.wait_indirect_dma semaphore(%arg10 : memref<!tpu.dma_semaphore, #tpu.memory_space<semaphore_mem>>) src(%dma_wait3A_753 : memref<64x16384xf32, #tpu.memory_space<hbm>>) dst(%dma_wait3A_747 : memref<1x16384xf32, #tpu.memory_space<vmem>>)
    %mul3A_754 = arith.constant 2 : i32
    %mul3A_755 = arith.muli %add3A, %mul3A_754 : i32
    %add3A_756 = arith.constant 0 : i32
    %add3A_757 = arith.addi %add3A_756, %mul3A_755 : i32
    %add3A_758 = arith.constant 1 : i32
    %add3A_759 = arith.addi %add3A_757, %add3A_758 : i32
    %dma_start3A_760 = arith.constant 1 : i32
    %dma_start3A_761 = arith.constant 0 : i32
    %dma_start3A_762 = arith.constant 0 : i32
    %dma_start3A_763 = tpu.memref_slice %arg7[%dma_start3A_760, %dma_start3A_761, %dma_start3A_762] : memref<5x1x16384xf32, #tpu.memory_space<vmem>> -> memref<1x1x16384xf32, #tpu.memory_space<vmem>>
    %dma_start3A_764 = tpu.memref_squeeze %dma_start3A_763 : memref<1x1x16384xf32, #tpu.memory_space<vmem>> -> memref<1x16384xf32, #tpu.memory_space<vmem>>
    %dma_start3A_765 = arith.constant 32768 : i32
    %dma_start3A_766 = tpu.memref_slice %arg4[%add3A_759, %dma_start3A_765] : memref<256x65536xf32, #tpu.memory_space<hbm>> -> memref<1x16384xf32, #tpu.memory_space<hbm>>
    %dma_start3A_767 = arith.constant 32768 : i32
    %dma_start3A_768 = tpu.memref_slice %arg4[%add3A_759, %dma_start3A_767] : memref<256x65536xf32, #tpu.memory_space<hbm>> -> memref<1x16384xf32, #tpu.memory_space<hbm>>
    %dma_start3A_769 = arith.constant 0 : i32
    %dma_start3A_770 = arith.constant 0 : i32
    %dma_start3A_771 = tpu.memref_slice %arg7[%dma_start3A_760, %dma_start3A_769, %dma_start3A_770] : memref<5x1x16384xf32, #tpu.memory_space<vmem>> -> memref<1x1x16384xf32, #tpu.memory_space<vmem>>
    %dma_start3A_772 = tpu.memref_squeeze %dma_start3A_771 : memref<1x1x16384xf32, #tpu.memory_space<vmem>> -> memref<1x16384xf32, #tpu.memory_space<vmem>>
    tpu.enqueue_dma source(%dma_start3A_772 : memref<1x16384xf32, #tpu.memory_space<vmem>>) target(%dma_start3A_768 : memref<1x16384xf32, #tpu.memory_space<hbm>>) target_semaphore(%arg15 : memref<!tpu.dma_semaphore, #tpu.memory_space<semaphore_mem>>)
    %convert_element_type3A_773 = arith.extui %eq3A_200 : i1 to i32
    %cond3A_774 = arith.constant 0 : i32
    %cond3A_775 = arith.cmpi ne, %convert_element_type3A_773, %cond3A_774 : i32
    scf.if %cond3A_775 {
      %mul3A_992 = arith.constant 2 : i32
      %mul3A_993 = arith.muli %add3A, %mul3A_992 : i32
      %add3A_994 = arith.constant 64 : i32
      %add3A_995 = arith.addi %add3A_994, %mul3A_993 : i32
      %add3A_996 = arith.constant 1 : i32
      %add3A_997 = arith.addi %add3A_995, %add3A_996 : i32
      %dma_start3A_998 = arith.constant 1 : i32
      %dma_start3A_999 = arith.constant 0 : i32
      %dma_start3A_1000 = arith.constant 0 : i32
      %dma_start3A_1001 = tpu.memref_slice %arg7[%dma_start3A_998, %dma_start3A_999, %dma_start3A_1000] : memref<5x1x16384xf32, #tpu.memory_space<vmem>> -> memref<1x1x16384xf32, #tpu.memory_space<vmem>>
      %dma_start3A_1002 = tpu.memref_squeeze %dma_start3A_1001 : memref<1x1x16384xf32, #tpu.memory_space<vmem>> -> memref<1x16384xf32, #tpu.memory_space<vmem>>
      %dma_start3A_1003 = arith.constant 32768 : i32
      %dma_start3A_1004 = tpu.memref_slice %arg4[%add3A_997, %dma_start3A_1003] : memref<256x65536xf32, #tpu.memory_space<hbm>> -> memref<1x16384xf32, #tpu.memory_space<hbm>>
      %dma_start3A_1005 = arith.constant 32768 : i32
      %dma_start3A_1006 = tpu.memref_slice %arg4[%add3A_997, %dma_start3A_1005] : memref<256x65536xf32, #tpu.memory_space<hbm>> -> memref<1x16384xf32, #tpu.memory_space<hbm>>
      %dma_start3A_1007 = arith.constant 0 : i32
      %dma_start3A_1008 = arith.constant 0 : i32
      %dma_start3A_1009 = tpu.memref_slice %arg7[%dma_start3A_998, %dma_start3A_1007, %dma_start3A_1008] : memref<5x1x16384xf32, #tpu.memory_space<vmem>> -> memref<1x1x16384xf32, #tpu.memory_space<vmem>>
      %dma_start3A_1010 = tpu.memref_squeeze %dma_start3A_1009 : memref<1x1x16384xf32, #tpu.memory_space<vmem>> -> memref<1x16384xf32, #tpu.memory_space<vmem>>
      tpu.enqueue_dma source(%dma_start3A_1010 : memref<1x16384xf32, #tpu.memory_space<vmem>>) target(%dma_start3A_1006 : memref<1x16384xf32, #tpu.memory_space<hbm>>) target_semaphore(%arg15 : memref<!tpu.dma_semaphore, #tpu.memory_space<semaphore_mem>>)
    } else {
    }
    %not3A_776 = arith.constant true
    %not3A_777 = arith.xori %eq3A_200, %not3A_776 : i1
    %convert_element_type3A_778 = arith.extui %not3A_777 : i1 to i32
    %cond3A_779 = arith.constant 0 : i32
    %cond3A_780 = arith.cmpi ne, %convert_element_type3A_778, %cond3A_779 : i32
    scf.if %cond3A_780 {
      %dma_start3A_992 = arith.constant 1 : i32
      %dma_start3A_993 = arith.constant 0 : i32
      %dma_start3A_994 = arith.constant 0 : i32
      %dma_start3A_995 = arith.constant 0 : i32
      %dma_start3A_996 = tpu.memref_slice %arg8[%dma_start3A_993, %dma_start3A_994, %dma_start3A_995] : memref<1x1x16384xf32, #tpu.memory_space<vmem>> -> memref<1x1x16384xf32, #tpu.memory_space<vmem>>
      %dma_start3A_997 = tpu.memref_squeeze %dma_start3A_996 : memref<1x1x16384xf32, #tpu.memory_space<vmem>> -> memref<1x16384xf32, #tpu.memory_space<vmem>>
      %dma_start3A_998 = arith.constant 1 : i32
      %dma_start3A_999 = tpu.memref_slice %arg6[%dma_start3A_992, %dma_start3A_998] : memref<4x16xi32, #tpu.memory_space<vmem>> -> memref<1x1xi32, #tpu.memory_space<vmem>>
      %dma_start3A_1000 = tpu.memref_squeeze %dma_start3A_999 : memref<1x1xi32, #tpu.memory_space<vmem>> -> memref<1xi32, #tpu.memory_space<vmem>>
      %dma_start3A_1001 = arith.constant 0 : i32
      %dma_start3A_1002 = arith.constant 32768 : i32
      %dma_start3A_1003 = tpu.memref_slice %arg2[%dma_start3A_1001, %dma_start3A_1002] : memref<64x65536xf32, #tpu.memory_space<hbm>> -> memref<64x16384xf32, #tpu.memory_space<hbm>>
      tpu.enqueue_indirect_dma source(%dma_start3A_1003 : memref<64x16384xf32, #tpu.memory_space<hbm>>) target(%dma_start3A_997 : memref<1x16384xf32, #tpu.memory_space<vmem>>) offsets(%dma_start3A_1000 : memref<1xi32, #tpu.memory_space<vmem>>) semaphore(%arg19 : memref<!tpu.dma_semaphore, #tpu.memory_space<semaphore_mem>>)
      %dma_wait3A_1004 = arith.constant 1 : i32
      %dma_wait3A_1005 = arith.constant 0 : i32
      %dma_wait3A_1006 = arith.constant 0 : i32
      %dma_wait3A_1007 = arith.constant 0 : i32
      %dma_wait3A_1008 = tpu.memref_slice %arg8[%dma_wait3A_1005, %dma_wait3A_1006, %dma_wait3A_1007] : memref<1x1x16384xf32, #tpu.memory_space<vmem>> -> memref<1x1x16384xf32, #tpu.memory_space<vmem>>
      %dma_wait3A_1009 = tpu.memref_squeeze %dma_wait3A_1008 : memref<1x1x16384xf32, #tpu.memory_space<vmem>> -> memref<1x16384xf32, #tpu.memory_space<vmem>>
      %dma_wait3A_1010 = arith.constant 1 : i32
      %dma_wait3A_1011 = tpu.memref_slice %arg6[%dma_wait3A_1004, %dma_wait3A_1010] : memref<4x16xi32, #tpu.memory_space<vmem>> -> memref<1x1xi32, #tpu.memory_space<vmem>>
      %dma_wait3A_1012 = tpu.memref_squeeze %dma_wait3A_1011 : memref<1x1xi32, #tpu.memory_space<vmem>> -> memref<1xi32, #tpu.memory_space<vmem>>
      %dma_wait3A_1013 = arith.constant 0 : i32
      %dma_wait3A_1014 = arith.constant 32768 : i32
      %dma_wait3A_1015 = tpu.memref_slice %arg2[%dma_wait3A_1013, %dma_wait3A_1014] : memref<64x65536xf32, #tpu.memory_space<hbm>> -> memref<64x16384xf32, #tpu.memory_space<hbm>>
      tpu.wait_indirect_dma semaphore(%arg19 : memref<!tpu.dma_semaphore, #tpu.memory_space<semaphore_mem>>) src(%dma_wait3A_1015 : memref<64x16384xf32, #tpu.memory_space<hbm>>) dst(%dma_wait3A_1009 : memref<1x16384xf32, #tpu.memory_space<vmem>>)
      %mul3A_1016 = arith.constant 2 : i32
      %mul3A_1017 = arith.muli %add3A, %mul3A_1016 : i32
      %add3A_1018 = arith.constant 64 : i32
      %add3A_1019 = arith.addi %add3A_1018, %mul3A_1017 : i32
      %add3A_1020 = arith.constant 1 : i32
      %add3A_1021 = arith.addi %add3A_1019, %add3A_1020 : i32
      %dma_start3A_1022 = arith.constant 0 : i32
      %dma_start3A_1023 = arith.constant 0 : i32
      %dma_start3A_1024 = arith.constant 0 : i32
      %dma_start3A_1025 = tpu.memref_slice %arg8[%dma_start3A_1022, %dma_start3A_1023, %dma_start3A_1024] : memref<1x1x16384xf32, #tpu.memory_space<vmem>> -> memref<1x1x16384xf32, #tpu.memory_space<vmem>>
      %dma_start3A_1026 = tpu.memref_squeeze %dma_start3A_1025 : memref<1x1x16384xf32, #tpu.memory_space<vmem>> -> memref<1x16384xf32, #tpu.memory_space<vmem>>
      %dma_start3A_1027 = arith.constant 32768 : i32
      %dma_start3A_1028 = tpu.memref_slice %arg4[%add3A_1021, %dma_start3A_1027] : memref<256x65536xf32, #tpu.memory_space<hbm>> -> memref<1x16384xf32, #tpu.memory_space<hbm>>
      %dma_start3A_1029 = arith.constant 32768 : i32
      %dma_start3A_1030 = tpu.memref_slice %arg4[%add3A_1021, %dma_start3A_1029] : memref<256x65536xf32, #tpu.memory_space<hbm>> -> memref<1x16384xf32, #tpu.memory_space<hbm>>
      %dma_start3A_1031 = arith.constant 0 : i32
      %dma_start3A_1032 = arith.constant 0 : i32
      %dma_start3A_1033 = tpu.memref_slice %arg8[%dma_start3A_1022, %dma_start3A_1031, %dma_start3A_1032] : memref<1x1x16384xf32, #tpu.memory_space<vmem>> -> memref<1x1x16384xf32, #tpu.memory_space<vmem>>
      %dma_start3A_1034 = tpu.memref_squeeze %dma_start3A_1033 : memref<1x1x16384xf32, #tpu.memory_space<vmem>> -> memref<1x16384xf32, #tpu.memory_space<vmem>>
      tpu.enqueue_dma source(%dma_start3A_1034 : memref<1x16384xf32, #tpu.memory_space<vmem>>) target(%dma_start3A_1030 : memref<1x16384xf32, #tpu.memory_space<hbm>>) target_semaphore(%arg20 : memref<!tpu.dma_semaphore, #tpu.memory_space<semaphore_mem>>)
      %mul3A_1035 = arith.constant 2 : i32
      %mul3A_1036 = arith.muli %add3A, %mul3A_1035 : i32
      %add3A_1037 = arith.constant 64 : i32
      %add3A_1038 = arith.addi %add3A_1037, %mul3A_1036 : i32
      %add3A_1039 = arith.constant 1 : i32
      %add3A_1040 = arith.addi %add3A_1038, %add3A_1039 : i32
      %dma_wait3A_1041 = arith.constant 0 : i32
      %dma_wait3A_1042 = arith.constant 0 : i32
      %dma_wait3A_1043 = arith.constant 0 : i32
      %dma_wait3A_1044 = tpu.memref_slice %arg8[%dma_wait3A_1041, %dma_wait3A_1042, %dma_wait3A_1043] : memref<1x1x16384xf32, #tpu.memory_space<vmem>> -> memref<1x1x16384xf32, #tpu.memory_space<vmem>>
      %dma_wait3A_1045 = tpu.memref_squeeze %dma_wait3A_1044 : memref<1x1x16384xf32, #tpu.memory_space<vmem>> -> memref<1x16384xf32, #tpu.memory_space<vmem>>
      %dma_wait3A_1046 = arith.constant 32768 : i32
      %dma_wait3A_1047 = tpu.memref_slice %arg4[%add3A_1040, %dma_wait3A_1046] : memref<256x65536xf32, #tpu.memory_space<hbm>> -> memref<1x16384xf32, #tpu.memory_space<hbm>>
      %dma_wait3A_1048 = arith.constant 32768 : i32
      %dma_wait3A_1049 = tpu.memref_slice %arg4[%add3A_1040, %dma_wait3A_1048] : memref<256x65536xf32, #tpu.memory_space<hbm>> -> memref<1x16384xf32, #tpu.memory_space<hbm>>
      %dma_wait3A_1050 = arith.constant 0 : i32
      %dma_wait3A_1051 = arith.constant 0 : i32
      %dma_wait3A_1052 = tpu.memref_slice %arg8[%dma_wait3A_1041, %dma_wait3A_1050, %dma_wait3A_1051] : memref<1x1x16384xf32, #tpu.memory_space<vmem>> -> memref<1x1x16384xf32, #tpu.memory_space<vmem>>
      %dma_wait3A_1053 = tpu.memref_squeeze %dma_wait3A_1052 : memref<1x1x16384xf32, #tpu.memory_space<vmem>> -> memref<1x16384xf32, #tpu.memory_space<vmem>>
      tpu.wait_dma2 semaphore(%arg20 : memref<!tpu.dma_semaphore, #tpu.memory_space<semaphore_mem>>) src(%dma_wait3A_1053 : memref<1x16384xf32, #tpu.memory_space<vmem>>) dst(%dma_wait3A_1049 : memref<1x16384xf32, #tpu.memory_space<hbm>>)
    } else {
    }
    %convert_element_type3A_781 = arith.extui %eq3A_218 : i1 to i32
    %cond3A_782 = arith.constant 0 : i32
    %cond3A_783 = arith.cmpi ne, %convert_element_type3A_781, %cond3A_782 : i32
    scf.if %cond3A_783 {
      %mul3A_992 = arith.constant 2 : i32
      %mul3A_993 = arith.muli %add3A, %mul3A_992 : i32
      %add3A_994 = arith.constant 128 : i32
      %add3A_995 = arith.addi %add3A_994, %mul3A_993 : i32
      %add3A_996 = arith.constant 1 : i32
      %add3A_997 = arith.addi %add3A_995, %add3A_996 : i32
      %dma_start3A_998 = arith.constant 1 : i32
      %dma_start3A_999 = arith.constant 0 : i32
      %dma_start3A_1000 = arith.constant 0 : i32
      %dma_start3A_1001 = tpu.memref_slice %arg7[%dma_start3A_998, %dma_start3A_999, %dma_start3A_1000] : memref<5x1x16384xf32, #tpu.memory_space<vmem>> -> memref<1x1x16384xf32, #tpu.memory_space<vmem>>
      %dma_start3A_1002 = tpu.memref_squeeze %dma_start3A_1001 : memref<1x1x16384xf32, #tpu.memory_space<vmem>> -> memref<1x16384xf32, #tpu.memory_space<vmem>>
      %dma_start3A_1003 = arith.constant 32768 : i32
      %dma_start3A_1004 = tpu.memref_slice %arg4[%add3A_997, %dma_start3A_1003] : memref<256x65536xf32, #tpu.memory_space<hbm>> -> memref<1x16384xf32, #tpu.memory_space<hbm>>
      %dma_start3A_1005 = arith.constant 32768 : i32
      %dma_start3A_1006 = tpu.memref_slice %arg4[%add3A_997, %dma_start3A_1005] : memref<256x65536xf32, #tpu.memory_space<hbm>> -> memref<1x16384xf32, #tpu.memory_space<hbm>>
      %dma_start3A_1007 = arith.constant 0 : i32
      %dma_start3A_1008 = arith.constant 0 : i32
      %dma_start3A_1009 = tpu.memref_slice %arg7[%dma_start3A_998, %dma_start3A_1007, %dma_start3A_1008] : memref<5x1x16384xf32, #tpu.memory_space<vmem>> -> memref<1x1x16384xf32, #tpu.memory_space<vmem>>
      %dma_start3A_1010 = tpu.memref_squeeze %dma_start3A_1009 : memref<1x1x16384xf32, #tpu.memory_space<vmem>> -> memref<1x16384xf32, #tpu.memory_space<vmem>>
      tpu.enqueue_dma source(%dma_start3A_1010 : memref<1x16384xf32, #tpu.memory_space<vmem>>) target(%dma_start3A_1006 : memref<1x16384xf32, #tpu.memory_space<hbm>>) target_semaphore(%arg15 : memref<!tpu.dma_semaphore, #tpu.memory_space<semaphore_mem>>)
    } else {
    }
    %not3A_784 = arith.constant true
    %not3A_785 = arith.xori %eq3A_218, %not3A_784 : i1
    %convert_element_type3A_786 = arith.extui %not3A_785 : i1 to i32
    %cond3A_787 = arith.constant 0 : i32
    %cond3A_788 = arith.cmpi ne, %convert_element_type3A_786, %cond3A_787 : i32
    scf.if %cond3A_788 {
      %dma_start3A_992 = arith.constant 2 : i32
      %dma_start3A_993 = arith.constant 0 : i32
      %dma_start3A_994 = arith.constant 0 : i32
      %dma_start3A_995 = arith.constant 0 : i32
      %dma_start3A_996 = tpu.memref_slice %arg8[%dma_start3A_993, %dma_start3A_994, %dma_start3A_995] : memref<1x1x16384xf32, #tpu.memory_space<vmem>> -> memref<1x1x16384xf32, #tpu.memory_space<vmem>>
      %dma_start3A_997 = tpu.memref_squeeze %dma_start3A_996 : memref<1x1x16384xf32, #tpu.memory_space<vmem>> -> memref<1x16384xf32, #tpu.memory_space<vmem>>
      %dma_start3A_998 = arith.constant 1 : i32
      %dma_start3A_999 = tpu.memref_slice %arg6[%dma_start3A_992, %dma_start3A_998] : memref<4x16xi32, #tpu.memory_space<vmem>> -> memref<1x1xi32, #tpu.memory_space<vmem>>
      %dma_start3A_1000 = tpu.memref_squeeze %dma_start3A_999 : memref<1x1xi32, #tpu.memory_space<vmem>> -> memref<1xi32, #tpu.memory_space<vmem>>
      %dma_start3A_1001 = arith.constant 0 : i32
      %dma_start3A_1002 = arith.constant 32768 : i32
      %dma_start3A_1003 = tpu.memref_slice %arg2[%dma_start3A_1001, %dma_start3A_1002] : memref<64x65536xf32, #tpu.memory_space<hbm>> -> memref<64x16384xf32, #tpu.memory_space<hbm>>
      tpu.enqueue_indirect_dma source(%dma_start3A_1003 : memref<64x16384xf32, #tpu.memory_space<hbm>>) target(%dma_start3A_997 : memref<1x16384xf32, #tpu.memory_space<vmem>>) offsets(%dma_start3A_1000 : memref<1xi32, #tpu.memory_space<vmem>>) semaphore(%arg19 : memref<!tpu.dma_semaphore, #tpu.memory_space<semaphore_mem>>)
      %dma_wait3A_1004 = arith.constant 2 : i32
      %dma_wait3A_1005 = arith.constant 0 : i32
      %dma_wait3A_1006 = arith.constant 0 : i32
      %dma_wait3A_1007 = arith.constant 0 : i32
      %dma_wait3A_1008 = tpu.memref_slice %arg8[%dma_wait3A_1005, %dma_wait3A_1006, %dma_wait3A_1007] : memref<1x1x16384xf32, #tpu.memory_space<vmem>> -> memref<1x1x16384xf32, #tpu.memory_space<vmem>>
      %dma_wait3A_1009 = tpu.memref_squeeze %dma_wait3A_1008 : memref<1x1x16384xf32, #tpu.memory_space<vmem>> -> memref<1x16384xf32, #tpu.memory_space<vmem>>
      %dma_wait3A_1010 = arith.constant 1 : i32
      %dma_wait3A_1011 = tpu.memref_slice %arg6[%dma_wait3A_1004, %dma_wait3A_1010] : memref<4x16xi32, #tpu.memory_space<vmem>> -> memref<1x1xi32, #tpu.memory_space<vmem>>
      %dma_wait3A_1012 = tpu.memref_squeeze %dma_wait3A_1011 : memref<1x1xi32, #tpu.memory_space<vmem>> -> memref<1xi32, #tpu.memory_space<vmem>>
      %dma_wait3A_1013 = arith.constant 0 : i32
      %dma_wait3A_1014 = arith.constant 32768 : i32
      %dma_wait3A_1015 = tpu.memref_slice %arg2[%dma_wait3A_1013, %dma_wait3A_1014] : memref<64x65536xf32, #tpu.memory_space<hbm>> -> memref<64x16384xf32, #tpu.memory_space<hbm>>
      tpu.wait_indirect_dma semaphore(%arg19 : memref<!tpu.dma_semaphore, #tpu.memory_space<semaphore_mem>>) src(%dma_wait3A_1015 : memref<64x16384xf32, #tpu.memory_space<hbm>>) dst(%dma_wait3A_1009 : memref<1x16384xf32, #tpu.memory_space<vmem>>)
      %mul3A_1016 = arith.constant 2 : i32
      %mul3A_1017 = arith.muli %add3A, %mul3A_1016 : i32
      %add3A_1018 = arith.constant 128 : i32
      %add3A_1019 = arith.addi %add3A_1018, %mul3A_1017 : i32
      %add3A_1020 = arith.constant 1 : i32
      %add3A_1021 = arith.addi %add3A_1019, %add3A_1020 : i32
      %dma_start3A_1022 = arith.constant 0 : i32
      %dma_start3A_1023 = arith.constant 0 : i32
      %dma_start3A_1024 = arith.constant 0 : i32
      %dma_start3A_1025 = tpu.memref_slice %arg8[%dma_start3A_1022, %dma_start3A_1023, %dma_start3A_1024] : memref<1x1x16384xf32, #tpu.memory_space<vmem>> -> memref<1x1x16384xf32, #tpu.memory_space<vmem>>
      %dma_start3A_1026 = tpu.memref_squeeze %dma_start3A_1025 : memref<1x1x16384xf32, #tpu.memory_space<vmem>> -> memref<1x16384xf32, #tpu.memory_space<vmem>>
      %dma_start3A_1027 = arith.constant 32768 : i32
      %dma_start3A_1028 = tpu.memref_slice %arg4[%add3A_1021, %dma_start3A_1027] : memref<256x65536xf32, #tpu.memory_space<hbm>> -> memref<1x16384xf32, #tpu.memory_space<hbm>>
      %dma_start3A_1029 = arith.constant 32768 : i32
      %dma_start3A_1030 = tpu.memref_slice %arg4[%add3A_1021, %dma_start3A_1029] : memref<256x65536xf32, #tpu.memory_space<hbm>> -> memref<1x16384xf32, #tpu.memory_space<hbm>>
      %dma_start3A_1031 = arith.constant 0 : i32
      %dma_start3A_1032 = arith.constant 0 : i32
      %dma_start3A_1033 = tpu.memref_slice %arg8[%dma_start3A_1022, %dma_start3A_1031, %dma_start3A_1032] : memref<1x1x16384xf32, #tpu.memory_space<vmem>> -> memref<1x1x16384xf32, #tpu.memory_space<vmem>>
      %dma_start3A_1034 = tpu.memref_squeeze %dma_start3A_1033 : memref<1x1x16384xf32, #tpu.memory_space<vmem>> -> memref<1x16384xf32, #tpu.memory_space<vmem>>
      tpu.enqueue_dma source(%dma_start3A_1034 : memref<1x16384xf32, #tpu.memory_space<vmem>>) target(%dma_start3A_1030 : memref<1x16384xf32, #tpu.memory_space<hbm>>) target_semaphore(%arg20 : memref<!tpu.dma_semaphore, #tpu.memory_space<semaphore_mem>>)
      %mul3A_1035 = arith.constant 2 : i32
      %mul3A_1036 = arith.muli %add3A, %mul3A_1035 : i32
      %add3A_1037 = arith.constant 128 : i32
      %add3A_1038 = arith.addi %add3A_1037, %mul3A_1036 : i32
      %add3A_1039 = arith.constant 1 : i32
      %add3A_1040 = arith.addi %add3A_1038, %add3A_1039 : i32
      %dma_wait3A_1041 = arith.constant 0 : i32
      %dma_wait3A_1042 = arith.constant 0 : i32
      %dma_wait3A_1043 = arith.constant 0 : i32
      %dma_wait3A_1044 = tpu.memref_slice %arg8[%dma_wait3A_1041, %dma_wait3A_1042, %dma_wait3A_1043] : memref<1x1x16384xf32, #tpu.memory_space<vmem>> -> memref<1x1x16384xf32, #tpu.memory_space<vmem>>
      %dma_wait3A_1045 = tpu.memref_squeeze %dma_wait3A_1044 : memref<1x1x16384xf32, #tpu.memory_space<vmem>> -> memref<1x16384xf32, #tpu.memory_space<vmem>>
      %dma_wait3A_1046 = arith.constant 32768 : i32
      %dma_wait3A_1047 = tpu.memref_slice %arg4[%add3A_1040, %dma_wait3A_1046] : memref<256x65536xf32, #tpu.memory_space<hbm>> -> memref<1x16384xf32, #tpu.memory_space<hbm>>
      %dma_wait3A_1048 = arith.constant 32768 : i32
      %dma_wait3A_1049 = tpu.memref_slice %arg4[%add3A_1040, %dma_wait3A_1048] : memref<256x65536xf32, #tpu.memory_space<hbm>> -> memref<1x16384xf32, #tpu.memory_space<hbm>>
      %dma_wait3A_1050 = arith.constant 0 : i32
      %dma_wait3A_1051 = arith.constant 0 : i32
      %dma_wait3A_1052 = tpu.memref_slice %arg8[%dma_wait3A_1041, %dma_wait3A_1050, %dma_wait3A_1051] : memref<1x1x16384xf32, #tpu.memory_space<vmem>> -> memref<1x1x16384xf32, #tpu.memory_space<vmem>>
      %dma_wait3A_1053 = tpu.memref_squeeze %dma_wait3A_1052 : memref<1x1x16384xf32, #tpu.memory_space<vmem>> -> memref<1x16384xf32, #tpu.memory_space<vmem>>
      tpu.wait_dma2 semaphore(%arg20 : memref<!tpu.dma_semaphore, #tpu.memory_space<semaphore_mem>>) src(%dma_wait3A_1053 : memref<1x16384xf32, #tpu.memory_space<vmem>>) dst(%dma_wait3A_1049 : memref<1x16384xf32, #tpu.memory_space<hbm>>)
    } else {
    }
    %convert_element_type3A_789 = arith.extui %eq3A_236 : i1 to i32
    %cond3A_790 = arith.constant 0 : i32
    %cond3A_791 = arith.cmpi ne, %convert_element_type3A_789, %cond3A_790 : i32
    scf.if %cond3A_791 {
      %mul3A_992 = arith.constant 2 : i32
      %mul3A_993 = arith.muli %add3A, %mul3A_992 : i32
      %add3A_994 = arith.constant 192 : i32
      %add3A_995 = arith.addi %add3A_994, %mul3A_993 : i32
      %add3A_996 = arith.constant 1 : i32
      %add3A_997 = arith.addi %add3A_995, %add3A_996 : i32
      %dma_start3A_998 = arith.constant 1 : i32
      %dma_start3A_999 = arith.constant 0 : i32
      %dma_start3A_1000 = arith.constant 0 : i32
      %dma_start3A_1001 = tpu.memref_slice %arg7[%dma_start3A_998, %dma_start3A_999, %dma_start3A_1000] : memref<5x1x16384xf32, #tpu.memory_space<vmem>> -> memref<1x1x16384xf32, #tpu.memory_space<vmem>>
      %dma_start3A_1002 = tpu.memref_squeeze %dma_start3A_1001 : memref<1x1x16384xf32, #tpu.memory_space<vmem>> -> memref<1x16384xf32, #tpu.memory_space<vmem>>
      %dma_start3A_1003 = arith.constant 32768 : i32
      %dma_start3A_1004 = tpu.memref_slice %arg4[%add3A_997, %dma_start3A_1003] : memref<256x65536xf32, #tpu.memory_space<hbm>> -> memref<1x16384xf32, #tpu.memory_space<hbm>>
      %dma_start3A_1005 = arith.constant 32768 : i32
      %dma_start3A_1006 = tpu.memref_slice %arg4[%add3A_997, %dma_start3A_1005] : memref<256x65536xf32, #tpu.memory_space<hbm>> -> memref<1x16384xf32, #tpu.memory_space<hbm>>
      %dma_start3A_1007 = arith.constant 0 : i32
      %dma_start3A_1008 = arith.constant 0 : i32
      %dma_start3A_1009 = tpu.memref_slice %arg7[%dma_start3A_998, %dma_start3A_1007, %dma_start3A_1008] : memref<5x1x16384xf32, #tpu.memory_space<vmem>> -> memref<1x1x16384xf32, #tpu.memory_space<vmem>>
      %dma_start3A_1010 = tpu.memref_squeeze %dma_start3A_1009 : memref<1x1x16384xf32, #tpu.memory_space<vmem>> -> memref<1x16384xf32, #tpu.memory_space<vmem>>
      tpu.enqueue_dma source(%dma_start3A_1010 : memref<1x16384xf32, #tpu.memory_space<vmem>>) target(%dma_start3A_1006 : memref<1x16384xf32, #tpu.memory_space<hbm>>) target_semaphore(%arg15 : memref<!tpu.dma_semaphore, #tpu.memory_space<semaphore_mem>>)
    } else {
    }
    %not3A_792 = arith.constant true
    %not3A_793 = arith.xori %eq3A_236, %not3A_792 : i1
    %convert_element_type3A_794 = arith.extui %not3A_793 : i1 to i32
    %cond3A_795 = arith.constant 0 : i32
    %cond3A_796 = arith.cmpi ne, %convert_element_type3A_794, %cond3A_795 : i32
    scf.if %cond3A_796 {
      %dma_start3A_992 = arith.constant 3 : i32
      %dma_start3A_993 = arith.constant 0 : i32
      %dma_start3A_994 = arith.constant 0 : i32
      %dma_start3A_995 = arith.constant 0 : i32
      %dma_start3A_996 = tpu.memref_slice %arg8[%dma_start3A_993, %dma_start3A_994, %dma_start3A_995] : memref<1x1x16384xf32, #tpu.memory_space<vmem>> -> memref<1x1x16384xf32, #tpu.memory_space<vmem>>
      %dma_start3A_997 = tpu.memref_squeeze %dma_start3A_996 : memref<1x1x16384xf32, #tpu.memory_space<vmem>> -> memref<1x16384xf32, #tpu.memory_space<vmem>>
      %dma_start3A_998 = arith.constant 1 : i32
      %dma_start3A_999 = tpu.memref_slice %arg6[%dma_start3A_992, %dma_start3A_998] : memref<4x16xi32, #tpu.memory_space<vmem>> -> memref<1x1xi32, #tpu.memory_space<vmem>>
      %dma_start3A_1000 = tpu.memref_squeeze %dma_start3A_999 : memref<1x1xi32, #tpu.memory_space<vmem>> -> memref<1xi32, #tpu.memory_space<vmem>>
      %dma_start3A_1001 = arith.constant 0 : i32
      %dma_start3A_1002 = arith.constant 32768 : i32
      %dma_start3A_1003 = tpu.memref_slice %arg2[%dma_start3A_1001, %dma_start3A_1002] : memref<64x65536xf32, #tpu.memory_space<hbm>> -> memref<64x16384xf32, #tpu.memory_space<hbm>>
      tpu.enqueue_indirect_dma source(%dma_start3A_1003 : memref<64x16384xf32, #tpu.memory_space<hbm>>) target(%dma_start3A_997 : memref<1x16384xf32, #tpu.memory_space<vmem>>) offsets(%dma_start3A_1000 : memref<1xi32, #tpu.memory_space<vmem>>) semaphore(%arg19 : memref<!tpu.dma_semaphore, #tpu.memory_space<semaphore_mem>>)
      %dma_wait3A_1004 = arith.constant 3 : i32
      %dma_wait3A_1005 = arith.constant 0 : i32
      %dma_wait3A_1006 = arith.constant 0 : i32
      %dma_wait3A_1007 = arith.constant 0 : i32
      %dma_wait3A_1008 = tpu.memref_slice %arg8[%dma_wait3A_1005, %dma_wait3A_1006, %dma_wait3A_1007] : memref<1x1x16384xf32, #tpu.memory_space<vmem>> -> memref<1x1x16384xf32, #tpu.memory_space<vmem>>
      %dma_wait3A_1009 = tpu.memref_squeeze %dma_wait3A_1008 : memref<1x1x16384xf32, #tpu.memory_space<vmem>> -> memref<1x16384xf32, #tpu.memory_space<vmem>>
      %dma_wait3A_1010 = arith.constant 1 : i32
      %dma_wait3A_1011 = tpu.memref_slice %arg6[%dma_wait3A_1004, %dma_wait3A_1010] : memref<4x16xi32, #tpu.memory_space<vmem>> -> memref<1x1xi32, #tpu.memory_space<vmem>>
      %dma_wait3A_1012 = tpu.memref_squeeze %dma_wait3A_1011 : memref<1x1xi32, #tpu.memory_space<vmem>> -> memref<1xi32, #tpu.memory_space<vmem>>
      %dma_wait3A_1013 = arith.constant 0 : i32
      %dma_wait3A_1014 = arith.constant 32768 : i32
      %dma_wait3A_1015 = tpu.memref_slice %arg2[%dma_wait3A_1013, %dma_wait3A_1014] : memref<64x65536xf32, #tpu.memory_space<hbm>> -> memref<64x16384xf32, #tpu.memory_space<hbm>>
      tpu.wait_indirect_dma semaphore(%arg19 : memref<!tpu.dma_semaphore, #tpu.memory_space<semaphore_mem>>) src(%dma_wait3A_1015 : memref<64x16384xf32, #tpu.memory_space<hbm>>) dst(%dma_wait3A_1009 : memref<1x16384xf32, #tpu.memory_space<vmem>>)
      %mul3A_1016 = arith.constant 2 : i32
      %mul3A_1017 = arith.muli %add3A, %mul3A_1016 : i32
      %add3A_1018 = arith.constant 192 : i32
      %add3A_1019 = arith.addi %add3A_1018, %mul3A_1017 : i32
      %add3A_1020 = arith.constant 1 : i32
      %add3A_1021 = arith.addi %add3A_1019, %add3A_1020 : i32
      %dma_start3A_1022 = arith.constant 0 : i32
      %dma_start3A_1023 = arith.constant 0 : i32
      %dma_start3A_1024 = arith.constant 0 : i32
      %dma_start3A_1025 = tpu.memref_slice %arg8[%dma_start3A_1022, %dma_start3A_1023, %dma_start3A_1024] : memref<1x1x16384xf32, #tpu.memory_space<vmem>> -> memref<1x1x16384xf32, #tpu.memory_space<vmem>>
      %dma_start3A_1026 = tpu.memref_squeeze %dma_start3A_1025 : memref<1x1x16384xf32, #tpu.memory_space<vmem>> -> memref<1x16384xf32, #tpu.memory_space<vmem>>
      %dma_start3A_1027 = arith.constant 32768 : i32
      %dma_start3A_1028 = tpu.memref_slice %arg4[%add3A_1021, %dma_start3A_1027] : memref<256x65536xf32, #tpu.memory_space<hbm>> -> memref<1x16384xf32, #tpu.memory_space<hbm>>
      %dma_start3A_1029 = arith.constant 32768 : i32
      %dma_start3A_1030 = tpu.memref_slice %arg4[%add3A_1021, %dma_start3A_1029] : memref<256x65536xf32, #tpu.memory_space<hbm>> -> memref<1x16384xf32, #tpu.memory_space<hbm>>
      %dma_start3A_1031 = arith.constant 0 : i32
      %dma_start3A_1032 = arith.constant 0 : i32
      %dma_start3A_1033 = tpu.memref_slice %arg8[%dma_start3A_1022, %dma_start3A_1031, %dma_start3A_1032] : memref<1x1x16384xf32, #tpu.memory_space<vmem>> -> memref<1x1x16384xf32, #tpu.memory_space<vmem>>
      %dma_start3A_1034 = tpu.memref_squeeze %dma_start3A_1033 : memref<1x1x16384xf32, #tpu.memory_space<vmem>> -> memref<1x16384xf32, #tpu.memory_space<vmem>>
      tpu.enqueue_dma source(%dma_start3A_1034 : memref<1x16384xf32, #tpu.memory_space<vmem>>) target(%dma_start3A_1030 : memref<1x16384xf32, #tpu.memory_space<hbm>>) target_semaphore(%arg20 : memref<!tpu.dma_semaphore, #tpu.memory_space<semaphore_mem>>)
      %mul3A_1035 = arith.constant 2 : i32
      %mul3A_1036 = arith.muli %add3A, %mul3A_1035 : i32
      %add3A_1037 = arith.constant 192 : i32
      %add3A_1038 = arith.addi %add3A_1037, %mul3A_1036 : i32
      %add3A_1039 = arith.constant 1 : i32
      %add3A_1040 = arith.addi %add3A_1038, %add3A_1039 : i32
      %dma_wait3A_1041 = arith.constant 0 : i32
      %dma_wait3A_1042 = arith.constant 0 : i32
      %dma_wait3A_1043 = arith.constant 0 : i32
      %dma_wait3A_1044 = tpu.memref_slice %arg8[%dma_wait3A_1041, %dma_wait3A_1042, %dma_wait3A_1043] : memref<1x1x16384xf32, #tpu.memory_space<vmem>> -> memref<1x1x16384xf32, #tpu.memory_space<vmem>>
      %dma_wait3A_1045 = tpu.memref_squeeze %dma_wait3A_1044 : memref<1x1x16384xf32, #tpu.memory_space<vmem>> -> memref<1x16384xf32, #tpu.memory_space<vmem>>
      %dma_wait3A_1046 = arith.constant 32768 : i32
      %dma_wait3A_1047 = tpu.memref_slice %arg4[%add3A_1040, %dma_wait3A_1046] : memref<256x65536xf32, #tpu.memory_space<hbm>> -> memref<1x16384xf32, #tpu.memory_space<hbm>>
      %dma_wait3A_1048 = arith.constant 32768 : i32
      %dma_wait3A_1049 = tpu.memref_slice %arg4[%add3A_1040, %dma_wait3A_1048] : memref<256x65536xf32, #tpu.memory_space<hbm>> -> memref<1x16384xf32, #tpu.memory_space<hbm>>
      %dma_wait3A_1050 = arith.constant 0 : i32
      %dma_wait3A_1051 = arith.constant 0 : i32
      %dma_wait3A_1052 = tpu.memref_slice %arg8[%dma_wait3A_1041, %dma_wait3A_1050, %dma_wait3A_1051] : memref<1x1x16384xf32, #tpu.memory_space<vmem>> -> memref<1x1x16384xf32, #tpu.memory_space<vmem>>
      %dma_wait3A_1053 = tpu.memref_squeeze %dma_wait3A_1052 : memref<1x1x16384xf32, #tpu.memory_space<vmem>> -> memref<1x16384xf32, #tpu.memory_space<vmem>>
      tpu.wait_dma2 semaphore(%arg20 : memref<!tpu.dma_semaphore, #tpu.memory_space<semaphore_mem>>) src(%dma_wait3A_1053 : memref<1x16384xf32, #tpu.memory_space<vmem>>) dst(%dma_wait3A_1049 : memref<1x16384xf32, #tpu.memory_space<hbm>>)
    } else {
    }
    %dma_wait3A_797 = arith.constant 0 : i32
    %dma_wait3A_798 = arith.constant 2 : i32
    %dma_wait3A_799 = arith.constant 0 : i32
    %dma_wait3A_800 = arith.constant 0 : i32
    %dma_wait3A_801 = tpu.memref_slice %arg7[%dma_wait3A_798, %dma_wait3A_799, %dma_wait3A_800] : memref<5x1x16384xf32, #tpu.memory_space<vmem>> -> memref<1x1x16384xf32, #tpu.memory_space<vmem>>
    %dma_wait3A_802 = tpu.memref_squeeze %dma_wait3A_801 : memref<1x1x16384xf32, #tpu.memory_space<vmem>> -> memref<1x16384xf32, #tpu.memory_space<vmem>>
    %dma_wait3A_803 = arith.constant 1 : i32
    %dma_wait3A_804 = tpu.memref_slice %arg6[%dma_wait3A_797, %dma_wait3A_803] : memref<4x16xi32, #tpu.memory_space<vmem>> -> memref<1x1xi32, #tpu.memory_space<vmem>>
    %dma_wait3A_805 = tpu.memref_squeeze %dma_wait3A_804 : memref<1x1xi32, #tpu.memory_space<vmem>> -> memref<1xi32, #tpu.memory_space<vmem>>
    %dma_wait3A_806 = arith.constant 0 : i32
    %dma_wait3A_807 = arith.constant 49152 : i32
    %dma_wait3A_808 = tpu.memref_slice %arg2[%dma_wait3A_806, %dma_wait3A_807] : memref<64x65536xf32, #tpu.memory_space<hbm>> -> memref<64x16384xf32, #tpu.memory_space<hbm>>
    tpu.wait_indirect_dma semaphore(%arg11 : memref<!tpu.dma_semaphore, #tpu.memory_space<semaphore_mem>>) src(%dma_wait3A_808 : memref<64x16384xf32, #tpu.memory_space<hbm>>) dst(%dma_wait3A_802 : memref<1x16384xf32, #tpu.memory_space<vmem>>)
    %mul3A_809 = arith.constant 2 : i32
    %mul3A_810 = arith.muli %add3A, %mul3A_809 : i32
    %add3A_811 = arith.constant 0 : i32
    %add3A_812 = arith.addi %add3A_811, %mul3A_810 : i32
    %add3A_813 = arith.constant 1 : i32
    %add3A_814 = arith.addi %add3A_812, %add3A_813 : i32
    %dma_start3A_815 = arith.constant 2 : i32
    %dma_start3A_816 = arith.constant 0 : i32
    %dma_start3A_817 = arith.constant 0 : i32
    %dma_start3A_818 = tpu.memref_slice %arg7[%dma_start3A_815, %dma_start3A_816, %dma_start3A_817] : memref<5x1x16384xf32, #tpu.memory_space<vmem>> -> memref<1x1x16384xf32, #tpu.memory_space<vmem>>
    %dma_start3A_819 = tpu.memref_squeeze %dma_start3A_818 : memref<1x1x16384xf32, #tpu.memory_space<vmem>> -> memref<1x16384xf32, #tpu.memory_space<vmem>>
    %dma_start3A_820 = arith.constant 49152 : i32
    %dma_start3A_821 = tpu.memref_slice %arg4[%add3A_814, %dma_start3A_820] : memref<256x65536xf32, #tpu.memory_space<hbm>> -> memref<1x16384xf32, #tpu.memory_space<hbm>>
    %dma_start3A_822 = arith.constant 49152 : i32
    %dma_start3A_823 = tpu.memref_slice %arg4[%add3A_814, %dma_start3A_822] : memref<256x65536xf32, #tpu.memory_space<hbm>> -> memref<1x16384xf32, #tpu.memory_space<hbm>>
    %dma_start3A_824 = arith.constant 0 : i32
    %dma_start3A_825 = arith.constant 0 : i32
    %dma_start3A_826 = tpu.memref_slice %arg7[%dma_start3A_815, %dma_start3A_824, %dma_start3A_825] : memref<5x1x16384xf32, #tpu.memory_space<vmem>> -> memref<1x1x16384xf32, #tpu.memory_space<vmem>>
    %dma_start3A_827 = tpu.memref_squeeze %dma_start3A_826 : memref<1x1x16384xf32, #tpu.memory_space<vmem>> -> memref<1x16384xf32, #tpu.memory_space<vmem>>
    tpu.enqueue_dma source(%dma_start3A_827 : memref<1x16384xf32, #tpu.memory_space<vmem>>) target(%dma_start3A_823 : memref<1x16384xf32, #tpu.memory_space<hbm>>) target_semaphore(%arg16 : memref<!tpu.dma_semaphore, #tpu.memory_space<semaphore_mem>>)
    %convert_element_type3A_828 = arith.extui %eq3A_200 : i1 to i32
    %cond3A_829 = arith.constant 0 : i32
    %cond3A_830 = arith.cmpi ne, %convert_element_type3A_828, %cond3A_829 : i32
    scf.if %cond3A_830 {
      %mul3A_992 = arith.constant 2 : i32
      %mul3A_993 = arith.muli %add3A, %mul3A_992 : i32
      %add3A_994 = arith.constant 64 : i32
      %add3A_995 = arith.addi %add3A_994, %mul3A_993 : i32
      %add3A_996 = arith.constant 1 : i32
      %add3A_997 = arith.addi %add3A_995, %add3A_996 : i32
      %dma_start3A_998 = arith.constant 2 : i32
      %dma_start3A_999 = arith.constant 0 : i32
      %dma_start3A_1000 = arith.constant 0 : i32
      %dma_start3A_1001 = tpu.memref_slice %arg7[%dma_start3A_998, %dma_start3A_999, %dma_start3A_1000] : memref<5x1x16384xf32, #tpu.memory_space<vmem>> -> memref<1x1x16384xf32, #tpu.memory_space<vmem>>
      %dma_start3A_1002 = tpu.memref_squeeze %dma_start3A_1001 : memref<1x1x16384xf32, #tpu.memory_space<vmem>> -> memref<1x16384xf32, #tpu.memory_space<vmem>>
      %dma_start3A_1003 = arith.constant 49152 : i32
      %dma_start3A_1004 = tpu.memref_slice %arg4[%add3A_997, %dma_start3A_1003] : memref<256x65536xf32, #tpu.memory_space<hbm>> -> memref<1x16384xf32, #tpu.memory_space<hbm>>
      %dma_start3A_1005 = arith.constant 49152 : i32
      %dma_start3A_1006 = tpu.memref_slice %arg4[%add3A_997, %dma_start3A_1005] : memref<256x65536xf32, #tpu.memory_space<hbm>> -> memref<1x16384xf32, #tpu.memory_space<hbm>>
      %dma_start3A_1007 = arith.constant 0 : i32
      %dma_start3A_1008 = arith.constant 0 : i32
      %dma_start3A_1009 = tpu.memref_slice %arg7[%dma_start3A_998, %dma_start3A_1007, %dma_start3A_1008] : memref<5x1x16384xf32, #tpu.memory_space<vmem>> -> memref<1x1x16384xf32, #tpu.memory_space<vmem>>
      %dma_start3A_1010 = tpu.memref_squeeze %dma_start3A_1009 : memref<1x1x16384xf32, #tpu.memory_space<vmem>> -> memref<1x16384xf32, #tpu.memory_space<vmem>>
      tpu.enqueue_dma source(%dma_start3A_1010 : memref<1x16384xf32, #tpu.memory_space<vmem>>) target(%dma_start3A_1006 : memref<1x16384xf32, #tpu.memory_space<hbm>>) target_semaphore(%arg16 : memref<!tpu.dma_semaphore, #tpu.memory_space<semaphore_mem>>)
    } else {
    }
    %not3A_831 = arith.constant true
    %not3A_832 = arith.xori %eq3A_200, %not3A_831 : i1
    %convert_element_type3A_833 = arith.extui %not3A_832 : i1 to i32
    %cond3A_834 = arith.constant 0 : i32
    %cond3A_835 = arith.cmpi ne, %convert_element_type3A_833, %cond3A_834 : i32
    scf.if %cond3A_835 {
      %dma_start3A_992 = arith.constant 1 : i32
      %dma_start3A_993 = arith.constant 0 : i32
      %dma_start3A_994 = arith.constant 0 : i32
      %dma_start3A_995 = arith.constant 0 : i32
      %dma_start3A_996 = tpu.memref_slice %arg8[%dma_start3A_993, %dma_start3A_994, %dma_start3A_995] : memref<1x1x16384xf32, #tpu.memory_space<vmem>> -> memref<1x1x16384xf32, #tpu.memory_space<vmem>>
      %dma_start3A_997 = tpu.memref_squeeze %dma_start3A_996 : memref<1x1x16384xf32, #tpu.memory_space<vmem>> -> memref<1x16384xf32, #tpu.memory_space<vmem>>
      %dma_start3A_998 = arith.constant 1 : i32
      %dma_start3A_999 = tpu.memref_slice %arg6[%dma_start3A_992, %dma_start3A_998] : memref<4x16xi32, #tpu.memory_space<vmem>> -> memref<1x1xi32, #tpu.memory_space<vmem>>
      %dma_start3A_1000 = tpu.memref_squeeze %dma_start3A_999 : memref<1x1xi32, #tpu.memory_space<vmem>> -> memref<1xi32, #tpu.memory_space<vmem>>
      %dma_start3A_1001 = arith.constant 0 : i32
      %dma_start3A_1002 = arith.constant 49152 : i32
      %dma_start3A_1003 = tpu.memref_slice %arg2[%dma_start3A_1001, %dma_start3A_1002] : memref<64x65536xf32, #tpu.memory_space<hbm>> -> memref<64x16384xf32, #tpu.memory_space<hbm>>
      tpu.enqueue_indirect_dma source(%dma_start3A_1003 : memref<64x16384xf32, #tpu.memory_space<hbm>>) target(%dma_start3A_997 : memref<1x16384xf32, #tpu.memory_space<vmem>>) offsets(%dma_start3A_1000 : memref<1xi32, #tpu.memory_space<vmem>>) semaphore(%arg19 : memref<!tpu.dma_semaphore, #tpu.memory_space<semaphore_mem>>)
      %dma_wait3A_1004 = arith.constant 1 : i32
      %dma_wait3A_1005 = arith.constant 0 : i32
      %dma_wait3A_1006 = arith.constant 0 : i32
      %dma_wait3A_1007 = arith.constant 0 : i32
      %dma_wait3A_1008 = tpu.memref_slice %arg8[%dma_wait3A_1005, %dma_wait3A_1006, %dma_wait3A_1007] : memref<1x1x16384xf32, #tpu.memory_space<vmem>> -> memref<1x1x16384xf32, #tpu.memory_space<vmem>>
      %dma_wait3A_1009 = tpu.memref_squeeze %dma_wait3A_1008 : memref<1x1x16384xf32, #tpu.memory_space<vmem>> -> memref<1x16384xf32, #tpu.memory_space<vmem>>
      %dma_wait3A_1010 = arith.constant 1 : i32
      %dma_wait3A_1011 = tpu.memref_slice %arg6[%dma_wait3A_1004, %dma_wait3A_1010] : memref<4x16xi32, #tpu.memory_space<vmem>> -> memref<1x1xi32, #tpu.memory_space<vmem>>
      %dma_wait3A_1012 = tpu.memref_squeeze %dma_wait3A_1011 : memref<1x1xi32, #tpu.memory_space<vmem>> -> memref<1xi32, #tpu.memory_space<vmem>>
      %dma_wait3A_1013 = arith.constant 0 : i32
      %dma_wait3A_1014 = arith.constant 49152 : i32
      %dma_wait3A_1015 = tpu.memref_slice %arg2[%dma_wait3A_1013, %dma_wait3A_1014] : memref<64x65536xf32, #tpu.memory_space<hbm>> -> memref<64x16384xf32, #tpu.memory_space<hbm>>
      tpu.wait_indirect_dma semaphore(%arg19 : memref<!tpu.dma_semaphore, #tpu.memory_space<semaphore_mem>>) src(%dma_wait3A_1015 : memref<64x16384xf32, #tpu.memory_space<hbm>>) dst(%dma_wait3A_1009 : memref<1x16384xf32, #tpu.memory_space<vmem>>)
      %mul3A_1016 = arith.constant 2 : i32
      %mul3A_1017 = arith.muli %add3A, %mul3A_1016 : i32
      %add3A_1018 = arith.constant 64 : i32
      %add3A_1019 = arith.addi %add3A_1018, %mul3A_1017 : i32
      %add3A_1020 = arith.constant 1 : i32
      %add3A_1021 = arith.addi %add3A_1019, %add3A_1020 : i32
      %dma_start3A_1022 = arith.constant 0 : i32
      %dma_start3A_1023 = arith.constant 0 : i32
      %dma_start3A_1024 = arith.constant 0 : i32
      %dma_start3A_1025 = tpu.memref_slice %arg8[%dma_start3A_1022, %dma_start3A_1023, %dma_start3A_1024] : memref<1x1x16384xf32, #tpu.memory_space<vmem>> -> memref<1x1x16384xf32, #tpu.memory_space<vmem>>
      %dma_start3A_1026 = tpu.memref_squeeze %dma_start3A_1025 : memref<1x1x16384xf32, #tpu.memory_space<vmem>> -> memref<1x16384xf32, #tpu.memory_space<vmem>>
      %dma_start3A_1027 = arith.constant 49152 : i32
      %dma_start3A_1028 = tpu.memref_slice %arg4[%add3A_1021, %dma_start3A_1027] : memref<256x65536xf32, #tpu.memory_space<hbm>> -> memref<1x16384xf32, #tpu.memory_space<hbm>>
      %dma_start3A_1029 = arith.constant 49152 : i32
      %dma_start3A_1030 = tpu.memref_slice %arg4[%add3A_1021, %dma_start3A_1029] : memref<256x65536xf32, #tpu.memory_space<hbm>> -> memref<1x16384xf32, #tpu.memory_space<hbm>>
      %dma_start3A_1031 = arith.constant 0 : i32
      %dma_start3A_1032 = arith.constant 0 : i32
      %dma_start3A_1033 = tpu.memref_slice %arg8[%dma_start3A_1022, %dma_start3A_1031, %dma_start3A_1032] : memref<1x1x16384xf32, #tpu.memory_space<vmem>> -> memref<1x1x16384xf32, #tpu.memory_space<vmem>>
      %dma_start3A_1034 = tpu.memref_squeeze %dma_start3A_1033 : memref<1x1x16384xf32, #tpu.memory_space<vmem>> -> memref<1x16384xf32, #tpu.memory_space<vmem>>
      tpu.enqueue_dma source(%dma_start3A_1034 : memref<1x16384xf32, #tpu.memory_space<vmem>>) target(%dma_start3A_1030 : memref<1x16384xf32, #tpu.memory_space<hbm>>) target_semaphore(%arg20 : memref<!tpu.dma_semaphore, #tpu.memory_space<semaphore_mem>>)
      %mul3A_1035 = arith.constant 2 : i32
      %mul3A_1036 = arith.muli %add3A, %mul3A_1035 : i32
      %add3A_1037 = arith.constant 64 : i32
      %add3A_1038 = arith.addi %add3A_1037, %mul3A_1036 : i32
      %add3A_1039 = arith.constant 1 : i32
      %add3A_1040 = arith.addi %add3A_1038, %add3A_1039 : i32
      %dma_wait3A_1041 = arith.constant 0 : i32
      %dma_wait3A_1042 = arith.constant 0 : i32
      %dma_wait3A_1043 = arith.constant 0 : i32
      %dma_wait3A_1044 = tpu.memref_slice %arg8[%dma_wait3A_1041, %dma_wait3A_1042, %dma_wait3A_1043] : memref<1x1x16384xf32, #tpu.memory_space<vmem>> -> memref<1x1x16384xf32, #tpu.memory_space<vmem>>
      %dma_wait3A_1045 = tpu.memref_squeeze %dma_wait3A_1044 : memref<1x1x16384xf32, #tpu.memory_space<vmem>> -> memref<1x16384xf32, #tpu.memory_space<vmem>>
      %dma_wait3A_1046 = arith.constant 49152 : i32
      %dma_wait3A_1047 = tpu.memref_slice %arg4[%add3A_1040, %dma_wait3A_1046] : memref<256x65536xf32, #tpu.memory_space<hbm>> -> memref<1x16384xf32, #tpu.memory_space<hbm>>
      %dma_wait3A_1048 = arith.constant 49152 : i32
      %dma_wait3A_1049 = tpu.memref_slice %arg4[%add3A_1040, %dma_wait3A_1048] : memref<256x65536xf32, #tpu.memory_space<hbm>> -> memref<1x16384xf32, #tpu.memory_space<hbm>>
      %dma_wait3A_1050 = arith.constant 0 : i32
      %dma_wait3A_1051 = arith.constant 0 : i32
      %dma_wait3A_1052 = tpu.memref_slice %arg8[%dma_wait3A_1041, %dma_wait3A_1050, %dma_wait3A_1051] : memref<1x1x16384xf32, #tpu.memory_space<vmem>> -> memref<1x1x16384xf32, #tpu.memory_space<vmem>>
      %dma_wait3A_1053 = tpu.memref_squeeze %dma_wait3A_1052 : memref<1x1x16384xf32, #tpu.memory_space<vmem>> -> memref<1x16384xf32, #tpu.memory_space<vmem>>
      tpu.wait_dma2 semaphore(%arg20 : memref<!tpu.dma_semaphore, #tpu.memory_space<semaphore_mem>>) src(%dma_wait3A_1053 : memref<1x16384xf32, #tpu.memory_space<vmem>>) dst(%dma_wait3A_1049 : memref<1x16384xf32, #tpu.memory_space<hbm>>)
    } else {
    }
    %convert_element_type3A_836 = arith.extui %eq3A_218 : i1 to i32
    %cond3A_837 = arith.constant 0 : i32
    %cond3A_838 = arith.cmpi ne, %convert_element_type3A_836, %cond3A_837 : i32
    scf.if %cond3A_838 {
      %mul3A_992 = arith.constant 2 : i32
      %mul3A_993 = arith.muli %add3A, %mul3A_992 : i32
      %add3A_994 = arith.constant 128 : i32
      %add3A_995 = arith.addi %add3A_994, %mul3A_993 : i32
      %add3A_996 = arith.constant 1 : i32
      %add3A_997 = arith.addi %add3A_995, %add3A_996 : i32
      %dma_start3A_998 = arith.constant 2 : i32
      %dma_start3A_999 = arith.constant 0 : i32
      %dma_start3A_1000 = arith.constant 0 : i32
      %dma_start3A_1001 = tpu.memref_slice %arg7[%dma_start3A_998, %dma_start3A_999, %dma_start3A_1000] : memref<5x1x16384xf32, #tpu.memory_space<vmem>> -> memref<1x1x16384xf32, #tpu.memory_space<vmem>>
      %dma_start3A_1002 = tpu.memref_squeeze %dma_start3A_1001 : memref<1x1x16384xf32, #tpu.memory_space<vmem>> -> memref<1x16384xf32, #tpu.memory_space<vmem>>
      %dma_start3A_1003 = arith.constant 49152 : i32
      %dma_start3A_1004 = tpu.memref_slice %arg4[%add3A_997, %dma_start3A_1003] : memref<256x65536xf32, #tpu.memory_space<hbm>> -> memref<1x16384xf32, #tpu.memory_space<hbm>>
      %dma_start3A_1005 = arith.constant 49152 : i32
      %dma_start3A_1006 = tpu.memref_slice %arg4[%add3A_997, %dma_start3A_1005] : memref<256x65536xf32, #tpu.memory_space<hbm>> -> memref<1x16384xf32, #tpu.memory_space<hbm>>
      %dma_start3A_1007 = arith.constant 0 : i32
      %dma_start3A_1008 = arith.constant 0 : i32
      %dma_start3A_1009 = tpu.memref_slice %arg7[%dma_start3A_998, %dma_start3A_1007, %dma_start3A_1008] : memref<5x1x16384xf32, #tpu.memory_space<vmem>> -> memref<1x1x16384xf32, #tpu.memory_space<vmem>>
      %dma_start3A_1010 = tpu.memref_squeeze %dma_start3A_1009 : memref<1x1x16384xf32, #tpu.memory_space<vmem>> -> memref<1x16384xf32, #tpu.memory_space<vmem>>
      tpu.enqueue_dma source(%dma_start3A_1010 : memref<1x16384xf32, #tpu.memory_space<vmem>>) target(%dma_start3A_1006 : memref<1x16384xf32, #tpu.memory_space<hbm>>) target_semaphore(%arg16 : memref<!tpu.dma_semaphore, #tpu.memory_space<semaphore_mem>>)
    } else {
    }
    %not3A_839 = arith.constant true
    %not3A_840 = arith.xori %eq3A_218, %not3A_839 : i1
    %convert_element_type3A_841 = arith.extui %not3A_840 : i1 to i32
    %cond3A_842 = arith.constant 0 : i32
    %cond3A_843 = arith.cmpi ne, %convert_element_type3A_841, %cond3A_842 : i32
    scf.if %cond3A_843 {
      %dma_start3A_992 = arith.constant 2 : i32
      %dma_start3A_993 = arith.constant 0 : i32
      %dma_start3A_994 = arith.constant 0 : i32
      %dma_start3A_995 = arith.constant 0 : i32
      %dma_start3A_996 = tpu.memref_slice %arg8[%dma_start3A_993, %dma_start3A_994, %dma_start3A_995] : memref<1x1x16384xf32, #tpu.memory_space<vmem>> -> memref<1x1x16384xf32, #tpu.memory_space<vmem>>
      %dma_start3A_997 = tpu.memref_squeeze %dma_start3A_996 : memref<1x1x16384xf32, #tpu.memory_space<vmem>> -> memref<1x16384xf32, #tpu.memory_space<vmem>>
      %dma_start3A_998 = arith.constant 1 : i32
      %dma_start3A_999 = tpu.memref_slice %arg6[%dma_start3A_992, %dma_start3A_998] : memref<4x16xi32, #tpu.memory_space<vmem>> -> memref<1x1xi32, #tpu.memory_space<vmem>>
      %dma_start3A_1000 = tpu.memref_squeeze %dma_start3A_999 : memref<1x1xi32, #tpu.memory_space<vmem>> -> memref<1xi32, #tpu.memory_space<vmem>>
      %dma_start3A_1001 = arith.constant 0 : i32
      %dma_start3A_1002 = arith.constant 49152 : i32
      %dma_start3A_1003 = tpu.memref_slice %arg2[%dma_start3A_1001, %dma_start3A_1002] : memref<64x65536xf32, #tpu.memory_space<hbm>> -> memref<64x16384xf32, #tpu.memory_space<hbm>>
      tpu.enqueue_indirect_dma source(%dma_start3A_1003 : memref<64x16384xf32, #tpu.memory_space<hbm>>) target(%dma_start3A_997 : memref<1x16384xf32, #tpu.memory_space<vmem>>) offsets(%dma_start3A_1000 : memref<1xi32, #tpu.memory_space<vmem>>) semaphore(%arg19 : memref<!tpu.dma_semaphore, #tpu.memory_space<semaphore_mem>>)
      %dma_wait3A_1004 = arith.constant 2 : i32
      %dma_wait3A_1005 = arith.constant 0 : i32
      %dma_wait3A_1006 = arith.constant 0 : i32
      %dma_wait3A_1007 = arith.constant 0 : i32
      %dma_wait3A_1008 = tpu.memref_slice %arg8[%dma_wait3A_1005, %dma_wait3A_1006, %dma_wait3A_1007] : memref<1x1x16384xf32, #tpu.memory_space<vmem>> -> memref<1x1x16384xf32, #tpu.memory_space<vmem>>
      %dma_wait3A_1009 = tpu.memref_squeeze %dma_wait3A_1008 : memref<1x1x16384xf32, #tpu.memory_space<vmem>> -> memref<1x16384xf32, #tpu.memory_space<vmem>>
      %dma_wait3A_1010 = arith.constant 1 : i32
      %dma_wait3A_1011 = tpu.memref_slice %arg6[%dma_wait3A_1004, %dma_wait3A_1010] : memref<4x16xi32, #tpu.memory_space<vmem>> -> memref<1x1xi32, #tpu.memory_space<vmem>>
      %dma_wait3A_1012 = tpu.memref_squeeze %dma_wait3A_1011 : memref<1x1xi32, #tpu.memory_space<vmem>> -> memref<1xi32, #tpu.memory_space<vmem>>
      %dma_wait3A_1013 = arith.constant 0 : i32
      %dma_wait3A_1014 = arith.constant 49152 : i32
      %dma_wait3A_1015 = tpu.memref_slice %arg2[%dma_wait3A_1013, %dma_wait3A_1014] : memref<64x65536xf32, #tpu.memory_space<hbm>> -> memref<64x16384xf32, #tpu.memory_space<hbm>>
      tpu.wait_indirect_dma semaphore(%arg19 : memref<!tpu.dma_semaphore, #tpu.memory_space<semaphore_mem>>) src(%dma_wait3A_1015 : memref<64x16384xf32, #tpu.memory_space<hbm>>) dst(%dma_wait3A_1009 : memref<1x16384xf32, #tpu.memory_space<vmem>>)
      %mul3A_1016 = arith.constant 2 : i32
      %mul3A_1017 = arith.muli %add3A, %mul3A_1016 : i32
      %add3A_1018 = arith.constant 128 : i32
      %add3A_1019 = arith.addi %add3A_1018, %mul3A_1017 : i32
      %add3A_1020 = arith.constant 1 : i32
      %add3A_1021 = arith.addi %add3A_1019, %add3A_1020 : i32
      %dma_start3A_1022 = arith.constant 0 : i32
      %dma_start3A_1023 = arith.constant 0 : i32
      %dma_start3A_1024 = arith.constant 0 : i32
      %dma_start3A_1025 = tpu.memref_slice %arg8[%dma_start3A_1022, %dma_start3A_1023, %dma_start3A_1024] : memref<1x1x16384xf32, #tpu.memory_space<vmem>> -> memref<1x1x16384xf32, #tpu.memory_space<vmem>>
      %dma_start3A_1026 = tpu.memref_squeeze %dma_start3A_1025 : memref<1x1x16384xf32, #tpu.memory_space<vmem>> -> memref<1x16384xf32, #tpu.memory_space<vmem>>
      %dma_start3A_1027 = arith.constant 49152 : i32
      %dma_start3A_1028 = tpu.memref_slice %arg4[%add3A_1021, %dma_start3A_1027] : memref<256x65536xf32, #tpu.memory_space<hbm>> -> memref<1x16384xf32, #tpu.memory_space<hbm>>
      %dma_start3A_1029 = arith.constant 49152 : i32
      %dma_start3A_1030 = tpu.memref_slice %arg4[%add3A_1021, %dma_start3A_1029] : memref<256x65536xf32, #tpu.memory_space<hbm>> -> memref<1x16384xf32, #tpu.memory_space<hbm>>
      %dma_start3A_1031 = arith.constant 0 : i32
      %dma_start3A_1032 = arith.constant 0 : i32
      %dma_start3A_1033 = tpu.memref_slice %arg8[%dma_start3A_1022, %dma_start3A_1031, %dma_start3A_1032] : memref<1x1x16384xf32, #tpu.memory_space<vmem>> -> memref<1x1x16384xf32, #tpu.memory_space<vmem>>
      %dma_start3A_1034 = tpu.memref_squeeze %dma_start3A_1033 : memref<1x1x16384xf32, #tpu.memory_space<vmem>> -> memref<1x16384xf32, #tpu.memory_space<vmem>>
      tpu.enqueue_dma source(%dma_start3A_1034 : memref<1x16384xf32, #tpu.memory_space<vmem>>) target(%dma_start3A_1030 : memref<1x16384xf32, #tpu.memory_space<hbm>>) target_semaphore(%arg20 : memref<!tpu.dma_semaphore, #tpu.memory_space<semaphore_mem>>)
      %mul3A_1035 = arith.constant 2 : i32
      %mul3A_1036 = arith.muli %add3A, %mul3A_1035 : i32
      %add3A_1037 = arith.constant 128 : i32
      %add3A_1038 = arith.addi %add3A_1037, %mul3A_1036 : i32
      %add3A_1039 = arith.constant 1 : i32
      %add3A_1040 = arith.addi %add3A_1038, %add3A_1039 : i32
      %dma_wait3A_1041 = arith.constant 0 : i32
      %dma_wait3A_1042 = arith.constant 0 : i32
      %dma_wait3A_1043 = arith.constant 0 : i32
      %dma_wait3A_1044 = tpu.memref_slice %arg8[%dma_wait3A_1041, %dma_wait3A_1042, %dma_wait3A_1043] : memref<1x1x16384xf32, #tpu.memory_space<vmem>> -> memref<1x1x16384xf32, #tpu.memory_space<vmem>>
      %dma_wait3A_1045 = tpu.memref_squeeze %dma_wait3A_1044 : memref<1x1x16384xf32, #tpu.memory_space<vmem>> -> memref<1x16384xf32, #tpu.memory_space<vmem>>
      %dma_wait3A_1046 = arith.constant 49152 : i32
      %dma_wait3A_1047 = tpu.memref_slice %arg4[%add3A_1040, %dma_wait3A_1046] : memref<256x65536xf32, #tpu.memory_space<hbm>> -> memref<1x16384xf32, #tpu.memory_space<hbm>>
      %dma_wait3A_1048 = arith.constant 49152 : i32
      %dma_wait3A_1049 = tpu.memref_slice %arg4[%add3A_1040, %dma_wait3A_1048] : memref<256x65536xf32, #tpu.memory_space<hbm>> -> memref<1x16384xf32, #tpu.memory_space<hbm>>
      %dma_wait3A_1050 = arith.constant 0 : i32
      %dma_wait3A_1051 = arith.constant 0 : i32
      %dma_wait3A_1052 = tpu.memref_slice %arg8[%dma_wait3A_1041, %dma_wait3A_1050, %dma_wait3A_1051] : memref<1x1x16384xf32, #tpu.memory_space<vmem>> -> memref<1x1x16384xf32, #tpu.memory_space<vmem>>
      %dma_wait3A_1053 = tpu.memref_squeeze %dma_wait3A_1052 : memref<1x1x16384xf32, #tpu.memory_space<vmem>> -> memref<1x16384xf32, #tpu.memory_space<vmem>>
      tpu.wait_dma2 semaphore(%arg20 : memref<!tpu.dma_semaphore, #tpu.memory_space<semaphore_mem>>) src(%dma_wait3A_1053 : memref<1x16384xf32, #tpu.memory_space<vmem>>) dst(%dma_wait3A_1049 : memref<1x16384xf32, #tpu.memory_space<hbm>>)
    } else {
    }
    %convert_element_type3A_844 = arith.extui %eq3A_236 : i1 to i32
    %cond3A_845 = arith.constant 0 : i32
    %cond3A_846 = arith.cmpi ne, %convert_element_type3A_844, %cond3A_845 : i32
    scf.if %cond3A_846 {
      %mul3A_992 = arith.constant 2 : i32
      %mul3A_993 = arith.muli %add3A, %mul3A_992 : i32
      %add3A_994 = arith.constant 192 : i32
      %add3A_995 = arith.addi %add3A_994, %mul3A_993 : i32
      %add3A_996 = arith.constant 1 : i32
      %add3A_997 = arith.addi %add3A_995, %add3A_996 : i32
      %dma_start3A_998 = arith.constant 2 : i32
      %dma_start3A_999 = arith.constant 0 : i32
      %dma_start3A_1000 = arith.constant 0 : i32
      %dma_start3A_1001 = tpu.memref_slice %arg7[%dma_start3A_998, %dma_start3A_999, %dma_start3A_1000] : memref<5x1x16384xf32, #tpu.memory_space<vmem>> -> memref<1x1x16384xf32, #tpu.memory_space<vmem>>
      %dma_start3A_1002 = tpu.memref_squeeze %dma_start3A_1001 : memref<1x1x16384xf32, #tpu.memory_space<vmem>> -> memref<1x16384xf32, #tpu.memory_space<vmem>>
      %dma_start3A_1003 = arith.constant 49152 : i32
      %dma_start3A_1004 = tpu.memref_slice %arg4[%add3A_997, %dma_start3A_1003] : memref<256x65536xf32, #tpu.memory_space<hbm>> -> memref<1x16384xf32, #tpu.memory_space<hbm>>
      %dma_start3A_1005 = arith.constant 49152 : i32
      %dma_start3A_1006 = tpu.memref_slice %arg4[%add3A_997, %dma_start3A_1005] : memref<256x65536xf32, #tpu.memory_space<hbm>> -> memref<1x16384xf32, #tpu.memory_space<hbm>>
      %dma_start3A_1007 = arith.constant 0 : i32
      %dma_start3A_1008 = arith.constant 0 : i32
      %dma_start3A_1009 = tpu.memref_slice %arg7[%dma_start3A_998, %dma_start3A_1007, %dma_start3A_1008] : memref<5x1x16384xf32, #tpu.memory_space<vmem>> -> memref<1x1x16384xf32, #tpu.memory_space<vmem>>
      %dma_start3A_1010 = tpu.memref_squeeze %dma_start3A_1009 : memref<1x1x16384xf32, #tpu.memory_space<vmem>> -> memref<1x16384xf32, #tpu.memory_space<vmem>>
      tpu.enqueue_dma source(%dma_start3A_1010 : memref<1x16384xf32, #tpu.memory_space<vmem>>) target(%dma_start3A_1006 : memref<1x16384xf32, #tpu.memory_space<hbm>>) target_semaphore(%arg16 : memref<!tpu.dma_semaphore, #tpu.memory_space<semaphore_mem>>)
    } else {
    }
    %not3A_847 = arith.constant true
    %not3A_848 = arith.xori %eq3A_236, %not3A_847 : i1
    %convert_element_type3A_849 = arith.extui %not3A_848 : i1 to i32
    %cond3A_850 = arith.constant 0 : i32
    %cond3A_851 = arith.cmpi ne, %convert_element_type3A_849, %cond3A_850 : i32
    scf.if %cond3A_851 {
      %dma_start3A_992 = arith.constant 3 : i32
      %dma_start3A_993 = arith.constant 0 : i32
      %dma_start3A_994 = arith.constant 0 : i32
      %dma_start3A_995 = arith.constant 0 : i32
      %dma_start3A_996 = tpu.memref_slice %arg8[%dma_start3A_993, %dma_start3A_994, %dma_start3A_995] : memref<1x1x16384xf32, #tpu.memory_space<vmem>> -> memref<1x1x16384xf32, #tpu.memory_space<vmem>>
      %dma_start3A_997 = tpu.memref_squeeze %dma_start3A_996 : memref<1x1x16384xf32, #tpu.memory_space<vmem>> -> memref<1x16384xf32, #tpu.memory_space<vmem>>
      %dma_start3A_998 = arith.constant 1 : i32
      %dma_start3A_999 = tpu.memref_slice %arg6[%dma_start3A_992, %dma_start3A_998] : memref<4x16xi32, #tpu.memory_space<vmem>> -> memref<1x1xi32, #tpu.memory_space<vmem>>
      %dma_start3A_1000 = tpu.memref_squeeze %dma_start3A_999 : memref<1x1xi32, #tpu.memory_space<vmem>> -> memref<1xi32, #tpu.memory_space<vmem>>
      %dma_start3A_1001 = arith.constant 0 : i32
      %dma_start3A_1002 = arith.constant 49152 : i32
      %dma_start3A_1003 = tpu.memref_slice %arg2[%dma_start3A_1001, %dma_start3A_1002] : memref<64x65536xf32, #tpu.memory_space<hbm>> -> memref<64x16384xf32, #tpu.memory_space<hbm>>
      tpu.enqueue_indirect_dma source(%dma_start3A_1003 : memref<64x16384xf32, #tpu.memory_space<hbm>>) target(%dma_start3A_997 : memref<1x16384xf32, #tpu.memory_space<vmem>>) offsets(%dma_start3A_1000 : memref<1xi32, #tpu.memory_space<vmem>>) semaphore(%arg19 : memref<!tpu.dma_semaphore, #tpu.memory_space<semaphore_mem>>)
      %dma_wait3A_1004 = arith.constant 3 : i32
      %dma_wait3A_1005 = arith.constant 0 : i32
      %dma_wait3A_1006 = arith.constant 0 : i32
      %dma_wait3A_1007 = arith.constant 0 : i32
      %dma_wait3A_1008 = tpu.memref_slice %arg8[%dma_wait3A_1005, %dma_wait3A_1006, %dma_wait3A_1007] : memref<1x1x16384xf32, #tpu.memory_space<vmem>> -> memref<1x1x16384xf32, #tpu.memory_space<vmem>>
      %dma_wait3A_1009 = tpu.memref_squeeze %dma_wait3A_1008 : memref<1x1x16384xf32, #tpu.memory_space<vmem>> -> memref<1x16384xf32, #tpu.memory_space<vmem>>
      %dma_wait3A_1010 = arith.constant 1 : i32
      %dma_wait3A_1011 = tpu.memref_slice %arg6[%dma_wait3A_1004, %dma_wait3A_1010] : memref<4x16xi32, #tpu.memory_space<vmem>> -> memref<1x1xi32, #tpu.memory_space<vmem>>
      %dma_wait3A_1012 = tpu.memref_squeeze %dma_wait3A_1011 : memref<1x1xi32, #tpu.memory_space<vmem>> -> memref<1xi32, #tpu.memory_space<vmem>>
      %dma_wait3A_1013 = arith.constant 0 : i32
      %dma_wait3A_1014 = arith.constant 49152 : i32
      %dma_wait3A_1015 = tpu.memref_slice %arg2[%dma_wait3A_1013, %dma_wait3A_1014] : memref<64x65536xf32, #tpu.memory_space<hbm>> -> memref<64x16384xf32, #tpu.memory_space<hbm>>
      tpu.wait_indirect_dma semaphore(%arg19 : memref<!tpu.dma_semaphore, #tpu.memory_space<semaphore_mem>>) src(%dma_wait3A_1015 : memref<64x16384xf32, #tpu.memory_space<hbm>>) dst(%dma_wait3A_1009 : memref<1x16384xf32, #tpu.memory_space<vmem>>)
      %mul3A_1016 = arith.constant 2 : i32
      %mul3A_1017 = arith.muli %add3A, %mul3A_1016 : i32
      %add3A_1018 = arith.constant 192 : i32
      %add3A_1019 = arith.addi %add3A_1018, %mul3A_1017 : i32
      %add3A_1020 = arith.constant 1 : i32
      %add3A_1021 = arith.addi %add3A_1019, %add3A_1020 : i32
      %dma_start3A_1022 = arith.constant 0 : i32
      %dma_start3A_1023 = arith.constant 0 : i32
      %dma_start3A_1024 = arith.constant 0 : i32
      %dma_start3A_1025 = tpu.memref_slice %arg8[%dma_start3A_1022, %dma_start3A_1023, %dma_start3A_1024] : memref<1x1x16384xf32, #tpu.memory_space<vmem>> -> memref<1x1x16384xf32, #tpu.memory_space<vmem>>
      %dma_start3A_1026 = tpu.memref_squeeze %dma_start3A_1025 : memref<1x1x16384xf32, #tpu.memory_space<vmem>> -> memref<1x16384xf32, #tpu.memory_space<vmem>>
      %dma_start3A_1027 = arith.constant 49152 : i32
      %dma_start3A_1028 = tpu.memref_slice %arg4[%add3A_1021, %dma_start3A_1027] : memref<256x65536xf32, #tpu.memory_space<hbm>> -> memref<1x16384xf32, #tpu.memory_space<hbm>>
      %dma_start3A_1029 = arith.constant 49152 : i32
      %dma_start3A_1030 = tpu.memref_slice %arg4[%add3A_1021, %dma_start3A_1029] : memref<256x65536xf32, #tpu.memory_space<hbm>> -> memref<1x16384xf32, #tpu.memory_space<hbm>>
      %dma_start3A_1031 = arith.constant 0 : i32
      %dma_start3A_1032 = arith.constant 0 : i32
      %dma_start3A_1033 = tpu.memref_slice %arg8[%dma_start3A_1022, %dma_start3A_1031, %dma_start3A_1032] : memref<1x1x16384xf32, #tpu.memory_space<vmem>> -> memref<1x1x16384xf32, #tpu.memory_space<vmem>>
      %dma_start3A_1034 = tpu.memref_squeeze %dma_start3A_1033 : memref<1x1x16384xf32, #tpu.memory_space<vmem>> -> memref<1x16384xf32, #tpu.memory_space<vmem>>
      tpu.enqueue_dma source(%dma_start3A_1034 : memref<1x16384xf32, #tpu.memory_space<vmem>>) target(%dma_start3A_1030 : memref<1x16384xf32, #tpu.memory_space<hbm>>) target_semaphore(%arg20 : memref<!tpu.dma_semaphore, #tpu.memory_space<semaphore_mem>>)
      %mul3A_1035 = arith.constant 2 : i32
      %mul3A_1036 = arith.muli %add3A, %mul3A_1035 : i32
      %add3A_1037 = arith.constant 192 : i32
      %add3A_1038 = arith.addi %add3A_1037, %mul3A_1036 : i32
      %add3A_1039 = arith.constant 1 : i32
      %add3A_1040 = arith.addi %add3A_1038, %add3A_1039 : i32
      %dma_wait3A_1041 = arith.constant 0 : i32
      %dma_wait3A_1042 = arith.constant 0 : i32
      %dma_wait3A_1043 = arith.constant 0 : i32
      %dma_wait3A_1044 = tpu.memref_slice %arg8[%dma_wait3A_1041, %dma_wait3A_1042, %dma_wait3A_1043] : memref<1x1x16384xf32, #tpu.memory_space<vmem>> -> memref<1x1x16384xf32, #tpu.memory_space<vmem>>
      %dma_wait3A_1045 = tpu.memref_squeeze %dma_wait3A_1044 : memref<1x1x16384xf32, #tpu.memory_space<vmem>> -> memref<1x16384xf32, #tpu.memory_space<vmem>>
      %dma_wait3A_1046 = arith.constant 49152 : i32
      %dma_wait3A_1047 = tpu.memref_slice %arg4[%add3A_1040, %dma_wait3A_1046] : memref<256x65536xf32, #tpu.memory_space<hbm>> -> memref<1x16384xf32, #tpu.memory_space<hbm>>
      %dma_wait3A_1048 = arith.constant 49152 : i32
      %dma_wait3A_1049 = tpu.memref_slice %arg4[%add3A_1040, %dma_wait3A_1048] : memref<256x65536xf32, #tpu.memory_space<hbm>> -> memref<1x16384xf32, #tpu.memory_space<hbm>>
      %dma_wait3A_1050 = arith.constant 0 : i32
      %dma_wait3A_1051 = arith.constant 0 : i32
      %dma_wait3A_1052 = tpu.memref_slice %arg8[%dma_wait3A_1041, %dma_wait3A_1050, %dma_wait3A_1051] : memref<1x1x16384xf32, #tpu.memory_space<vmem>> -> memref<1x1x16384xf32, #tpu.memory_space<vmem>>
      %dma_wait3A_1053 = tpu.memref_squeeze %dma_wait3A_1052 : memref<1x1x16384xf32, #tpu.memory_space<vmem>> -> memref<1x16384xf32, #tpu.memory_space<vmem>>
      tpu.wait_dma2 semaphore(%arg20 : memref<!tpu.dma_semaphore, #tpu.memory_space<semaphore_mem>>) src(%dma_wait3A_1053 : memref<1x16384xf32, #tpu.memory_space<vmem>>) dst(%dma_wait3A_1049 : memref<1x16384xf32, #tpu.memory_space<hbm>>)
    } else {
    }
    %mul3A_852 = arith.constant 2 : i32
    %mul3A_853 = arith.muli %add3A, %mul3A_852 : i32
    %add3A_854 = arith.constant 0 : i32
    %add3A_855 = arith.addi %add3A_854, %mul3A_853 : i32
    %add3A_856 = arith.constant 0 : i32
    %add3A_857 = arith.addi %add3A_855, %add3A_856 : i32
    %dma_wait3A_858 = arith.constant 3 : i32
    %dma_wait3A_859 = arith.constant 0 : i32
    %dma_wait3A_860 = arith.constant 0 : i32
    %dma_wait3A_861 = tpu.memref_slice %arg7[%dma_wait3A_858, %dma_wait3A_859, %dma_wait3A_860] : memref<5x1x16384xf32, #tpu.memory_space<vmem>> -> memref<1x1x16384xf32, #tpu.memory_space<vmem>>
    %dma_wait3A_862 = tpu.memref_squeeze %dma_wait3A_861 : memref<1x1x16384xf32, #tpu.memory_space<vmem>> -> memref<1x16384xf32, #tpu.memory_space<vmem>>
    %dma_wait3A_863 = arith.constant 49152 : i32
    %dma_wait3A_864 = tpu.memref_slice %arg4[%add3A_857, %dma_wait3A_863] : memref<256x65536xf32, #tpu.memory_space<hbm>> -> memref<1x16384xf32, #tpu.memory_space<hbm>>
    %dma_wait3A_865 = arith.constant 49152 : i32
    %dma_wait3A_866 = tpu.memref_slice %arg4[%add3A_857, %dma_wait3A_865] : memref<256x65536xf32, #tpu.memory_space<hbm>> -> memref<1x16384xf32, #tpu.memory_space<hbm>>
    %dma_wait3A_867 = arith.constant 0 : i32
    %dma_wait3A_868 = arith.constant 0 : i32
    %dma_wait3A_869 = tpu.memref_slice %arg7[%dma_wait3A_858, %dma_wait3A_867, %dma_wait3A_868] : memref<5x1x16384xf32, #tpu.memory_space<vmem>> -> memref<1x1x16384xf32, #tpu.memory_space<vmem>>
    %dma_wait3A_870 = tpu.memref_squeeze %dma_wait3A_869 : memref<1x1x16384xf32, #tpu.memory_space<vmem>> -> memref<1x16384xf32, #tpu.memory_space<vmem>>
    tpu.wait_dma2 semaphore(%arg17 : memref<!tpu.dma_semaphore, #tpu.memory_space<semaphore_mem>>) src(%dma_wait3A_870 : memref<1x16384xf32, #tpu.memory_space<vmem>>) dst(%dma_wait3A_866 : memref<1x16384xf32, #tpu.memory_space<hbm>>)
    %convert_element_type3A_871 = arith.extui %eq3A_200 : i1 to i32
    %cond3A_872 = arith.constant 0 : i32
    %cond3A_873 = arith.cmpi ne, %convert_element_type3A_871, %cond3A_872 : i32
    scf.if %cond3A_873 {
      %mul3A_992 = arith.constant 2 : i32
      %mul3A_993 = arith.muli %add3A, %mul3A_992 : i32
      %add3A_994 = arith.constant 64 : i32
      %add3A_995 = arith.addi %add3A_994, %mul3A_993 : i32
      %add3A_996 = arith.constant 0 : i32
      %add3A_997 = arith.addi %add3A_995, %add3A_996 : i32
      %dma_wait3A_998 = arith.constant 3 : i32
      %dma_wait3A_999 = arith.constant 0 : i32
      %dma_wait3A_1000 = arith.constant 0 : i32
      %dma_wait3A_1001 = tpu.memref_slice %arg7[%dma_wait3A_998, %dma_wait3A_999, %dma_wait3A_1000] : memref<5x1x16384xf32, #tpu.memory_space<vmem>> -> memref<1x1x16384xf32, #tpu.memory_space<vmem>>
      %dma_wait3A_1002 = tpu.memref_squeeze %dma_wait3A_1001 : memref<1x1x16384xf32, #tpu.memory_space<vmem>> -> memref<1x16384xf32, #tpu.memory_space<vmem>>
      %dma_wait3A_1003 = arith.constant 49152 : i32
      %dma_wait3A_1004 = tpu.memref_slice %arg4[%add3A_997, %dma_wait3A_1003] : memref<256x65536xf32, #tpu.memory_space<hbm>> -> memref<1x16384xf32, #tpu.memory_space<hbm>>
      %dma_wait3A_1005 = arith.constant 49152 : i32
      %dma_wait3A_1006 = tpu.memref_slice %arg4[%add3A_997, %dma_wait3A_1005] : memref<256x65536xf32, #tpu.memory_space<hbm>> -> memref<1x16384xf32, #tpu.memory_space<hbm>>
      %dma_wait3A_1007 = arith.constant 0 : i32
      %dma_wait3A_1008 = arith.constant 0 : i32
      %dma_wait3A_1009 = tpu.memref_slice %arg7[%dma_wait3A_998, %dma_wait3A_1007, %dma_wait3A_1008] : memref<5x1x16384xf32, #tpu.memory_space<vmem>> -> memref<1x1x16384xf32, #tpu.memory_space<vmem>>
      %dma_wait3A_1010 = tpu.memref_squeeze %dma_wait3A_1009 : memref<1x1x16384xf32, #tpu.memory_space<vmem>> -> memref<1x16384xf32, #tpu.memory_space<vmem>>
      tpu.wait_dma2 semaphore(%arg17 : memref<!tpu.dma_semaphore, #tpu.memory_space<semaphore_mem>>) src(%dma_wait3A_1010 : memref<1x16384xf32, #tpu.memory_space<vmem>>) dst(%dma_wait3A_1006 : memref<1x16384xf32, #tpu.memory_space<hbm>>)
    } else {
    }
    %convert_element_type3A_874 = arith.extui %eq3A_218 : i1 to i32
    %cond3A_875 = arith.constant 0 : i32
    %cond3A_876 = arith.cmpi ne, %convert_element_type3A_874, %cond3A_875 : i32
    scf.if %cond3A_876 {
      %mul3A_992 = arith.constant 2 : i32
      %mul3A_993 = arith.muli %add3A, %mul3A_992 : i32
      %add3A_994 = arith.constant 128 : i32
      %add3A_995 = arith.addi %add3A_994, %mul3A_993 : i32
      %add3A_996 = arith.constant 0 : i32
      %add3A_997 = arith.addi %add3A_995, %add3A_996 : i32
      %dma_wait3A_998 = arith.constant 3 : i32
      %dma_wait3A_999 = arith.constant 0 : i32
      %dma_wait3A_1000 = arith.constant 0 : i32
      %dma_wait3A_1001 = tpu.memref_slice %arg7[%dma_wait3A_998, %dma_wait3A_999, %dma_wait3A_1000] : memref<5x1x16384xf32, #tpu.memory_space<vmem>> -> memref<1x1x16384xf32, #tpu.memory_space<vmem>>
      %dma_wait3A_1002 = tpu.memref_squeeze %dma_wait3A_1001 : memref<1x1x16384xf32, #tpu.memory_space<vmem>> -> memref<1x16384xf32, #tpu.memory_space<vmem>>
      %dma_wait3A_1003 = arith.constant 49152 : i32
      %dma_wait3A_1004 = tpu.memref_slice %arg4[%add3A_997, %dma_wait3A_1003] : memref<256x65536xf32, #tpu.memory_space<hbm>> -> memref<1x16384xf32, #tpu.memory_space<hbm>>
      %dma_wait3A_1005 = arith.constant 49152 : i32
      %dma_wait3A_1006 = tpu.memref_slice %arg4[%add3A_997, %dma_wait3A_1005] : memref<256x65536xf32, #tpu.memory_space<hbm>> -> memref<1x16384xf32, #tpu.memory_space<hbm>>
      %dma_wait3A_1007 = arith.constant 0 : i32
      %dma_wait3A_1008 = arith.constant 0 : i32
      %dma_wait3A_1009 = tpu.memref_slice %arg7[%dma_wait3A_998, %dma_wait3A_1007, %dma_wait3A_1008] : memref<5x1x16384xf32, #tpu.memory_space<vmem>> -> memref<1x1x16384xf32, #tpu.memory_space<vmem>>
      %dma_wait3A_1010 = tpu.memref_squeeze %dma_wait3A_1009 : memref<1x1x16384xf32, #tpu.memory_space<vmem>> -> memref<1x16384xf32, #tpu.memory_space<vmem>>
      tpu.wait_dma2 semaphore(%arg17 : memref<!tpu.dma_semaphore, #tpu.memory_space<semaphore_mem>>) src(%dma_wait3A_1010 : memref<1x16384xf32, #tpu.memory_space<vmem>>) dst(%dma_wait3A_1006 : memref<1x16384xf32, #tpu.memory_space<hbm>>)
    } else {
    }
    %convert_element_type3A_877 = arith.extui %eq3A_236 : i1 to i32
    %cond3A_878 = arith.constant 0 : i32
    %cond3A_879 = arith.cmpi ne, %convert_element_type3A_877, %cond3A_878 : i32
    scf.if %cond3A_879 {
      %mul3A_992 = arith.constant 2 : i32
      %mul3A_993 = arith.muli %add3A, %mul3A_992 : i32
      %add3A_994 = arith.constant 192 : i32
      %add3A_995 = arith.addi %add3A_994, %mul3A_993 : i32
      %add3A_996 = arith.constant 0 : i32
      %add3A_997 = arith.addi %add3A_995, %add3A_996 : i32
      %dma_wait3A_998 = arith.constant 3 : i32
      %dma_wait3A_999 = arith.constant 0 : i32
      %dma_wait3A_1000 = arith.constant 0 : i32
      %dma_wait3A_1001 = tpu.memref_slice %arg7[%dma_wait3A_998, %dma_wait3A_999, %dma_wait3A_1000] : memref<5x1x16384xf32, #tpu.memory_space<vmem>> -> memref<1x1x16384xf32, #tpu.memory_space<vmem>>
      %dma_wait3A_1002 = tpu.memref_squeeze %dma_wait3A_1001 : memref<1x1x16384xf32, #tpu.memory_space<vmem>> -> memref<1x16384xf32, #tpu.memory_space<vmem>>
      %dma_wait3A_1003 = arith.constant 49152 : i32
      %dma_wait3A_1004 = tpu.memref_slice %arg4[%add3A_997, %dma_wait3A_1003] : memref<256x65536xf32, #tpu.memory_space<hbm>> -> memref<1x16384xf32, #tpu.memory_space<hbm>>
      %dma_wait3A_1005 = arith.constant 49152 : i32
      %dma_wait3A_1006 = tpu.memref_slice %arg4[%add3A_997, %dma_wait3A_1005] : memref<256x65536xf32, #tpu.memory_space<hbm>> -> memref<1x16384xf32, #tpu.memory_space<hbm>>
      %dma_wait3A_1007 = arith.constant 0 : i32
      %dma_wait3A_1008 = arith.constant 0 : i32
      %dma_wait3A_1009 = tpu.memref_slice %arg7[%dma_wait3A_998, %dma_wait3A_1007, %dma_wait3A_1008] : memref<5x1x16384xf32, #tpu.memory_space<vmem>> -> memref<1x1x16384xf32, #tpu.memory_space<vmem>>
      %dma_wait3A_1010 = tpu.memref_squeeze %dma_wait3A_1009 : memref<1x1x16384xf32, #tpu.memory_space<vmem>> -> memref<1x16384xf32, #tpu.memory_space<vmem>>
      tpu.wait_dma2 semaphore(%arg17 : memref<!tpu.dma_semaphore, #tpu.memory_space<semaphore_mem>>) src(%dma_wait3A_1010 : memref<1x16384xf32, #tpu.memory_space<vmem>>) dst(%dma_wait3A_1006 : memref<1x16384xf32, #tpu.memory_space<hbm>>)
    } else {
    }
    %mul3A_880 = arith.constant 2 : i32
    %mul3A_881 = arith.muli %add3A, %mul3A_880 : i32
    %add3A_882 = arith.constant 0 : i32
    %add3A_883 = arith.addi %add3A_882, %mul3A_881 : i32
    %add3A_884 = arith.constant 1 : i32
    %add3A_885 = arith.addi %add3A_883, %add3A_884 : i32
    %dma_wait3A_886 = arith.constant 4 : i32
    %dma_wait3A_887 = arith.constant 0 : i32
    %dma_wait3A_888 = arith.constant 0 : i32
    %dma_wait3A_889 = tpu.memref_slice %arg7[%dma_wait3A_886, %dma_wait3A_887, %dma_wait3A_888] : memref<5x1x16384xf32, #tpu.memory_space<vmem>> -> memref<1x1x16384xf32, #tpu.memory_space<vmem>>
    %dma_wait3A_890 = tpu.memref_squeeze %dma_wait3A_889 : memref<1x1x16384xf32, #tpu.memory_space<vmem>> -> memref<1x16384xf32, #tpu.memory_space<vmem>>
    %dma_wait3A_891 = arith.constant 0 : i32
    %dma_wait3A_892 = tpu.memref_slice %arg4[%add3A_885, %dma_wait3A_891] : memref<256x65536xf32, #tpu.memory_space<hbm>> -> memref<1x16384xf32, #tpu.memory_space<hbm>>
    %dma_wait3A_893 = arith.constant 0 : i32
    %dma_wait3A_894 = tpu.memref_slice %arg4[%add3A_885, %dma_wait3A_893] : memref<256x65536xf32, #tpu.memory_space<hbm>> -> memref<1x16384xf32, #tpu.memory_space<hbm>>
    %dma_wait3A_895 = arith.constant 0 : i32
    %dma_wait3A_896 = arith.constant 0 : i32
    %dma_wait3A_897 = tpu.memref_slice %arg7[%dma_wait3A_886, %dma_wait3A_895, %dma_wait3A_896] : memref<5x1x16384xf32, #tpu.memory_space<vmem>> -> memref<1x1x16384xf32, #tpu.memory_space<vmem>>
    %dma_wait3A_898 = tpu.memref_squeeze %dma_wait3A_897 : memref<1x1x16384xf32, #tpu.memory_space<vmem>> -> memref<1x16384xf32, #tpu.memory_space<vmem>>
    tpu.wait_dma2 semaphore(%arg18 : memref<!tpu.dma_semaphore, #tpu.memory_space<semaphore_mem>>) src(%dma_wait3A_898 : memref<1x16384xf32, #tpu.memory_space<vmem>>) dst(%dma_wait3A_894 : memref<1x16384xf32, #tpu.memory_space<hbm>>)
    %convert_element_type3A_899 = arith.extui %eq3A_200 : i1 to i32
    %cond3A_900 = arith.constant 0 : i32
    %cond3A_901 = arith.cmpi ne, %convert_element_type3A_899, %cond3A_900 : i32
    scf.if %cond3A_901 {
      %mul3A_992 = arith.constant 2 : i32
      %mul3A_993 = arith.muli %add3A, %mul3A_992 : i32
      %add3A_994 = arith.constant 64 : i32
      %add3A_995 = arith.addi %add3A_994, %mul3A_993 : i32
      %add3A_996 = arith.constant 1 : i32
      %add3A_997 = arith.addi %add3A_995, %add3A_996 : i32
      %dma_wait3A_998 = arith.constant 4 : i32
      %dma_wait3A_999 = arith.constant 0 : i32
      %dma_wait3A_1000 = arith.constant 0 : i32
      %dma_wait3A_1001 = tpu.memref_slice %arg7[%dma_wait3A_998, %dma_wait3A_999, %dma_wait3A_1000] : memref<5x1x16384xf32, #tpu.memory_space<vmem>> -> memref<1x1x16384xf32, #tpu.memory_space<vmem>>
      %dma_wait3A_1002 = tpu.memref_squeeze %dma_wait3A_1001 : memref<1x1x16384xf32, #tpu.memory_space<vmem>> -> memref<1x16384xf32, #tpu.memory_space<vmem>>
      %dma_wait3A_1003 = arith.constant 0 : i32
      %dma_wait3A_1004 = tpu.memref_slice %arg4[%add3A_997, %dma_wait3A_1003] : memref<256x65536xf32, #tpu.memory_space<hbm>> -> memref<1x16384xf32, #tpu.memory_space<hbm>>
      %dma_wait3A_1005 = arith.constant 0 : i32
      %dma_wait3A_1006 = tpu.memref_slice %arg4[%add3A_997, %dma_wait3A_1005] : memref<256x65536xf32, #tpu.memory_space<hbm>> -> memref<1x16384xf32, #tpu.memory_space<hbm>>
      %dma_wait3A_1007 = arith.constant 0 : i32
      %dma_wait3A_1008 = arith.constant 0 : i32
      %dma_wait3A_1009 = tpu.memref_slice %arg7[%dma_wait3A_998, %dma_wait3A_1007, %dma_wait3A_1008] : memref<5x1x16384xf32, #tpu.memory_space<vmem>> -> memref<1x1x16384xf32, #tpu.memory_space<vmem>>
      %dma_wait3A_1010 = tpu.memref_squeeze %dma_wait3A_1009 : memref<1x1x16384xf32, #tpu.memory_space<vmem>> -> memref<1x16384xf32, #tpu.memory_space<vmem>>
      tpu.wait_dma2 semaphore(%arg18 : memref<!tpu.dma_semaphore, #tpu.memory_space<semaphore_mem>>) src(%dma_wait3A_1010 : memref<1x16384xf32, #tpu.memory_space<vmem>>) dst(%dma_wait3A_1006 : memref<1x16384xf32, #tpu.memory_space<hbm>>)
    } else {
    }
    %convert_element_type3A_902 = arith.extui %eq3A_218 : i1 to i32
    %cond3A_903 = arith.constant 0 : i32
    %cond3A_904 = arith.cmpi ne, %convert_element_type3A_902, %cond3A_903 : i32
    scf.if %cond3A_904 {
      %mul3A_992 = arith.constant 2 : i32
      %mul3A_993 = arith.muli %add3A, %mul3A_992 : i32
      %add3A_994 = arith.constant 128 : i32
      %add3A_995 = arith.addi %add3A_994, %mul3A_993 : i32
      %add3A_996 = arith.constant 1 : i32
      %add3A_997 = arith.addi %add3A_995, %add3A_996 : i32
      %dma_wait3A_998 = arith.constant 4 : i32
      %dma_wait3A_999 = arith.constant 0 : i32
      %dma_wait3A_1000 = arith.constant 0 : i32
      %dma_wait3A_1001 = tpu.memref_slice %arg7[%dma_wait3A_998, %dma_wait3A_999, %dma_wait3A_1000] : memref<5x1x16384xf32, #tpu.memory_space<vmem>> -> memref<1x1x16384xf32, #tpu.memory_space<vmem>>
      %dma_wait3A_1002 = tpu.memref_squeeze %dma_wait3A_1001 : memref<1x1x16384xf32, #tpu.memory_space<vmem>> -> memref<1x16384xf32, #tpu.memory_space<vmem>>
      %dma_wait3A_1003 = arith.constant 0 : i32
      %dma_wait3A_1004 = tpu.memref_slice %arg4[%add3A_997, %dma_wait3A_1003] : memref<256x65536xf32, #tpu.memory_space<hbm>> -> memref<1x16384xf32, #tpu.memory_space<hbm>>
      %dma_wait3A_1005 = arith.constant 0 : i32
      %dma_wait3A_1006 = tpu.memref_slice %arg4[%add3A_997, %dma_wait3A_1005] : memref<256x65536xf32, #tpu.memory_space<hbm>> -> memref<1x16384xf32, #tpu.memory_space<hbm>>
      %dma_wait3A_1007 = arith.constant 0 : i32
      %dma_wait3A_1008 = arith.constant 0 : i32
      %dma_wait3A_1009 = tpu.memref_slice %arg7[%dma_wait3A_998, %dma_wait3A_1007, %dma_wait3A_1008] : memref<5x1x16384xf32, #tpu.memory_space<vmem>> -> memref<1x1x16384xf32, #tpu.memory_space<vmem>>
      %dma_wait3A_1010 = tpu.memref_squeeze %dma_wait3A_1009 : memref<1x1x16384xf32, #tpu.memory_space<vmem>> -> memref<1x16384xf32, #tpu.memory_space<vmem>>
      tpu.wait_dma2 semaphore(%arg18 : memref<!tpu.dma_semaphore, #tpu.memory_space<semaphore_mem>>) src(%dma_wait3A_1010 : memref<1x16384xf32, #tpu.memory_space<vmem>>) dst(%dma_wait3A_1006 : memref<1x16384xf32, #tpu.memory_space<hbm>>)
    } else {
    }
    %convert_element_type3A_905 = arith.extui %eq3A_236 : i1 to i32
    %cond3A_906 = arith.constant 0 : i32
    %cond3A_907 = arith.cmpi ne, %convert_element_type3A_905, %cond3A_906 : i32
    scf.if %cond3A_907 {
      %mul3A_992 = arith.constant 2 : i32
      %mul3A_993 = arith.muli %add3A, %mul3A_992 : i32
      %add3A_994 = arith.constant 192 : i32
      %add3A_995 = arith.addi %add3A_994, %mul3A_993 : i32
      %add3A_996 = arith.constant 1 : i32
      %add3A_997 = arith.addi %add3A_995, %add3A_996 : i32
      %dma_wait3A_998 = arith.constant 4 : i32
      %dma_wait3A_999 = arith.constant 0 : i32
      %dma_wait3A_1000 = arith.constant 0 : i32
      %dma_wait3A_1001 = tpu.memref_slice %arg7[%dma_wait3A_998, %dma_wait3A_999, %dma_wait3A_1000] : memref<5x1x16384xf32, #tpu.memory_space<vmem>> -> memref<1x1x16384xf32, #tpu.memory_space<vmem>>
      %dma_wait3A_1002 = tpu.memref_squeeze %dma_wait3A_1001 : memref<1x1x16384xf32, #tpu.memory_space<vmem>> -> memref<1x16384xf32, #tpu.memory_space<vmem>>
      %dma_wait3A_1003 = arith.constant 0 : i32
      %dma_wait3A_1004 = tpu.memref_slice %arg4[%add3A_997, %dma_wait3A_1003] : memref<256x65536xf32, #tpu.memory_space<hbm>> -> memref<1x16384xf32, #tpu.memory_space<hbm>>
      %dma_wait3A_1005 = arith.constant 0 : i32
      %dma_wait3A_1006 = tpu.memref_slice %arg4[%add3A_997, %dma_wait3A_1005] : memref<256x65536xf32, #tpu.memory_space<hbm>> -> memref<1x16384xf32, #tpu.memory_space<hbm>>
      %dma_wait3A_1007 = arith.constant 0 : i32
      %dma_wait3A_1008 = arith.constant 0 : i32
      %dma_wait3A_1009 = tpu.memref_slice %arg7[%dma_wait3A_998, %dma_wait3A_1007, %dma_wait3A_1008] : memref<5x1x16384xf32, #tpu.memory_space<vmem>> -> memref<1x1x16384xf32, #tpu.memory_space<vmem>>
      %dma_wait3A_1010 = tpu.memref_squeeze %dma_wait3A_1009 : memref<1x1x16384xf32, #tpu.memory_space<vmem>> -> memref<1x16384xf32, #tpu.memory_space<vmem>>
      tpu.wait_dma2 semaphore(%arg18 : memref<!tpu.dma_semaphore, #tpu.memory_space<semaphore_mem>>) src(%dma_wait3A_1010 : memref<1x16384xf32, #tpu.memory_space<vmem>>) dst(%dma_wait3A_1006 : memref<1x16384xf32, #tpu.memory_space<hbm>>)
    } else {
    }
    %mul3A_908 = arith.constant 2 : i32
    %mul3A_909 = arith.muli %add3A, %mul3A_908 : i32
    %add3A_910 = arith.constant 0 : i32
    %add3A_911 = arith.addi %add3A_910, %mul3A_909 : i32
    %add3A_912 = arith.constant 1 : i32
    %add3A_913 = arith.addi %add3A_911, %add3A_912 : i32
    %dma_wait3A_914 = arith.constant 0 : i32
    %dma_wait3A_915 = arith.constant 0 : i32
    %dma_wait3A_916 = arith.constant 0 : i32
    %dma_wait3A_917 = tpu.memref_slice %arg7[%dma_wait3A_914, %dma_wait3A_915, %dma_wait3A_916] : memref<5x1x16384xf32, #tpu.memory_space<vmem>> -> memref<1x1x16384xf32, #tpu.memory_space<vmem>>
    %dma_wait3A_918 = tpu.memref_squeeze %dma_wait3A_917 : memref<1x1x16384xf32, #tpu.memory_space<vmem>> -> memref<1x16384xf32, #tpu.memory_space<vmem>>
    %dma_wait3A_919 = arith.constant 16384 : i32
    %dma_wait3A_920 = tpu.memref_slice %arg4[%add3A_913, %dma_wait3A_919] : memref<256x65536xf32, #tpu.memory_space<hbm>> -> memref<1x16384xf32, #tpu.memory_space<hbm>>
    %dma_wait3A_921 = arith.constant 16384 : i32
    %dma_wait3A_922 = tpu.memref_slice %arg4[%add3A_913, %dma_wait3A_921] : memref<256x65536xf32, #tpu.memory_space<hbm>> -> memref<1x16384xf32, #tpu.memory_space<hbm>>
    %dma_wait3A_923 = arith.constant 0 : i32
    %dma_wait3A_924 = arith.constant 0 : i32
    %dma_wait3A_925 = tpu.memref_slice %arg7[%dma_wait3A_914, %dma_wait3A_923, %dma_wait3A_924] : memref<5x1x16384xf32, #tpu.memory_space<vmem>> -> memref<1x1x16384xf32, #tpu.memory_space<vmem>>
    %dma_wait3A_926 = tpu.memref_squeeze %dma_wait3A_925 : memref<1x1x16384xf32, #tpu.memory_space<vmem>> -> memref<1x16384xf32, #tpu.memory_space<vmem>>
    tpu.wait_dma2 semaphore(%arg14 : memref<!tpu.dma_semaphore, #tpu.memory_space<semaphore_mem>>) src(%dma_wait3A_926 : memref<1x16384xf32, #tpu.memory_space<vmem>>) dst(%dma_wait3A_922 : memref<1x16384xf32, #tpu.memory_space<hbm>>)
    %convert_element_type3A_927 = arith.extui %eq3A_200 : i1 to i32
    %cond3A_928 = arith.constant 0 : i32
    %cond3A_929 = arith.cmpi ne, %convert_element_type3A_927, %cond3A_928 : i32
    scf.if %cond3A_929 {
      %mul3A_992 = arith.constant 2 : i32
      %mul3A_993 = arith.muli %add3A, %mul3A_992 : i32
      %add3A_994 = arith.constant 64 : i32
      %add3A_995 = arith.addi %add3A_994, %mul3A_993 : i32
      %add3A_996 = arith.constant 1 : i32
      %add3A_997 = arith.addi %add3A_995, %add3A_996 : i32
      %dma_wait3A_998 = arith.constant 0 : i32
      %dma_wait3A_999 = arith.constant 0 : i32
      %dma_wait3A_1000 = arith.constant 0 : i32
      %dma_wait3A_1001 = tpu.memref_slice %arg7[%dma_wait3A_998, %dma_wait3A_999, %dma_wait3A_1000] : memref<5x1x16384xf32, #tpu.memory_space<vmem>> -> memref<1x1x16384xf32, #tpu.memory_space<vmem>>
      %dma_wait3A_1002 = tpu.memref_squeeze %dma_wait3A_1001 : memref<1x1x16384xf32, #tpu.memory_space<vmem>> -> memref<1x16384xf32, #tpu.memory_space<vmem>>
      %dma_wait3A_1003 = arith.constant 16384 : i32
      %dma_wait3A_1004 = tpu.memref_slice %arg4[%add3A_997, %dma_wait3A_1003] : memref<256x65536xf32, #tpu.memory_space<hbm>> -> memref<1x16384xf32, #tpu.memory_space<hbm>>
      %dma_wait3A_1005 = arith.constant 16384 : i32
      %dma_wait3A_1006 = tpu.memref_slice %arg4[%add3A_997, %dma_wait3A_1005] : memref<256x65536xf32, #tpu.memory_space<hbm>> -> memref<1x16384xf32, #tpu.memory_space<hbm>>
      %dma_wait3A_1007 = arith.constant 0 : i32
      %dma_wait3A_1008 = arith.constant 0 : i32
      %dma_wait3A_1009 = tpu.memref_slice %arg7[%dma_wait3A_998, %dma_wait3A_1007, %dma_wait3A_1008] : memref<5x1x16384xf32, #tpu.memory_space<vmem>> -> memref<1x1x16384xf32, #tpu.memory_space<vmem>>
      %dma_wait3A_1010 = tpu.memref_squeeze %dma_wait3A_1009 : memref<1x1x16384xf32, #tpu.memory_space<vmem>> -> memref<1x16384xf32, #tpu.memory_space<vmem>>
      tpu.wait_dma2 semaphore(%arg14 : memref<!tpu.dma_semaphore, #tpu.memory_space<semaphore_mem>>) src(%dma_wait3A_1010 : memref<1x16384xf32, #tpu.memory_space<vmem>>) dst(%dma_wait3A_1006 : memref<1x16384xf32, #tpu.memory_space<hbm>>)
    } else {
    }
    %convert_element_type3A_930 = arith.extui %eq3A_218 : i1 to i32
    %cond3A_931 = arith.constant 0 : i32
    %cond3A_932 = arith.cmpi ne, %convert_element_type3A_930, %cond3A_931 : i32
    scf.if %cond3A_932 {
      %mul3A_992 = arith.constant 2 : i32
      %mul3A_993 = arith.muli %add3A, %mul3A_992 : i32
      %add3A_994 = arith.constant 128 : i32
      %add3A_995 = arith.addi %add3A_994, %mul3A_993 : i32
      %add3A_996 = arith.constant 1 : i32
      %add3A_997 = arith.addi %add3A_995, %add3A_996 : i32
      %dma_wait3A_998 = arith.constant 0 : i32
      %dma_wait3A_999 = arith.constant 0 : i32
      %dma_wait3A_1000 = arith.constant 0 : i32
      %dma_wait3A_1001 = tpu.memref_slice %arg7[%dma_wait3A_998, %dma_wait3A_999, %dma_wait3A_1000] : memref<5x1x16384xf32, #tpu.memory_space<vmem>> -> memref<1x1x16384xf32, #tpu.memory_space<vmem>>
      %dma_wait3A_1002 = tpu.memref_squeeze %dma_wait3A_1001 : memref<1x1x16384xf32, #tpu.memory_space<vmem>> -> memref<1x16384xf32, #tpu.memory_space<vmem>>
      %dma_wait3A_1003 = arith.constant 16384 : i32
      %dma_wait3A_1004 = tpu.memref_slice %arg4[%add3A_997, %dma_wait3A_1003] : memref<256x65536xf32, #tpu.memory_space<hbm>> -> memref<1x16384xf32, #tpu.memory_space<hbm>>
      %dma_wait3A_1005 = arith.constant 16384 : i32
      %dma_wait3A_1006 = tpu.memref_slice %arg4[%add3A_997, %dma_wait3A_1005] : memref<256x65536xf32, #tpu.memory_space<hbm>> -> memref<1x16384xf32, #tpu.memory_space<hbm>>
      %dma_wait3A_1007 = arith.constant 0 : i32
      %dma_wait3A_1008 = arith.constant 0 : i32
      %dma_wait3A_1009 = tpu.memref_slice %arg7[%dma_wait3A_998, %dma_wait3A_1007, %dma_wait3A_1008] : memref<5x1x16384xf32, #tpu.memory_space<vmem>> -> memref<1x1x16384xf32, #tpu.memory_space<vmem>>
      %dma_wait3A_1010 = tpu.memref_squeeze %dma_wait3A_1009 : memref<1x1x16384xf32, #tpu.memory_space<vmem>> -> memref<1x16384xf32, #tpu.memory_space<vmem>>
      tpu.wait_dma2 semaphore(%arg14 : memref<!tpu.dma_semaphore, #tpu.memory_space<semaphore_mem>>) src(%dma_wait3A_1010 : memref<1x16384xf32, #tpu.memory_space<vmem>>) dst(%dma_wait3A_1006 : memref<1x16384xf32, #tpu.memory_space<hbm>>)
    } else {
    }
    %convert_element_type3A_933 = arith.extui %eq3A_236 : i1 to i32
    %cond3A_934 = arith.constant 0 : i32
    %cond3A_935 = arith.cmpi ne, %convert_element_type3A_933, %cond3A_934 : i32
    scf.if %cond3A_935 {
      %mul3A_992 = arith.constant 2 : i32
      %mul3A_993 = arith.muli %add3A, %mul3A_992 : i32
      %add3A_994 = arith.constant 192 : i32
      %add3A_995 = arith.addi %add3A_994, %mul3A_993 : i32
      %add3A_996 = arith.constant 1 : i32
      %add3A_997 = arith.addi %add3A_995, %add3A_996 : i32
      %dma_wait3A_998 = arith.constant 0 : i32
      %dma_wait3A_999 = arith.constant 0 : i32
      %dma_wait3A_1000 = arith.constant 0 : i32
      %dma_wait3A_1001 = tpu.memref_slice %arg7[%dma_wait3A_998, %dma_wait3A_999, %dma_wait3A_1000] : memref<5x1x16384xf32, #tpu.memory_space<vmem>> -> memref<1x1x16384xf32, #tpu.memory_space<vmem>>
      %dma_wait3A_1002 = tpu.memref_squeeze %dma_wait3A_1001 : memref<1x1x16384xf32, #tpu.memory_space<vmem>> -> memref<1x16384xf32, #tpu.memory_space<vmem>>
      %dma_wait3A_1003 = arith.constant 16384 : i32
      %dma_wait3A_1004 = tpu.memref_slice %arg4[%add3A_997, %dma_wait3A_1003] : memref<256x65536xf32, #tpu.memory_space<hbm>> -> memref<1x16384xf32, #tpu.memory_space<hbm>>
      %dma_wait3A_1005 = arith.constant 16384 : i32
      %dma_wait3A_1006 = tpu.memref_slice %arg4[%add3A_997, %dma_wait3A_1005] : memref<256x65536xf32, #tpu.memory_space<hbm>> -> memref<1x16384xf32, #tpu.memory_space<hbm>>
      %dma_wait3A_1007 = arith.constant 0 : i32
      %dma_wait3A_1008 = arith.constant 0 : i32
      %dma_wait3A_1009 = tpu.memref_slice %arg7[%dma_wait3A_998, %dma_wait3A_1007, %dma_wait3A_1008] : memref<5x1x16384xf32, #tpu.memory_space<vmem>> -> memref<1x1x16384xf32, #tpu.memory_space<vmem>>
      %dma_wait3A_1010 = tpu.memref_squeeze %dma_wait3A_1009 : memref<1x1x16384xf32, #tpu.memory_space<vmem>> -> memref<1x16384xf32, #tpu.memory_space<vmem>>
      tpu.wait_dma2 semaphore(%arg14 : memref<!tpu.dma_semaphore, #tpu.memory_space<semaphore_mem>>) src(%dma_wait3A_1010 : memref<1x16384xf32, #tpu.memory_space<vmem>>) dst(%dma_wait3A_1006 : memref<1x16384xf32, #tpu.memory_space<hbm>>)
    } else {
    }
    %mul3A_936 = arith.constant 2 : i32
    %mul3A_937 = arith.muli %add3A, %mul3A_936 : i32
    %add3A_938 = arith.constant 0 : i32
    %add3A_939 = arith.addi %add3A_938, %mul3A_937 : i32
    %add3A_940 = arith.constant 1 : i32
    %add3A_941 = arith.addi %add3A_939, %add3A_940 : i32
    %dma_wait3A_942 = arith.constant 1 : i32
    %dma_wait3A_943 = arith.constant 0 : i32
    %dma_wait3A_944 = arith.constant 0 : i32
    %dma_wait3A_945 = tpu.memref_slice %arg7[%dma_wait3A_942, %dma_wait3A_943, %dma_wait3A_944] : memref<5x1x16384xf32, #tpu.memory_space<vmem>> -> memref<1x1x16384xf32, #tpu.memory_space<vmem>>
    %dma_wait3A_946 = tpu.memref_squeeze %dma_wait3A_945 : memref<1x1x16384xf32, #tpu.memory_space<vmem>> -> memref<1x16384xf32, #tpu.memory_space<vmem>>
    %dma_wait3A_947 = arith.constant 32768 : i32
    %dma_wait3A_948 = tpu.memref_slice %arg4[%add3A_941, %dma_wait3A_947] : memref<256x65536xf32, #tpu.memory_space<hbm>> -> memref<1x16384xf32, #tpu.memory_space<hbm>>
    %dma_wait3A_949 = arith.constant 32768 : i32
    %dma_wait3A_950 = tpu.memref_slice %arg4[%add3A_941, %dma_wait3A_949] : memref<256x65536xf32, #tpu.memory_space<hbm>> -> memref<1x16384xf32, #tpu.memory_space<hbm>>
    %dma_wait3A_951 = arith.constant 0 : i32
    %dma_wait3A_952 = arith.constant 0 : i32
    %dma_wait3A_953 = tpu.memref_slice %arg7[%dma_wait3A_942, %dma_wait3A_951, %dma_wait3A_952] : memref<5x1x16384xf32, #tpu.memory_space<vmem>> -> memref<1x1x16384xf32, #tpu.memory_space<vmem>>
    %dma_wait3A_954 = tpu.memref_squeeze %dma_wait3A_953 : memref<1x1x16384xf32, #tpu.memory_space<vmem>> -> memref<1x16384xf32, #tpu.memory_space<vmem>>
    tpu.wait_dma2 semaphore(%arg15 : memref<!tpu.dma_semaphore, #tpu.memory_space<semaphore_mem>>) src(%dma_wait3A_954 : memref<1x16384xf32, #tpu.memory_space<vmem>>) dst(%dma_wait3A_950 : memref<1x16384xf32, #tpu.memory_space<hbm>>)
    %convert_element_type3A_955 = arith.extui %eq3A_200 : i1 to i32
    %cond3A_956 = arith.constant 0 : i32
    %cond3A_957 = arith.cmpi ne, %convert_element_type3A_955, %cond3A_956 : i32
    scf.if %cond3A_957 {
      %mul3A_992 = arith.constant 2 : i32
      %mul3A_993 = arith.muli %add3A, %mul3A_992 : i32
      %add3A_994 = arith.constant 64 : i32
      %add3A_995 = arith.addi %add3A_994, %mul3A_993 : i32
      %add3A_996 = arith.constant 1 : i32
      %add3A_997 = arith.addi %add3A_995, %add3A_996 : i32
      %dma_wait3A_998 = arith.constant 1 : i32
      %dma_wait3A_999 = arith.constant 0 : i32
      %dma_wait3A_1000 = arith.constant 0 : i32
      %dma_wait3A_1001 = tpu.memref_slice %arg7[%dma_wait3A_998, %dma_wait3A_999, %dma_wait3A_1000] : memref<5x1x16384xf32, #tpu.memory_space<vmem>> -> memref<1x1x16384xf32, #tpu.memory_space<vmem>>
      %dma_wait3A_1002 = tpu.memref_squeeze %dma_wait3A_1001 : memref<1x1x16384xf32, #tpu.memory_space<vmem>> -> memref<1x16384xf32, #tpu.memory_space<vmem>>
      %dma_wait3A_1003 = arith.constant 32768 : i32
      %dma_wait3A_1004 = tpu.memref_slice %arg4[%add3A_997, %dma_wait3A_1003] : memref<256x65536xf32, #tpu.memory_space<hbm>> -> memref<1x16384xf32, #tpu.memory_space<hbm>>
      %dma_wait3A_1005 = arith.constant 32768 : i32
      %dma_wait3A_1006 = tpu.memref_slice %arg4[%add3A_997, %dma_wait3A_1005] : memref<256x65536xf32, #tpu.memory_space<hbm>> -> memref<1x16384xf32, #tpu.memory_space<hbm>>
      %dma_wait3A_1007 = arith.constant 0 : i32
      %dma_wait3A_1008 = arith.constant 0 : i32
      %dma_wait3A_1009 = tpu.memref_slice %arg7[%dma_wait3A_998, %dma_wait3A_1007, %dma_wait3A_1008] : memref<5x1x16384xf32, #tpu.memory_space<vmem>> -> memref<1x1x16384xf32, #tpu.memory_space<vmem>>
      %dma_wait3A_1010 = tpu.memref_squeeze %dma_wait3A_1009 : memref<1x1x16384xf32, #tpu.memory_space<vmem>> -> memref<1x16384xf32, #tpu.memory_space<vmem>>
      tpu.wait_dma2 semaphore(%arg15 : memref<!tpu.dma_semaphore, #tpu.memory_space<semaphore_mem>>) src(%dma_wait3A_1010 : memref<1x16384xf32, #tpu.memory_space<vmem>>) dst(%dma_wait3A_1006 : memref<1x16384xf32, #tpu.memory_space<hbm>>)
    } else {
    }
    %convert_element_type3A_958 = arith.extui %eq3A_218 : i1 to i32
    %cond3A_959 = arith.constant 0 : i32
    %cond3A_960 = arith.cmpi ne, %convert_element_type3A_958, %cond3A_959 : i32
    scf.if %cond3A_960 {
      %mul3A_992 = arith.constant 2 : i32
      %mul3A_993 = arith.muli %add3A, %mul3A_992 : i32
      %add3A_994 = arith.constant 128 : i32
      %add3A_995 = arith.addi %add3A_994, %mul3A_993 : i32
      %add3A_996 = arith.constant 1 : i32
      %add3A_997 = arith.addi %add3A_995, %add3A_996 : i32
      %dma_wait3A_998 = arith.constant 1 : i32
      %dma_wait3A_999 = arith.constant 0 : i32
      %dma_wait3A_1000 = arith.constant 0 : i32
      %dma_wait3A_1001 = tpu.memref_slice %arg7[%dma_wait3A_998, %dma_wait3A_999, %dma_wait3A_1000] : memref<5x1x16384xf32, #tpu.memory_space<vmem>> -> memref<1x1x16384xf32, #tpu.memory_space<vmem>>
      %dma_wait3A_1002 = tpu.memref_squeeze %dma_wait3A_1001 : memref<1x1x16384xf32, #tpu.memory_space<vmem>> -> memref<1x16384xf32, #tpu.memory_space<vmem>>
      %dma_wait3A_1003 = arith.constant 32768 : i32
      %dma_wait3A_1004 = tpu.memref_slice %arg4[%add3A_997, %dma_wait3A_1003] : memref<256x65536xf32, #tpu.memory_space<hbm>> -> memref<1x16384xf32, #tpu.memory_space<hbm>>
      %dma_wait3A_1005 = arith.constant 32768 : i32
      %dma_wait3A_1006 = tpu.memref_slice %arg4[%add3A_997, %dma_wait3A_1005] : memref<256x65536xf32, #tpu.memory_space<hbm>> -> memref<1x16384xf32, #tpu.memory_space<hbm>>
      %dma_wait3A_1007 = arith.constant 0 : i32
      %dma_wait3A_1008 = arith.constant 0 : i32
      %dma_wait3A_1009 = tpu.memref_slice %arg7[%dma_wait3A_998, %dma_wait3A_1007, %dma_wait3A_1008] : memref<5x1x16384xf32, #tpu.memory_space<vmem>> -> memref<1x1x16384xf32, #tpu.memory_space<vmem>>
      %dma_wait3A_1010 = tpu.memref_squeeze %dma_wait3A_1009 : memref<1x1x16384xf32, #tpu.memory_space<vmem>> -> memref<1x16384xf32, #tpu.memory_space<vmem>>
      tpu.wait_dma2 semaphore(%arg15 : memref<!tpu.dma_semaphore, #tpu.memory_space<semaphore_mem>>) src(%dma_wait3A_1010 : memref<1x16384xf32, #tpu.memory_space<vmem>>) dst(%dma_wait3A_1006 : memref<1x16384xf32, #tpu.memory_space<hbm>>)
    } else {
    }
    %convert_element_type3A_961 = arith.extui %eq3A_236 : i1 to i32
    %cond3A_962 = arith.constant 0 : i32
    %cond3A_963 = arith.cmpi ne, %convert_element_type3A_961, %cond3A_962 : i32
    scf.if %cond3A_963 {
      %mul3A_992 = arith.constant 2 : i32
      %mul3A_993 = arith.muli %add3A, %mul3A_992 : i32
      %add3A_994 = arith.constant 192 : i32
      %add3A_995 = arith.addi %add3A_994, %mul3A_993 : i32
      %add3A_996 = arith.constant 1 : i32
      %add3A_997 = arith.addi %add3A_995, %add3A_996 : i32
      %dma_wait3A_998 = arith.constant 1 : i32
      %dma_wait3A_999 = arith.constant 0 : i32
      %dma_wait3A_1000 = arith.constant 0 : i32
      %dma_wait3A_1001 = tpu.memref_slice %arg7[%dma_wait3A_998, %dma_wait3A_999, %dma_wait3A_1000] : memref<5x1x16384xf32, #tpu.memory_space<vmem>> -> memref<1x1x16384xf32, #tpu.memory_space<vmem>>
      %dma_wait3A_1002 = tpu.memref_squeeze %dma_wait3A_1001 : memref<1x1x16384xf32, #tpu.memory_space<vmem>> -> memref<1x16384xf32, #tpu.memory_space<vmem>>
      %dma_wait3A_1003 = arith.constant 32768 : i32
      %dma_wait3A_1004 = tpu.memref_slice %arg4[%add3A_997, %dma_wait3A_1003] : memref<256x65536xf32, #tpu.memory_space<hbm>> -> memref<1x16384xf32, #tpu.memory_space<hbm>>
      %dma_wait3A_1005 = arith.constant 32768 : i32
      %dma_wait3A_1006 = tpu.memref_slice %arg4[%add3A_997, %dma_wait3A_1005] : memref<256x65536xf32, #tpu.memory_space<hbm>> -> memref<1x16384xf32, #tpu.memory_space<hbm>>
      %dma_wait3A_1007 = arith.constant 0 : i32
      %dma_wait3A_1008 = arith.constant 0 : i32
      %dma_wait3A_1009 = tpu.memref_slice %arg7[%dma_wait3A_998, %dma_wait3A_1007, %dma_wait3A_1008] : memref<5x1x16384xf32, #tpu.memory_space<vmem>> -> memref<1x1x16384xf32, #tpu.memory_space<vmem>>
      %dma_wait3A_1010 = tpu.memref_squeeze %dma_wait3A_1009 : memref<1x1x16384xf32, #tpu.memory_space<vmem>> -> memref<1x16384xf32, #tpu.memory_space<vmem>>
      tpu.wait_dma2 semaphore(%arg15 : memref<!tpu.dma_semaphore, #tpu.memory_space<semaphore_mem>>) src(%dma_wait3A_1010 : memref<1x16384xf32, #tpu.memory_space<vmem>>) dst(%dma_wait3A_1006 : memref<1x16384xf32, #tpu.memory_space<hbm>>)
    } else {
    }
    %mul3A_964 = arith.constant 2 : i32
    %mul3A_965 = arith.muli %add3A, %mul3A_964 : i32
    %add3A_966 = arith.constant 0 : i32
    %add3A_967 = arith.addi %add3A_966, %mul3A_965 : i32
    %add3A_968 = arith.constant 1 : i32
    %add3A_969 = arith.addi %add3A_967, %add3A_968 : i32
    %dma_wait3A_970 = arith.constant 2 : i32
    %dma_wait3A_971 = arith.constant 0 : i32
    %dma_wait3A_972 = arith.constant 0 : i32
    %dma_wait3A_973 = tpu.memref_slice %arg7[%dma_wait3A_970, %dma_wait3A_971, %dma_wait3A_972] : memref<5x1x16384xf32, #tpu.memory_space<vmem>> -> memref<1x1x16384xf32, #tpu.memory_space<vmem>>
    %dma_wait3A_974 = tpu.memref_squeeze %dma_wait3A_973 : memref<1x1x16384xf32, #tpu.memory_space<vmem>> -> memref<1x16384xf32, #tpu.memory_space<vmem>>
    %dma_wait3A_975 = arith.constant 49152 : i32
    %dma_wait3A_976 = tpu.memref_slice %arg4[%add3A_969, %dma_wait3A_975] : memref<256x65536xf32, #tpu.memory_space<hbm>> -> memref<1x16384xf32, #tpu.memory_space<hbm>>
    %dma_wait3A_977 = arith.constant 49152 : i32
    %dma_wait3A_978 = tpu.memref_slice %arg4[%add3A_969, %dma_wait3A_977] : memref<256x65536xf32, #tpu.memory_space<hbm>> -> memref<1x16384xf32, #tpu.memory_space<hbm>>
    %dma_wait3A_979 = arith.constant 0 : i32
    %dma_wait3A_980 = arith.constant 0 : i32
    %dma_wait3A_981 = tpu.memref_slice %arg7[%dma_wait3A_970, %dma_wait3A_979, %dma_wait3A_980] : memref<5x1x16384xf32, #tpu.memory_space<vmem>> -> memref<1x1x16384xf32, #tpu.memory_space<vmem>>
    %dma_wait3A_982 = tpu.memref_squeeze %dma_wait3A_981 : memref<1x1x16384xf32, #tpu.memory_space<vmem>> -> memref<1x16384xf32, #tpu.memory_space<vmem>>
    tpu.wait_dma2 semaphore(%arg16 : memref<!tpu.dma_semaphore, #tpu.memory_space<semaphore_mem>>) src(%dma_wait3A_982 : memref<1x16384xf32, #tpu.memory_space<vmem>>) dst(%dma_wait3A_978 : memref<1x16384xf32, #tpu.memory_space<hbm>>)
    %convert_element_type3A_983 = arith.extui %eq3A_200 : i1 to i32
    %cond3A_984 = arith.constant 0 : i32
    %cond3A_985 = arith.cmpi ne, %convert_element_type3A_983, %cond3A_984 : i32
    scf.if %cond3A_985 {
      %mul3A_992 = arith.constant 2 : i32
      %mul3A_993 = arith.muli %add3A, %mul3A_992 : i32
      %add3A_994 = arith.constant 64 : i32
      %add3A_995 = arith.addi %add3A_994, %mul3A_993 : i32
      %add3A_996 = arith.constant 1 : i32
      %add3A_997 = arith.addi %add3A_995, %add3A_996 : i32
      %dma_wait3A_998 = arith.constant 2 : i32
      %dma_wait3A_999 = arith.constant 0 : i32
      %dma_wait3A_1000 = arith.constant 0 : i32
      %dma_wait3A_1001 = tpu.memref_slice %arg7[%dma_wait3A_998, %dma_wait3A_999, %dma_wait3A_1000] : memref<5x1x16384xf32, #tpu.memory_space<vmem>> -> memref<1x1x16384xf32, #tpu.memory_space<vmem>>
      %dma_wait3A_1002 = tpu.memref_squeeze %dma_wait3A_1001 : memref<1x1x16384xf32, #tpu.memory_space<vmem>> -> memref<1x16384xf32, #tpu.memory_space<vmem>>
      %dma_wait3A_1003 = arith.constant 49152 : i32
      %dma_wait3A_1004 = tpu.memref_slice %arg4[%add3A_997, %dma_wait3A_1003] : memref<256x65536xf32, #tpu.memory_space<hbm>> -> memref<1x16384xf32, #tpu.memory_space<hbm>>
      %dma_wait3A_1005 = arith.constant 49152 : i32
      %dma_wait3A_1006 = tpu.memref_slice %arg4[%add3A_997, %dma_wait3A_1005] : memref<256x65536xf32, #tpu.memory_space<hbm>> -> memref<1x16384xf32, #tpu.memory_space<hbm>>
      %dma_wait3A_1007 = arith.constant 0 : i32
      %dma_wait3A_1008 = arith.constant 0 : i32
      %dma_wait3A_1009 = tpu.memref_slice %arg7[%dma_wait3A_998, %dma_wait3A_1007, %dma_wait3A_1008] : memref<5x1x16384xf32, #tpu.memory_space<vmem>> -> memref<1x1x16384xf32, #tpu.memory_space<vmem>>
      %dma_wait3A_1010 = tpu.memref_squeeze %dma_wait3A_1009 : memref<1x1x16384xf32, #tpu.memory_space<vmem>> -> memref<1x16384xf32, #tpu.memory_space<vmem>>
      tpu.wait_dma2 semaphore(%arg16 : memref<!tpu.dma_semaphore, #tpu.memory_space<semaphore_mem>>) src(%dma_wait3A_1010 : memref<1x16384xf32, #tpu.memory_space<vmem>>) dst(%dma_wait3A_1006 : memref<1x16384xf32, #tpu.memory_space<hbm>>)
    } else {
    }
    %convert_element_type3A_986 = arith.extui %eq3A_218 : i1 to i32
    %cond3A_987 = arith.constant 0 : i32
    %cond3A_988 = arith.cmpi ne, %convert_element_type3A_986, %cond3A_987 : i32
    scf.if %cond3A_988 {
      %mul3A_992 = arith.constant 2 : i32
      %mul3A_993 = arith.muli %add3A, %mul3A_992 : i32
      %add3A_994 = arith.constant 128 : i32
      %add3A_995 = arith.addi %add3A_994, %mul3A_993 : i32
      %add3A_996 = arith.constant 1 : i32
      %add3A_997 = arith.addi %add3A_995, %add3A_996 : i32
      %dma_wait3A_998 = arith.constant 2 : i32
      %dma_wait3A_999 = arith.constant 0 : i32
      %dma_wait3A_1000 = arith.constant 0 : i32
      %dma_wait3A_1001 = tpu.memref_slice %arg7[%dma_wait3A_998, %dma_wait3A_999, %dma_wait3A_1000] : memref<5x1x16384xf32, #tpu.memory_space<vmem>> -> memref<1x1x16384xf32, #tpu.memory_space<vmem>>
      %dma_wait3A_1002 = tpu.memref_squeeze %dma_wait3A_1001 : memref<1x1x16384xf32, #tpu.memory_space<vmem>> -> memref<1x16384xf32, #tpu.memory_space<vmem>>
      %dma_wait3A_1003 = arith.constant 49152 : i32
      %dma_wait3A_1004 = tpu.memref_slice %arg4[%add3A_997, %dma_wait3A_1003] : memref<256x65536xf32, #tpu.memory_space<hbm>> -> memref<1x16384xf32, #tpu.memory_space<hbm>>
      %dma_wait3A_1005 = arith.constant 49152 : i32
      %dma_wait3A_1006 = tpu.memref_slice %arg4[%add3A_997, %dma_wait3A_1005] : memref<256x65536xf32, #tpu.memory_space<hbm>> -> memref<1x16384xf32, #tpu.memory_space<hbm>>
      %dma_wait3A_1007 = arith.constant 0 : i32
      %dma_wait3A_1008 = arith.constant 0 : i32
      %dma_wait3A_1009 = tpu.memref_slice %arg7[%dma_wait3A_998, %dma_wait3A_1007, %dma_wait3A_1008] : memref<5x1x16384xf32, #tpu.memory_space<vmem>> -> memref<1x1x16384xf32, #tpu.memory_space<vmem>>
      %dma_wait3A_1010 = tpu.memref_squeeze %dma_wait3A_1009 : memref<1x1x16384xf32, #tpu.memory_space<vmem>> -> memref<1x16384xf32, #tpu.memory_space<vmem>>
      tpu.wait_dma2 semaphore(%arg16 : memref<!tpu.dma_semaphore, #tpu.memory_space<semaphore_mem>>) src(%dma_wait3A_1010 : memref<1x16384xf32, #tpu.memory_space<vmem>>) dst(%dma_wait3A_1006 : memref<1x16384xf32, #tpu.memory_space<hbm>>)
    } else {
    }
    %convert_element_type3A_989 = arith.extui %eq3A_236 : i1 to i32
    %cond3A_990 = arith.constant 0 : i32
    %cond3A_991 = arith.cmpi ne, %convert_element_type3A_989, %cond3A_990 : i32
    scf.if %cond3A_991 {
      %mul3A_992 = arith.constant 2 : i32
      %mul3A_993 = arith.muli %add3A, %mul3A_992 : i32
      %add3A_994 = arith.constant 192 : i32
      %add3A_995 = arith.addi %add3A_994, %mul3A_993 : i32
      %add3A_996 = arith.constant 1 : i32
      %add3A_997 = arith.addi %add3A_995, %add3A_996 : i32
      %dma_wait3A_998 = arith.constant 2 : i32
      %dma_wait3A_999 = arith.constant 0 : i32
      %dma_wait3A_1000 = arith.constant 0 : i32
      %dma_wait3A_1001 = tpu.memref_slice %arg7[%dma_wait3A_998, %dma_wait3A_999, %dma_wait3A_1000] : memref<5x1x16384xf32, #tpu.memory_space<vmem>> -> memref<1x1x16384xf32, #tpu.memory_space<vmem>>
      %dma_wait3A_1002 = tpu.memref_squeeze %dma_wait3A_1001 : memref<1x1x16384xf32, #tpu.memory_space<vmem>> -> memref<1x16384xf32, #tpu.memory_space<vmem>>
      %dma_wait3A_1003 = arith.constant 49152 : i32
      %dma_wait3A_1004 = tpu.memref_slice %arg4[%add3A_997, %dma_wait3A_1003] : memref<256x65536xf32, #tpu.memory_space<hbm>> -> memref<1x16384xf32, #tpu.memory_space<hbm>>
      %dma_wait3A_1005 = arith.constant 49152 : i32
      %dma_wait3A_1006 = tpu.memref_slice %arg4[%add3A_997, %dma_wait3A_1005] : memref<256x65536xf32, #tpu.memory_space<hbm>> -> memref<1x16384xf32, #tpu.memory_space<hbm>>
      %dma_wait3A_1007 = arith.constant 0 : i32
      %dma_wait3A_1008 = arith.constant 0 : i32
      %dma_wait3A_1009 = tpu.memref_slice %arg7[%dma_wait3A_998, %dma_wait3A_1007, %dma_wait3A_1008] : memref<5x1x16384xf32, #tpu.memory_space<vmem>> -> memref<1x1x16384xf32, #tpu.memory_space<vmem>>
      %dma_wait3A_1010 = tpu.memref_squeeze %dma_wait3A_1009 : memref<1x1x16384xf32, #tpu.memory_space<vmem>> -> memref<1x16384xf32, #tpu.memory_space<vmem>>
      tpu.wait_dma2 semaphore(%arg16 : memref<!tpu.dma_semaphore, #tpu.memory_space<semaphore_mem>>) src(%dma_wait3A_1010 : memref<1x16384xf32, #tpu.memory_space<vmem>>) dst(%dma_wait3A_1006 : memref<1x16384xf32, #tpu.memory_space<hbm>>)
    } else {
    }
    return
  }
}

</mosaic_0001>

<sc_bundles>
// kernel: kernel.3.cloned.1.call-start
scs
__scs_entry_jumppad:
0x0: {  	(pc) =	sbr.rel $0x88, $3  }
0x1: {  	(tag) =	ssettag $0x0;
	lr =	simm.s32 $0x1  }
0x2: {  	[smem:$0x3F9E] =	sst lr;
	_ =	strace $0xD0000000  }
0x3: {  	_ = 	snop  }
0x4: {  	_ = 	snop  }
0x5: {  	_ = 	snop  }
0x6: {  	_ = 	snop  }
0x7: {  	_ = 	snop  }
__scs_overlays_trampoline_lowered:
0x8: {  	[smem:$0x3FAD] =	sst s0  }
0x9: {  	[smem:$0x3FAE] =	sst s1  }
0xa: {  	[smem:$0x3FAF] =	sst s2  }
0xb: {  	[smem:$0x3FB0] =	sst s3  }
0xc: {  	[smem:$0x3FB1] =	sst s4  }
0xd: {  	[smem:$0x3FB2] =	sst s5  }
0xe: {  	[smem:$0x3FB3] =	sst s6  }
0xf: {  	[smem:$0x3FB4] =	sst s7  }
0x10: {  	[smem:$0x3FB5] =	sst s8  }
0x11: {  	[smem:$0x3FB6] =	sst s9;
	s0 =	simm.s32 @!p0 $0x0  }
0x12: {  	s1 =	sld [smem:$0x3F9C];
	s0 =	simm.s32 @p0 $0x1  }
0x13: {  	[smem:$0x3FB7] =	sst s0;
	s0 =	simm.s32 @!p1 $0x0  }
0x14: {  	s2 =	sld [smem:$0x3F9B];
	s0 =	simm.s32 @p1 $0x1  }
0x15: {  	[smem:$0x3FB8] =	sst s0;
	s0 =	simm.s32 @!p2 $0x0  }
0x16: {  	s3 =	sld [smem:$0x3FDB];
	s0 =	simm.s32 @p2 $0x1  }
0x17: {  	s4 =	simm.s32 $0x1BF5;
	[smem:$0x3FBA] =	sst s0  }
0x18: {  	s0 =	sld [smem:$0x3F9D];
	_ =	swait.ge [sflag:s4], $0x0  }
0x19: {  	s7 =	sld [smem:$0x3F9E]  }
0x1a: {  	s8 =	sadd.s32 $0xFFFFE003, lr  }
0x1b: {  	s9 =	sadd.s32 $0xFFFFFEF7, lr;
	s5 =	simm.s32 $0xFFFFFFFF;
	p2 =	slt.u32 s8, $0xFFFFF086  }
0x1c: {  	p1 =	slt.u32 s9, $0xF7A;
	s5 =	simm.s32 @!p2 $0x0  }
0x1d: {  	s5 =	simm.s32 @p1 $0x1;
	p0 =	seq.s32 s7, s2  }
0x1e: {  	s7 =	smul.u32 @!p0 $0xF7A, s2;
	p2 =	seq.s32 @!p0 s5, $0x0  }
0x1f: {  	s9 =	smul.u32 $0xF7A, s1;
	s8 =	simm.s32 @!p0 $0x1BF5;
	p2 =	por !p2, p0  }
0x20: {  	[sflag:s8] =	ssyncset.s32 @!p0 $0xFFFFF086;
	s6 =	sadd.s32 @!p0 s3, s7;
	s7 =	simm.s32 @!p0 $0x108  }
0x21: {  	s3 =	sadd.s32 s3, s9;
	s6 =	sadd.s32 @!p0 $0x88, s6;
	s7 =	simm.s32 @p2 $0x1082  }
0x22: {  	[simem:s7], [sflag:s8] =	dma.local @!p0 [hbm:s6], $0xF7A  }
0x23: {  	s9 =	sor.u32 $0xD0000000, s2;
	s6 =	simm.s32 $0x108;
	_ =	swait.ge @!p0 [sflag:s8], $0x0  }
0x24: {  	s3 =	sadd.s32 $0x88, s3;
	s6 =	simm.s32 @!p1 $0x1082;
	[sflag:s4] =	ssyncset.s32 $0xFFFFF086  }
0x25: {  	[simem:s6], [sflag:s4] =	dma.local [hbm:s3], $0xF7A  }
0x26: {  	[smem:$0x3F9E] =	sst s1;
	(tag) =	ssettag s2;
	_ =	strace s9  }
0x27: {  	s1 =	sld [smem:$0x3FAE]  }
0x28: {  	s2 =	sld [smem:$0x3FAF]  }
0x29: {  	s4 =	sld [smem:$0x3FB1]  }
0x2a: {  	p0 =	seq.s32 s5, $0x0;
	s5 =	sld [smem:$0x3FB2]  }
0x2b: {  	s6 =	sld [smem:$0x3FB3]  }
0x2c: {  	s7 =	sld [smem:$0x3FB4]  }
0x2d: {  	s3 =	simm.s32 $0x108;
	s8 =	sld [smem:$0x3FB5]  }
0x2e: {  	s3 =	simm.s32 @!p0 $0x1082;
	s9 =	sld [smem:$0x3FB6]  }
0x2f: {  	lr =	sadd.s32 s0, s3;
	s0 =	sld [smem:$0x3FAD]  }
0x30: {  	s3 =	sld [smem:$0x3FB0]  }
0x31: {  	[smem:$0x3FB9] =	sst s10  }
0x32: {  	s10 =	sld [smem:$0x3FB7];
	_ =	sdelay $0x3  }
0x33: {  	p0 =	seq.s32 s10, $0x1;
	s10 =	sld [smem:$0x3FB9];
	_ =	sdelay $0x3  }
0x34: {  	[smem:$0x3FB9] =	sst s10  }
0x35: {  	s10 =	sld [smem:$0x3FB8];
	_ =	sdelay $0x3  }
0x36: {  	p1 =	seq.s32 s10, $0x1;
	s10 =	sld [smem:$0x3FB9];
	_ =	sdelay $0x3  }
0x37: {  	[smem:$0x3FB9] =	sst s10  }
0x38: {  	s10 =	sld [smem:$0x3FBA]  }
0x39: {  	_ = 	snop;
	(pc) =	sbr.ind lr, $3  }
0x3a: {  	_ = 	snop  }
0x3b: {  	_ = 	snop  }
0x3c: {  	p2 =	seq.s32 s10, $0x1;
	s10 =	sld [smem:$0x3FB9]  }
0x3d: {  	_ =	shalt  }
0x3e: {  	_ =	shalt  }
0x3f: {  	_ =	shalt  }
0x40: {  	_ =	shalt  }
0x41: {  	_ =	shalt  }
0x42: {  	_ =	shalt  }
0x43: {  	_ =	shalt  }
0x44: {  	_ =	shalt  }
0x45: {  	_ =	shalt  }
0x46: {  	_ =	shalt  }
0x47: {  	_ =	shalt  }
0x48: {  	_ =	shalt  }
0x49: {  	_ =	shalt  }
0x4a: {  	_ =	shalt  }
0x4b: {  	_ =	shalt  }
0x4c: {  	_ =	shalt  }
0x4d: {  	_ =	shalt  }
0x4e: {  	_ =	shalt  }
0x4f: {  	_ =	shalt  }
0x50: {  	_ =	shalt  }
0x51: {  	_ =	shalt  }
0x52: {  	_ =	shalt  }
0x53: {  	_ =	shalt  }
0x54: {  	_ =	shalt  }
0x55: {  	_ =	shalt  }
0x56: {  	_ =	shalt  }
0x57: {  	_ =	shalt  }
0x58: {  	_ =	shalt  }
0x59: {  	_ =	shalt  }
0x5a: {  	_ =	shalt  }
0x5b: {  	_ =	shalt  }
0x5c: {  	_ =	shalt  }
0x5d: {  	_ =	shalt  }
0x5e: {  	_ =	shalt  }
0x5f: {  	_ =	shalt  }
0x60: {  	_ =	shalt  }
0x61: {  	_ =	shalt  }
0x62: {  	_ =	shalt  }
0x63: {  	_ =	shalt  }
0x64: {  	_ =	shalt  }
0x65: {  	_ =	shalt  }
0x66: {  	_ =	shalt  }
0x67: {  	_ =	shalt  }
0x68: {  	_ =	shalt  }
0x69: {  	_ =	shalt  }
0x6a: {  	_ =	shalt  }
0x6b: {  	_ =	shalt  }
0x6c: {  	_ =	shalt  }
0x6d: {  	_ =	shalt  }
0x6e: {  	_ =	shalt  }
0x6f: {  	_ =	shalt  }
0x70: {  	_ =	shalt  }
0x71: {  	_ =	shalt  }
0x72: {  	_ =	shalt  }
0x73: {  	_ =	shalt  }
0x74: {  	_ =	shalt  }
0x75: {  	_ =	shalt  }
0x76: {  	_ =	shalt  }
0x77: {  	_ =	shalt  }
0x78: {  	_ =	shalt  }
0x79: {  	_ =	shalt  }
0x7a: {  	_ =	shalt  }
0x7b: {  	_ =	shalt  }
0x7c: {  	_ =	shalt  }
0x7d: {  	_ =	shalt  }
0x7e: {  	_ =	shalt  }
0x7f: {  	_ =	shalt  }
0x80: {  	_ =	shalt  }
0x81: {  	_ =	shalt  }
0x82: {  	_ =	shalt  }
0x83: {  	_ =	shalt  }
0x84: {  	_ =	shalt  }
0x85: {  	_ =	shalt  }
0x86: {  	_ =	shalt  }
0x87: {  	_ =	shalt  }
.Lfunc_end0:
.L_simem_size_0:
called_computation_lowered:
.L_overlay_start_0:
0x88: {  	s2 =	sld [smem:$0x3FD9]  }
0x89: {  	s3 =	sld [smem:$0x3FFE];
	_ =	sdelay $0x1  }
0x8a: {  	s1 =	srdreg.scid  }
0x8b: {  	s0 =	sand.u32 $0x1, s1  }
0x8c: {  	s15 =	sshll.u32 s0, $0xA;
	s2 =	sadd.s32 s3, s2  }
0x8d: {  	s2 =	sadd.s32 s2, s15  }
0x8e: {  	[smem:$0x3FC5] =	sst s2  }
0x8f: {  	_ = 	snop  }
0x90: {  	s2 =	sld [smem:$0x3FD0];
	_ =	sdelay $0x1  }
0x91: {  	s16 =	sld [smem:$0x3FC9]  }
0x92: {  	s5 =	simm.s32 $0xA;
	s6 =	simm.s32 $0x10;
	s4 =	sld [smem:$0x3FC7]  }
0x93: {  	[smem:s6], [sflag:s5] =	dma.local [hbm:s2], $0x1  }
0x94: {  	_ =	swait.eq [sflag:s5], $0x1  }
0x95: {  	[sflag:s5] =	ssyncset.done $0x0  }
0x96: {  	[sflag:s5] =	ssyncadd.s32 $0xFFFFFFFF  }
0x97: {  	s17 =	sld [smem:$0x10];
	(tm) =	ssettm $0x1  }
0x98: {  	s18 =	sld [smem:$0x3FFB];
	_ =	sdelay $0x3  }
0x99: {  	_ =	strace s18  }
0x9a: {  	s5 =	sld [smem:$0x3FFC];
	_ =	sdelay $0x3  }
0x9b: {  	_ =	strace s5  }
0x9c: {  	s5 =	sld [smem:$0x3FFD];
	_ =	sdelay $0x3  }
0x9d: {  	_ =	strace s5  }
0x9e: {  	_ =	strace $0x8FFFFFFF  }
0x9f: {  	s19 =	sld [smem:$0x3FDB];
	_ =	sdelay $0x1  }
0xa0: {  	s20 =	simm.s32 $_scs_section_size  }
0xa1: {  	s7 =	simm.s32 $_size__tile_overlayer_lowered;
	s8 =	simm.s32 $_tile_overlayer_lowered  }
0xa2: {  	s23 =	simm.s32 $0x1BFF;
	s22 =	sshll.u32 s8, $0x1;
	s5 =	sadd.s32 s20, s19  }
0xa3: {  	s9 =	simm.s32 $0x0;
	s21 =	sshll.u32 s7, $0x1;
	s7 =	sadd.s32 s22, s5  }
0xa4: {  	[timem:s9], [sflag:s23] =	dma.local [hbm:s7], s21  }
0xa5: {  	_ =	swait.ge [sflag:s23], s21  }
0xa6: {  	s6 =	ssub.s32 $0x0, s21;
	[sflag:s23] =	ssyncset.done $0x0  }
0xa7: {  	[sflag:s23] =	ssyncadd.s32 s6;
	_ =	sdelay $0x1  }
0xa8: {  	s24 =	simm.s32 $0x1B8B  }
0xa9: {  	_ =	swait.ge [sflag:s24], $0x1  }
0xaa: {  	[sflag:s24] =	ssyncset.done $0x0  }
0xab: {  	s25 =	simm.s32 $0x1B8E;
	[sflag:s24] =	ssyncadd.s32 $0xFFFFFFFF  }
0xac: {  	s26 =	simm.s32 $execute0_lowered;
	[smem:$0x3FD2] =	sst s25  }
0xad: {  	s6 =	sshll.u32 s26, $0x1;
	_ =	strace $0x80000046;
	[dreg:$0x1] =	wrdreg $0xFFFFFFFF  }
0xae: {  	s28 =	simm.s32 $_size_execute0_lowered;
	s5 =	sadd.s32 s5, s6;
	[dreg:$0x0] =	wrdreg $0x0  }
0xaf: {  	s6 =	sshll.u32 s28, $0x1;
	[dreg:$0x2] =	wrdreg s5  }
0xb0: {  	[dreg:$0x3] =	wrdreg s6  }
0xb1: {  	[dreg:$0x4] =	wrdreg $0xC0  }
0xb2: {  	_ =	task [dreg:s9], $0x5FFFF  }
0xb3: {  	[dreg:$0x1] =	wrdreg $0xFFFFFFFF  }
0xb4: {  	[dreg:$0x0] =	wrdreg $0x60  }
0xb5: {  	[dreg:$0x2] =	wrdreg s16  }
0xb6: {  	[dreg:$0x3] =	wrdreg s4  }
0xb7: {  	[dreg:$0x4] =	wrdreg s17  }
0xb8: {  	[dreg:$0x5] =	wrdreg $0x9  }
0xb9: {  	_ =	task.clear_ibuf [dreg:s9], $0x6FFFF;
	_ =	strace $0x90000046  }
0xba: {  	s29 =	simm.s32 $0x9;
	_ =	strace $0x80000048  }
0xbb: {  	_ =	swait.ge [sflag:s29], $0x1  }
0xbc: {  	[sflag:s29] =	ssyncadd.s32 $0xFFFFFFFF  }
0xbd: {  	_ =	strace $0x90000048  }
0xbe: {  	_ =	sfence  }
0xbf: {  	s30 =	sld [smem:$0x0];
	_ =	sdelay $0x2  }
0xc0: {  	s31 =	sshll.u32 s1, $0xD;
	s1 =	sshrl.u32 s1, $0x2  }
0xc1: {  	s3 =	sand.u32 $0x4000, s31;
	s1 =	sadd.s32 s1, s30  }
0xc2: {  	s0 =	sor.u32 s3, s0;
	s1 =	sshll.u32 s1, $0x11  }
0xc3: {  	s0 =	sor.u32 s1, s0  }
0xc4: {  	s0 =	sadd.s32 $0x8F2B, s0  }
0xc5: {  	[sflag:s0] =	ssyncadd.remote.s32 $0x1  }
0xc6: {  	_ =	sfence.sel $0xFFFF  }
0xc7: {  	[dreg:$0x0] =	wrdreg $0xFFFFFFFF;
	(pc) =	sbr.abs _section_cstart, $3  }
0xc8: {  	[dreg:$0x1] =	wrdreg $0xFFFFFFFF  }
0xc9: {  	_ =	task.clear_ibuf [dreg:s9], $0x2FFFF;
	_ =	strace $0x9FFFFFFF  }
0xca: {  	(tm) =	ssettm $0x7FFFFFFF  }
0xcb: {  	_ =	shalt  }
tec
execute0_lowered:
.L_overlay_start_1:
0x0: {  	(tag) =	ssettag $0x1  }
0x1: {  	s19 =	rddreg [dreg:$0x0]  }
0x2: {  	s0 =	rddreg [dreg:$0x1]  }
0x3: {  	s4 =	rddreg [dreg:$0x2];
	s25 =	srdreg.scid;
	s16 =	simm.s32 $0x0  }
0x4: {  	s6 =	stileid.u32;
	[dreg:$0x4] =	wrdreg s0;
	s0 =	sand.u32 $0x1, s25  }
0x5: {  	[smem:$0x7FF] =	sst s16;
	s5 =	sshll.u32 s6, $0x1;
	s26 =	sadd.s32 $0x800, s19  }
0x6: {  	s11 =	sadd.s32 $0x4000, s4;
	s1 =	ssub.s32 $0x2, s0;
	_ =	strace $0x80000047  }
0x7: {  	s0 =	sor.u32 s0, s5;
	[dreg:$0x1a] =	wrdreg s26;
	s2 =	sshrl.u32 s1, $0x1  }
0x8: {  	s5 =	sshll.u32 s0, $0x8;
	s7 =	sshll.u32 s0, $0x1;
	s1 =	ssub.s32 s1, s2  }
0x9: {  	s2 =	sshrl.u32 s6, $0x2;
	s6 =	sshll.u32 s0, $0x11;
	s9 =	sand.u32 $0x300, s5  }
0xa: {  	s0 =	sand.u32 $0xE, s7;
	s5 =	sadd.s32 $0x8000, s4;
	s8 =	sand.u32 $0x380000, s6  }
0xb: {  	s17 =	sor.u32 $0x41, s7;
	s12 =	sor.u32 s6, s9;
	s28 =	sor.u32 s9, s8  }
0xc: {  	s12 =	sshrl.u32 s12, $0x3;
	s9 =	sor.u32 $0x80, s9;
	s10 =	sshrl.u32 s28, $0x3  }
0xd: {  	s8 =	sor.u32 s8, s9;
	s6 =	sor.u32 s6, s9;
	s9 =	simm.s32 $0x13400  }
0xe: {  	s14 =	sor.u32 $0xC000, s12;
	s13 =	sadd.s32 s10, s11;
	[dreg:$0x18] =	wrdreg s9  }
0xf: {  	s31 =	sor.u32 $0x8C000, s12;
	s29 =	sadd.s32 s10, s5;
	[dreg:$0x5] =	wrdreg s13  }
0x10: {  	s3 =	sor.u32 $0x10C000, s12;
	s30 =	sadd.s32 s4, s14;
	[dreg:$0x6] =	wrdreg s29  }
0x11: {  	s18 =	sadd.s32 s4, s10;
	s10 =	sadd.s32 s4, s31;
	[dreg:$0x7] =	wrdreg s30  }
0x12: {  	s20 =	sshll.u32 s17, $0x4;
	s14 =	sadd.s32 s4, s3;
	[dreg:$0x1c] =	wrdreg s10  }
0x13: {  	s15 =	sor.u32 $0x18C000, s12;
	s12 =	sshll.u32 s17, $0xD;
	[dreg:$0x1d] =	wrdreg s14  }
0x14: {  	s8 =	sshrl.u32 s8, $0x3;
	s10 =	sadd.s32 s4, s15;
	[dreg:$0x1b] =	wrdreg s18  }
0x15: {  	s6 =	sshrl.u32 s6, $0x3;
	s21 =	sadd.s32 s4, s8;
	[dreg:$0x1e] =	wrdreg s10  }
0x16: {  	s15 =	sor.u32 $0x81, s7;
	s30 =	sadd.s32 s8, s11;
	[dreg:$0x8] =	wrdreg s21  }
0x17: {  	s8 =	sadd.s32 s8, s5;
	s6 =	sor.u32 $0xC000, s6;
	[dreg:$0x9] =	wrdreg s30  }
0x18: {  	s7 =	sor.u32 $0xC1, s7;
	[dreg:$0xa] =	wrdreg s8;
	s6 =	sadd.s32 s4, s6  }
0x19: {  	s24 =	sshll.u32 s15, $0x4;
	s21 =	simm.s32 $0xDC00;
	[dreg:$0xb] =	wrdreg s6  }
0x1a: {  	s25 =	sshll.u32 s15, $0xD;
	s30 =	simm.s32 $0x10C00;
	[dreg:$0xe] =	wrdreg s21  }
0x1b: {  	s17 =	sshll.u32 s7, $0x4;
	s8 =	simm.s32 $0x12C00;
	[dreg:$0x13] =	wrdreg s30  }
0x1c: {  	s28 =	sand.u32 $0x70, s17;
	s17 =	simm.s32 $0xD400;
	[dreg:$0x17] =	wrdreg s8  }
0x1d: {  	s13 =	sand.u32 $0x70, s24;
	s24 =	simm.s32 $0xEC00;
	[dreg:$0xd] =	wrdreg s17  }
0x1e: {  	s14 =	sand.u32 $0x170000, s25;
	s25 =	simm.s32 $0xF400;
	[dreg:$0x10] =	wrdreg s24  }
0x1f: {  	s12 =	sand.u32 $0xF0000, s12;
	s6 =	simm.s32 $0x11C00;
	[dreg:$0x11] =	wrdreg s25  }
0x20: {  	s10 =	sand.u32 $0x70, s20;
	s21 =	sadd.s32 $0x80000, s18;
	[dreg:$0x15] =	wrdreg s6  }
0x21: {  	s22 =	sadd.s32 s4, s10;
	s30 =	sadd.s32 $0x108000, s18;
	[smem:$0x7F4] =	sst s21  }
0x22: {  	s10 =	sor.u32 s10, s12;
	s23 =	sadd.s32 s12, s22;
	[smem:$0x7FC] =	sst s30  }
0x23: {  	s31 =	sadd.s32 s10, s11;
	[dreg:$0x1f] =	wrdreg s23  }
0x24: {  	s20 =	sadd.s32 s10, s5;
	[smem:$0x7E3] =	sst s31  }
0x25: {  	s7 =	sshll.u32 s7, $0xD;
	s17 =	sadd.s32 $0x4000, s19;
	[smem:$0x7E6] =	sst s20  }
0x26: {  	s7 =	sand.u32 $0x1F0000, s7;
	s24 =	sadd.s32 $0xC000, s19;
	[smem:$0x7F2] =	sst s17  }
0x27: {  	s26 =	sadd.s32 s4, s13;
	s25 =	sadd.s32 $0x84000, s18;
	[smem:$0x7F7] =	sst s24  }
0x28: {  	s29 =	sadd.s32 s4, s28;
	s15 =	sadd.s32 s14, s26;
	[smem:$0x7F8] =	sst s25  }
0x29: {  	s3 =	sor.u32 s13, s14;
	s12 =	sadd.s32 s7, s29;
	[smem:$0x7E1] =	sst s15  }
0x2a: {  	s13 =	sadd.s32 s3, s11;
	[smem:$0x7E2] =	sst s12  }
0x2b: {  	s14 =	simm.s32 $0xCC00;
	[smem:$0x7E4] =	sst s13  }
0x2c: {  	s22 =	sadd.s32 s3, s5;
	[dreg:$0xc] =	wrdreg s14  }
0x2d: {  	s4 =	sadd.s32 $0xC000, s4;
	s23 =	simm.s32 $0xE400;
	[smem:$0x7E7] =	sst s22  }
0x2e: {  	s26 =	sadd.s32 s10, s4;
	[dreg:$0xf] =	wrdreg s23  }
0x2f: {  	s29 =	sadd.s32 s3, s4;
	[smem:$0x7E9] =	sst s26  }
0x30: {  	s7 =	sor.u32 s28, s7;
	s28 =	simm.s32 $0xFC00;
	[smem:$0x7EA] =	sst s29  }
0x31: {  	s3 =	sadd.s32 $0x1000, s19;
	[dreg:$0x12] =	wrdreg s28  }
0x32: {  	s31 =	simm.s32 $0x11400;
	[smem:$0x7EC] =	sst s3  }
0x33: {  	s10 =	simm.s32 $0x13C00;
	[dreg:$0x14] =	wrdreg s31  }
0x34: {  	s20 =	sadd.s32 $0x8000, s19;
	[dreg:$0x19] =	wrdreg s10  }
0x35: {  	s15 =	sadd.s32 s7, s11;
	[smem:$0x7F3] =	sst s20  }
0x36: {  	s5 =	sadd.s32 s7, s5;
	[smem:$0x7E5] =	sst s15  }
0x37: {  	s4 =	sadd.s32 s7, s4;
	[smem:$0x7E8] =	sst s5  }
0x38: {  	s7 =	simm.s32 $0x12400;
	[smem:$0x7EB] =	sst s4  }
0x39: {  	s11 =	sadd.s32 $0x1800, s19;
	[dreg:$0x16] =	wrdreg s7  }
0x3a: {  	s12 =	sadd.s32 $0x2000, s19;
	[smem:$0x7ED] =	sst s11  }
0x3b: {  	s13 =	sadd.s32 $0x2800, s19;
	[smem:$0x7EE] =	sst s12  }
0x3c: {  	s14 =	sadd.s32 $0x3000, s19;
	[smem:$0x7EF] =	sst s13  }
0x3d: {  	s22 =	sadd.s32 $0x100000, s18;
	[smem:$0x7F0] =	sst s14  }
0x3e: {  	s23 =	sadd.s32 $0x180000, s18;
	[smem:$0x7F5] =	sst s22  }
0x3f: {  	s26 =	sadd.s32 $0x104000, s18;
	[smem:$0x7F6] =	sst s23  }
0x40: {  	s28 =	sadd.s32 $0x184000, s18;
	[smem:$0x7F9] =	sst s26  }
0x41: {  	p0 =	seq.s32 s2, $0x3;
	s29 =	sadd.s32 $0x88000, s18;
	[smem:$0x7FA] =	sst s28  }
0x42: {  	v2 =	vlaneseq.u32;
	p1 =	seq.s32 s2, $0x2;
	s31 =	sadd.s32 $0x188000, s18;
	[smem:$0x7FB] =	sst s29  }
0x43: {  	vm0 =	vmmov $0x3;
	v1 =	vimm.s32 $0x0;
	p2 =	seq.s32 s2, $0x1;
	v0 =	vadd.s32 s0, v2;
	s15 =	sadd.s32 $0x3800, s19;
	[smem:$0x7FD] =	sst s31  }
0x44: {  	vm1 =	vmmov $0xffff;
	p3 =	seq.s32 s2, $0x0;
	v2 =	vmul.u32 $0x8, v2;
	v0 =	vmin.u32 v0, $0xF;
	s10 =	smax.u32 s1, $0x1;
	[smem:$0x7F1] =	sst s15  }
.LBB2_1:
0x45: {  	[smem:$0x7CB] =	sst s10  }
0x46: {  	s0 =	rddreg [dreg:$0x4];
	s20 =	simm.s32 $0xD  }
0x47: {  	[tilespmem:s16], [sflag:$0xD] =	stream.linear.gather [hbm4b:s0+s16], $0x200, $0x38;
	[tilespmem:$0x18400] =	vst v63  }
0x48: {  	_ =	swait.ge [sflag:s20], $0x200  }
0x49: {  	[sflag:s20] =	ssyncset.done $0x0  }
0x4a: {  	[sflag:s20] =	ssyncadd.s32 $0xFFFFFE00  }
0x4b: {  	v3 =	vld [tilespmem:$0x0]  }
0x4c: {  	v4 =	vld [tilespmem:$0x10]  }
0x4d: {  	v5 =	vld [tilespmem:$0x20]  }
0x4e: {  	v6 =	vld [tilespmem:$0x30];
	_ =	sdelay $0x1  }
0x4f: {  	v37 =	vld [tilespmem:$0x80];
	v3 =	vpsel !p3, $0x0, v3  }
0x50: {  	v38 =	vld [tilespmem:$0x90];
	v3 =	vpsel p2, v4, v3  }
0x51: {  	v39 =	vld [tilespmem:$0xA0];
	v3 =	vpsel p1, v5, v3  }
0x52: {  	v7 =	vld [tilespmem:$0xB0];
	v3 =	vpsel p0, v6, v3  }
0x53: {  	v8 =	vld [tilespmem:$0x100];
	v3 =	vperm.xlane v3, v0  }
0x54: {  	v9 =	vld [tilespmem:$0x110]  }
0x55: {  	v13 =	vld [tilespmem:$0x180];
	[tilespmem:$0x200] =	vst v3  }
0x56: {  	v10 =	vld.msk [tilespmem:$0x200], $0x1  }
0x57: {  	v11 =	vld [tilespmem:$0x120]  }
0x58: {  	v14 =	vld [tilespmem:$0x190]  }
0x59: {  	v12 =	vld [tilespmem:$0x130]  }
0x5a: {  	v40 =	vld [tilespmem:$0x1A0];
	v8 =	vpsel !p3, $0x0, v8;
	v43 =	vpsel !p3, $0x0, v13  }
0x5b: {  	v41 =	vld [tilespmem:$0x1B0];
	v4 =	vpsel !p3, $0x0, v37;
	v8 =	vpsel p2, v9, v8;
	v15 =	vshll.u32 v10, $0x9  }
0x5c: {  	v4 =	vpsel p2, v38, v4;
	v10 =	vand.u32 $0x7, v10;
	v15 =	vand.u32 $0xFFFFF000, v15  }
0x5d: {  	v9 =	vpsel p2, v14, v43;
	v4 =	vpsel p1, v39, v4;
	v42 =	vor.u32 v10, v15  }
0x5e: {  	v8 =	vpsel p1, v11, v8;
	v4 =	vpsel p0, v7, v4;
	v7 =	vperm.xlane v42, v1  }
0x5f: {  	v5 =	vpsel p1, v40, v9;
	v8 =	vpsel p0, v12, v8  }
0x60: {  	v5 =	vpsel p0, v41, v5;
	v8 =	vperm.xlane v8, v0;
	v7 =	vadd.s32 v2, v7  }
0x61: {  	v5 =	vperm.xlane v5, v0  }
0x62: {  	v4 =	vperm.xlane v4, v0;
	[tilespmem:$0x300] =	vst v8  }
0x63: {  	s24 =	rddreg [dreg:$0x1a];
	[tilespmem:$0x380] =	vst v5  }
0x64: {  	s21 =	simm.s32 $0x400;
	s6 =	rddreg [dreg:$0x0];
	[tilespmem:$0x280] =	vst v4  }
0x65: {  	[tilespmem:s21], [sflag:$0x1] =	stream.indirect_vreg.gather [hbm4b:s6+s16], $0x80, v7, vm1, $0xb8;
	[tilespmem:$0x18400] =	vst v63  }
0x66: {  	s1 =	simm.s32 $0xC00;
	s29 =	sld [smem:$0x7EC]  }
0x67: {  	[tilespmem:s1], [sflag:$0x1] =	stream.indirect_vreg.gather [hbm4b:s24+s16], $0x80, v7, vm1, $0xb8;
	[tilespmem:$0x18400] =	vst v63  }
0x68: {  	s22 =	simm.s32 $0x1400;
	s21 =	sld [smem:$0x7ED]  }
0x69: {  	[tilespmem:s22], [sflag:$0x1] =	stream.indirect_vreg.gather [hbm4b:s29+s16], $0x80, v7, vm1, $0xb8;
	[tilespmem:$0x18400] =	vst v63  }
0x6a: {  	s23 =	simm.s32 $0x1C00;
	s18 =	sld [smem:$0x7EE]  }
0x6b: {  	[tilespmem:s23], [sflag:$0x1] =	stream.indirect_vreg.gather [hbm4b:s21+s16], $0x80, v7, vm1, $0xb8;
	[tilespmem:$0x18400] =	vst v63  }
0x6c: {  	s25 =	simm.s32 $0x2400;
	s20 =	sld [smem:$0x7EF]  }
0x6d: {  	[tilespmem:s25], [sflag:$0x1] =	stream.indirect_vreg.gather [hbm4b:s18+s16], $0x80, v7, vm1, $0xb8;
	[tilespmem:$0x18400] =	vst v63  }
0x6e: {  	s26 =	simm.s32 $0x2C00;
	s13 =	sld [smem:$0x7F0]  }
0x6f: {  	[tilespmem:s26], [sflag:$0x1] =	stream.indirect_vreg.gather [hbm4b:s20+s16], $0x80, v7, vm1, $0xb8;
	[tilespmem:$0x18400] =	vst v63  }
0x70: {  	s28 =	simm.s32 $0x3400;
	s23 =	sld [smem:$0x7F1]  }
0x71: {  	[tilespmem:s28], [sflag:$0x1] =	stream.indirect_vreg.gather [hbm4b:s13+s16], $0x80, v7, vm1, $0xb8;
	[tilespmem:$0x18400] =	vst v63  }
0x72: {  	s30 =	simm.s32 $0x3C00  }
0x73: {  	[tilespmem:s30], [sflag:$0x1] =	stream.indirect_vreg.gather [hbm4b:s23+s16], $0x80, v7, vm1, $0xb8;
	[tilespmem:$0x18400] =	vst v63  }
0x74: {  	v44 =	vld.msk [tilespmem:$0x200], $0x1;
	_ =	sdelay $0x4  }
0x75: {  	v45 =	vshll.u32 v44, $0x9  }
0x76: {  	v6 =	vand.u32 $0x7, v44;
	v7 =	vand.u32 $0xFFFFF000, v45  }
0x77: {  	v6 =	vor.u32 v6, v7  }
0x78: {  	v6 =	vperm.xlane v6, v1;
	_ =	sdelay $0x1  }
0x79: {  	v6 =	vadd.s32 v2, v6;
	_ =	sdelay $0x1  }
0x7a: {  	s30 =	sld [smem:$0x7F2];
	_ =	sdelay $0x1  }
0x7b: {  	s31 =	simm.s32 $0x4400  }
0x7c: {  	[tilespmem:s31], [sflag:$0x2] =	stream.indirect_vreg.gather [hbm4b:s30+s16], $0x80, v6, vm1, $0xb8;
	[tilespmem:$0x18400] =	vst v63  }
0x7d: {  	s0 =	simm.s32 $0x4C00;
	s8 =	sadd.s32 $0x800, s30  }
0x7e: {  	[tilespmem:s0], [sflag:$0x2] =	stream.indirect_vreg.gather [hbm4b:s8+s16], $0x80, v6, vm1, $0xb8;
	[tilespmem:$0x18400] =	vst v63  }
0x7f: {  	s2 =	simm.s32 $0x5400;
	s9 =	sadd.s32 $0x1000, s30  }
0x80: {  	[tilespmem:s2], [sflag:$0x2] =	stream.indirect_vreg.gather [hbm4b:s9+s16], $0x80, v6, vm1, $0xb8;
	[tilespmem:$0x18400] =	vst v63  }
0x81: {  	s3 =	simm.s32 $0x5C00;
	s10 =	sadd.s32 $0x1800, s30  }
0x82: {  	[tilespmem:s3], [sflag:$0x2] =	stream.indirect_vreg.gather [hbm4b:s10+s16], $0x80, v6, vm1, $0xb8;
	[tilespmem:$0x18400] =	vst v63  }
0x83: {  	s4 =	simm.s32 $0x6400;
	s11 =	sadd.s32 $0x2000, s30  }
0x84: {  	[tilespmem:s4], [sflag:$0x2] =	stream.indirect_vreg.gather [hbm4b:s11+s16], $0x80, v6, vm1, $0xb8;
	[tilespmem:$0x18400] =	vst v63  }
0x85: {  	s5 =	simm.s32 $0x6C00;
	s15 =	sadd.s32 $0x2800, s30  }
0x86: {  	[tilespmem:s5], [sflag:$0x2] =	stream.indirect_vreg.gather [hbm4b:s15+s16], $0x80, v6, vm1, $0xb8;
	[tilespmem:$0x18400] =	vst v63  }
0x87: {  	s12 =	simm.s32 $0x7400;
	v4 =	vsub.s32 v4, v3;
	s22 =	sadd.s32 $0x3000, s30  }
0x88: {  	v46 =	vsub.s32 $0x0, v4;
	[tilespmem:s12], [sflag:$0x2] =	stream.indirect_vreg.gather [hbm4b:s22+s16], $0x80, v6, vm1, $0xb8;
	[tilespmem:$0x18400] =	vst v63  }
0x89: {  	s17 =	simm.s32 $0x7C00;
	v4 =	vmin.u32 v4, v46;
	s14 =	sadd.s32 $0x3800, s30  }
0x8a: {  	v4 =	vnsel vm0, $0x0, v4;
	[tilespmem:s17], [sflag:$0x2] =	stream.indirect_vreg.gather [hbm4b:s14+s16], $0x80, v6, vm1, $0xb8;
	[tilespmem:$0x18400] =	vst v63  }
0x8b: {  	v47 =	vsub.s32 v8, v3;
	(xrf0) =	vadd.scan.msk.s32 $0xffff, v4;
	v48 =	vld.msk [tilespmem:$0x200], $0x1  }
0x8c: {  	v8 =	vsub.s32 $0x0, v47  }
0x8d: {  	v3 =	vsub.s32 v5, v3;
	v49 =	vmin.u32 v47, v8  }
0x8e: {  	v5 =	vsub.s32 $0x0, v3;
	v4 =	vnsel vm0, $0x0, v49  }
0x8f: {  	v3 =	vmin.u32 v3, v5;
	(xrf0) =	vadd.scan.msk.s32 $0xffff, v4  }
0x90: {  	v3 =	vnsel vm0, $0x0, v3;
	v50 =	vshll.u32 v48, $0x9  }
0x91: {  	(xrf0) =	vadd.scan.msk.s32 $0xffff, v3;
	v51, _, _ =	vpop (xrf0);
	v3 =	vand.u32 $0x7, v48;
	v4 =	vand.u32 $0xFFFFF000, v50  }
0x92: {  	(v2sf) =	vpush v51, $0xF;
	v3 =	vor.u32 v3, v4  }
0x93: {  	v3 =	vperm.xlane v3, v1;
	_ =	sdelay $0x1  }
0x94: {  	v52, _, _ =	vpop (xrf0);
	s5 =	sld [smem:$0x7F3];
	v3 =	vadd.s32 v2, v3  }
0x95: {  	(v2sf) =	vpush v52, $0xF  }
0x96: {  	v53, _, _ =	vpop (xrf0)  }
0x97: {  	s19 =	simm.s32 $0x8400;
	(v2sf) =	vpush v53, $0xF;
	[smem:$0x7D2] =	sst s14;
	s25 =	sadd.s32 $0x800, s5  }
0x98: {  	s26 =	simm.s32 $0x8C00;
	s28 =	sadd.s32 $0x1000, s5;
	[smem:$0x7D3] =	sst s25  }
0x99: {  	[tilespmem:s19], [sflag:$0x3] =	stream.indirect_vreg.gather [hbm4b:s5+s16], $0x80, v3, vm1, $0xb8;
	[tilespmem:$0x18400] =	vst v63  }
0x9a: {  	s31 =	simm.s32 $0x9400;
	s2 =	sadd.s32 $0x1800, s5;
	[smem:$0x7D4] =	sst s28  }
0x9b: {  	[tilespmem:s26], [sflag:$0x3] =	stream.indirect_vreg.gather [hbm4b:s25+s16], $0x80, v3, vm1, $0xb8;
	[tilespmem:$0x18400] =	vst v63  }
0x9c: {  	s3 =	simm.s32 $0x9C00;
	s4 =	sadd.s32 $0x2000, s5;
	[smem:$0x7D5] =	sst s2  }
0x9d: {  	[tilespmem:s31], [sflag:$0x3] =	stream.indirect_vreg.gather [hbm4b:s28+s16], $0x80, v3, vm1, $0xb8;
	[tilespmem:$0x18400] =	vst v63  }
0x9e: {  	s12 =	simm.s32 $0xA400;
	[smem:$0x7D6] =	sst s4;
	s17 =	sadd.s32 $0x2800, s5  }
0x9f: {  	[tilespmem:s3], [sflag:$0x3] =	stream.indirect_vreg.gather [hbm4b:s2+s16], $0x80, v3, vm1, $0xb8;
	[tilespmem:$0x18400] =	vst v63  }
0xa0: {  	s14 =	spop (v2sf);
	[smem:$0x7D7] =	sst s17;
	s19 =	sadd.s32 $0x3000, s5  }
0xa1: {  	[tilespmem:s12], [sflag:$0x3] =	stream.indirect_vreg.gather [hbm4b:s4+s16], $0x80, v3, vm1, $0xb8;
	[tilespmem:$0x18400] =	vst v63  }
0xa2: {  	[smem:$0x7D8] =	sst s19;
	s25 =	simm.s32 $0xB400;
	s2 =	simm.s32 $0xAC00  }
0xa3: {  	[tilespmem:s2], [sflag:$0x3] =	stream.indirect_vreg.gather [hbm4b:s17+s16], $0x80, v3, vm1, $0xb8;
	[tilespmem:$0x18400] =	vst v63  }
0xa4: {  	s28 =	sadd.s32 $0x3800, s5;
	s31 =	simm.s32 $0x1;
	s4 =	spop (v2sf)  }
0xa5: {  	[tilespmem:s25], [sflag:$0x3] =	stream.indirect_vreg.gather [hbm4b:s19+s16], $0x80, v3, vm1, $0xb8;
	[tilespmem:$0x18400] =	vst v63  }
0xa6: {  	[smem:$0x7D9] =	sst s28;
	s3 =	simm.s32 $0xBC00;
	s26 =	spop (v2sf)  }
0xa7: {  	[tilespmem:s3], [sflag:$0x3] =	stream.indirect_vreg.gather [hbm4b:s28+s16], $0x80, v3, vm1, $0xb8;
	[tilespmem:$0x18400] =	vst v63  }
0xa8: {  	_ =	swait.ge [sflag:s31], $0x4000  }
0xa9: {  	s7 =	simm.s32 $0x400;
	p4 =	sne.s32 s14, $0x0;
	[sflag:s31] =	ssyncset.done $0x0  }
0xaa: {  	s3 =	simm.s32 $0x80;
	s2 =	rddreg [dreg:$0x1b];
	[sflag:s31] =	ssyncadd.s32 $0xFFFFC000  }
0xab: {  	[hbm4b:s2+s3] =	stream.strided.scatter [tilespmem:s7], [sflag:$0x6], $0x4000, s7, s3, $0x38;
	[tilespmem:$0x18400] =	vst v63  }
0xac: {  	v3 =	vld.msk @p4 [tilespmem:$0x280], $0x1;
	_ =	sdelay $0x4  }
0xad: {  	v4 =	vshll.u32 @p4 v3, $0x9  }
0xae: {  	v3 =	vand.u32 @p4 $0x7, v3;
	v4 =	vand.u32 @p4 $0xFFFFF000, v4  }
0xaf: {  	v5 =	vlaneseq.u32 @p4;
	v4 =	vor.u32 @p4 v3, v4;
	v3 =	vimm.s32 @p4 $0x0  }
0xb0: {  	v6 =	vperm.xlane @p4 v4, v3;
	v4 =	vmul.u32 @p4 $0x8, v5;
	_ =	sdelay $0x1  }
0xb1: {  	v5 =	vadd.s32 @p4 v4, v6;
	_ =	sdelay $0x3  }
0xb2: {  	vm2 =	vmmov @p4 $0xffff;
	s1 =	simm.s32 @p4 $0x14400;
	s2 =	simm.s32 @p4 $0x0  }
0xb3: {  	[tilespmem:s1], [sflag:$0xB] =	stream.indirect_vreg.gather @p4 [hbm4b:s6+s2], $0x80, v5, vm2, $0xb8;
	[tilespmem:$0x18400] =	vst v63  }
0xb4: {  	s1 =	simm.s32 @p4 $0x14C00  }
0xb5: {  	[tilespmem:s1], [sflag:$0xB] =	stream.indirect_vreg.gather @p4 [hbm4b:s24+s2], $0x80, v5, vm2, $0xb8;
	[tilespmem:$0x18400] =	vst v63  }
0xb6: {  	s1 =	simm.s32 @p4 $0x15400  }
0xb7: {  	[tilespmem:s1], [sflag:$0xB] =	stream.indirect_vreg.gather @p4 [hbm4b:s29+s2], $0x80, v5, vm2, $0xb8;
	[tilespmem:$0x18400] =	vst v63  }
0xb8: {  	s1 =	simm.s32 @p4 $0x15C00  }
0xb9: {  	[tilespmem:s1], [sflag:$0xB] =	stream.indirect_vreg.gather @p4 [hbm4b:s21+s2], $0x80, v5, vm2, $0xb8;
	[tilespmem:$0x18400] =	vst v63  }
0xba: {  	s1 =	simm.s32 @p4 $0x16400  }
0xbb: {  	[tilespmem:s1], [sflag:$0xB] =	stream.indirect_vreg.gather @p4 [hbm4b:s18+s2], $0x80, v5, vm2, $0xb8;
	[tilespmem:$0x18400] =	vst v63  }
0xbc: {  	s1 =	simm.s32 @p4 $0x16C00  }
0xbd: {  	[tilespmem:s1], [sflag:$0xB] =	stream.indirect_vreg.gather @p4 [hbm4b:s20+s2], $0x80, v5, vm2, $0xb8;
	[tilespmem:$0x18400] =	vst v63  }
0xbe: {  	s1 =	simm.s32 @p4 $0x17400  }
0xbf: {  	[tilespmem:s1], [sflag:$0xB] =	stream.indirect_vreg.gather @p4 [hbm4b:s13+s2], $0x80, v5, vm2, $0xb8;
	[tilespmem:$0x18400] =	vst v63  }
0xc0: {  	s1 =	simm.s32 @p4 $0x17C00  }
0xc1: {  	[tilespmem:s1], [sflag:$0xB] =	stream.indirect_vreg.gather @p4 [hbm4b:s23+s2], $0x80, v5, vm2, $0xb8;
	[tilespmem:$0x18400] =	vst v63  }
0xc2: {  	s1 =	simm.s32 @p4 $0xB  }
0xc3: {  	_ =	swait.ge @p4 [sflag:s1], $0x4000  }
0xc4: {  	[sflag:s1] =	ssyncset.done @p4 $0x0  }
0xc5: {  	[sflag:s1] =	ssyncadd.s32 @p4 $0xFFFFC000;
	s1 =	sld [smem:$0x7F4]  }
0xc6: {  	s12 =	simm.s32 @p4 $0x400;
	s28 =	simm.s32 @p4 $0xC  }
0xc7: {  	s7 =	smov.u32 s6;
	s3 =	simm.s32 @p4 $0x14400;
	s6 =	simm.s32 @p4 $0x80  }
0xc8: {  	[hbm4b:s1+s6] =	stream.strided.scatter @p4 [tilespmem:s3], [sflag:$0xC], $0x4000, s12, s6, $0x38;
	[tilespmem:$0x18400] =	vst v63  }
0xc9: {  	_ =	swait.ge @p4 [sflag:s28], $0x4000  }
0xca: {  	p5 =	sne.s32 s4, $0x0;
	[sflag:s28] =	ssyncset.done @p4 $0x0  }
0xcb: {  	s4 =	simm.s32 @!p4 $0x80;
	s6 =	simm.s32 @!p4 $0x400;
	[sflag:s28] =	ssyncadd.s32 @p4 $0xFFFFC000  }
0xcc: {  	[hbm4b:s1+s4] =	stream.strided.scatter @!p4 [tilespmem:s6], [sflag:$0x6], $0x4000, s6, s4, $0x38;
	[tilespmem:$0x18400] =	vst v63  }
0xcd: {  	v5 =	vld.msk @p5 [tilespmem:$0x300], $0x1;
	_ =	sdelay $0x4  }
0xce: {  	v6 =	vshll.u32 @p5 v5, $0x9  }
0xcf: {  	v5 =	vand.u32 @p5 $0x7, v5;
	v6 =	vand.u32 @p5 $0xFFFFF000, v6  }
0xd0: {  	v7 =	vlaneseq.u32 @p5;
	v6 =	vor.u32 @p5 v5, v6;
	v5 =	vimm.s32 @p5 $0x0  }
0xd1: {  	v8 =	vperm.xlane @p5 v6, v5;
	v6 =	vmul.u32 @p5 $0x8, v7;
	_ =	sdelay $0x1  }
0xd2: {  	v7 =	vadd.s32 @p5 v6, v8;
	_ =	sdelay $0x3  }
0xd3: {  	vm3 =	vmmov @p5 $0xffff;
	s19 =	smov.u32 s13;
	s13 =	simm.s32 @p5 $0x0;
	s1 =	simm.s32 @p5 $0x14400  }
0xd4: {  	[tilespmem:s1], [sflag:$0xB] =	stream.indirect_vreg.gather @p5 [hbm4b:s7+s13], $0x80, v7, vm3, $0xb8;
	[tilespmem:$0x18400] =	vst v63  }
0xd5: {  	s1 =	simm.s32 @p5 $0x14C00  }
0xd6: {  	[tilespmem:s1], [sflag:$0xB] =	stream.indirect_vreg.gather @p5 [hbm4b:s24+s13], $0x80, v7, vm3, $0xb8;
	[tilespmem:$0x18400] =	vst v63  }
0xd7: {  	s1 =	simm.s32 @p5 $0x15400  }
0xd8: {  	[tilespmem:s1], [sflag:$0xB] =	stream.indirect_vreg.gather @p5 [hbm4b:s29+s13], $0x80, v7, vm3, $0xb8;
	[tilespmem:$0x18400] =	vst v63  }
0xd9: {  	s1 =	simm.s32 @p5 $0x15C00  }
0xda: {  	[tilespmem:s1], [sflag:$0xB] =	stream.indirect_vreg.gather @p5 [hbm4b:s21+s13], $0x80, v7, vm3, $0xb8;
	[tilespmem:$0x18400] =	vst v63  }
0xdb: {  	s1 =	simm.s32 @p5 $0x16400  }
0xdc: {  	[tilespmem:s1], [sflag:$0xB] =	stream.indirect_vreg.gather @p5 [hbm4b:s18+s13], $0x80, v7, vm3, $0xb8;
	[tilespmem:$0x18400] =	vst v63  }
0xdd: {  	s1 =	simm.s32 @p5 $0x16C00  }
0xde: {  	[tilespmem:s1], [sflag:$0xB] =	stream.indirect_vreg.gather @p5 [hbm4b:s20+s13], $0x80, v7, vm3, $0xb8;
	[tilespmem:$0x18400] =	vst v63  }
0xdf: {  	s1 =	simm.s32 @p5 $0x17400  }
0xe0: {  	[tilespmem:s1], [sflag:$0xB] =	stream.indirect_vreg.gather @p5 [hbm4b:s19+s13], $0x80, v7, vm3, $0xb8;
	[tilespmem:$0x18400] =	vst v63  }
0xe1: {  	s1 =	simm.s32 @p5 $0x17C00  }
0xe2: {  	[tilespmem:s1], [sflag:$0xB] =	stream.indirect_vreg.gather @p5 [hbm4b:s23+s13], $0x80, v7, vm3, $0xb8;
	[tilespmem:$0x18400] =	vst v63  }
0xe3: {  	s1 =	simm.s32 @p5 $0xB  }
0xe4: {  	_ =	swait.ge @p5 [sflag:s1], $0x4000  }
0xe5: {  	[sflag:s1] =	ssyncset.done @p5 $0x0  }
0xe6: {  	[sflag:s1] =	ssyncadd.s32 @p5 $0xFFFFC000;
	s1 =	sld [smem:$0x7F5]  }
0xe7: {  	s31 =	simm.s32 @p5 $0x14400  }
0xe8: {  	s3 =	simm.s32 @p5 $0xC;
	s4 =	simm.s32 @p5 $0x80;
	s6 =	simm.s32 @p5 $0x400  }
0xe9: {  	[hbm4b:s1+s4] =	stream.strided.scatter @p5 [tilespmem:s31], [sflag:$0xC], $0x4000, s6, s4, $0x38;
	[tilespmem:$0x18400] =	vst v63  }
0xea: {  	_ =	swait.ge @p5 [sflag:s3], $0x4000  }
0xeb: {  	p6 =	sne.s32 s26, $0x0;
	[sflag:s3] =	ssyncset.done @p5 $0x0  }
0xec: {  	s0 =	simm.s32 @!p5 $0x80;
	s6 =	simm.s32 @!p5 $0x400;
	[sflag:s3] =	ssyncadd.s32 @p5 $0xFFFFC000  }
0xed: {  	[hbm4b:s1+s0] =	stream.strided.scatter @!p5 [tilespmem:s6], [sflag:$0x6], $0x4000, s6, s0, $0x38;
	[tilespmem:$0x18400] =	vst v63  }
0xee: {  	v7 =	vld.msk @p6 [tilespmem:$0x380], $0x1;
	_ =	sdelay $0x4  }
0xef: {  	v8 =	vshll.u32 @p6 v7, $0x9  }
0xf0: {  	v7 =	vand.u32 @p6 $0x7, v7;
	v8 =	vand.u32 @p6 $0xFFFFF000, v8  }
0xf1: {  	v9 =	vlaneseq.u32 @p6;
	v8 =	vor.u32 @p6 v7, v8;
	v7 =	vimm.s32 @p6 $0x0  }
0xf2: {  	v10 =	vperm.xlane @p6 v8, v7;
	v8 =	vmul.u32 @p6 $0x8, v9;
	_ =	sdelay $0x1  }
0xf3: {  	v9 =	vadd.s32 @p6 v8, v10;
	_ =	sdelay $0x2  }
0xf4: {  	s14 =	smov.u32 s18;
	s18 =	smov.u32 s19  }
0xf5: {  	vm4 =	vmmov @p6 $0xffff;
	s19 =	smov.u32 s23;
	s23 =	simm.s32 @p6 $0x0;
	s0 =	simm.s32 @p6 $0x14400  }
0xf6: {  	[tilespmem:s0], [sflag:$0xB] =	stream.indirect_vreg.gather @p6 [hbm4b:s7+s23], $0x80, v9, vm4, $0xb8;
	[tilespmem:$0x18400] =	vst v63  }
0xf7: {  	s0 =	simm.s32 @p6 $0x14C00  }
0xf8: {  	[tilespmem:s0], [sflag:$0xB] =	stream.indirect_vreg.gather @p6 [hbm4b:s24+s23], $0x80, v9, vm4, $0xb8;
	[tilespmem:$0x18400] =	vst v63  }
0xf9: {  	s0 =	simm.s32 @p6 $0x15400  }
0xfa: {  	[tilespmem:s0], [sflag:$0xB] =	stream.indirect_vreg.gather @p6 [hbm4b:s29+s23], $0x80, v9, vm4, $0xb8;
	[tilespmem:$0x18400] =	vst v63  }
0xfb: {  	s0 =	simm.s32 @p6 $0x15C00  }
0xfc: {  	[tilespmem:s0], [sflag:$0xB] =	stream.indirect_vreg.gather @p6 [hbm4b:s21+s23], $0x80, v9, vm4, $0xb8;
	[tilespmem:$0x18400] =	vst v63  }
0xfd: {  	s0 =	simm.s32 @p6 $0x16400  }
0xfe: {  	[tilespmem:s0], [sflag:$0xB] =	stream.indirect_vreg.gather @p6 [hbm4b:s14+s23], $0x80, v9, vm4, $0xb8;
	[tilespmem:$0x18400] =	vst v63  }
0xff: {  	s0 =	simm.s32 @p6 $0x16C00  }
0x100: {  	[tilespmem:s0], [sflag:$0xB] =	stream.indirect_vreg.gather @p6 [hbm4b:s20+s23], $0x80, v9, vm4, $0xb8;
	[tilespmem:$0x18400] =	vst v63  }
0x101: {  	s0 =	simm.s32 @p6 $0x17400  }
0x102: {  	[tilespmem:s0], [sflag:$0xB] =	stream.indirect_vreg.gather @p6 [hbm4b:s18+s23], $0x80, v9, vm4, $0xb8;
	[tilespmem:$0x18400] =	vst v63  }
0x103: {  	s12 =	simm.s32 @p6 $0xB;
	s0 =	simm.s32 @p6 $0x17C00  }
0x104: {  	[tilespmem:s0], [sflag:$0xB] =	stream.indirect_vreg.gather @p6 [hbm4b:s19+s23], $0x80, v9, vm4, $0xb8;
	[tilespmem:$0x18400] =	vst v63  }
0x105: {  	_ =	swait.ge @p6 [sflag:s12], $0x4000  }
0x106: {  	s0 =	sld [smem:$0x7F6]  }
0x107: {  	s26 =	simm.s32 @p6 $0x400;
	[sflag:s12] =	ssyncset.done @p6 $0x0  }
0x108: {  	s1 =	simm.s32 @p6 $0x14400;
	s6 =	simm.s32 @p6 $0x80;
	[sflag:s12] =	ssyncadd.s32 @p6 $0xFFFFC000  }
0x109: {  	[hbm4b:s0+s6] =	stream.strided.scatter @p6 [tilespmem:s1], [sflag:$0xC], $0x4000, s26, s6, $0x38;
	[tilespmem:$0x18400] =	vst v63  }
0x10a: {  	s26 =	simm.s32 @p6 $0xC  }
0x10b: {  	_ =	swait.ge @p6 [sflag:s26], $0x4000  }
0x10c: {  	[sflag:s26] =	ssyncset.done @p6 $0x0  }
0x10d: {  	s1 =	simm.s32 @!p6 $0x80;
	s6 =	simm.s32 @!p6 $0x400;
	[sflag:s26] =	ssyncadd.s32 @p6 $0xFFFFC000  }
0x10e: {  	[hbm4b:s0+s1] =	stream.strided.scatter @!p6 [tilespmem:s6], [sflag:$0x6], $0x4000, s6, s1, $0x38;
	[tilespmem:$0x18400] =	vst v63  }
0x10f: {  	v54 =	vld.msk [tilespmem:$0x200], $0x1;
	_ =	sdelay $0x4  }
0x110: {  	v55 =	vshll.u32 v54, $0x9  }
0x111: {  	v9 =	vand.u32 $0x7, v54;
	v10 =	vand.u32 $0xFFFFF000, v55  }
0x112: {  	v9 =	vor.u32 v9, v10  }
0x113: {  	v9 =	vperm.xlane v9, v1;
	_ =	sdelay $0x1  }
0x114: {  	s4 =	sld [smem:$0x7F7];
	v9 =	vadd.s32 v2, v9;
	_ =	sdelay $0x1  }
0x115: {  	s18 =	rddreg [dreg:$0xd]  }
0x116: {  	s7 =	smov.u32 s14;
	s6 =	rddreg [dreg:$0xc];
	s17 =	sadd.s32 $0x800, s4  }
0x117: {  	s14 =	simm.s32 $0xC400;
	s0 =	sadd.s32 $0x1000, s4;
	[smem:$0x7DA] =	sst s17  }
0x118: {  	[tilespmem:s14], [sflag:$0x4] =	stream.indirect_vreg.gather [hbm4b:s4+s16], $0x80, v9, vm1, $0xb8;
	[tilespmem:$0x18400] =	vst v63  }
0x119: {  	[smem:$0x7DB] =	sst s0  }
0x11a: {  	[tilespmem:s6], [sflag:$0x4] =	stream.indirect_vreg.gather [hbm4b:s17+s16], $0x80, v9, vm1, $0xb8;
	[tilespmem:$0x18400] =	vst v63  }
0x11b: {  	s14 =	rddreg [dreg:$0xe];
	s17 =	sadd.s32 $0x1800, s4  }
0x11c: {  	[smem:$0x7DC] =	sst s17  }
0x11d: {  	[tilespmem:s18], [sflag:$0x4] =	stream.indirect_vreg.gather [hbm4b:s0+s16], $0x80, v9, vm1, $0xb8;
	[tilespmem:$0x18400] =	vst v63  }
0x11e: {  	s18 =	rddreg [dreg:$0xf];
	s0 =	sadd.s32 $0x2000, s4  }
0x11f: {  	[smem:$0x7DD] =	sst s0  }
0x120: {  	[tilespmem:s14], [sflag:$0x4] =	stream.indirect_vreg.gather [hbm4b:s17+s16], $0x80, v9, vm1, $0xb8;
	[tilespmem:$0x18400] =	vst v63  }
0x121: {  	s14 =	rddreg [dreg:$0x10];
	s17 =	sadd.s32 $0x2800, s4  }
0x122: {  	[smem:$0x7DE] =	sst s17  }
0x123: {  	[tilespmem:s18], [sflag:$0x4] =	stream.indirect_vreg.gather [hbm4b:s0+s16], $0x80, v9, vm1, $0xb8;
	[tilespmem:$0x18400] =	vst v63  }
0x124: {  	s18 =	rddreg [dreg:$0x11]  }
0x125: {  	[tilespmem:s14], [sflag:$0x4] =	stream.indirect_vreg.gather [hbm4b:s17+s16], $0x80, v9, vm1, $0xb8;
	[tilespmem:$0x18400] =	vst v63  }
0x126: {  	s14 =	sadd.s32 $0x3000, s4;
	s17 =	rddreg [dreg:$0x12]  }
0x127: {  	[tilespmem:s18], [sflag:$0x4] =	stream.indirect_vreg.gather [hbm4b:s14+s16], $0x80, v9, vm1, $0xb8;
	[tilespmem:$0x18400] =	vst v63  }
0x128: {  	[smem:$0x7DF] =	sst s14;
	s18 =	sadd.s32 $0x3800, s4  }
0x129: {  	s6 =	simm.s32 $0x2;
	[smem:$0x7E0] =	sst s18  }
0x12a: {  	[tilespmem:s17], [sflag:$0x4] =	stream.indirect_vreg.gather [hbm4b:s18+s16], $0x80, v9, vm1, $0xb8;
	[tilespmem:$0x18400] =	vst v63  }
0x12b: {  	_ =	swait.ge [sflag:s6], $0x4000  }
0x12c: {  	s17 =	simm.s32 $0x80;
	s18 =	simm.s32 $0x4400;
	[sflag:s6] =	ssyncset.done $0x0  }
0x12d: {  	s14 =	rddreg [dreg:$0x5];
	[sflag:s6] =	ssyncadd.s32 $0xFFFFC000;
	s6 =	simm.s32 $0x400  }
0x12e: {  	[hbm4b:s14+s17] =	stream.strided.scatter [tilespmem:s18], [sflag:$0x7], $0x4000, s6, s17, $0x38;
	[tilespmem:$0x18400] =	vst v63  }
0x12f: {  	v9 =	vld.msk @p4 [tilespmem:$0x280], $0x1;
	_ =	sdelay $0x4  }
0x130: {  	v10 =	vshll.u32 @p4 v9, $0x9  }
0x131: {  	v9 =	vand.u32 @p4 $0x7, v9;
	v10 =	vand.u32 @p4 $0xFFFFF000, v10  }
0x132: {  	v9 =	vor.u32 @p4 v9, v10  }
0x133: {  	v9 =	vperm.xlane @p4 v9, v3;
	_ =	sdelay $0x1  }
0x134: {  	v9 =	vadd.s32 @p4 v4, v9;
	_ =	sdelay $0x3  }
0x135: {  	s1 =	simm.s32 @p4 $0x14400  }
0x136: {  	[tilespmem:s1], [sflag:$0xB] =	stream.indirect_vreg.gather @p4 [hbm4b:s30+s2], $0x80, v9, vm2, $0xb8;
	[tilespmem:$0x18400] =	vst v63  }
0x137: {  	s0 =	simm.s32 @p4 $0x14C00  }
0x138: {  	[tilespmem:s0], [sflag:$0xB] =	stream.indirect_vreg.gather @p4 [hbm4b:s8+s2], $0x80, v9, vm2, $0xb8;
	[tilespmem:$0x18400] =	vst v63  }
0x139: {  	s0 =	simm.s32 @p4 $0x15400  }
0x13a: {  	[tilespmem:s0], [sflag:$0xB] =	stream.indirect_vreg.gather @p4 [hbm4b:s9+s2], $0x80, v9, vm2, $0xb8;
	[tilespmem:$0x18400] =	vst v63  }
0x13b: {  	s0 =	simm.s32 @p4 $0x15C00  }
0x13c: {  	[tilespmem:s0], [sflag:$0xB] =	stream.indirect_vreg.gather @p4 [hbm4b:s10+s2], $0x80, v9, vm2, $0xb8;
	[tilespmem:$0x18400] =	vst v63  }
0x13d: {  	s0 =	simm.s32 @p4 $0x16400  }
0x13e: {  	[tilespmem:s0], [sflag:$0xB] =	stream.indirect_vreg.gather @p4 [hbm4b:s11+s2], $0x80, v9, vm2, $0xb8;
	[tilespmem:$0x18400] =	vst v63  }
0x13f: {  	s0 =	simm.s32 @p4 $0x16C00  }
0x140: {  	[tilespmem:s0], [sflag:$0xB] =	stream.indirect_vreg.gather @p4 [hbm4b:s15+s2], $0x80, v9, vm2, $0xb8;
	[tilespmem:$0x18400] =	vst v63  }
0x141: {  	s17 =	sld [smem:$0x7D2];
	s0 =	simm.s32 @p4 $0x17400  }
0x142: {  	[tilespmem:s0], [sflag:$0xB] =	stream.indirect_vreg.gather @p4 [hbm4b:s22+s2], $0x80, v9, vm2, $0xb8;
	[tilespmem:$0x18400] =	vst v63  }
0x143: {  	s0 =	simm.s32 @p4 $0x17C00  }
0x144: {  	[tilespmem:s0], [sflag:$0xB] =	stream.indirect_vreg.gather @p4 [hbm4b:s17+s2], $0x80, v9, vm2, $0xb8;
	[tilespmem:$0x18400] =	vst v63  }
0x145: {  	s0 =	simm.s32 @p4 $0xB  }
0x146: {  	_ =	swait.ge @p4 [sflag:s0], $0x4000  }
0x147: {  	[sflag:s0] =	ssyncset.done @p4 $0x0  }
0x148: {  	[sflag:s0] =	ssyncadd.s32 @p4 $0xFFFFC000;
	s0 =	sld [smem:$0x7F8];
	_ =	sdelay $0x1  }
0x149: {  	s14 =	simm.s32 @p4 $0x400;
	s18 =	simm.s32 @p4 $0x80  }
0x14a: {  	[hbm4b:s0+s18] =	stream.strided.scatter @p4 [tilespmem:s1], [sflag:$0xC], $0x4000, s14, s18, $0x38;
	[tilespmem:$0x18400] =	vst v63  }
0x14b: {  	_ =	swait.ge @p4 [sflag:s28], $0x4000  }
0x14c: {  	s1 =	simm.s32 @!p4 $0x4400;
	[sflag:s28] =	ssyncset.done @p4 $0x0  }
0x14d: {  	s14 =	simm.s32 @!p4 $0x400;
	s18 =	simm.s32 @!p4 $0x80;
	[sflag:s28] =	ssyncadd.s32 @p4 $0xFFFFC000  }
0x14e: {  	[hbm4b:s0+s18] =	stream.strided.scatter @!p4 [tilespmem:s1], [sflag:$0x7], $0x4000, s14, s18, $0x38;
	[tilespmem:$0x18400] =	vst v63  }
0x14f: {  	v9 =	vld.msk @p5 [tilespmem:$0x300], $0x1;
	_ =	sdelay $0x4  }
0x150: {  	v10 =	vshll.u32 @p5 v9, $0x9  }
0x151: {  	v9 =	vand.u32 @p5 $0x7, v9;
	v10 =	vand.u32 @p5 $0xFFFFF000, v10  }
0x152: {  	v9 =	vor.u32 @p5 v9, v10  }
0x153: {  	v9 =	vperm.xlane @p5 v9, v5;
	_ =	sdelay $0x1  }
0x154: {  	v9 =	vadd.s32 @p5 v6, v9;
	_ =	sdelay $0x4  }
0x155: {  	[tilespmem:s31], [sflag:$0xB] =	stream.indirect_vreg.gather @p5 [hbm4b:s30+s13], $0x80, v9, vm3, $0xb8;
	[tilespmem:$0x18400] =	vst v63  }
0x156: {  	s0 =	simm.s32 @p5 $0x14C00  }
0x157: {  	[tilespmem:s0], [sflag:$0xB] =	stream.indirect_vreg.gather @p5 [hbm4b:s8+s13], $0x80, v9, vm3, $0xb8;
	[tilespmem:$0x18400] =	vst v63  }
0x158: {  	s0 =	simm.s32 @p5 $0x15400  }
0x159: {  	[tilespmem:s0], [sflag:$0xB] =	stream.indirect_vreg.gather @p5 [hbm4b:s9+s13], $0x80, v9, vm3, $0xb8;
	[tilespmem:$0x18400] =	vst v63  }
0x15a: {  	s0 =	simm.s32 @p5 $0x15C00  }
0x15b: {  	[tilespmem:s0], [sflag:$0xB] =	stream.indirect_vreg.gather @p5 [hbm4b:s10+s13], $0x80, v9, vm3, $0xb8;
	[tilespmem:$0x18400] =	vst v63  }
0x15c: {  	s0 =	simm.s32 @p5 $0x16400  }
0x15d: {  	[tilespmem:s0], [sflag:$0xB] =	stream.indirect_vreg.gather @p5 [hbm4b:s11+s13], $0x80, v9, vm3, $0xb8;
	[tilespmem:$0x18400] =	vst v63  }
0x15e: {  	s0 =	simm.s32 @p5 $0x16C00  }
0x15f: {  	[tilespmem:s0], [sflag:$0xB] =	stream.indirect_vreg.gather @p5 [hbm4b:s15+s13], $0x80, v9, vm3, $0xb8;
	[tilespmem:$0x18400] =	vst v63  }
0x160: {  	[smem:$0x7D1] =	sst s22;
	s0 =	simm.s32 @p5 $0x17400  }
0x161: {  	[tilespmem:s0], [sflag:$0xB] =	stream.indirect_vreg.gather @p5 [hbm4b:s22+s13], $0x80, v9, vm3, $0xb8;
	[tilespmem:$0x18400] =	vst v63  }
0x162: {  	s0 =	simm.s32 @p5 $0x17C00  }
0x163: {  	[tilespmem:s0], [sflag:$0xB] =	stream.indirect_vreg.gather @p5 [hbm4b:s17+s13], $0x80, v9, vm3, $0xb8;
	[tilespmem:$0x18400] =	vst v63  }
0x164: {  	s0 =	simm.s32 @p5 $0xB  }
0x165: {  	_ =	swait.ge @p5 [sflag:s0], $0x4000  }
0x166: {  	[sflag:s0] =	ssyncset.done @p5 $0x0  }
0x167: {  	[sflag:s0] =	ssyncadd.s32 @p5 $0xFFFFC000;
	s0 =	sld [smem:$0x7F9]  }
0x168: {  	s14 =	smov.u32 s8  }
0x169: {  	s1 =	simm.s32 @p5 $0x400;
	s8 =	smov.u32 s17;
	s17 =	simm.s32 @p5 $0x80  }
0x16a: {  	[hbm4b:s0+s17] =	stream.strided.scatter @p5 [tilespmem:s31], [sflag:$0xC], $0x4000, s1, s17, $0x38;
	[tilespmem:$0x18400] =	vst v63  }
0x16b: {  	_ =	swait.ge @p5 [sflag:s3], $0x4000  }
0x16c: {  	s18 =	simm.s32 @!p5 $0x80;
	[sflag:s3] =	ssyncset.done @p5 $0x0  }
0x16d: {  	s1 =	simm.s32 @!p5 $0x4400;
	s17 =	simm.s32 @!p5 $0x400;
	[sflag:s3] =	ssyncadd.s32 @p5 $0xFFFFC000  }
0x16e: {  	[hbm4b:s0+s18] =	stream.strided.scatter @!p5 [tilespmem:s1], [sflag:$0x7], $0x4000, s17, s18, $0x38;
	[tilespmem:$0x18400] =	vst v63  }
0x16f: {  	v9 =	vld.msk @p6 [tilespmem:$0x380], $0x1;
	_ =	sdelay $0x4  }
0x170: {  	v10 =	vshll.u32 @p6 v9, $0x9  }
0x171: {  	v9 =	vand.u32 @p6 $0x7, v9;
	v10 =	vand.u32 @p6 $0xFFFFF000, v10  }
0x172: {  	v9 =	vor.u32 @p6 v9, v10  }
0x173: {  	v9 =	vperm.xlane @p6 v9, v7;
	_ =	sdelay $0x1  }
0x174: {  	v9 =	vadd.s32 @p6 v8, v9;
	_ =	sdelay $0x3  }
0x175: {  	s1 =	simm.s32 @p6 $0x14400  }
0x176: {  	[tilespmem:s1], [sflag:$0xB] =	stream.indirect_vreg.gather @p6 [hbm4b:s30+s23], $0x80, v9, vm4, $0xb8;
	[tilespmem:$0x18400] =	vst v63  }
0x177: {  	s0 =	simm.s32 @p6 $0x14C00  }
0x178: {  	[tilespmem:s0], [sflag:$0xB] =	stream.indirect_vreg.gather @p6 [hbm4b:s14+s23], $0x80, v9, vm4, $0xb8;
	[tilespmem:$0x18400] =	vst v63  }
0x179: {  	s0 =	simm.s32 @p6 $0x15400  }
0x17a: {  	[tilespmem:s0], [sflag:$0xB] =	stream.indirect_vreg.gather @p6 [hbm4b:s9+s23], $0x80, v9, vm4, $0xb8;
	[tilespmem:$0x18400] =	vst v63  }
0x17b: {  	s25 =	simm.s32 @p6 $0x15C00;
	[smem:$0x7CC] =	sst s14  }
0x17c: {  	[tilespmem:s25], [sflag:$0xB] =	stream.indirect_vreg.gather @p6 [hbm4b:s10+s23], $0x80, v9, vm4, $0xb8;
	[tilespmem:$0x18400] =	vst v63  }
0x17d: {  	[smem:$0x7CD] =	sst s9;
	s0 =	simm.s32 @p6 $0x16400  }
0x17e: {  	[tilespmem:s0], [sflag:$0xB] =	stream.indirect_vreg.gather @p6 [hbm4b:s11+s23], $0x80, v9, vm4, $0xb8;
	[tilespmem:$0x18400] =	vst v63  }
0x17f: {  	[smem:$0x7CE] =	sst s10;
	s0 =	simm.s32 @p6 $0x16C00  }
0x180: {  	[tilespmem:s0], [sflag:$0xB] =	stream.indirect_vreg.gather @p6 [hbm4b:s15+s23], $0x80, v9, vm4, $0xb8;
	[tilespmem:$0x18400] =	vst v63  }
0x181: {  	[smem:$0x7CF] =	sst s11;
	s0 =	simm.s32 @p6 $0x17400  }
0x182: {  	[tilespmem:s0], [sflag:$0xB] =	stream.indirect_vreg.gather @p6 [hbm4b:s22+s23], $0x80, v9, vm4, $0xb8;
	[tilespmem:$0x18400] =	vst v63  }
0x183: {  	[smem:$0x7D0] =	sst s15;
	s0 =	simm.s32 @p6 $0x17C00  }
0x184: {  	[tilespmem:s0], [sflag:$0xB] =	stream.indirect_vreg.gather @p6 [hbm4b:s8+s23], $0x80, v9, vm4, $0xb8;
	[tilespmem:$0x18400] =	vst v63  }
0x185: {  	_ =	swait.ge @p6 [sflag:s12], $0x4000  }
0x186: {  	s0 =	sld [smem:$0x7FA]  }
0x187: {  	s31 =	smov.u32 s9;
	[sflag:s12] =	ssyncset.done @p6 $0x0  }
0x188: {  	s9 =	simm.s32 @p6 $0x80;
	s8 =	simm.s32 @p6 $0x400;
	[sflag:s12] =	ssyncadd.s32 @p6 $0xFFFFC000  }
0x189: {  	[hbm4b:s0+s9] =	stream.strided.scatter @p6 [tilespmem:s1], [sflag:$0xC], $0x4000, s8, s9, $0x38;
	[tilespmem:$0x18400] =	vst v63  }
0x18a: {  	_ =	swait.ge @p6 [sflag:s26], $0x4000  }
0x18b: {  	s1 =	simm.s32 @!p6 $0x4400;
	[sflag:s26] =	ssyncset.done @p6 $0x0  }
0x18c: {  	s8 =	simm.s32 @!p6 $0x400;
	s9 =	simm.s32 @!p6 $0x80;
	[sflag:s26] =	ssyncadd.s32 @p6 $0xFFFFC000  }
0x18d: {  	[hbm4b:s0+s9] =	stream.strided.scatter @!p6 [tilespmem:s1], [sflag:$0x7], $0x4000, s8, s9, $0x38;
	[tilespmem:$0x18400] =	vst v63  }
0x18e: {  	v56 =	vld.msk [tilespmem:$0x201], $0x1;
	_ =	sdelay $0x4  }
0x18f: {  	v57 =	vshll.u32 v56, $0x9  }
0x190: {  	v9 =	vand.u32 $0x7, v56;
	v10 =	vand.u32 $0xFFFFF000, v57  }
0x191: {  	v9 =	vor.u32 v9, v10  }
0x192: {  	v9 =	vperm.xlane v9, v1;
	_ =	sdelay $0x1  }
0x193: {  	v9 =	vadd.s32 v2, v9;
	_ =	sdelay $0x2  }
0x194: {  	s25 =	smov.u32 s10;
	s10 =	rddreg [dreg:$0x13]  }
0x195: {  	s17 =	smov.u32 s11;
	s11 =	simm.s32 $0x10400;
	s22 =	rddreg [dreg:$0x0]  }
0x196: {  	[tilespmem:s11], [sflag:$0x5] =	stream.indirect_vreg.gather [hbm4b:s22+s16], $0x80, v9, vm1, $0xb8;
	[tilespmem:$0x18400] =	vst v63  }
0x197: {  	s9 =	rddreg [dreg:$0x14]  }
0x198: {  	[tilespmem:s10], [sflag:$0x5] =	stream.indirect_vreg.gather [hbm4b:s24+s16], $0x80, v9, vm1, $0xb8;
	[tilespmem:$0x18400] =	vst v63  }
0x199: {  	s11 =	rddreg [dreg:$0x16]  }
0x19a: {  	[tilespmem:s9], [sflag:$0x5] =	stream.indirect_vreg.gather [hbm4b:s29+s16], $0x80, v9, vm1, $0xb8;
	[tilespmem:$0x18400] =	vst v63  }
0x19b: {  	s10 =	rddreg [dreg:$0x15]  }
0x19c: {  	[tilespmem:s10], [sflag:$0x5] =	stream.indirect_vreg.gather [hbm4b:s21+s16], $0x80, v9, vm1, $0xb8;
	[tilespmem:$0x18400] =	vst v63  }
0x19d: {  	s29 =	sld [smem:$0x7F0]  }
0x19e: {  	[tilespmem:s11], [sflag:$0x5] =	stream.indirect_vreg.gather [hbm4b:s7+s16], $0x80, v9, vm1, $0xb8;
	[tilespmem:$0x18400] =	vst v63  }
0x19f: {  	s21 =	rddreg [dreg:$0x17]  }
0x1a0: {  	[tilespmem:s21], [sflag:$0x5] =	stream.indirect_vreg.gather [hbm4b:s20+s16], $0x80, v9, vm1, $0xb8;
	[tilespmem:$0x18400] =	vst v63  }
0x1a1: {  	s22 =	rddreg [dreg:$0x18]  }
0x1a2: {  	[tilespmem:s22], [sflag:$0x5] =	stream.indirect_vreg.gather [hbm4b:s29+s16], $0x80, v9, vm1, $0xb8;
	[tilespmem:$0x18400] =	vst v63  }
0x1a3: {  	s8 =	simm.s32 $0x3;
	s24 =	rddreg [dreg:$0x19]  }
0x1a4: {  	[tilespmem:s24], [sflag:$0x5] =	stream.indirect_vreg.gather [hbm4b:s19+s16], $0x80, v9, vm1, $0xb8;
	[tilespmem:$0x18400] =	vst v63  }
0x1a5: {  	_ =	swait.ge [sflag:s8], $0x4000  }
0x1a6: {  	s10 =	simm.s32 $0x8400;
	[sflag:s8] =	ssyncset.done $0x0  }
0x1a7: {  	s11 =	simm.s32 $0x80;
	s9 =	rddreg [dreg:$0x6];
	[sflag:s8] =	ssyncadd.s32 $0xFFFFC000  }
0x1a8: {  	[hbm4b:s9+s11] =	stream.strided.scatter [tilespmem:s10], [sflag:$0x8], $0x4000, s6, s11, $0x38;
	[tilespmem:$0x18400] =	vst v63  }
0x1a9: {  	v9 =	vld.msk @p4 [tilespmem:$0x280], $0x1;
	_ =	sdelay $0x4  }
0x1aa: {  	v10 =	vshll.u32 @p4 v9, $0x9  }
0x1ab: {  	v9 =	vand.u32 @p4 $0x7, v9;
	v10 =	vand.u32 @p4 $0xFFFFF000, v10  }
0x1ac: {  	v9 =	vor.u32 @p4 v9, v10  }
0x1ad: {  	v9 =	vperm.xlane @p4 v9, v3;
	_ =	sdelay $0x1  }
0x1ae: {  	v9 =	vadd.s32 @p4 v4, v9;
	_ =	sdelay $0x3  }
0x1af: {  	s20 =	simm.s32 @p4 $0x14400;
	s6 =	sld [smem:$0x7D3]  }
0x1b0: {  	[tilespmem:s20], [sflag:$0xB] =	stream.indirect_vreg.gather @p4 [hbm4b:s5+s2], $0x80, v9, vm2, $0xb8;
	[tilespmem:$0x18400] =	vst v63  }
0x1b1: {  	s0 =	simm.s32 @p4 $0x14C00;
	s7 =	sld [smem:$0x7D4]  }
0x1b2: {  	[tilespmem:s0], [sflag:$0xB] =	stream.indirect_vreg.gather @p4 [hbm4b:s6+s2], $0x80, v9, vm2, $0xb8;
	[tilespmem:$0x18400] =	vst v63  }
0x1b3: {  	s21 =	sld [smem:$0x7D5];
	s0 =	simm.s32 @p4 $0x15400  }
0x1b4: {  	[tilespmem:s0], [sflag:$0xB] =	stream.indirect_vreg.gather @p4 [hbm4b:s7+s2], $0x80, v9, vm2, $0xb8;
	[tilespmem:$0x18400] =	vst v63  }
0x1b5: {  	s9 =	sld [smem:$0x7D6];
	s0 =	simm.s32 @p4 $0x15C00  }
0x1b6: {  	[tilespmem:s0], [sflag:$0xB] =	stream.indirect_vreg.gather @p4 [hbm4b:s21+s2], $0x80, v9, vm2, $0xb8;
	[tilespmem:$0x18400] =	vst v63  }
0x1b7: {  	s10 =	sld [smem:$0x7D7];
	s0 =	simm.s32 @p4 $0x16400  }
0x1b8: {  	[tilespmem:s0], [sflag:$0xB] =	stream.indirect_vreg.gather @p4 [hbm4b:s9+s2], $0x80, v9, vm2, $0xb8;
	[tilespmem:$0x18400] =	vst v63  }
0x1b9: {  	s11 =	sld [smem:$0x7D8];
	s0 =	simm.s32 @p4 $0x16C00  }
0x1ba: {  	[tilespmem:s0], [sflag:$0xB] =	stream.indirect_vreg.gather @p4 [hbm4b:s10+s2], $0x80, v9, vm2, $0xb8;
	[tilespmem:$0x18400] =	vst v63  }
0x1bb: {  	s22 =	sld [smem:$0x7D9];
	s0 =	simm.s32 @p4 $0x17400  }
0x1bc: {  	[tilespmem:s0], [sflag:$0xB] =	stream.indirect_vreg.gather @p4 [hbm4b:s11+s2], $0x80, v9, vm2, $0xb8;
	[tilespmem:$0x18400] =	vst v63  }
0x1bd: {  	s0 =	simm.s32 @p4 $0x17C00  }
0x1be: {  	[tilespmem:s0], [sflag:$0xB] =	stream.indirect_vreg.gather @p4 [hbm4b:s22+s2], $0x80, v9, vm2, $0xb8;
	[tilespmem:$0x18400] =	vst v63  }
0x1bf: {  	s0 =	simm.s32 @p4 $0xB  }
0x1c0: {  	_ =	swait.ge @p4 [sflag:s0], $0x4000  }
0x1c1: {  	[sflag:s0] =	ssyncset.done @p4 $0x0  }
0x1c2: {  	[sflag:s0] =	ssyncadd.s32 @p4 $0xFFFFC000;
	s0 =	sld [smem:$0x7FB];
	_ =	sdelay $0x1  }
0x1c3: {  	s1 =	simm.s32 @p4 $0x400;
	s19 =	simm.s32 @p4 $0x80  }
0x1c4: {  	[hbm4b:s0+s19] =	stream.strided.scatter @p4 [tilespmem:s20], [sflag:$0xC], $0x4000, s1, s19, $0x38;
	[tilespmem:$0x18400] =	vst v63  }
0x1c5: {  	_ =	swait.ge @p4 [sflag:s28], $0x4000  }
0x1c6: {  	s1 =	simm.s32 @!p4 $0x8400;
	[sflag:s28] =	ssyncset.done @p4 $0x0  }
0x1c7: {  	s19 =	simm.s32 @!p4 $0x400;
	s20 =	simm.s32 @!p4 $0x80;
	[sflag:s28] =	ssyncadd.s32 @p4 $0xFFFFC000  }
0x1c8: {  	[hbm4b:s0+s20] =	stream.strided.scatter @!p4 [tilespmem:s1], [sflag:$0x8], $0x4000, s19, s20, $0x38;
	[tilespmem:$0x18400] =	vst v63  }
0x1c9: {  	v9 =	vld.msk @p5 [tilespmem:$0x300], $0x1;
	_ =	sdelay $0x4  }
0x1ca: {  	v10 =	vshll.u32 @p5 v9, $0x9  }
0x1cb: {  	v9 =	vand.u32 @p5 $0x7, v9;
	v10 =	vand.u32 @p5 $0xFFFFF000, v10  }
0x1cc: {  	v9 =	vor.u32 @p5 v9, v10  }
0x1cd: {  	v9 =	vperm.xlane @p5 v9, v5;
	_ =	sdelay $0x1  }
0x1ce: {  	v9 =	vadd.s32 @p5 v6, v9;
	_ =	sdelay $0x3  }
0x1cf: {  	s1 =	simm.s32 @p5 $0x14400  }
0x1d0: {  	[tilespmem:s1], [sflag:$0xB] =	stream.indirect_vreg.gather @p5 [hbm4b:s5+s13], $0x80, v9, vm3, $0xb8;
	[tilespmem:$0x18400] =	vst v63  }
0x1d1: {  	s0 =	simm.s32 @p5 $0x14C00  }
0x1d2: {  	[tilespmem:s0], [sflag:$0xB] =	stream.indirect_vreg.gather @p5 [hbm4b:s6+s13], $0x80, v9, vm3, $0xb8;
	[tilespmem:$0x18400] =	vst v63  }
0x1d3: {  	s0 =	simm.s32 @p5 $0x15400  }
0x1d4: {  	[tilespmem:s0], [sflag:$0xB] =	stream.indirect_vreg.gather @p5 [hbm4b:s7+s13], $0x80, v9, vm3, $0xb8;
	[tilespmem:$0x18400] =	vst v63  }
0x1d5: {  	s0 =	simm.s32 @p5 $0x15C00  }
0x1d6: {  	[tilespmem:s0], [sflag:$0xB] =	stream.indirect_vreg.gather @p5 [hbm4b:s21+s13], $0x80, v9, vm3, $0xb8;
	[tilespmem:$0x18400] =	vst v63  }
0x1d7: {  	s0 =	simm.s32 @p5 $0x16400  }
0x1d8: {  	[tilespmem:s0], [sflag:$0xB] =	stream.indirect_vreg.gather @p5 [hbm4b:s9+s13], $0x80, v9, vm3, $0xb8;
	[tilespmem:$0x18400] =	vst v63  }
0x1d9: {  	s0 =	simm.s32 @p5 $0x16C00  }
0x1da: {  	[tilespmem:s0], [sflag:$0xB] =	stream.indirect_vreg.gather @p5 [hbm4b:s10+s13], $0x80, v9, vm3, $0xb8;
	[tilespmem:$0x18400] =	vst v63  }
0x1db: {  	s0 =	simm.s32 @p5 $0x17400  }
0x1dc: {  	[tilespmem:s0], [sflag:$0xB] =	stream.indirect_vreg.gather @p5 [hbm4b:s11+s13], $0x80, v9, vm3, $0xb8;
	[tilespmem:$0x18400] =	vst v63  }
0x1dd: {  	s0 =	simm.s32 @p5 $0x17C00  }
0x1de: {  	[tilespmem:s0], [sflag:$0xB] =	stream.indirect_vreg.gather @p5 [hbm4b:s22+s13], $0x80, v9, vm3, $0xb8;
	[tilespmem:$0x18400] =	vst v63  }
0x1df: {  	s0 =	simm.s32 @p5 $0xB  }
0x1e0: {  	_ =	swait.ge @p5 [sflag:s0], $0x4000  }
0x1e1: {  	[sflag:s0] =	ssyncset.done @p5 $0x0  }
0x1e2: {  	[sflag:s0] =	ssyncadd.s32 @p5 $0xFFFFC000;
	s0 =	sld [smem:$0x7FC];
	_ =	sdelay $0x1  }
0x1e3: {  	s19 =	simm.s32 @p5 $0x400;
	s20 =	simm.s32 @p5 $0x80  }
0x1e4: {  	[hbm4b:s0+s20] =	stream.strided.scatter @p5 [tilespmem:s1], [sflag:$0xC], $0x4000, s19, s20, $0x38;
	[tilespmem:$0x18400] =	vst v63  }
0x1e5: {  	_ =	swait.ge @p5 [sflag:s3], $0x4000  }
0x1e6: {  	s1 =	simm.s32 @!p5 $0x8400;
	[sflag:s3] =	ssyncset.done @p5 $0x0  }
0x1e7: {  	s19 =	simm.s32 @!p5 $0x80;
	[sflag:s3] =	ssyncadd.s32 @p5 $0xFFFFC000;
	s3 =	simm.s32 @!p5 $0x400  }
0x1e8: {  	[hbm4b:s0+s19] =	stream.strided.scatter @!p5 [tilespmem:s1], [sflag:$0x8], $0x4000, s3, s19, $0x38;
	[tilespmem:$0x18400] =	vst v63  }
0x1e9: {  	v9 =	vld.msk @p6 [tilespmem:$0x380], $0x1;
	_ =	sdelay $0x4  }
0x1ea: {  	v10 =	vshll.u32 @p6 v9, $0x9  }
0x1eb: {  	v9 =	vand.u32 @p6 $0x7, v9;
	v10 =	vand.u32 @p6 $0xFFFFF000, v10  }
0x1ec: {  	v9 =	vor.u32 @p6 v9, v10  }
0x1ed: {  	v9 =	vperm.xlane @p6 v9, v7;
	_ =	sdelay $0x1  }
0x1ee: {  	v9 =	vadd.s32 @p6 v8, v9;
	_ =	sdelay $0x3  }
0x1ef: {  	s18 =	smov.u32 s15;
	s15 =	simm.s32 @p6 $0x14400  }
0x1f0: {  	[tilespmem:s15], [sflag:$0xB] =	stream.indirect_vreg.gather @p6 [hbm4b:s5+s23], $0x80, v9, vm4, $0xb8;
	[tilespmem:$0x18400] =	vst v63  }
0x1f1: {  	s0 =	simm.s32 @p6 $0x14C00  }
0x1f2: {  	[tilespmem:s0], [sflag:$0xB] =	stream.indirect_vreg.gather @p6 [hbm4b:s6+s23], $0x80, v9, vm4, $0xb8;
	[tilespmem:$0x18400] =	vst v63  }
0x1f3: {  	s0 =	simm.s32 @p6 $0x15400  }
0x1f4: {  	[tilespmem:s0], [sflag:$0xB] =	stream.indirect_vreg.gather @p6 [hbm4b:s7+s23], $0x80, v9, vm4, $0xb8;
	[tilespmem:$0x18400] =	vst v63  }
0x1f5: {  	s0 =	simm.s32 @p6 $0x15C00  }
0x1f6: {  	[tilespmem:s0], [sflag:$0xB] =	stream.indirect_vreg.gather @p6 [hbm4b:s21+s23], $0x80, v9, vm4, $0xb8;
	[tilespmem:$0x18400] =	vst v63  }
0x1f7: {  	s0 =	simm.s32 @p6 $0x16400  }
0x1f8: {  	[tilespmem:s0], [sflag:$0xB] =	stream.indirect_vreg.gather @p6 [hbm4b:s9+s23], $0x80, v9, vm4, $0xb8;
	[tilespmem:$0x18400] =	vst v63  }
0x1f9: {  	s0 =	simm.s32 @p6 $0x16C00  }
0x1fa: {  	[tilespmem:s0], [sflag:$0xB] =	stream.indirect_vreg.gather @p6 [hbm4b:s10+s23], $0x80, v9, vm4, $0xb8;
	[tilespmem:$0x18400] =	vst v63  }
0x1fb: {  	s0 =	simm.s32 @p6 $0x17400  }
0x1fc: {  	[tilespmem:s0], [sflag:$0xB] =	stream.indirect_vreg.gather @p6 [hbm4b:s11+s23], $0x80, v9, vm4, $0xb8;
	[tilespmem:$0x18400] =	vst v63  }
0x1fd: {  	s0 =	simm.s32 @p6 $0x17C00  }
0x1fe: {  	[tilespmem:s0], [sflag:$0xB] =	stream.indirect_vreg.gather @p6 [hbm4b:s22+s23], $0x80, v9, vm4, $0xb8;
	[tilespmem:$0x18400] =	vst v63  }
0x1ff: {  	_ =	swait.ge @p6 [sflag:s12], $0x4000  }
0x200: {  	s0 =	sld [smem:$0x7FD]  }
0x201: {  	s3 =	smov.u32 s7;
	[sflag:s12] =	ssyncset.done @p6 $0x0  }
0x202: {  	s1 =	simm.s32 @p6 $0x400;
	s7 =	simm.s32 @p6 $0x80;
	[sflag:s12] =	ssyncadd.s32 @p6 $0xFFFFC000  }
0x203: {  	[hbm4b:s0+s7] =	stream.strided.scatter @p6 [tilespmem:s15], [sflag:$0xC], $0x4000, s1, s7, $0x38;
	[tilespmem:$0x18400] =	vst v63  }
0x204: {  	_ =	swait.ge @p6 [sflag:s26], $0x4000  }
0x205: {  	s8 =	simm.s32 @!p6 $0x80;
	s1 =	simm.s32 @!p6 $0x8400;
	[sflag:s26] =	ssyncset.done @p6 $0x0  }
0x206: {  	s7 =	simm.s32 @!p6 $0x400;
	s15 =	simm.s32 $0x6;
	[sflag:s26] =	ssyncadd.s32 @p6 $0xFFFFC000  }
0x207: {  	[hbm4b:s0+s8] =	stream.strided.scatter @!p6 [tilespmem:s1], [sflag:$0x8], $0x4000, s7, s8, $0x38;
	[tilespmem:$0x18400] =	vst v63  }
0x208: {  	_ =	swait.ge [sflag:s15], $0x4000  }
0x209: {  	[sflag:s15] =	ssyncset.done $0x0  }
0x20a: {  	s0 =	simm.s32 @!p4 $0x6;
	[sflag:s15] =	ssyncadd.s32 $0xFFFFC000  }
0x20b: {  	_ =	swait.ge @!p4 [sflag:s0], $0x4000  }
0x20c: {  	[sflag:s0] =	ssyncset.done @!p4 $0x0  }
0x20d: {  	[sflag:s0] =	ssyncadd.s32 @!p4 $0xFFFFC000;
	s0 =	simm.s32 @!p5 $0x6  }
0x20e: {  	_ =	swait.ge @!p5 [sflag:s0], $0x4000  }
0x20f: {  	[sflag:s0] =	ssyncset.done @!p5 $0x0  }
0x210: {  	[sflag:s0] =	ssyncadd.s32 @!p5 $0xFFFFC000;
	s0 =	simm.s32 @!p6 $0x6  }
0x211: {  	_ =	swait.ge @!p6 [sflag:s0], $0x4000  }
0x212: {  	[sflag:s0] =	ssyncset.done @!p6 $0x0  }
0x213: {  	[sflag:s0] =	ssyncadd.s32 @!p6 $0xFFFFC000  }
0x214: {  	v58 =	vld.msk [tilespmem:$0x201], $0x1;
	_ =	sdelay $0x4  }
0x215: {  	v59 =	vshll.u32 v58, $0x9  }
0x216: {  	v9 =	vand.u32 $0x7, v58;
	v10 =	vand.u32 $0xFFFFF000, v59  }
0x217: {  	v9 =	vor.u32 v9, v10  }
0x218: {  	v9 =	vperm.xlane v9, v1;
	_ =	sdelay $0x1  }
0x219: {  	v9 =	vadd.s32 v2, v9;
	_ =	sdelay $0x3  }
0x21a: {  	s15 =	simm.s32 $0x400  }
0x21b: {  	[tilespmem:s15], [sflag:$0x1] =	stream.indirect_vreg.gather [hbm4b:s30+s16], $0x80, v9, vm1, $0xb8;
	[tilespmem:$0x18400] =	vst v63  }
0x21c: {  	s19 =	simm.s32 $0xC00  }
0x21d: {  	[tilespmem:s19], [sflag:$0x1] =	stream.indirect_vreg.gather [hbm4b:s14+s16], $0x80, v9, vm1, $0xb8;
	[tilespmem:$0x18400] =	vst v63  }
0x21e: {  	s22 =	simm.s32 $0x1400  }
0x21f: {  	[tilespmem:s22], [sflag:$0x1] =	stream.indirect_vreg.gather [hbm4b:s31+s16], $0x80, v9, vm1, $0xb8;
	[tilespmem:$0x18400] =	vst v63  }
0x220: {  	s28 =	simm.s32 $0x1C00  }
0x221: {  	[tilespmem:s28], [sflag:$0x1] =	stream.indirect_vreg.gather [hbm4b:s25+s16], $0x80, v9, vm1, $0xb8;
	[tilespmem:$0x18400] =	vst v63  }
0x222: {  	s29 =	simm.s32 $0x2400  }
0x223: {  	[tilespmem:s29], [sflag:$0x1] =	stream.indirect_vreg.gather [hbm4b:s17+s16], $0x80, v9, vm1, $0xb8;
	[tilespmem:$0x18400] =	vst v63  }
0x224: {  	s7 =	sld [smem:$0x7D1];
	s31 =	simm.s32 $0x2C00  }
0x225: {  	[tilespmem:s31], [sflag:$0x1] =	stream.indirect_vreg.gather [hbm4b:s18+s16], $0x80, v9, vm1, $0xb8;
	[tilespmem:$0x18400] =	vst v63  }
0x226: {  	s20 =	smov.u32 s11;
	s1 =	simm.s32 $0x3400;
	s11 =	sld [smem:$0x7D2]  }
0x227: {  	[tilespmem:s1], [sflag:$0x1] =	stream.indirect_vreg.gather [hbm4b:s7+s16], $0x80, v9, vm1, $0xb8;
	[tilespmem:$0x18400] =	vst v63  }
0x228: {  	s8 =	simm.s32 $0x3C00;
	s14 =	simm.s32 $0x4  }
0x229: {  	[tilespmem:s8], [sflag:$0x1] =	stream.indirect_vreg.gather [hbm4b:s11+s16], $0x80, v9, vm1, $0xb8;
	[tilespmem:$0x18400] =	vst v63  }
0x22a: {  	_ =	swait.ge [sflag:s14], $0x4000  }
0x22b: {  	s24 =	simm.s32 $0x80;
	[sflag:s14] =	ssyncset.done $0x0  }
0x22c: {  	s18 =	simm.s32 $0xC400;
	s17 =	rddreg [dreg:$0x7];
	[sflag:s14] =	ssyncadd.s32 $0xFFFFC000  }
0x22d: {  	[hbm4b:s17+s24] =	stream.strided.scatter [tilespmem:s18], [sflag:$0x9], $0x4000, s15, s24, $0x38;
	[tilespmem:$0x18400] =	vst v63  }
0x22e: {  	v9 =	vld.msk @p4 [tilespmem:$0x280], $0x1;
	_ =	sdelay $0x4  }
0x22f: {  	v10 =	vshll.u32 @p4 v9, $0x9  }
0x230: {  	v9 =	vand.u32 @p4 $0x7, v9;
	v10 =	vand.u32 @p4 $0xFFFFF000, v10  }
0x231: {  	v9 =	vor.u32 @p4 v9, v10  }
0x232: {  	v9 =	vperm.xlane @p4 v9, v3;
	_ =	sdelay $0x1  }
0x233: {  	v9 =	vadd.s32 @p4 v4, v9;
	_ =	sdelay $0x3  }
0x234: {  	s0 =	simm.s32 @p4 $0x14400;
	s14 =	sld [smem:$0x7DA]  }
0x235: {  	[tilespmem:s0], [sflag:$0xB] =	stream.indirect_vreg.gather @p4 [hbm4b:s4+s2], $0x80, v9, vm2, $0xb8;
	[tilespmem:$0x18400] =	vst v63  }
0x236: {  	s1 =	simm.s32 @p4 $0x14C00;
	s28 =	sld [smem:$0x7DB]  }
0x237: {  	[tilespmem:s1], [sflag:$0xB] =	stream.indirect_vreg.gather @p4 [hbm4b:s14+s2], $0x80, v9, vm2, $0xb8;
	[tilespmem:$0x18400] =	vst v63  }
0x238: {  	s24 =	sld [smem:$0x7DC];
	s1 =	simm.s32 @p4 $0x15400  }
0x239: {  	[tilespmem:s1], [sflag:$0xB] =	stream.indirect_vreg.gather @p4 [hbm4b:s28+s2], $0x80, v9, vm2, $0xb8;
	[tilespmem:$0x18400] =	vst v63  }
0x23a: {  	s29 =	sld [smem:$0x7DD];
	s1 =	simm.s32 @p4 $0x15C00  }
0x23b: {  	[tilespmem:s1], [sflag:$0xB] =	stream.indirect_vreg.gather @p4 [hbm4b:s24+s2], $0x80, v9, vm2, $0xb8;
	[tilespmem:$0x18400] =	vst v63  }
0x23c: {  	s31 =	sld [smem:$0x7DE];
	s1 =	simm.s32 @p4 $0x16400  }
0x23d: {  	[tilespmem:s1], [sflag:$0xB] =	stream.indirect_vreg.gather @p4 [hbm4b:s29+s2], $0x80, v9, vm2, $0xb8;
	[tilespmem:$0x18400] =	vst v63  }
0x23e: {  	s15 =	sld [smem:$0x7DF];
	s1 =	simm.s32 @p4 $0x16C00  }
0x23f: {  	[tilespmem:s1], [sflag:$0xB] =	stream.indirect_vreg.gather @p4 [hbm4b:s31+s2], $0x80, v9, vm2, $0xb8;
	[tilespmem:$0x18400] =	vst v63  }
0x240: {  	s19 =	sld [smem:$0x7E0];
	s1 =	simm.s32 @p4 $0x17400  }
0x241: {  	[tilespmem:s1], [sflag:$0xB] =	stream.indirect_vreg.gather @p4 [hbm4b:s15+s2], $0x80, v9, vm2, $0xb8;
	[tilespmem:$0x18400] =	vst v63  }
0x242: {  	s1 =	simm.s32 @p4 $0x17C00  }
0x243: {  	[tilespmem:s1], [sflag:$0xB] =	stream.indirect_vreg.gather @p4 [hbm4b:s19+s2], $0x80, v9, vm2, $0xb8;
	[tilespmem:$0x18400] =	vst v63  }
0x244: {  	s1 =	simm.s32 @p4 $0xB  }
0x245: {  	_ =	swait.ge @p4 [sflag:s1], $0x4000  }
0x246: {  	s7 =	simm.s32 @p4 $0x400;
	[sflag:s1] =	ssyncset.done @p4 $0x0  }
0x247: {  	s8 =	simm.s32 @p4 $0x80;
	[sflag:s1] =	ssyncadd.s32 @p4 $0xFFFFC000;
	s1 =	rddreg [dreg:$0x1c]  }
0x248: {  	[hbm4b:s1+s8] =	stream.strided.scatter @p4 [tilespmem:s0], [sflag:$0xC], $0x4000, s7, s8, $0x38;
	[tilespmem:$0x18400] =	vst v63  }
0x249: {  	s0 =	simm.s32 @p4 $0xC  }
0x24a: {  	_ =	swait.ge @p4 [sflag:s0], $0x4000  }
0x24b: {  	s7 =	simm.s32 @!p4 $0x400;
	[sflag:s0] =	ssyncset.done @p4 $0x0  }
0x24c: {  	s8 =	simm.s32 @!p4 $0x80;
	[sflag:s0] =	ssyncadd.s32 @p4 $0xFFFFC000;
	s0 =	simm.s32 @!p4 $0xC400  }
0x24d: {  	[hbm4b:s1+s8] =	stream.strided.scatter @!p4 [tilespmem:s0], [sflag:$0x9], $0x4000, s7, s8, $0x38;
	[tilespmem:$0x18400] =	vst v63  }
0x24e: {  	v9 =	vld.msk @p5 [tilespmem:$0x300], $0x1;
	_ =	sdelay $0x4  }
0x24f: {  	v10 =	vshll.u32 @p5 v9, $0x9  }
0x250: {  	v9 =	vand.u32 @p5 $0x7, v9;
	v10 =	vand.u32 @p5 $0xFFFFF000, v10  }
0x251: {  	v9 =	vor.u32 @p5 v9, v10  }
0x252: {  	v9 =	vperm.xlane @p5 v9, v5;
	_ =	sdelay $0x1  }
0x253: {  	v9 =	vadd.s32 @p5 v6, v9;
	_ =	sdelay $0x3  }
0x254: {  	s8 =	simm.s32 @p5 $0x14400  }
0x255: {  	[tilespmem:s8], [sflag:$0xB] =	stream.indirect_vreg.gather @p5 [hbm4b:s4+s13], $0x80, v9, vm3, $0xb8;
	[tilespmem:$0x18400] =	vst v63  }
0x256: {  	s0 =	simm.s32 @p5 $0x14C00  }
0x257: {  	[tilespmem:s0], [sflag:$0xB] =	stream.indirect_vreg.gather @p5 [hbm4b:s14+s13], $0x80, v9, vm3, $0xb8;
	[tilespmem:$0x18400] =	vst v63  }
0x258: {  	s0 =	simm.s32 @p5 $0x15400  }
0x259: {  	[tilespmem:s0], [sflag:$0xB] =	stream.indirect_vreg.gather @p5 [hbm4b:s28+s13], $0x80, v9, vm3, $0xb8;
	[tilespmem:$0x18400] =	vst v63  }
0x25a: {  	s0 =	simm.s32 @p5 $0x15C00  }
0x25b: {  	[tilespmem:s0], [sflag:$0xB] =	stream.indirect_vreg.gather @p5 [hbm4b:s24+s13], $0x80, v9, vm3, $0xb8;
	[tilespmem:$0x18400] =	vst v63  }
0x25c: {  	s0 =	simm.s32 @p5 $0x16400  }
0x25d: {  	[tilespmem:s0], [sflag:$0xB] =	stream.indirect_vreg.gather @p5 [hbm4b:s29+s13], $0x80, v9, vm3, $0xb8;
	[tilespmem:$0x18400] =	vst v63  }
0x25e: {  	s0 =	simm.s32 @p5 $0x16C00  }
0x25f: {  	[tilespmem:s0], [sflag:$0xB] =	stream.indirect_vreg.gather @p5 [hbm4b:s31+s13], $0x80, v9, vm3, $0xb8;
	[tilespmem:$0x18400] =	vst v63  }
0x260: {  	s0 =	simm.s32 @p5 $0x17400  }
0x261: {  	[tilespmem:s0], [sflag:$0xB] =	stream.indirect_vreg.gather @p5 [hbm4b:s15+s13], $0x80, v9, vm3, $0xb8;
	[tilespmem:$0x18400] =	vst v63  }
0x262: {  	s0 =	simm.s32 @p5 $0x17C00  }
0x263: {  	[tilespmem:s0], [sflag:$0xB] =	stream.indirect_vreg.gather @p5 [hbm4b:s19+s13], $0x80, v9, vm3, $0xb8;
	[tilespmem:$0x18400] =	vst v63  }
0x264: {  	s0 =	simm.s32 @p5 $0xB  }
0x265: {  	_ =	swait.ge @p5 [sflag:s0], $0x4000  }
0x266: {  	s11 =	simm.s32 @p5 $0x80;
	[sflag:s0] =	ssyncset.done @p5 $0x0  }
0x267: {  	s1 =	rddreg [dreg:$0x1d];
	[sflag:s0] =	ssyncadd.s32 @p5 $0xFFFFC000;
	s0 =	simm.s32 @p5 $0x400  }
0x268: {  	[hbm4b:s1+s11] =	stream.strided.scatter @p5 [tilespmem:s8], [sflag:$0xC], $0x4000, s0, s11, $0x38;
	[tilespmem:$0x18400] =	vst v63  }
0x269: {  	s0 =	simm.s32 @p5 $0xC  }
0x26a: {  	_ =	swait.ge @p5 [sflag:s0], $0x4000  }
0x26b: {  	s8 =	simm.s32 @!p5 $0x400;
	[sflag:s0] =	ssyncset.done @p5 $0x0  }
0x26c: {  	s11 =	simm.s32 @!p5 $0x80;
	[sflag:s0] =	ssyncadd.s32 @p5 $0xFFFFC000;
	s0 =	simm.s32 @!p5 $0xC400  }
0x26d: {  	[hbm4b:s1+s11] =	stream.strided.scatter @!p5 [tilespmem:s0], [sflag:$0x9], $0x4000, s8, s11, $0x38;
	[tilespmem:$0x18400] =	vst v63  }
0x26e: {  	v9 =	vld.msk @p6 [tilespmem:$0x380], $0x1;
	_ =	sdelay $0x4  }
0x26f: {  	v10 =	vshll.u32 @p6 v9, $0x9  }
0x270: {  	v9 =	vand.u32 @p6 $0x7, v9;
	v10 =	vand.u32 @p6 $0xFFFFF000, v10  }
0x271: {  	v9 =	vor.u32 @p6 v9, v10  }
0x272: {  	v9 =	vperm.xlane @p6 v9, v7;
	_ =	sdelay $0x1  }
0x273: {  	v9 =	vadd.s32 @p6 v8, v9;
	_ =	sdelay $0x3  }
0x274: {  	s0 =	simm.s32 @p6 $0x14400  }
0x275: {  	[tilespmem:s0], [sflag:$0xB] =	stream.indirect_vreg.gather @p6 [hbm4b:s4+s23], $0x80, v9, vm4, $0xb8;
	[tilespmem:$0x18400] =	vst v63  }
0x276: {  	s1 =	simm.s32 @p6 $0x14C00  }
0x277: {  	[tilespmem:s1], [sflag:$0xB] =	stream.indirect_vreg.gather @p6 [hbm4b:s14+s23], $0x80, v9, vm4, $0xb8;
	[tilespmem:$0x18400] =	vst v63  }
0x278: {  	s1 =	simm.s32 @p6 $0x15400  }
0x279: {  	[tilespmem:s1], [sflag:$0xB] =	stream.indirect_vreg.gather @p6 [hbm4b:s28+s23], $0x80, v9, vm4, $0xb8;
	[tilespmem:$0x18400] =	vst v63  }
0x27a: {  	s1 =	simm.s32 @p6 $0x15C00  }
0x27b: {  	[tilespmem:s1], [sflag:$0xB] =	stream.indirect_vreg.gather @p6 [hbm4b:s24+s23], $0x80, v9, vm4, $0xb8;
	[tilespmem:$0x18400] =	vst v63  }
0x27c: {  	s1 =	simm.s32 @p6 $0x16400  }
0x27d: {  	[tilespmem:s1], [sflag:$0xB] =	stream.indirect_vreg.gather @p6 [hbm4b:s29+s23], $0x80, v9, vm4, $0xb8;
	[tilespmem:$0x18400] =	vst v63  }
0x27e: {  	s1 =	simm.s32 @p6 $0x16C00  }
0x27f: {  	[tilespmem:s1], [sflag:$0xB] =	stream.indirect_vreg.gather @p6 [hbm4b:s31+s23], $0x80, v9, vm4, $0xb8;
	[tilespmem:$0x18400] =	vst v63  }
0x280: {  	s1 =	simm.s32 @p6 $0x17400  }
0x281: {  	[tilespmem:s1], [sflag:$0xB] =	stream.indirect_vreg.gather @p6 [hbm4b:s15+s23], $0x80, v9, vm4, $0xb8;
	[tilespmem:$0x18400] =	vst v63  }
0x282: {  	s1 =	simm.s32 @p6 $0x17C00  }
0x283: {  	[tilespmem:s1], [sflag:$0xB] =	stream.indirect_vreg.gather @p6 [hbm4b:s19+s23], $0x80, v9, vm4, $0xb8;
	[tilespmem:$0x18400] =	vst v63  }
0x284: {  	_ =	swait.ge @p6 [sflag:s12], $0x4000  }
0x285: {  	s17 =	simm.s32 @p6 $0x400;
	[sflag:s12] =	ssyncset.done @p6 $0x0  }
0x286: {  	s1 =	rddreg [dreg:$0x1e];
	[sflag:s12] =	ssyncadd.s32 @p6 $0xFFFFC000;
	s12 =	simm.s32 @p6 $0x80  }
0x287: {  	[hbm4b:s1+s12] =	stream.strided.scatter @p6 [tilespmem:s0], [sflag:$0xC], $0x4000, s17, s12, $0x38;
	[tilespmem:$0x18400] =	vst v63  }
0x288: {  	_ =	swait.ge @p6 [sflag:s26], $0x4000  }
0x289: {  	s19 =	simm.s32 $0x7;
	s0 =	simm.s32 @!p6 $0xC400;
	[sflag:s26] =	ssyncset.done @p6 $0x0  }
0x28a: {  	s12 =	simm.s32 @!p6 $0x80;
	s17 =	simm.s32 @!p6 $0x400;
	[sflag:s26] =	ssyncadd.s32 @p6 $0xFFFFC000  }
0x28b: {  	[hbm4b:s1+s12] =	stream.strided.scatter @!p6 [tilespmem:s0], [sflag:$0x9], $0x4000, s17, s12, $0x38;
	[tilespmem:$0x18400] =	vst v63  }
0x28c: {  	_ =	swait.ge [sflag:s19], $0x4000  }
0x28d: {  	[sflag:s19] =	ssyncset.done $0x0  }
0x28e: {  	s0 =	simm.s32 @!p4 $0x7;
	[sflag:s19] =	ssyncadd.s32 $0xFFFFC000  }
0x28f: {  	_ =	swait.ge @!p4 [sflag:s0], $0x4000  }
0x290: {  	[sflag:s0] =	ssyncset.done @!p4 $0x0  }
0x291: {  	[sflag:s0] =	ssyncadd.s32 @!p4 $0xFFFFC000;
	s0 =	simm.s32 @!p5 $0x7  }
0x292: {  	_ =	swait.ge @!p5 [sflag:s0], $0x4000  }
0x293: {  	[sflag:s0] =	ssyncset.done @!p5 $0x0  }
0x294: {  	[sflag:s0] =	ssyncadd.s32 @!p5 $0xFFFFC000;
	s0 =	simm.s32 @!p6 $0x7  }
0x295: {  	_ =	swait.ge @!p6 [sflag:s0], $0x4000  }
0x296: {  	[sflag:s0] =	ssyncset.done @!p6 $0x0  }
0x297: {  	[sflag:s0] =	ssyncadd.s32 @!p6 $0xFFFFC000  }
0x298: {  	v60 =	vld.msk [tilespmem:$0x201], $0x1;
	_ =	sdelay $0x4  }
0x299: {  	v61 =	vshll.u32 v60, $0x9  }
0x29a: {  	v9 =	vand.u32 $0x7, v60;
	v10 =	vand.u32 $0xFFFFF000, v61  }
0x29b: {  	v9 =	vor.u32 v9, v10  }
0x29c: {  	v9 =	vperm.xlane v9, v1;
	_ =	sdelay $0x1  }
0x29d: {  	v9 =	vadd.s32 v2, v9;
	_ =	sdelay $0x3  }
0x29e: {  	s7 =	smov.u32 s24;
	s24 =	simm.s32 $0x4400  }
0x29f: {  	[tilespmem:s24], [sflag:$0x2] =	stream.indirect_vreg.gather [hbm4b:s5+s16], $0x80, v9, vm1, $0xb8;
	[tilespmem:$0x18400] =	vst v63  }
0x2a0: {  	s8 =	smov.u32 s14;
	s14 =	smov.u32 s29;
	s29 =	simm.s32 $0x4C00  }
0x2a1: {  	[tilespmem:s29], [sflag:$0x2] =	stream.indirect_vreg.gather [hbm4b:s6+s16], $0x80, v9, vm1, $0xb8;
	[tilespmem:$0x18400] =	vst v63  }
0x2a2: {  	s11 =	smov.u32 s31;
	s31 =	simm.s32 $0x5400  }
0x2a3: {  	[tilespmem:s31], [sflag:$0x2] =	stream.indirect_vreg.gather [hbm4b:s3+s16], $0x80, v9, vm1, $0xb8;
	[tilespmem:$0x18400] =	vst v63  }
0x2a4: {  	s1 =	simm.s32 $0x5C00  }
0x2a5: {  	[tilespmem:s1], [sflag:$0x2] =	stream.indirect_vreg.gather [hbm4b:s21+s16], $0x80, v9, vm1, $0xb8;
	[tilespmem:$0x18400] =	vst v63  }
0x2a6: {  	s3 =	simm.s32 $0x6400  }
0x2a7: {  	[tilespmem:s3], [sflag:$0x2] =	stream.indirect_vreg.gather [hbm4b:s9+s16], $0x80, v9, vm1, $0xb8;
	[tilespmem:$0x18400] =	vst v63  }
0x2a8: {  	s6 =	simm.s32 $0x6C00  }
0x2a9: {  	[tilespmem:s6], [sflag:$0x2] =	stream.indirect_vreg.gather [hbm4b:s10+s16], $0x80, v9, vm1, $0xb8;
	[tilespmem:$0x18400] =	vst v63  }
0x2aa: {  	s12 =	sld [smem:$0x7D9];
	s9 =	simm.s32 $0x7400  }
0x2ab: {  	[tilespmem:s9], [sflag:$0x2] =	stream.indirect_vreg.gather [hbm4b:s20+s16], $0x80, v9, vm1, $0xb8;
	[tilespmem:$0x18400] =	vst v63  }
0x2ac: {  	s17 =	simm.s32 $0x5;
	s10 =	simm.s32 $0x7C00  }
0x2ad: {  	[tilespmem:s10], [sflag:$0x2] =	stream.indirect_vreg.gather [hbm4b:s12+s16], $0x80, v9, vm1, $0xb8;
	[tilespmem:$0x18400] =	vst v63  }
0x2ae: {  	_ =	swait.ge [sflag:s17], $0x4000  }
0x2af: {  	s24 =	simm.s32 $0x80;
	s21 =	simm.s32 $0x400;
	[sflag:s17] =	ssyncset.done $0x0  }
0x2b0: {  	s20 =	simm.s32 $0x10400;
	s19 =	rddreg [dreg:$0x8];
	[sflag:s17] =	ssyncadd.s32 $0xFFFFC000  }
0x2b1: {  	[hbm4b:s19+s24] =	stream.strided.scatter [tilespmem:s20], [sflag:$0xA], $0x4000, s21, s24, $0x38;
	[tilespmem:$0x18400] =	vst v63  }
0x2b2: {  	v9 =	vld.msk @p4 [tilespmem:$0x281], $0x1;
	_ =	sdelay $0x4  }
0x2b3: {  	v10 =	vshll.u32 @p4 v9, $0x9  }
0x2b4: {  	v9 =	vand.u32 @p4 $0x7, v9;
	v10 =	vand.u32 @p4 $0xFFFFF000, v10  }
0x2b5: {  	v9 =	vor.u32 @p4 v9, v10  }
0x2b6: {  	v9 =	vperm.xlane @p4 v9, v3;
	_ =	sdelay $0x1  }
0x2b7: {  	v9 =	vadd.s32 @p4 v4, v9;
	_ =	sdelay $0x2  }
0x2b8: {  	s29 =	rddreg [dreg:$0x1a]  }
0x2b9: {  	s10 =	simm.s32 @p4 $0x14400;
	s3 =	rddreg [dreg:$0x0]  }
0x2ba: {  	[tilespmem:s10], [sflag:$0xB] =	stream.indirect_vreg.gather @p4 [hbm4b:s3+s2], $0x80, v9, vm2, $0xb8;
	[tilespmem:$0x18400] =	vst v63  }
0x2bb: {  	s0 =	simm.s32 @p4 $0x14C00;
	s24 =	sld [smem:$0x7EC]  }
0x2bc: {  	[tilespmem:s0], [sflag:$0xB] =	stream.indirect_vreg.gather @p4 [hbm4b:s29+s2], $0x80, v9, vm2, $0xb8;
	[tilespmem:$0x18400] =	vst v63  }
0x2bd: {  	s21 =	sld [smem:$0x7ED];
	s0 =	simm.s32 @p4 $0x15400  }
0x2be: {  	[tilespmem:s0], [sflag:$0xB] =	stream.indirect_vreg.gather @p4 [hbm4b:s24+s2], $0x80, v9, vm2, $0xb8;
	[tilespmem:$0x18400] =	vst v63  }
0x2bf: {  	s17 =	sld [smem:$0x7EE];
	s0 =	simm.s32 @p4 $0x15C00  }
0x2c0: {  	[tilespmem:s0], [sflag:$0xB] =	stream.indirect_vreg.gather @p4 [hbm4b:s21+s2], $0x80, v9, vm2, $0xb8;
	[tilespmem:$0x18400] =	vst v63  }
0x2c1: {  	s20 =	sld [smem:$0x7EF];
	s0 =	simm.s32 @p4 $0x16400  }
0x2c2: {  	[tilespmem:s0], [sflag:$0xB] =	stream.indirect_vreg.gather @p4 [hbm4b:s17+s2], $0x80, v9, vm2, $0xb8;
	[tilespmem:$0x18400] =	vst v63  }
0x2c3: {  	s19 =	sld [smem:$0x7F0];
	s0 =	simm.s32 @p4 $0x16C00  }
0x2c4: {  	[tilespmem:s0], [sflag:$0xB] =	stream.indirect_vreg.gather @p4 [hbm4b:s20+s2], $0x80, v9, vm2, $0xb8;
	[tilespmem:$0x18400] =	vst v63  }
0x2c5: {  	s31 =	sld [smem:$0x7F1];
	s0 =	simm.s32 @p4 $0x17400  }
0x2c6: {  	[tilespmem:s0], [sflag:$0xB] =	stream.indirect_vreg.gather @p4 [hbm4b:s19+s2], $0x80, v9, vm2, $0xb8;
	[tilespmem:$0x18400] =	vst v63  }
0x2c7: {  	s25 =	simm.s32 @p4 $0xB;
	s0 =	simm.s32 @p4 $0x17C00  }
0x2c8: {  	[tilespmem:s0], [sflag:$0xB] =	stream.indirect_vreg.gather @p4 [hbm4b:s31+s2], $0x80, v9, vm2, $0xb8;
	[tilespmem:$0x18400] =	vst v63  }
0x2c9: {  	_ =	swait.ge @p4 [sflag:s25], $0x4000  }
0x2ca: {  	s22 =	simm.s32 @p4 $0xC;
	s6 =	simm.s32 @p4 $0x80;
	[sflag:s25] =	ssyncset.done @p4 $0x0  }
0x2cb: {  	s0 =	simm.s32 @p4 $0x400;
	s1 =	rddreg [dreg:$0x1f];
	[sflag:s25] =	ssyncadd.s32 @p4 $0xFFFFC000  }
0x2cc: {  	[hbm4b:s1+s6] =	stream.strided.scatter @p4 [tilespmem:s10], [sflag:$0xC], $0x4000, s0, s6, $0x38;
	[tilespmem:$0x18400] =	vst v63  }
0x2cd: {  	_ =	swait.ge @p4 [sflag:s22], $0x4000  }
0x2ce: {  	s0 =	simm.s32 @!p4 $0x10400;
	[sflag:s22] =	ssyncset.done @p4 $0x0  }
0x2cf: {  	s6 =	simm.s32 @!p4 $0x400;
	s10 =	simm.s32 @!p4 $0x80;
	[sflag:s22] =	ssyncadd.s32 @p4 $0xFFFFC000  }
0x2d0: {  	[hbm4b:s1+s10] =	stream.strided.scatter @!p4 [tilespmem:s0], [sflag:$0xA], $0x4000, s6, s10, $0x38;
	[tilespmem:$0x18400] =	vst v63  }
0x2d1: {  	v9 =	vld.msk @p5 [tilespmem:$0x301], $0x1;
	_ =	sdelay $0x4  }
0x2d2: {  	v10 =	vshll.u32 @p5 v9, $0x9  }
0x2d3: {  	v9 =	vand.u32 @p5 $0x7, v9;
	v10 =	vand.u32 @p5 $0xFFFFF000, v10  }
0x2d4: {  	v9 =	vor.u32 @p5 v9, v10  }
0x2d5: {  	v9 =	vperm.xlane @p5 v9, v5;
	_ =	sdelay $0x1  }
0x2d6: {  	v9 =	vadd.s32 @p5 v6, v9;
	_ =	sdelay $0x3  }
0x2d7: {  	s10 =	simm.s32 @p5 $0x14400  }
0x2d8: {  	[tilespmem:s10], [sflag:$0xB] =	stream.indirect_vreg.gather @p5 [hbm4b:s3+s13], $0x80, v9, vm3, $0xb8;
	[tilespmem:$0x18400] =	vst v63  }
0x2d9: {  	s0 =	simm.s32 @p5 $0x14C00  }
0x2da: {  	[tilespmem:s0], [sflag:$0xB] =	stream.indirect_vreg.gather @p5 [hbm4b:s29+s13], $0x80, v9, vm3, $0xb8;
	[tilespmem:$0x18400] =	vst v63  }
0x2db: {  	s0 =	simm.s32 @p5 $0x15400  }
0x2dc: {  	[tilespmem:s0], [sflag:$0xB] =	stream.indirect_vreg.gather @p5 [hbm4b:s24+s13], $0x80, v9, vm3, $0xb8;
	[tilespmem:$0x18400] =	vst v63  }
0x2dd: {  	s0 =	simm.s32 @p5 $0x15C00  }
0x2de: {  	[tilespmem:s0], [sflag:$0xB] =	stream.indirect_vreg.gather @p5 [hbm4b:s21+s13], $0x80, v9, vm3, $0xb8;
	[tilespmem:$0x18400] =	vst v63  }
0x2df: {  	s0 =	simm.s32 @p5 $0x16400  }
0x2e0: {  	[tilespmem:s0], [sflag:$0xB] =	stream.indirect_vreg.gather @p5 [hbm4b:s17+s13], $0x80, v9, vm3, $0xb8;
	[tilespmem:$0x18400] =	vst v63  }
0x2e1: {  	s0 =	simm.s32 @p5 $0x16C00  }
0x2e2: {  	[tilespmem:s0], [sflag:$0xB] =	stream.indirect_vreg.gather @p5 [hbm4b:s20+s13], $0x80, v9, vm3, $0xb8;
	[tilespmem:$0x18400] =	vst v63  }
0x2e3: {  	s0 =	simm.s32 @p5 $0x17400  }
0x2e4: {  	[tilespmem:s0], [sflag:$0xB] =	stream.indirect_vreg.gather @p5 [hbm4b:s19+s13], $0x80, v9, vm3, $0xb8;
	[tilespmem:$0x18400] =	vst v63  }
0x2e5: {  	s0 =	simm.s32 @p5 $0x17C00  }
0x2e6: {  	[tilespmem:s0], [sflag:$0xB] =	stream.indirect_vreg.gather @p5 [hbm4b:s31+s13], $0x80, v9, vm3, $0xb8;
	[tilespmem:$0x18400] =	vst v63  }
0x2e7: {  	s0 =	simm.s32 @p5 $0xB  }
0x2e8: {  	_ =	swait.ge @p5 [sflag:s0], $0x4000  }
0x2e9: {  	s1 =	sld [smem:$0x7E1]  }
0x2ea: {  	s18 =	simm.s32 @p5 $0xC;
	[sflag:s0] =	ssyncset.done @p5 $0x0  }
0x2eb: {  	s6 =	simm.s32 @p5 $0x400;
	[sflag:s0] =	ssyncadd.s32 @p5 $0xFFFFC000;
	s0 =	simm.s32 @p5 $0x80  }
0x2ec: {  	[hbm4b:s1+s0] =	stream.strided.scatter @p5 [tilespmem:s10], [sflag:$0xC], $0x4000, s6, s0, $0x38;
	[tilespmem:$0x18400] =	vst v63  }
0x2ed: {  	_ =	swait.ge @p5 [sflag:s18], $0x4000  }
0x2ee: {  	s0 =	simm.s32 @!p5 $0x10400;
	[sflag:s18] =	ssyncset.done @p5 $0x0  }
0x2ef: {  	s6 =	simm.s32 @!p5 $0x80;
	s10 =	simm.s32 @!p5 $0x400;
	[sflag:s18] =	ssyncadd.s32 @p5 $0xFFFFC000  }
0x2f0: {  	[hbm4b:s1+s6] =	stream.strided.scatter @!p5 [tilespmem:s0], [sflag:$0xA], $0x4000, s10, s6, $0x38;
	[tilespmem:$0x18400] =	vst v63  }
0x2f1: {  	v9 =	vld.msk @p6 [tilespmem:$0x381], $0x1;
	_ =	sdelay $0x4  }
0x2f2: {  	v10 =	vshll.u32 @p6 v9, $0x9  }
0x2f3: {  	v9 =	vand.u32 @p6 $0x7, v9;
	v10 =	vand.u32 @p6 $0xFFFFF000, v10  }
0x2f4: {  	v9 =	vor.u32 @p6 v9, v10  }
0x2f5: {  	v9 =	vperm.xlane @p6 v9, v7;
	_ =	sdelay $0x1  }
0x2f6: {  	v9 =	vadd.s32 @p6 v8, v9;
	_ =	sdelay $0x3  }
0x2f7: {  	s6 =	simm.s32 @p6 $0x14400  }
0x2f8: {  	[tilespmem:s6], [sflag:$0xB] =	stream.indirect_vreg.gather @p6 [hbm4b:s3+s23], $0x80, v9, vm4, $0xb8;
	[tilespmem:$0x18400] =	vst v63  }
0x2f9: {  	s0 =	simm.s32 @p6 $0x14C00  }
0x2fa: {  	[tilespmem:s0], [sflag:$0xB] =	stream.indirect_vreg.gather @p6 [hbm4b:s29+s23], $0x80, v9, vm4, $0xb8;
	[tilespmem:$0x18400] =	vst v63  }
0x2fb: {  	s0 =	simm.s32 @p6 $0x15400  }
0x2fc: {  	[tilespmem:s0], [sflag:$0xB] =	stream.indirect_vreg.gather @p6 [hbm4b:s24+s23], $0x80, v9, vm4, $0xb8;
	[tilespmem:$0x18400] =	vst v63  }
0x2fd: {  	s0 =	simm.s32 @p6 $0x15C00  }
0x2fe: {  	[tilespmem:s0], [sflag:$0xB] =	stream.indirect_vreg.gather @p6 [hbm4b:s21+s23], $0x80, v9, vm4, $0xb8;
	[tilespmem:$0x18400] =	vst v63  }
0x2ff: {  	s0 =	simm.s32 @p6 $0x16400  }
0x300: {  	[tilespmem:s0], [sflag:$0xB] =	stream.indirect_vreg.gather @p6 [hbm4b:s17+s23], $0x80, v9, vm4, $0xb8;
	[tilespmem:$0x18400] =	vst v63  }
0x301: {  	s0 =	simm.s32 @p6 $0x16C00  }
0x302: {  	[tilespmem:s0], [sflag:$0xB] =	stream.indirect_vreg.gather @p6 [hbm4b:s20+s23], $0x80, v9, vm4, $0xb8;
	[tilespmem:$0x18400] =	vst v63  }
0x303: {  	s0 =	simm.s32 @p6 $0x17400  }
0x304: {  	[tilespmem:s0], [sflag:$0xB] =	stream.indirect_vreg.gather @p6 [hbm4b:s19+s23], $0x80, v9, vm4, $0xb8;
	[tilespmem:$0x18400] =	vst v63  }
0x305: {  	s0 =	simm.s32 @p6 $0x17C00  }
0x306: {  	[tilespmem:s0], [sflag:$0xB] =	stream.indirect_vreg.gather @p6 [hbm4b:s31+s23], $0x80, v9, vm4, $0xb8;
	[tilespmem:$0x18400] =	vst v63  }
0x307: {  	s0 =	simm.s32 @p6 $0xB  }
0x308: {  	_ =	swait.ge @p6 [sflag:s0], $0x4000  }
0x309: {  	s1 =	sld [smem:$0x7E2]  }
0x30a: {  	[sflag:s0] =	ssyncset.done @p6 $0x0  }
0x30b: {  	s3 =	simm.s32 @p6 $0x400;
	[sflag:s0] =	ssyncadd.s32 @p6 $0xFFFFC000;
	s0 =	simm.s32 @p6 $0x80  }
0x30c: {  	[hbm4b:s1+s0] =	stream.strided.scatter @p6 [tilespmem:s6], [sflag:$0xC], $0x4000, s3, s0, $0x38;
	[tilespmem:$0x18400] =	vst v63  }
0x30d: {  	_ =	swait.ge @p6 [sflag:s26], $0x4000  }
0x30e: {  	s29 =	simm.s32 $0x8;
	s0 =	simm.s32 @!p6 $0x10400;
	[sflag:s26] =	ssyncset.done @p6 $0x0  }
0x30f: {  	s6 =	simm.s32 @!p6 $0x400;
	s3 =	simm.s32 @!p6 $0x80;
	[sflag:s26] =	ssyncadd.s32 @p6 $0xFFFFC000  }
0x310: {  	[hbm4b:s1+s3] =	stream.strided.scatter @!p6 [tilespmem:s0], [sflag:$0xA], $0x4000, s6, s3, $0x38;
	[tilespmem:$0x18400] =	vst v63  }
0x311: {  	s10 =	sld [smem:$0x7CB];
	_ =	swait.ge [sflag:s29], $0x4000  }
0x312: {  	[sflag:s29] =	ssyncset.done $0x0  }
0x313: {  	s0 =	simm.s32 @!p4 $0x8;
	[sflag:s29] =	ssyncadd.s32 $0xFFFFC000  }
0x314: {  	_ =	swait.ge @!p4 [sflag:s0], $0x4000  }
0x315: {  	[sflag:s0] =	ssyncset.done @!p4 $0x0  }
0x316: {  	[sflag:s0] =	ssyncadd.s32 @!p4 $0xFFFFC000;
	s0 =	simm.s32 @!p5 $0x8  }
0x317: {  	_ =	swait.ge @!p5 [sflag:s0], $0x4000  }
0x318: {  	[sflag:s0] =	ssyncset.done @!p5 $0x0  }
0x319: {  	[sflag:s0] =	ssyncadd.s32 @!p5 $0xFFFFC000;
	s0 =	simm.s32 @!p6 $0x8  }
0x31a: {  	_ =	swait.ge @!p6 [sflag:s0], $0x4000  }
0x31b: {  	[sflag:s0] =	ssyncset.done @!p6 $0x0  }
0x31c: {  	[sflag:s0] =	ssyncadd.s32 @!p6 $0xFFFFC000  }
0x31d: {  	v62 =	vld.msk [tilespmem:$0x201], $0x1;
	_ =	sdelay $0x4  }
0x31e: {  	v63 =	vshll.u32 v62, $0x9  }
0x31f: {  	v9 =	vand.u32 $0x7, v62;
	v10 =	vand.u32 $0xFFFFF000, v63  }
0x320: {  	v9 =	vor.u32 v9, v10  }
0x321: {  	v9 =	vperm.xlane v9, v1;
	_ =	sdelay $0x1  }
0x322: {  	v9 =	vadd.s32 v2, v9;
	_ =	sdelay $0x3  }
0x323: {  	s31 =	simm.s32 $0x8400  }
0x324: {  	[tilespmem:s31], [sflag:$0x3] =	stream.indirect_vreg.gather [hbm4b:s4+s16], $0x80, v9, vm1, $0xb8;
	[tilespmem:$0x18400] =	vst v63  }
0x325: {  	s1 =	simm.s32 $0x8C00  }
0x326: {  	[tilespmem:s1], [sflag:$0x3] =	stream.indirect_vreg.gather [hbm4b:s8+s16], $0x80, v9, vm1, $0xb8;
	[tilespmem:$0x18400] =	vst v63  }
0x327: {  	s3 =	simm.s32 $0x9400  }
0x328: {  	[tilespmem:s3], [sflag:$0x3] =	stream.indirect_vreg.gather [hbm4b:s28+s16], $0x80, v9, vm1, $0xb8;
	[tilespmem:$0x18400] =	vst v63  }
0x329: {  	s6 =	simm.s32 $0x9C00  }
0x32a: {  	[tilespmem:s6], [sflag:$0x3] =	stream.indirect_vreg.gather [hbm4b:s7+s16], $0x80, v9, vm1, $0xb8;
	[tilespmem:$0x18400] =	vst v63  }
0x32b: {  	s7 =	simm.s32 $0xA400  }
0x32c: {  	[tilespmem:s7], [sflag:$0x3] =	stream.indirect_vreg.gather [hbm4b:s14+s16], $0x80, v9, vm1, $0xb8;
	[tilespmem:$0x18400] =	vst v63  }
0x32d: {  	s8 =	simm.s32 $0xAC00  }
0x32e: {  	[tilespmem:s8], [sflag:$0x3] =	stream.indirect_vreg.gather [hbm4b:s11+s16], $0x80, v9, vm1, $0xb8;
	[tilespmem:$0x18400] =	vst v63  }
0x32f: {  	s11 =	simm.s32 $0xB400  }
0x330: {  	[tilespmem:s11], [sflag:$0x3] =	stream.indirect_vreg.gather [hbm4b:s15+s16], $0x80, v9, vm1, $0xb8;
	[tilespmem:$0x18400] =	vst v63  }
0x331: {  	s15 =	sld [smem:$0x7E0];
	_ =	sdelay $0x1  }
0x332: {  	s17 =	simm.s32 $0x1;
	s14 =	simm.s32 $0xBC00  }
0x333: {  	[tilespmem:s14], [sflag:$0x3] =	stream.indirect_vreg.gather [hbm4b:s15+s16], $0x80, v9, vm1, $0xb8;
	[tilespmem:$0x18400] =	vst v63  }
0x334: {  	_ =	swait.ge [sflag:s17], $0x4000  }
0x335: {  	s9 =	simm.s32 $0x400;
	[sflag:s17] =	ssyncset.done $0x0  }
0x336: {  	s6 =	simm.s32 $0x80;
	s20 =	rddreg [dreg:$0x9];
	[sflag:s17] =	ssyncadd.s32 $0xFFFFC000  }
0x337: {  	[hbm4b:s20+s6] =	stream.strided.scatter [tilespmem:s9], [sflag:$0x6], $0x4000, s9, s6, $0x38;
	[tilespmem:$0x18400] =	vst v63  }
0x338: {  	v9 =	vld.msk @p4 [tilespmem:$0x281], $0x1;
	_ =	sdelay $0x4  }
0x339: {  	v10 =	vshll.u32 @p4 v9, $0x9  }
0x33a: {  	v9 =	vand.u32 @p4 $0x7, v9;
	v10 =	vand.u32 @p4 $0xFFFFF000, v10  }
0x33b: {  	v9 =	vor.u32 @p4 v9, v10  }
0x33c: {  	v9 =	vperm.xlane @p4 v9, v3;
	_ =	sdelay $0x1  }
0x33d: {  	v9 =	vadd.s32 @p4 v4, v9;
	_ =	sdelay $0x3  }
0x33e: {  	s31 =	sld [smem:$0x7CC];
	s20 =	simm.s32 @p4 $0x14400  }
0x33f: {  	[tilespmem:s20], [sflag:$0xB] =	stream.indirect_vreg.gather @p4 [hbm4b:s30+s2], $0x80, v9, vm2, $0xb8;
	[tilespmem:$0x18400] =	vst v63  }
0x340: {  	s0 =	simm.s32 @p4 $0x14C00;
	s1 =	sld [smem:$0x7CD]  }
0x341: {  	[tilespmem:s0], [sflag:$0xB] =	stream.indirect_vreg.gather @p4 [hbm4b:s31+s2], $0x80, v9, vm2, $0xb8;
	[tilespmem:$0x18400] =	vst v63  }
0x342: {  	s8 =	simm.s32 @p4 $0x15400;
	s17 =	sld [smem:$0x7CE]  }
0x343: {  	[tilespmem:s8], [sflag:$0xB] =	stream.indirect_vreg.gather @p4 [hbm4b:s1+s2], $0x80, v9, vm2, $0xb8;
	[tilespmem:$0x18400] =	vst v63  }
0x344: {  	s29 =	sld [smem:$0x7CF];
	s9 =	simm.s32 @p4 $0x15C00  }
0x345: {  	[tilespmem:s9], [sflag:$0xB] =	stream.indirect_vreg.gather @p4 [hbm4b:s17+s2], $0x80, v9, vm2, $0xb8;
	[tilespmem:$0x18400] =	vst v63  }
0x346: {  	s3 =	sld [smem:$0x7D0];
	s0 =	simm.s32 @p4 $0x16400  }
0x347: {  	[tilespmem:s0], [sflag:$0xB] =	stream.indirect_vreg.gather @p4 [hbm4b:s29+s2], $0x80, v9, vm2, $0xb8;
	[tilespmem:$0x18400] =	vst v63  }
0x348: {  	s15 =	sld [smem:$0x7D1];
	s0 =	simm.s32 @p4 $0x16C00  }
0x349: {  	[tilespmem:s0], [sflag:$0xB] =	stream.indirect_vreg.gather @p4 [hbm4b:s3+s2], $0x80, v9, vm2, $0xb8;
	[tilespmem:$0x18400] =	vst v63  }
0x34a: {  	s11 =	simm.s32 @p4 $0x17400;
	s21 =	sld [smem:$0x7D2]  }
0x34b: {  	[tilespmem:s11], [sflag:$0xB] =	stream.indirect_vreg.gather @p4 [hbm4b:s15+s2], $0x80, v9, vm2, $0xb8;
	[tilespmem:$0x18400] =	vst v63  }
0x34c: {  	s0 =	simm.s32 @p4 $0x17C00  }
0x34d: {  	[tilespmem:s0], [sflag:$0xB] =	stream.indirect_vreg.gather @p4 [hbm4b:s21+s2], $0x80, v9, vm2, $0xb8;
	[tilespmem:$0x18400] =	vst v63  }
0x34e: {  	s0 =	simm.s32 @p4 $0xB  }
0x34f: {  	_ =	swait.ge @p4 [sflag:s0], $0x4000  }
0x350: {  	[sflag:s0] =	ssyncset.done @p4 $0x0  }
0x351: {  	[sflag:s0] =	ssyncadd.s32 @p4 $0xFFFFC000;
	s0 =	sld [smem:$0x7E3];
	_ =	sdelay $0x1  }
0x352: {  	s28 =	simm.s32 @p4 $0x400;
	s7 =	simm.s32 @p4 $0x80  }
0x353: {  	[hbm4b:s0+s7] =	stream.strided.scatter @p4 [tilespmem:s20], [sflag:$0xC], $0x4000, s28, s7, $0x38;
	[tilespmem:$0x18400] =	vst v63  }
0x354: {  	_ =	swait.ge @p4 [sflag:s22], $0x4000  }
0x355: {  	[sflag:s22] =	ssyncset.done @p4 $0x0  }
0x356: {  	s7 =	simm.s32 @!p4 $0x80;
	s20 =	simm.s32 @!p4 $0x400;
	[sflag:s22] =	ssyncadd.s32 @p4 $0xFFFFC000  }
0x357: {  	[hbm4b:s0+s7] =	stream.strided.scatter @!p4 [tilespmem:s20], [sflag:$0x6], $0x4000, s20, s7, $0x38;
	[tilespmem:$0x18400] =	vst v63  }
0x358: {  	v9 =	vld.msk @p5 [tilespmem:$0x301], $0x1;
	_ =	sdelay $0x4  }
0x359: {  	v10 =	vshll.u32 @p5 v9, $0x9  }
0x35a: {  	v9 =	vand.u32 @p5 $0x7, v9;
	v10 =	vand.u32 @p5 $0xFFFFF000, v10  }
0x35b: {  	v9 =	vor.u32 @p5 v9, v10  }
0x35c: {  	v9 =	vperm.xlane @p5 v9, v5;
	_ =	sdelay $0x1  }
0x35d: {  	v9 =	vadd.s32 @p5 v6, v9;
	_ =	sdelay $0x3  }
0x35e: {  	s20 =	simm.s32 @p5 $0x14400  }
0x35f: {  	[tilespmem:s20], [sflag:$0xB] =	stream.indirect_vreg.gather @p5 [hbm4b:s30+s13], $0x80, v9, vm3, $0xb8;
	[tilespmem:$0x18400] =	vst v63  }
0x360: {  	s25 =	simm.s32 @p5 $0x14C00  }
0x361: {  	[tilespmem:s25], [sflag:$0xB] =	stream.indirect_vreg.gather @p5 [hbm4b:s31+s13], $0x80, v9, vm3, $0xb8;
	[tilespmem:$0x18400] =	vst v63  }
0x362: {  	s0 =	simm.s32 @p5 $0x15400  }
0x363: {  	[tilespmem:s0], [sflag:$0xB] =	stream.indirect_vreg.gather @p5 [hbm4b:s1+s13], $0x80, v9, vm3, $0xb8;
	[tilespmem:$0x18400] =	vst v63  }
0x364: {  	s0 =	simm.s32 @p5 $0x15C00  }
0x365: {  	[tilespmem:s0], [sflag:$0xB] =	stream.indirect_vreg.gather @p5 [hbm4b:s17+s13], $0x80, v9, vm3, $0xb8;
	[tilespmem:$0x18400] =	vst v63  }
0x366: {  	s0 =	simm.s32 @p5 $0x16400  }
0x367: {  	[tilespmem:s0], [sflag:$0xB] =	stream.indirect_vreg.gather @p5 [hbm4b:s29+s13], $0x80, v9, vm3, $0xb8;
	[tilespmem:$0x18400] =	vst v63  }
0x368: {  	s0 =	simm.s32 @p5 $0x16C00  }
0x369: {  	[tilespmem:s0], [sflag:$0xB] =	stream.indirect_vreg.gather @p5 [hbm4b:s3+s13], $0x80, v9, vm3, $0xb8;
	[tilespmem:$0x18400] =	vst v63  }
0x36a: {  	s0 =	simm.s32 @p5 $0x17400  }
0x36b: {  	[tilespmem:s0], [sflag:$0xB] =	stream.indirect_vreg.gather @p5 [hbm4b:s15+s13], $0x80, v9, vm3, $0xb8;
	[tilespmem:$0x18400] =	vst v63  }
0x36c: {  	s0 =	simm.s32 @p5 $0x17C00  }
0x36d: {  	[tilespmem:s0], [sflag:$0xB] =	stream.indirect_vreg.gather @p5 [hbm4b:s21+s13], $0x80, v9, vm3, $0xb8;
	[tilespmem:$0x18400] =	vst v63  }
0x36e: {  	s0 =	simm.s32 @p5 $0xB  }
0x36f: {  	_ =	swait.ge @p5 [sflag:s0], $0x4000  }
0x370: {  	[sflag:s0] =	ssyncset.done @p5 $0x0  }
0x371: {  	[sflag:s0] =	ssyncadd.s32 @p5 $0xFFFFC000;
	s0 =	sld [smem:$0x7E4];
	_ =	sdelay $0x1  }
0x372: {  	s24 =	simm.s32 @p5 $0x400;
	s7 =	simm.s32 @p5 $0x80  }
0x373: {  	[hbm4b:s0+s7] =	stream.strided.scatter @p5 [tilespmem:s20], [sflag:$0xC], $0x4000, s24, s7, $0x38;
	[tilespmem:$0x18400] =	vst v63  }
0x374: {  	_ =	swait.ge @p5 [sflag:s18], $0x4000  }
0x375: {  	[sflag:s18] =	ssyncset.done @p5 $0x0  }
0x376: {  	s24 =	simm.s32 @!p5 $0x400;
	s7 =	simm.s32 @!p5 $0x80;
	[sflag:s18] =	ssyncadd.s32 @p5 $0xFFFFC000  }
0x377: {  	[hbm4b:s0+s7] =	stream.strided.scatter @!p5 [tilespmem:s24], [sflag:$0x6], $0x4000, s24, s7, $0x38;
	[tilespmem:$0x18400] =	vst v63  }
0x378: {  	v9 =	vld.msk @p6 [tilespmem:$0x381], $0x1;
	_ =	sdelay $0x4  }
0x379: {  	v10 =	vshll.u32 @p6 v9, $0x9  }
0x37a: {  	v9 =	vand.u32 @p6 $0x7, v9;
	v10 =	vand.u32 @p6 $0xFFFFF000, v10  }
0x37b: {  	v9 =	vor.u32 @p6 v9, v10  }
0x37c: {  	v9 =	vperm.xlane @p6 v9, v7;
	_ =	sdelay $0x1  }
0x37d: {  	v9 =	vadd.s32 @p6 v8, v9;
	_ =	sdelay $0x3  }
0x37e: {  	s20 =	simm.s32 @p6 $0x14400  }
0x37f: {  	[tilespmem:s20], [sflag:$0xB] =	stream.indirect_vreg.gather @p6 [hbm4b:s30+s23], $0x80, v9, vm4, $0xb8;
	[tilespmem:$0x18400] =	vst v63  }
0x380: {  	s30 =	simm.s32 @p6 $0x14C00  }
0x381: {  	[tilespmem:s30], [sflag:$0xB] =	stream.indirect_vreg.gather @p6 [hbm4b:s31+s23], $0x80, v9, vm4, $0xb8;
	[tilespmem:$0x18400] =	vst v63  }
0x382: {  	s31 =	simm.s32 @p6 $0x15400  }
0x383: {  	[tilespmem:s31], [sflag:$0xB] =	stream.indirect_vreg.gather @p6 [hbm4b:s1+s23], $0x80, v9, vm4, $0xb8;
	[tilespmem:$0x18400] =	vst v63  }
0x384: {  	s0 =	simm.s32 @p6 $0x15C00  }
0x385: {  	[tilespmem:s0], [sflag:$0xB] =	stream.indirect_vreg.gather @p6 [hbm4b:s17+s23], $0x80, v9, vm4, $0xb8;
	[tilespmem:$0x18400] =	vst v63  }
0x386: {  	s0 =	simm.s32 @p6 $0x16400  }
0x387: {  	[tilespmem:s0], [sflag:$0xB] =	stream.indirect_vreg.gather @p6 [hbm4b:s29+s23], $0x80, v9, vm4, $0xb8;
	[tilespmem:$0x18400] =	vst v63  }
0x388: {  	s14 =	simm.s32 @p6 $0x16C00  }
0x389: {  	[tilespmem:s14], [sflag:$0xB] =	stream.indirect_vreg.gather @p6 [hbm4b:s3+s23], $0x80, v9, vm4, $0xb8;
	[tilespmem:$0x18400] =	vst v63  }
0x38a: {  	s0 =	simm.s32 @p6 $0x17400  }
0x38b: {  	[tilespmem:s0], [sflag:$0xB] =	stream.indirect_vreg.gather @p6 [hbm4b:s15+s23], $0x80, v9, vm4, $0xb8;
	[tilespmem:$0x18400] =	vst v63  }
0x38c: {  	s12 =	simm.s32 @p6 $0xB;
	s0 =	simm.s32 @p6 $0x17C00  }
0x38d: {  	[tilespmem:s0], [sflag:$0xB] =	stream.indirect_vreg.gather @p6 [hbm4b:s21+s23], $0x80, v9, vm4, $0xb8;
	[tilespmem:$0x18400] =	vst v63  }
0x38e: {  	_ =	swait.ge @p6 [sflag:s12], $0x4000  }
0x38f: {  	s0 =	sld [smem:$0x7E5]  }
0x390: {  	[sflag:s12] =	ssyncset.done @p6 $0x0  }
0x391: {  	s1 =	simm.s32 @p6 $0x80;
	s3 =	simm.s32 @p6 $0x400;
	[sflag:s12] =	ssyncadd.s32 @p6 $0xFFFFC000  }
0x392: {  	[hbm4b:s0+s1] =	stream.strided.scatter @p6 [tilespmem:s20], [sflag:$0xC], $0x4000, s3, s1, $0x38;
	[tilespmem:$0x18400] =	vst v63  }
0x393: {  	_ =	swait.ge @p6 [sflag:s26], $0x4000  }
0x394: {  	s21 =	simm.s32 $0x2;
	[sflag:s26] =	ssyncset.done @p6 $0x0  }
0x395: {  	s1 =	simm.s32 @!p6 $0x400;
	s3 =	simm.s32 @!p6 $0x80;
	[sflag:s26] =	ssyncadd.s32 @p6 $0xFFFFC000  }
0x396: {  	[hbm4b:s0+s3] =	stream.strided.scatter @!p6 [tilespmem:s1], [sflag:$0x6], $0x4000, s1, s3, $0x38;
	[tilespmem:$0x18400] =	vst v63  }
0x397: {  	_ =	swait.ge [sflag:s21], $0x4000  }
0x398: {  	s1 =	simm.s32 $0x4400;
	[sflag:s21] =	ssyncset.done $0x0  }
0x399: {  	s3 =	simm.s32 $0x400;
	s29 =	rddreg [dreg:$0xa];
	[sflag:s21] =	ssyncadd.s32 $0xFFFFC000  }
0x39a: {  	[hbm4b:s29+s6] =	stream.strided.scatter [tilespmem:s1], [sflag:$0x7], $0x4000, s3, s6, $0x38;
	[tilespmem:$0x18400] =	vst v63  }
0x39b: {  	v9 =	vld.msk @p4 [tilespmem:$0x281], $0x1;
	_ =	sdelay $0x4  }
0x39c: {  	v10 =	vshll.u32 @p4 v9, $0x9  }
0x39d: {  	v9 =	vand.u32 @p4 $0x7, v9;
	v10 =	vand.u32 @p4 $0xFFFFF000, v10  }
0x39e: {  	v9 =	vor.u32 @p4 v9, v10  }
0x39f: {  	v9 =	vperm.xlane @p4 v9, v3;
	_ =	sdelay $0x1  }
0x3a0: {  	v9 =	vadd.s32 @p4 v4, v9;
	_ =	sdelay $0x3  }
0x3a1: {  	s1 =	simm.s32 @p4 $0x14400;
	s6 =	sld [smem:$0x7D3]  }
0x3a2: {  	[tilespmem:s1], [sflag:$0xB] =	stream.indirect_vreg.gather @p4 [hbm4b:s5+s2], $0x80, v9, vm2, $0xb8;
	[tilespmem:$0x18400] =	vst v63  }
0x3a3: {  	s0 =	simm.s32 @p4 $0x14C00;
	s7 =	sld [smem:$0x7D4]  }
0x3a4: {  	[tilespmem:s0], [sflag:$0xB] =	stream.indirect_vreg.gather @p4 [hbm4b:s6+s2], $0x80, v9, vm2, $0xb8;
	[tilespmem:$0x18400] =	vst v63  }
0x3a5: {  	_ = 	snop  }
0x3a6: {  	[tilespmem:s8], [sflag:$0xB] =	stream.indirect_vreg.gather @p4 [hbm4b:s7+s2], $0x80, v9, vm2, $0xb8;
	[tilespmem:$0x18400] =	vst v63  }
0x3a7: {  	s8 =	sld [smem:$0x7D5];
	_ =	sdelay $0x2  }
0x3a8: {  	[tilespmem:s9], [sflag:$0xB] =	stream.indirect_vreg.gather @p4 [hbm4b:s8+s2], $0x80, v9, vm2, $0xb8;
	[tilespmem:$0x18400] =	vst v63  }
0x3a9: {  	s9 =	sld [smem:$0x7D6];
	_ =	sdelay $0x1  }
0x3aa: {  	s15 =	sld [smem:$0x7D7];
	s0 =	simm.s32 @p4 $0x16400  }
0x3ab: {  	[tilespmem:s0], [sflag:$0xB] =	stream.indirect_vreg.gather @p4 [hbm4b:s9+s2], $0x80, v9, vm2, $0xb8;
	[tilespmem:$0x18400] =	vst v63  }
0x3ac: {  	s21 =	sld [smem:$0x7D8];
	s0 =	simm.s32 @p4 $0x16C00  }
0x3ad: {  	[tilespmem:s0], [sflag:$0xB] =	stream.indirect_vreg.gather @p4 [hbm4b:s15+s2], $0x80, v9, vm2, $0xb8;
	[tilespmem:$0x18400] =	vst v63  }
0x3ae: {  	_ = 	snop  }
0x3af: {  	[tilespmem:s11], [sflag:$0xB] =	stream.indirect_vreg.gather @p4 [hbm4b:s21+s2], $0x80, v9, vm2, $0xb8;
	[tilespmem:$0x18400] =	vst v63  }
0x3b0: {  	s11 =	sld [smem:$0x7D9];
	_ =	sdelay $0x1  }
0x3b1: {  	s19 =	simm.s32 @p4 $0xB;
	s0 =	simm.s32 @p4 $0x17C00  }
0x3b2: {  	[tilespmem:s0], [sflag:$0xB] =	stream.indirect_vreg.gather @p4 [hbm4b:s11+s2], $0x80, v9, vm2, $0xb8;
	[tilespmem:$0x18400] =	vst v63  }
0x3b3: {  	_ =	swait.ge @p4 [sflag:s19], $0x4000  }
0x3b4: {  	s0 =	sld [smem:$0x7E6]  }
0x3b5: {  	[sflag:s19] =	ssyncset.done @p4 $0x0  }
0x3b6: {  	s29 =	simm.s32 @p4 $0x80;
	[sflag:s19] =	ssyncadd.s32 @p4 $0xFFFFC000  }
0x3b7: {  	[hbm4b:s0+s29] =	stream.strided.scatter @p4 [tilespmem:s1], [sflag:$0xC], $0x4000, s28, s29, $0x38;
	[tilespmem:$0x18400] =	vst v63  }
0x3b8: {  	_ =	swait.ge @p4 [sflag:s22], $0x4000  }
0x3b9: {  	s20 =	simm.s32 @!p4 $0x4400;
	[sflag:s22] =	ssyncset.done @p4 $0x0  }
0x3ba: {  	s3 =	simm.s32 @!p4 $0x400;
	s28 =	simm.s32 @!p4 $0x80;
	[sflag:s22] =	ssyncadd.s32 @p4 $0xFFFFC000  }
0x3bb: {  	[hbm4b:s0+s28] =	stream.strided.scatter @!p4 [tilespmem:s20], [sflag:$0x7], $0x4000, s3, s28, $0x38;
	[tilespmem:$0x18400] =	vst v63  }
0x3bc: {  	v9 =	vld.msk @p5 [tilespmem:$0x301], $0x1;
	_ =	sdelay $0x4  }
0x3bd: {  	v10 =	vshll.u32 @p5 v9, $0x9  }
0x3be: {  	v9 =	vand.u32 @p5 $0x7, v9;
	v10 =	vand.u32 @p5 $0xFFFFF000, v10  }
0x3bf: {  	v9 =	vor.u32 @p5 v9, v10  }
0x3c0: {  	v9 =	vperm.xlane @p5 v9, v5;
	_ =	sdelay $0x1  }
0x3c1: {  	v9 =	vadd.s32 @p5 v6, v9;
	_ =	sdelay $0x3  }
0x3c2: {  	s1 =	simm.s32 @p5 $0x14400  }
0x3c3: {  	[tilespmem:s1], [sflag:$0xB] =	stream.indirect_vreg.gather @p5 [hbm4b:s5+s13], $0x80, v9, vm3, $0xb8;
	[tilespmem:$0x18400] =	vst v63  }
0x3c4: {  	s28 =	simm.s32 @p5 $0x14C00  }
0x3c5: {  	[tilespmem:s28], [sflag:$0xB] =	stream.indirect_vreg.gather @p5 [hbm4b:s6+s13], $0x80, v9, vm3, $0xb8;
	[tilespmem:$0x18400] =	vst v63  }
0x3c6: {  	s0 =	simm.s32 @p5 $0x15400  }
0x3c7: {  	[tilespmem:s0], [sflag:$0xB] =	stream.indirect_vreg.gather @p5 [hbm4b:s7+s13], $0x80, v9, vm3, $0xb8;
	[tilespmem:$0x18400] =	vst v63  }
0x3c8: {  	s0 =	simm.s32 @p5 $0x15C00  }
0x3c9: {  	[tilespmem:s0], [sflag:$0xB] =	stream.indirect_vreg.gather @p5 [hbm4b:s8+s13], $0x80, v9, vm3, $0xb8;
	[tilespmem:$0x18400] =	vst v63  }
0x3ca: {  	s0 =	simm.s32 @p5 $0x16400  }
0x3cb: {  	[tilespmem:s0], [sflag:$0xB] =	stream.indirect_vreg.gather @p5 [hbm4b:s9+s13], $0x80, v9, vm3, $0xb8;
	[tilespmem:$0x18400] =	vst v63  }
0x3cc: {  	s0 =	simm.s32 @p5 $0x16C00  }
0x3cd: {  	[tilespmem:s0], [sflag:$0xB] =	stream.indirect_vreg.gather @p5 [hbm4b:s15+s13], $0x80, v9, vm3, $0xb8;
	[tilespmem:$0x18400] =	vst v63  }
0x3ce: {  	s0 =	simm.s32 @p5 $0x17400  }
0x3cf: {  	[tilespmem:s0], [sflag:$0xB] =	stream.indirect_vreg.gather @p5 [hbm4b:s21+s13], $0x80, v9, vm3, $0xb8;
	[tilespmem:$0x18400] =	vst v63  }
0x3d0: {  	s25 =	simm.s32 @p5 $0xB;
	s0 =	simm.s32 @p5 $0x17C00  }
0x3d1: {  	[tilespmem:s0], [sflag:$0xB] =	stream.indirect_vreg.gather @p5 [hbm4b:s11+s13], $0x80, v9, vm3, $0xb8;
	[tilespmem:$0x18400] =	vst v63  }
0x3d2: {  	_ =	swait.ge @p5 [sflag:s25], $0x4000  }
0x3d3: {  	s0 =	sld [smem:$0x7E7]  }
0x3d4: {  	[sflag:s25] =	ssyncset.done @p5 $0x0  }
0x3d5: {  	s3 =	simm.s32 @p5 $0x80;
	s20 =	simm.s32 @p5 $0x400;
	[sflag:s25] =	ssyncadd.s32 @p5 $0xFFFFC000  }
0x3d6: {  	[hbm4b:s0+s3] =	stream.strided.scatter @p5 [tilespmem:s1], [sflag:$0xC], $0x4000, s20, s3, $0x38;
	[tilespmem:$0x18400] =	vst v63  }
0x3d7: {  	_ =	swait.ge @p5 [sflag:s18], $0x4000  }
0x3d8: {  	[sflag:s18] =	ssyncset.done @p5 $0x0  }
0x3d9: {  	s20 =	simm.s32 @!p5 $0x4400;
	s3 =	simm.s32 @!p5 $0x80;
	[sflag:s18] =	ssyncadd.s32 @p5 $0xFFFFC000  }
0x3da: {  	[hbm4b:s0+s3] =	stream.strided.scatter @!p5 [tilespmem:s20], [sflag:$0x7], $0x4000, s24, s3, $0x38;
	[tilespmem:$0x18400] =	vst v63  }
0x3db: {  	v9 =	vld.msk @p6 [tilespmem:$0x381], $0x1;
	_ =	sdelay $0x4  }
0x3dc: {  	v10 =	vshll.u32 @p6 v9, $0x9  }
0x3dd: {  	v9 =	vand.u32 @p6 $0x7, v9;
	v10 =	vand.u32 @p6 $0xFFFFF000, v10  }
0x3de: {  	v9 =	vor.u32 @p6 v9, v10  }
0x3df: {  	v9 =	vperm.xlane @p6 v9, v7;
	_ =	sdelay $0x1  }
0x3e0: {  	v9 =	vadd.s32 @p6 v8, v9;
	_ =	sdelay $0x3  }
0x3e1: {  	s3 =	simm.s32 @p6 $0x14400  }
0x3e2: {  	[tilespmem:s3], [sflag:$0xB] =	stream.indirect_vreg.gather @p6 [hbm4b:s5+s23], $0x80, v9, vm4, $0xb8;
	[tilespmem:$0x18400] =	vst v63  }
0x3e3: {  	_ = 	snop  }
0x3e4: {  	[tilespmem:s30], [sflag:$0xB] =	stream.indirect_vreg.gather @p6 [hbm4b:s6+s23], $0x80, v9, vm4, $0xb8;
	[tilespmem:$0x18400] =	vst v63  }
0x3e5: {  	_ = 	snop  }
0x3e6: {  	[tilespmem:s31], [sflag:$0xB] =	stream.indirect_vreg.gather @p6 [hbm4b:s7+s23], $0x80, v9, vm4, $0xb8;
	[tilespmem:$0x18400] =	vst v63  }
0x3e7: {  	s0 =	simm.s32 @p6 $0x15C00  }
0x3e8: {  	[tilespmem:s0], [sflag:$0xB] =	stream.indirect_vreg.gather @p6 [hbm4b:s8+s23], $0x80, v9, vm4, $0xb8;
	[tilespmem:$0x18400] =	vst v63  }
0x3e9: {  	s0 =	simm.s32 @p6 $0x16400  }
0x3ea: {  	[tilespmem:s0], [sflag:$0xB] =	stream.indirect_vreg.gather @p6 [hbm4b:s9+s23], $0x80, v9, vm4, $0xb8;
	[tilespmem:$0x18400] =	vst v63  }
0x3eb: {  	_ = 	snop  }
0x3ec: {  	[tilespmem:s14], [sflag:$0xB] =	stream.indirect_vreg.gather @p6 [hbm4b:s15+s23], $0x80, v9, vm4, $0xb8;
	[tilespmem:$0x18400] =	vst v63  }
0x3ed: {  	s0 =	simm.s32 @p6 $0x17400  }
0x3ee: {  	[tilespmem:s0], [sflag:$0xB] =	stream.indirect_vreg.gather @p6 [hbm4b:s21+s23], $0x80, v9, vm4, $0xb8;
	[tilespmem:$0x18400] =	vst v63  }
0x3ef: {  	s0 =	simm.s32 @p6 $0x17C00  }
0x3f0: {  	[tilespmem:s0], [sflag:$0xB] =	stream.indirect_vreg.gather @p6 [hbm4b:s11+s23], $0x80, v9, vm4, $0xb8;
	[tilespmem:$0x18400] =	vst v63  }
0x3f1: {  	_ =	swait.ge @p6 [sflag:s12], $0x4000  }
0x3f2: {  	s0 =	sld [smem:$0x7E8]  }
0x3f3: {  	[sflag:s12] =	ssyncset.done @p6 $0x0  }
0x3f4: {  	s15 =	simm.s32 @p6 $0x400;
	s11 =	simm.s32 @p6 $0x80;
	[sflag:s12] =	ssyncadd.s32 @p6 $0xFFFFC000  }
0x3f5: {  	[hbm4b:s0+s11] =	stream.strided.scatter @p6 [tilespmem:s3], [sflag:$0xC], $0x4000, s15, s11, $0x38;
	[tilespmem:$0x18400] =	vst v63  }
0x3f6: {  	_ =	swait.ge @p6 [sflag:s26], $0x4000  }
0x3f7: {  	s20 =	simm.s32 @!p6 $0x400;
	s5 =	simm.s32 @!p6 $0x4400;
	[sflag:s26] =	ssyncset.done @p6 $0x0  }
0x3f8: {  	s30 =	simm.s32 @!p6 $0x80;
	s6 =	simm.s32 $0x3;
	[sflag:s26] =	ssyncadd.s32 @p6 $0xFFFFC000  }
0x3f9: {  	[hbm4b:s0+s30] =	stream.strided.scatter @!p6 [tilespmem:s5], [sflag:$0x7], $0x4000, s20, s30, $0x38;
	[tilespmem:$0x18400] =	vst v63  }
0x3fa: {  	_ =	swait.ge [sflag:s6], $0x4000  }
0x3fb: {  	s8 =	simm.s32 $0x8400;
	s9 =	simm.s32 $0x400;
	[sflag:s6] =	ssyncset.done $0x0  }
0x3fc: {  	s21 =	simm.s32 $0x80;
	s7 =	rddreg [dreg:$0xb];
	[sflag:s6] =	ssyncadd.s32 $0xFFFFC000  }
0x3fd: {  	[hbm4b:s7+s21] =	stream.strided.scatter [tilespmem:s8], [sflag:$0x8], $0x4000, s9, s21, $0x38;
	[tilespmem:$0x18400] =	vst v63  }
0x3fe: {  	v9 =	vld.msk @p4 [tilespmem:$0x281], $0x1;
	_ =	sdelay $0x4  }
0x3ff: {  	v10 =	vshll.u32 @p4 v9, $0x9  }
0x400: {  	v9 =	vand.u32 @p4 $0x7, v9;
	v10 =	vand.u32 @p4 $0xFFFFF000, v10  }
0x401: {  	v9 =	vor.u32 @p4 v9, v10  }
0x402: {  	v3 =	vperm.xlane @p4 v9, v3;
	_ =	sdelay $0x1  }
0x403: {  	v3 =	vadd.s32 @p4 v4, v3;
	_ =	sdelay $0x3  }
0x404: {  	s17 =	simm.s32 @p4 $0x14400;
	s3 =	sld [smem:$0x7DA]  }
0x405: {  	[tilespmem:s17], [sflag:$0xB] =	stream.indirect_vreg.gather @p4 [hbm4b:s4+s2], $0x80, v3, vm2, $0xb8;
	[tilespmem:$0x18400] =	vst v63  }
0x406: {  	s0 =	simm.s32 @p4 $0x14C00;
	s21 =	sld [smem:$0x7DB]  }
0x407: {  	[tilespmem:s0], [sflag:$0xB] =	stream.indirect_vreg.gather @p4 [hbm4b:s3+s2], $0x80, v3, vm2, $0xb8;
	[tilespmem:$0x18400] =	vst v63  }
0x408: {  	s5 =	sld [smem:$0x7DC];
	s0 =	simm.s32 @p4 $0x15400  }
0x409: {  	[tilespmem:s0], [sflag:$0xB] =	stream.indirect_vreg.gather @p4 [hbm4b:s21+s2], $0x80, v3, vm2, $0xb8;
	[tilespmem:$0x18400] =	vst v63  }
0x40a: {  	s6 =	sld [smem:$0x7DD];
	s0 =	simm.s32 @p4 $0x15C00  }
0x40b: {  	[tilespmem:s0], [sflag:$0xB] =	stream.indirect_vreg.gather @p4 [hbm4b:s5+s2], $0x80, v3, vm2, $0xb8;
	[tilespmem:$0x18400] =	vst v63  }
0x40c: {  	s7 =	sld [smem:$0x7DE];
	s0 =	simm.s32 @p4 $0x16400  }
0x40d: {  	[tilespmem:s0], [sflag:$0xB] =	stream.indirect_vreg.gather @p4 [hbm4b:s6+s2], $0x80, v3, vm2, $0xb8;
	[tilespmem:$0x18400] =	vst v63  }
0x40e: {  	s8 =	sld [smem:$0x7DF];
	s0 =	simm.s32 @p4 $0x16C00  }
0x40f: {  	[tilespmem:s0], [sflag:$0xB] =	stream.indirect_vreg.gather @p4 [hbm4b:s7+s2], $0x80, v3, vm2, $0xb8;
	[tilespmem:$0x18400] =	vst v63  }
0x410: {  	s9 =	sld [smem:$0x7E0];
	s0 =	simm.s32 @p4 $0x17400  }
0x411: {  	[tilespmem:s0], [sflag:$0xB] =	stream.indirect_vreg.gather @p4 [hbm4b:s8+s2], $0x80, v3, vm2, $0xb8;
	[tilespmem:$0x18400] =	vst v63  }
0x412: {  	s0 =	simm.s32 @p4 $0x17C00  }
0x413: {  	[tilespmem:s0], [sflag:$0xB] =	stream.indirect_vreg.gather @p4 [hbm4b:s9+s2], $0x80, v3, vm2, $0xb8;
	[tilespmem:$0x18400] =	vst v63  }
0x414: {  	_ =	swait.ge @p4 [sflag:s19], $0x4000  }
0x415: {  	s0 =	sld [smem:$0x7E9]  }
0x416: {  	[sflag:s19] =	ssyncset.done @p4 $0x0  }
0x417: {  	s2 =	simm.s32 @p4 $0x400;
	[sflag:s19] =	ssyncadd.s32 @p4 $0xFFFFC000  }
0x418: {  	[hbm4b:s0+s29] =	stream.strided.scatter @p4 [tilespmem:s17], [sflag:$0xC], $0x4000, s2, s29, $0x38;
	[tilespmem:$0x18400] =	vst v63  }
0x419: {  	_ =	swait.ge @p4 [sflag:s22], $0x4000  }
0x41a: {  	s1 =	simm.s32 @!p4 $0x400;
	[sflag:s22] =	ssyncset.done @p4 $0x0  }
0x41b: {  	s2 =	simm.s32 @!p4 $0x8400;
	s17 =	simm.s32 @!p4 $0x80;
	[sflag:s22] =	ssyncadd.s32 @p4 $0xFFFFC000  }
0x41c: {  	[hbm4b:s0+s17] =	stream.strided.scatter @!p4 [tilespmem:s2], [sflag:$0x8], $0x4000, s1, s17, $0x38;
	[tilespmem:$0x18400] =	vst v63  }
0x41d: {  	v3 =	vld.msk @p5 [tilespmem:$0x301], $0x1;
	_ =	sdelay $0x4  }
0x41e: {  	v4 =	vshll.u32 @p5 v3, $0x9  }
0x41f: {  	v3 =	vand.u32 @p5 $0x7, v3;
	v4 =	vand.u32 @p5 $0xFFFFF000, v4  }
0x420: {  	v3 =	vor.u32 @p5 v3, v4  }
0x421: {  	v3 =	vperm.xlane @p5 v3, v5;
	_ =	sdelay $0x1  }
0x422: {  	v3 =	vadd.s32 @p5 v6, v3;
	_ =	sdelay $0x3  }
0x423: {  	s1 =	simm.s32 @p5 $0x14400  }
0x424: {  	[tilespmem:s1], [sflag:$0xB] =	stream.indirect_vreg.gather @p5 [hbm4b:s4+s13], $0x80, v3, vm3, $0xb8;
	[tilespmem:$0x18400] =	vst v63  }
0x425: {  	_ = 	snop  }
0x426: {  	[tilespmem:s28], [sflag:$0xB] =	stream.indirect_vreg.gather @p5 [hbm4b:s3+s13], $0x80, v3, vm3, $0xb8;
	[tilespmem:$0x18400] =	vst v63  }
0x427: {  	s0 =	simm.s32 @p5 $0x15400  }
0x428: {  	[tilespmem:s0], [sflag:$0xB] =	stream.indirect_vreg.gather @p5 [hbm4b:s21+s13], $0x80, v3, vm3, $0xb8;
	[tilespmem:$0x18400] =	vst v63  }
0x429: {  	s0 =	simm.s32 @p5 $0x15C00  }
0x42a: {  	[tilespmem:s0], [sflag:$0xB] =	stream.indirect_vreg.gather @p5 [hbm4b:s5+s13], $0x80, v3, vm3, $0xb8;
	[tilespmem:$0x18400] =	vst v63  }
0x42b: {  	s0 =	simm.s32 @p5 $0x16400  }
0x42c: {  	[tilespmem:s0], [sflag:$0xB] =	stream.indirect_vreg.gather @p5 [hbm4b:s6+s13], $0x80, v3, vm3, $0xb8;
	[tilespmem:$0x18400] =	vst v63  }
0x42d: {  	s0 =	simm.s32 @p5 $0x16C00  }
0x42e: {  	[tilespmem:s0], [sflag:$0xB] =	stream.indirect_vreg.gather @p5 [hbm4b:s7+s13], $0x80, v3, vm3, $0xb8;
	[tilespmem:$0x18400] =	vst v63  }
0x42f: {  	s0 =	simm.s32 @p5 $0x17400  }
0x430: {  	[tilespmem:s0], [sflag:$0xB] =	stream.indirect_vreg.gather @p5 [hbm4b:s8+s13], $0x80, v3, vm3, $0xb8;
	[tilespmem:$0x18400] =	vst v63  }
0x431: {  	s0 =	simm.s32 @p5 $0x17C00  }
0x432: {  	[tilespmem:s0], [sflag:$0xB] =	stream.indirect_vreg.gather @p5 [hbm4b:s9+s13], $0x80, v3, vm3, $0xb8;
	[tilespmem:$0x18400] =	vst v63  }
0x433: {  	_ =	swait.ge @p5 [sflag:s25], $0x4000  }
0x434: {  	s0 =	sld [smem:$0x7EA]  }
0x435: {  	[sflag:s25] =	ssyncset.done @p5 $0x0  }
0x436: {  	s2 =	simm.s32 @p5 $0x400;
	s13 =	simm.s32 @p5 $0x80;
	[sflag:s25] =	ssyncadd.s32 @p5 $0xFFFFC000  }
0x437: {  	[hbm4b:s0+s13] =	stream.strided.scatter @p5 [tilespmem:s1], [sflag:$0xC], $0x4000, s2, s13, $0x38;
	[tilespmem:$0x18400] =	vst v63  }
0x438: {  	_ =	swait.ge @p5 [sflag:s18], $0x4000  }
0x439: {  	s2 =	simm.s32 @!p5 $0x8400;
	[sflag:s18] =	ssyncset.done @p5 $0x0  }
0x43a: {  	s1 =	simm.s32 @!p5 $0x400;
	s13 =	simm.s32 @!p5 $0x80;
	[sflag:s18] =	ssyncadd.s32 @p5 $0xFFFFC000  }
0x43b: {  	[hbm4b:s0+s13] =	stream.strided.scatter @!p5 [tilespmem:s2], [sflag:$0x8], $0x4000, s1, s13, $0x38;
	[tilespmem:$0x18400] =	vst v63  }
0x43c: {  	v3 =	vld.msk @p6 [tilespmem:$0x381], $0x1;
	_ =	sdelay $0x4  }
0x43d: {  	v4 =	vshll.u32 @p6 v3, $0x9  }
0x43e: {  	v3 =	vand.u32 @p6 $0x7, v3;
	v4 =	vand.u32 @p6 $0xFFFFF000, v4  }
0x43f: {  	v3 =	vor.u32 @p6 v3, v4  }
0x440: {  	v3 =	vperm.xlane @p6 v3, v7;
	_ =	sdelay $0x1  }
0x441: {  	v3 =	vadd.s32 @p6 v8, v3;
	_ =	sdelay $0x3  }
0x442: {  	s14 =	simm.s32 @p6 $0x14400  }
0x443: {  	[tilespmem:s14], [sflag:$0xB] =	stream.indirect_vreg.gather @p6 [hbm4b:s4+s23], $0x80, v3, vm4, $0xb8;
	[tilespmem:$0x18400] =	vst v63  }
0x444: {  	s24 =	simm.s32 @p6 $0x14C00  }
0x445: {  	[tilespmem:s24], [sflag:$0xB] =	stream.indirect_vreg.gather @p6 [hbm4b:s3+s23], $0x80, v3, vm4, $0xb8;
	[tilespmem:$0x18400] =	vst v63  }
0x446: {  	s0 =	simm.s32 @p6 $0x15400  }
0x447: {  	[tilespmem:s0], [sflag:$0xB] =	stream.indirect_vreg.gather @p6 [hbm4b:s21+s23], $0x80, v3, vm4, $0xb8;
	[tilespmem:$0x18400] =	vst v63  }
0x448: {  	s31 =	simm.s32 @p6 $0x15C00  }
0x449: {  	[tilespmem:s31], [sflag:$0xB] =	stream.indirect_vreg.gather @p6 [hbm4b:s5+s23], $0x80, v3, vm4, $0xb8;
	[tilespmem:$0x18400] =	vst v63  }
0x44a: {  	s0 =	simm.s32 @p6 $0x16400  }
0x44b: {  	[tilespmem:s0], [sflag:$0xB] =	stream.indirect_vreg.gather @p6 [hbm4b:s6+s23], $0x80, v3, vm4, $0xb8;
	[tilespmem:$0x18400] =	vst v63  }
0x44c: {  	s0 =	simm.s32 @p6 $0x16C00  }
0x44d: {  	[tilespmem:s0], [sflag:$0xB] =	stream.indirect_vreg.gather @p6 [hbm4b:s7+s23], $0x80, v3, vm4, $0xb8;
	[tilespmem:$0x18400] =	vst v63  }
0x44e: {  	s0 =	simm.s32 @p6 $0x17400  }
0x44f: {  	[tilespmem:s0], [sflag:$0xB] =	stream.indirect_vreg.gather @p6 [hbm4b:s8+s23], $0x80, v3, vm4, $0xb8;
	[tilespmem:$0x18400] =	vst v63  }
0x450: {  	s0 =	simm.s32 @p6 $0x17C00  }
0x451: {  	[tilespmem:s0], [sflag:$0xB] =	stream.indirect_vreg.gather @p6 [hbm4b:s9+s23], $0x80, v3, vm4, $0xb8;
	[tilespmem:$0x18400] =	vst v63  }
0x452: {  	_ =	swait.ge @p6 [sflag:s12], $0x4000  }
0x453: {  	s0 =	sld [smem:$0x7EB]  }
0x454: {  	[sflag:s12] =	ssyncset.done @p6 $0x0  }
0x455: {  	[sflag:s12] =	ssyncadd.s32 @p6 $0xFFFFC000  }
0x456: {  	[hbm4b:s0+s11] =	stream.strided.scatter @p6 [tilespmem:s14], [sflag:$0xC], $0x4000, s15, s11, $0x38;
	[tilespmem:$0x18400] =	vst v63  }
0x457: {  	_ =	swait.ge @p6 [sflag:s26], $0x4000  }
0x458: {  	[sflag:s26] =	ssyncset.done @p6 $0x0  }
0x459: {  	s2 =	simm.s32 @!p6 $0x8400;
	[sflag:s26] =	ssyncadd.s32 @p6 $0xFFFFC000;
	s26 =	simm.s32 $0x9  }
0x45a: {  	[hbm4b:s0+s30] =	stream.strided.scatter @!p6 [tilespmem:s2], [sflag:$0x8], $0x4000, s20, s30, $0x38;
	[tilespmem:$0x18400] =	vst v63  }
0x45b: {  	_ =	swait.ge [sflag:s26], $0x4000  }
0x45c: {  	[sflag:s26] =	ssyncset.done $0x0  }
0x45d: {  	s0 =	simm.s32 @!p4 $0x9;
	[sflag:s26] =	ssyncadd.s32 $0xFFFFC000  }
0x45e: {  	_ =	swait.ge @!p4 [sflag:s0], $0x4000  }
0x45f: {  	[sflag:s0] =	ssyncset.done @!p4 $0x0  }
0x460: {  	[sflag:s0] =	ssyncadd.s32 @!p4 $0xFFFFC000;
	s0 =	simm.s32 @!p5 $0x9  }
0x461: {  	_ =	swait.ge @!p5 [sflag:s0], $0x4000  }
0x462: {  	[sflag:s0] =	ssyncset.done @!p5 $0x0  }
0x463: {  	[sflag:s0] =	ssyncadd.s32 @!p5 $0xFFFFC000;
	s0 =	simm.s32 @!p6 $0x9  }
0x464: {  	_ =	swait.ge @!p6 [sflag:s0], $0x4000  }
0x465: {  	[sflag:s0] =	ssyncset.done @!p6 $0x0  }
0x466: {  	s28 =	simm.s32 $0xA;
	[sflag:s0] =	ssyncadd.s32 @!p6 $0xFFFFC000  }
0x467: {  	_ =	swait.ge [sflag:s28], $0x4000  }
0x468: {  	[sflag:s28] =	ssyncset.done $0x0  }
0x469: {  	s0 =	simm.s32 @!p4 $0xA;
	[sflag:s28] =	ssyncadd.s32 $0xFFFFC000  }
0x46a: {  	_ =	swait.ge @!p4 [sflag:s0], $0x4000  }
0x46b: {  	[sflag:s0] =	ssyncset.done @!p4 $0x0  }
0x46c: {  	[sflag:s0] =	ssyncadd.s32 @!p4 $0xFFFFC000;
	s0 =	simm.s32 @!p5 $0xA  }
0x46d: {  	_ =	swait.ge @!p5 [sflag:s0], $0x4000  }
0x46e: {  	[sflag:s0] =	ssyncset.done @!p5 $0x0  }
0x46f: {  	[sflag:s0] =	ssyncadd.s32 @!p5 $0xFFFFC000;
	s0 =	simm.s32 @!p6 $0xA  }
0x470: {  	_ =	swait.ge @!p6 [sflag:s0], $0x4000  }
0x471: {  	[sflag:s0] =	ssyncset.done @!p6 $0x0  }
0x472: {  	s29 =	simm.s32 $0x6;
	[sflag:s0] =	ssyncadd.s32 @!p6 $0xFFFFC000  }
0x473: {  	_ =	swait.ge [sflag:s29], $0x4000  }
0x474: {  	[sflag:s29] =	ssyncset.done $0x0  }
0x475: {  	s0 =	simm.s32 @!p4 $0x6;
	[sflag:s29] =	ssyncadd.s32 $0xFFFFC000  }
0x476: {  	_ =	swait.ge @!p4 [sflag:s0], $0x4000  }
0x477: {  	[sflag:s0] =	ssyncset.done @!p4 $0x0  }
0x478: {  	[sflag:s0] =	ssyncadd.s32 @!p4 $0xFFFFC000;
	s0 =	simm.s32 @!p5 $0x6  }
0x479: {  	_ =	swait.ge @!p5 [sflag:s0], $0x4000  }
0x47a: {  	[sflag:s0] =	ssyncset.done @!p5 $0x0  }
0x47b: {  	[sflag:s0] =	ssyncadd.s32 @!p5 $0xFFFFC000;
	s0 =	simm.s32 @!p6 $0x6  }
0x47c: {  	_ =	swait.ge @!p6 [sflag:s0], $0x4000  }
0x47d: {  	[sflag:s0] =	ssyncset.done @!p6 $0x0  }
0x47e: {  	s30 =	simm.s32 $0x7;
	[sflag:s0] =	ssyncadd.s32 @!p6 $0xFFFFC000  }
0x47f: {  	_ =	swait.ge [sflag:s30], $0x4000  }
0x480: {  	[sflag:s30] =	ssyncset.done $0x0  }
0x481: {  	s0 =	simm.s32 @!p4 $0x7;
	[sflag:s30] =	ssyncadd.s32 $0xFFFFC000  }
0x482: {  	_ =	swait.ge @!p4 [sflag:s0], $0x4000  }
0x483: {  	[sflag:s0] =	ssyncset.done @!p4 $0x0  }
0x484: {  	[sflag:s0] =	ssyncadd.s32 @!p4 $0xFFFFC000;
	s0 =	simm.s32 @!p5 $0x7  }
0x485: {  	_ =	swait.ge @!p5 [sflag:s0], $0x4000  }
0x486: {  	[sflag:s0] =	ssyncset.done @!p5 $0x0  }
0x487: {  	[sflag:s0] =	ssyncadd.s32 @!p5 $0xFFFFC000;
	s0 =	simm.s32 @!p6 $0x7  }
0x488: {  	_ =	swait.ge @!p6 [sflag:s0], $0x4000  }
0x489: {  	[sflag:s0] =	ssyncset.done @!p6 $0x0  }
0x48a: {  	s31 =	simm.s32 $0x8;
	[sflag:s0] =	ssyncadd.s32 @!p6 $0xFFFFC000  }
0x48b: {  	_ =	swait.ge [sflag:s31], $0x4000  }
0x48c: {  	[sflag:s31] =	ssyncset.done $0x0  }
0x48d: {  	s0 =	simm.s32 @!p4 $0x8;
	[sflag:s31] =	ssyncadd.s32 $0xFFFFC000  }
0x48e: {  	_ =	swait.ge @!p4 [sflag:s0], $0x4000  }
0x48f: {  	[sflag:s0] =	ssyncset.done @!p4 $0x0  }
0x490: {  	s10 =	sadd.s32 $0xFFFFFFFF, s10;
	[sflag:s0] =	ssyncadd.s32 @!p4 $0xFFFFC000;
	s0 =	simm.s32 @!p5 $0x8  }
0x491: {  	p4 =	sne.s32 s10, $0x0;
	_ =	swait.ge @!p5 [sflag:s0], $0x4000  }
.Ltmp0:
0x492: {  	[sflag:s0] =	ssyncset.done @!p5 $0x0;
	(pc) =	sbr.rel @p4 .LBB2_1-.Ltmp0, $4  }
0x493: {  	[sflag:s0] =	ssyncadd.s32 @!p5 $0xFFFFC000;
	s0 =	simm.s32 @!p6 $0x8  }
0x494: {  	_ =	swait.ge @!p6 [sflag:s0], $0x4000  }
0x495: {  	[sflag:s0] =	ssyncset.done @!p6 $0x0;
	s0 =	simm.s32 @!p6 $0x8  }
0x496: {  	[sflag:s0] =	ssyncadd.s32 @!p6 $0xFFFFC000  }
0x497: {  	_ =	sfence.sel $0x180000  }
0x498: {  	[bflag:$0x0] =	sbarrier.arrive $0xFFFF  }
0x499: {  	_ =	strace $0x90000047  }
0x49a: {  	s0 =	stileid.u32;
	[bflag:$0x2] =	sbarrier.arrive $0xFFFF  }
0x49b: {  	p0 =	sne.s32 s0, $0x0;
	s0 =	rddreg [dreg:$0x3]  }
0x49c: {  	s0 =	sadd.s32 @!p0 $0x100000, s0  }
0x49d: {  	[sflag:s0] =	ssyncadd.tile.s32 @!p0 $0x1;
	_ =	shalt  }
.Lfunc_end2:
_tile_overlayer_lowered:
.L_overlay_start_2:
0x49e: {  	(tag) =	ssettag $0x2  }
0x49f: {  	s0 =	rddreg [dreg:$0x0];
	s2 =	stileid.u32  }
0x4a0: {  	s1 =	rddreg [dreg:$0x1];
	p0 =	sne.s32 s2, $0x0  }
0x4a1: {  	s3 =	rddreg [dreg:$0x2];
	[bflag:$0x3] =	sbarrier.arrive $0xFFFF;
	s2 =	simm.s32 @!p0 $0x1C0D  }
0x4a2: {  	[timem:s3], [sflag:s2] =	dma.local @!p0 [hbm:s0], s1  }
0x4a3: {  	s0 =	simm.s32 @!p0 $0xD  }
0x4a4: {  	_ =	swait.ge @!p0 [sflag:s0], s1  }
0x4a5: {  	s1 =	ssub.s32 @!p0 $0x0, s1;
	[sflag:s0] =	ssyncset.done @!p0 $0x0  }
0x4a6: {  	[sflag:s0] =	ssyncadd.s32 @!p0 s1  }
0x4a7: {  	[bflag:$0x3] =	sbarrier.arrive $0xFFFF  }
0x4a8: {  	_ =	shalt  }

</sc_bundles>
